<compile_context>
chip_gen: v7x
topology: tpu7x:2x2x1
jax: 0.10.2.dev20260603
libtpu: 0.0.44.dev20260713+nightly
codegen_flags: <defaults>
</compile_context>

<pallas_src>
import functools

import jax
import jax.numpy as jnp
from jax import lax
from jax.experimental import pallas as pl
from jax.experimental.pallas import tpu as pltpu
from jax.experimental.pallas import tpu_sc as plsc

N = 50000
E = 800000
HID = 64
HALF = 32

NC = 2
NS = 16

RPT = 3200
NPAD = RPT * NS
EPT = E // NS
EB = 200
NB = EPT // EB
NBUF = 4
NB_MAIN = (NB // NBUF) * NBUF
TAIL = NB - NB_MAIN

EPW = E // (NC * NS)
W1 = 16
NBUFN = 5

_mesh = plsc.VectorSubcoreMesh(
    core_axis_name="c", subcore_axis_name="s", num_cores=NC, num_subcores=NS
)
_sc_params = pltpu.CompilerParams(use_tc_tiling_on_sc=False)


@functools.partial(
    pl.kernel,
    out_type=jax.ShapeDtypeStruct((NC * NPAD,), jnp.float32),
    mesh=_mesh,
    scratch_types=[
        pltpu.VMEM((EPW,), jnp.int32),
        pltpu.VMEM((EPW,), jnp.float32),
        pltpu.VMEM_SHARED((NPAD,), jnp.float32),
    ],
    compiler_params=_sc_params,
)
def _sc_degree(dst_hbm, ones_hbm, zeros_hbm, deg_hbm, dst_v, ones_v, acc_sh):
    c = lax.axis_index("c")
    s = lax.axis_index("s")
    row = s * RPT
    pltpu.sync_copy(zeros_hbm, acc_sh.at[pl.ds(row, RPT)])
    plsc.subcore_barrier()

    wid = c * NS + s
    pltpu.sync_copy(dst_hbm.at[pl.ds(wid * EPW, EPW)], dst_v)
    pltpu.sync_copy(ones_hbm, ones_v)
    pltpu.sync_copy(ones_v, acc_sh.at[dst_v], add=True)
    plsc.subcore_barrier()

    pltpu.sync_copy(acc_sh.at[pl.ds(row, RPT)],
                    deg_hbm.at[pl.ds(c * NPAD + row, RPT)])


@functools.partial(
    pl.kernel,
    out_type=jax.ShapeDtypeStruct((NC, NPAD, HALF), jnp.float32),
    mesh=_mesh,
    scratch_types=[
        [pltpu.VMEM((EB,), jnp.int32)] * NBUF,
        [pltpu.VMEM((EB,), jnp.int32)] * NBUF,
        [pltpu.VMEM((EB, HALF), jnp.float32)] * NBUF,
        pltpu.VMEM_SHARED((NPAD, HALF), jnp.float32),
        [pltpu.SemaphoreType.DMA] * NBUF,
        [pltpu.SemaphoreType.DMA] * NBUF,
        [pltpu.SemaphoreType.DMA] * NBUF,
    ],
    compiler_params=_sc_params,
)
def _sc_agg_wide(src_hbm, dst_hbm, g0_hbm, g1_hbm, zeros_hbm, out_hbm,
                 src_v, dst_v, rows_v, acc_sh, isem, gsem, ssem):
    c = lax.axis_index("c")
    s = lax.axis_index("s")
    row = s * RPT
    pltpu.sync_copy(zeros_hbm, acc_sh.at[pl.ds(row, RPT)])
    plsc.subcore_barrier()

    def outer(o, carry):
        for b in range(NBUF):
            base = s * EPT + (o * NBUF + b) * EB

            @pl.when(o > 0)
            def _():
                pltpu.make_async_copy(
                    rows_v[b], acc_sh.at[dst_v[b]], ssem[b]).wait()

            pltpu.async_copy(src_hbm.at[pl.ds(base, EB)], src_v[b], isem[b])
            pltpu.async_copy(dst_hbm.at[pl.ds(base, EB)], dst_v[b], isem[b])
        for b in range(NBUF):
            base = s * EPT + (o * NBUF + b) * EB
            pltpu.make_async_copy(
                src_hbm.at[pl.ds(base, EB)], src_v[b], isem[b]).wait()
            pltpu.make_async_copy(
                dst_hbm.at[pl.ds(base, EB)], dst_v[b], isem[b]).wait()

            @pl.when(c == 0)
            def _():
                pltpu.async_copy(g0_hbm.at[src_v[b]], rows_v[b], gsem[b])

            @pl.when(c == 1)
            def _():
                pltpu.async_copy(g1_hbm.at[src_v[b]], rows_v[b], gsem[b])
        for b in range(NBUF):
            pltpu.make_async_copy(
                g0_hbm.at[src_v[b]], rows_v[b], gsem[b]).wait()
            pltpu.async_copy(rows_v[b], acc_sh.at[dst_v[b]], ssem[b], add=True)
        return carry

    lax.fori_loop(0, NB // NBUF, outer, 0)
    for b in range(NBUF):
        pltpu.make_async_copy(rows_v[b], acc_sh.at[dst_v[b]], ssem[b]).wait()
    for t in range(TAIL):
        base = s * EPT + (NB_MAIN + t) * EB
        pltpu.sync_copy(src_hbm.at[pl.ds(base, EB)], src_v[t])
        pltpu.sync_copy(dst_hbm.at[pl.ds(base, EB)], dst_v[t])

        @pl.when(c == 0)
        def _():
            pltpu.async_copy(g0_hbm.at[src_v[t]], rows_v[t], gsem[t])

        @pl.when(c == 1)
        def _():
            pltpu.async_copy(g1_hbm.at[src_v[t]], rows_v[t], gsem[t])

        pltpu.make_async_copy(g0_hbm.at[src_v[t]], rows_v[t], gsem[t]).wait()
        pltpu.async_copy(rows_v[t], acc_sh.at[dst_v[t]], ssem[t], add=True)
    for t in range(TAIL):
        pltpu.make_async_copy(rows_v[t], acc_sh.at[dst_v[t]], ssem[t]).wait()
    plsc.subcore_barrier()
    pltpu.sync_copy(acc_sh.at[pl.ds(row, RPT)], out_hbm.at[c, pl.ds(row, RPT)])


def _make_sc_agg_narrow(width, ebn):
    out3 = width > 1
    nbn = EPW // ebn
    out_shape = (NC, NPAD, width) if out3 else (NC * NPAD,)
    rows_shape = (ebn, width) if out3 else (ebn,)
    acc_shape = (NPAD, width) if out3 else (NPAD,)
    stg_shape = (RPT, width) if out3 else (RPT,)

    @functools.partial(
        pl.kernel,
        out_type=jax.ShapeDtypeStruct(out_shape, jnp.float32),
        mesh=_mesh,
        scratch_types=[
            [pltpu.VMEM((ebn,), jnp.int32)] * NBUFN,
            [pltpu.VMEM((ebn,), jnp.int32)] * NBUFN,
            [pltpu.VMEM(rows_shape, jnp.float32)] * NBUFN,
            pltpu.VMEM_SHARED(acc_shape, jnp.float32),
            [pltpu.SemaphoreType.DMA] * NBUFN,
            [pltpu.SemaphoreType.DMA] * NBUFN,
            [pltpu.SemaphoreType.DMA] * NBUFN,
        ],
        compiler_params=_sc_params,
    )
    def agg(src_hbm, dst_hbm, g_hbm, zeros_hbm, out_hbm,
            src_v, dst_v, rows_v, acc_sh, isem, gsem, ssem):
        c = lax.axis_index("c")
        s = lax.axis_index("s")
        row = s * RPT
        pltpu.sync_copy(zeros_hbm, acc_sh.at[pl.ds(row, RPT)])
        plsc.subcore_barrier()

        def outer(o, carry):
            for b in range(NBUFN):
                base = (c * NS + s) * EPW + (o * NBUFN + b) * ebn

                @pl.when(o > 0)
                def _():
                    pltpu.make_async_copy(
                        rows_v[b], acc_sh.at[dst_v[b]], ssem[b]).wait()

                pltpu.async_copy(src_hbm.at[pl.ds(base, ebn)], src_v[b], isem[b])
                pltpu.async_copy(dst_hbm.at[pl.ds(base, ebn)], dst_v[b], isem[b])
            for b in range(NBUFN):
                base = (c * NS + s) * EPW + (o * NBUFN + b) * ebn
                pltpu.make_async_copy(
                    src_hbm.at[pl.ds(base, ebn)], src_v[b], isem[b]).wait()
                pltpu.make_async_copy(
                    dst_hbm.at[pl.ds(base, ebn)], dst_v[b], isem[b]).wait()
                pltpu.async_copy(g_hbm.at[src_v[b]], rows_v[b], gsem[b])
            for b in range(NBUFN):
                pltpu.make_async_copy(
                    g_hbm.at[src_v[b]], rows_v[b], gsem[b]).wait()
                pltpu.async_copy(rows_v[b], acc_sh.at[dst_v[b]], ssem[b],
                                 add=True)
            return carry

        lax.fori_loop(0, nbn // NBUFN, outer, 0)
        for b in range(NBUFN):
            pltpu.make_async_copy(rows_v[b], acc_sh.at[dst_v[b]], ssem[b]).wait()
        plsc.subcore_barrier()

        if out3:
            pltpu.sync_copy(acc_sh.at[pl.ds(row, RPT)],
                            out_hbm.at[c, pl.ds(row, RPT)])
        else:
            pltpu.sync_copy(acc_sh.at[pl.ds(row, RPT)],
                            out_hbm.at[pl.ds(c * NPAD + row, RPT)])

    return agg


_sc_agg16 = _make_sc_agg_narrow(W1, 200)
_sc_agg1 = _make_sc_agg_narrow(1, 1000)


BLK = 2000
GRID = N // BLK


def _dis(d0_blk, d1_blk):
    return lax.rsqrt(d0_blk + d1_blk + 1.0)


def _node_spec(width):
    return pl.BlockSpec((BLK, width), lambda i: (i, 0))


def _pad_specs(width):
    return [
        pl.BlockSpec((1, BLK, width), lambda i: (0, i, 0)),
        pl.BlockSpec((1, BLK, width), lambda i: (1, i, 0)),
    ]


def _full_spec(shape):
    return pl.BlockSpec(shape, lambda i: tuple(0 for _ in shape))


def _tc_gx_body(x_ref, d0_ref, d1_ref, gx_ref):
    gx = _dis(d0_ref[...], d1_ref[...]) * x_ref[...]
    gx_ref[...] = jnp.concatenate(
        [gx, jnp.zeros((BLK, W1 - 4), jnp.float32)], axis=1)


_tc_gx = pl.pallas_call(
    _tc_gx_body,
    grid=(GRID,),
    in_specs=[_node_spec(4), _node_spec(1), _node_spec(1)],
    out_specs=_node_spec(W1),
    out_shape=jax.ShapeDtypeStruct((N, W1), jnp.float32),
)


def _tc_l1_body(sx0_ref, sx1_ref, gx_ref, w_in_ref, w_h0_ref, b_ref,
                d0_ref, d1_ref, o0_ref, o1_ref):
    dis = _dis(d0_ref[...], d1_ref[...])
    pre = dis * (sx0_ref[0] + sx1_ref[0] + gx_ref[...])
    a = jnp.maximum(
        jnp.dot(pre, w_in_ref[...], preferred_element_type=jnp.float32)
        + b_ref[...], 0.0)
    g = dis * jnp.dot(a, w_h0_ref[...], preferred_element_type=jnp.float32)
    o0_ref[...] = g[:, :HALF]
    o1_ref[...] = g[:, HALF:]


_tc_l1 = pl.pallas_call(
    _tc_l1_body,
    grid=(GRID,),
    in_specs=_pad_specs(W1) + [
        _node_spec(W1), _full_spec((W1, HID)), _full_spec((HID, HID)),
        _full_spec((1, HID)), _node_spec(1), _node_spec(1),
    ],
    out_specs=[_node_spec(HALF), _node_spec(HALF)],
    out_shape=[jax.ShapeDtypeStruct((N, HALF), jnp.float32)] * 2,
)


def _tc_mid_body(s0_ref, s1_ref, g0_ref, g1_ref, w_ref, b_ref,
                 d0_ref, d1_ref, o0_ref, o1_ref):
    dis = _dis(d0_ref[...], d1_ref[...])
    ssum0 = s0_ref[0] + g0_ref[...]
    ssum1 = s1_ref[0] + g1_ref[...]
    pre = dis * jnp.concatenate([ssum0, ssum1], axis=1) + b_ref[...]
    a = jnp.maximum(pre, 0.0)
    g = dis * jnp.dot(a, w_ref[...], preferred_element_type=jnp.float32)
    o0_ref[...] = g[:, :HALF]
    o1_ref[...] = g[:, HALF:]


_tc_mid = pl.pallas_call(
    _tc_mid_body,
    grid=(GRID,),
    in_specs=_pad_specs(HALF) + [
        _node_spec(HALF), _node_spec(HALF), _full_spec((HID, HID)),
        _full_spec((1, HID)), _node_spec(1), _node_spec(1),
    ],
    out_specs=[_node_spec(HALF), _node_spec(HALF)],
    out_shape=[jax.ShapeDtypeStruct((N, HALF), jnp.float32)] * 2,
)


def _tc_l4_body(s0_ref, s1_ref, g0_ref, g1_ref, w_ref, b_ref,
                d0_ref, d1_ref, o_ref):
    dis = _dis(d0_ref[...], d1_ref[...])
    ssum0 = s0_ref[0] + g0_ref[...]
    ssum1 = s1_ref[0] + g1_ref[...]
    pre = dis * jnp.concatenate([ssum0, ssum1], axis=1) + b_ref[...]
    a = jnp.maximum(pre, 0.0)
    o_ref[...] = dis * jnp.dot(a, w_ref[...], preferred_element_type=jnp.float32)


_tc_l4 = pl.pallas_call(
    _tc_l4_body,
    grid=(GRID,),
    in_specs=_pad_specs(HALF) + [
        _node_spec(HALF), _node_spec(HALF), _full_spec((HID, 1)),
        _full_spec((1, HID)), _node_spec(1), _node_spec(1),
    ],
    out_specs=_node_spec(1),
    out_shape=jax.ShapeDtypeStruct((N, 1), jnp.float32),
)


def _tc_out_body(s0_ref, s1_ref, g4_ref, b_ref, d0_ref, d1_ref, o_ref):
    dis = _dis(d0_ref[...], d1_ref[...])
    o_ref[...] = dis * (s0_ref[...] + s1_ref[...] + g4_ref[...]) + b_ref[...]


_tc_out = pl.pallas_call(
    _tc_out_body,
    grid=(GRID,),
    in_specs=[
        _node_spec(1), _node_spec(1), _node_spec(1), _full_spec((1, 1)),
        _node_spec(1), _node_spec(1),
    ],
    out_specs=_node_spec(1),
    out_shape=jax.ShapeDtypeStruct((N, 1), jnp.float32),
)


def kernel(x, edge_index, W_in, b_in, W_h0, b_h0, W_h1, b_h1, W_out, b_out):
    src = edge_index[0]
    dst = edge_index[1]

    ones_deg = jnp.ones((EPW,), jnp.float32)
    zeros1 = jnp.zeros((RPT,), jnp.float32)
    deg = _sc_degree(dst, ones_deg, zeros1)
    d0 = deg[:N].reshape(N, 1)
    d1 = deg[NPAD:NPAD + N].reshape(N, 1)

    b_in2 = b_in.reshape(1, HID)
    b_h02 = b_h0.reshape(1, HID)
    b_h12 = b_h1.reshape(1, HID)

    zeros16 = jnp.zeros((RPT, W1), jnp.float32)
    zeros32 = jnp.zeros((RPT, HALF), jnp.float32)
    W_inp = jnp.concatenate(
        [W_in, jnp.zeros((W1 - 4, HID), jnp.float32)], axis=0)

    gx = _tc_gx(x, d0, d1)
    Sx = _sc_agg16(src, dst, gx, zeros16)
    g0, g1 = _tc_l1(Sx, Sx, gx, W_inp, W_h0, b_in2, d0, d1)
    S2 = _sc_agg_wide(src, dst, g0, g1, zeros32)
    g0, g1 = _tc_mid(S2, S2, g0, g1, W_h1, b_h02, d0, d1)
    S3 = _sc_agg_wide(src, dst, g0, g1, zeros32)
    g4 = _tc_l4(S3, S3, g0, g1, W_out, b_h12, d0, d1)
    S4 = _sc_agg1(src, dst, g4.reshape(N), zeros1)
    s40 = S4[:N].reshape(N, 1)
    s41 = S4[NPAD:NPAD + N].reshape(N, 1)
    return _tc_out(s40, s41, g4, b_out.reshape(1, 1), d0, d1)

# --- scband reference (transcript-rebuilt; emitter-appended) ---
"""Pipeline reference for scband-my-gnn-2379411882474 (READ-ONLY COPY).

The authoritative reference and input builder live on the scoring server;
editing this copy changes nothing except your own understanding.
"""

import jax, jax.numpy as jnp
import numpy as np

N = 50000
E = 800000
HID = 64


def _gcn_conv(x, src, dst, W, b):
    # x' = D^{-1/2} (A + I) D^{-1/2} X W + b  (src/dst already include self-loops)
    h = x @ W
    deg = jnp.zeros((N,), h.dtype).at[dst].add(1.0)
    dis = jnp.where(deg > 0, jax.lax.rsqrt(deg), 0.0)
    norm = dis[src] * dis[dst]
    msg = h[src] * norm[:, None]
    out = jnp.zeros((N, h.shape[1]), h.dtype).at[dst].add(msg)
    return out + b


def setup_inputs(seed: int = 0) -> dict:
    key = jax.random.key(seed)
    ks = jax.random.split(key, 12)
    def glorot(k, shape):
        lim = float(np.sqrt(6.0 / (shape[0] + shape[1])))
        return jax.random.uniform(k, shape, dtype=jnp.float32, minval=-lim, maxval=lim)
    return {
        "x": jax.random.normal(ks[0], (N, 4), dtype=jnp.float32),
        "edge_index": jax.random.randint(ks[1], (2, E), 0, N, dtype=jnp.int32),
        "W_in": glorot(ks[2], (4, HID)),
        "b_in": jnp.zeros((HID,), jnp.float32),
        "W_h0": glorot(ks[3], (HID, HID)),
        "b_h0": jnp.zeros((HID,), jnp.float32),
        "W_h1": glorot(ks[4], (HID, HID)),
        "b_h1": jnp.zeros((HID,), jnp.float32),
        "W_out": glorot(ks[5], (HID, 1)),
        "b_out": jnp.zeros((1,), jnp.float32),
    }


def reference(x, edge_index, W_in, b_in, W_h0, b_h0, W_h1, b_h1, W_out, b_out):
    loop = jnp.arange(N, dtype=edge_index.dtype)
    src = jnp.concatenate([edge_index[0], loop])
    dst = jnp.concatenate([edge_index[1], loop])
    h = jax.nn.relu(_gcn_conv(x, src, dst, W_in, b_in))
    h = jax.nn.relu(_gcn_conv(h, src, dst, W_h0, b_h0))
    h = jax.nn.relu(_gcn_conv(h, src, dst, W_h1, b_h1))
    return _gcn_conv(h, src, dst, W_out, b_out)

if __name__ == "__main__":
    import jax
    _d = setup_inputs()
    print(jax.jit(kernel)(*tuple(_d.values())))

</pallas_src>

<mosaic_0001>
#map = affine_map<(d0, d1) -> (0)>
module attributes {stable_mosaic.version = 14 : i64} {
  func.func @_sc_degree(%arg0: i32, %arg1: i32, %arg2: memref<800000xi32, #tpu.memory_space<hbm>>, %arg3: memref<25000xf32, #tpu.memory_space<hbm>>, %arg4: memref<3200xf32, #tpu.memory_space<hbm>>, %arg5: memref<102400xf32, #tpu.memory_space<hbm>>, %arg6: memref<25000xi32, #tpu.memory_space<vmem>>, %arg7: memref<25000xf32, #tpu.memory_space<vmem>>, %arg8: memref<51200xf32, #tpu.memory_space<vmem_shared>>) attributes {dimension_semantics = [#tpu.dimension_semantics<core_parallel>, #tpu.dimension_semantics<subcore_parallel>], iteration_bounds = array<i64: 2, 16>, scalar_prefetch = 0 : i64, scratch_operands = 3 : i64, tpu.core_type = #tpu.core_type<sc_vector_subcore>, window_params = [{transform_indices = #map}, {transform_indices = #map}, {transform_indices = #map}, {transform_indices = #map}]} {
    %mul3A = arith.constant 3200 : i32
    %mul3A_0 = arith.muli %arg1, %mul3A : i32
    "tpu.region"() ({
      %run_scoped3A = tpu.sem_alloc : memref<!tpu.dma_semaphore, #tpu.memory_space<semaphore_mem>>
      %dma_start3A = tpu.memref_slice %arg8[%mul3A_0] : memref<51200xf32, #tpu.memory_space<vmem_shared>> -> memref<3200xf32, #tpu.memory_space<vmem_shared>>
      tpu.enqueue_dma source(%arg4 : memref<3200xf32, #tpu.memory_space<hbm>>) target(%dma_start3A : memref<3200xf32, #tpu.memory_space<vmem_shared>>) target_semaphore(%run_scoped3A : memref<!tpu.dma_semaphore, #tpu.memory_space<semaphore_mem>>)
      %dma_wait3A = tpu.memref_slice %arg8[%mul3A_0] : memref<51200xf32, #tpu.memory_space<vmem_shared>> -> memref<3200xf32, #tpu.memory_space<vmem_shared>>
      tpu.wait_dma2 semaphore(%run_scoped3A : memref<!tpu.dma_semaphore, #tpu.memory_space<semaphore_mem>>) src(%arg4 : memref<3200xf32, #tpu.memory_space<hbm>>) dst(%dma_wait3A : memref<3200xf32, #tpu.memory_space<vmem_shared>>)
      tpu.yield
    }) : () -> ()
    %barrier3A = arith.constant 0 : index
    tpu.barrier barrier_id(%barrier3A)
    %mul3A_1 = arith.constant 16 : i32
    %mul3A_2 = arith.muli %arg0, %mul3A_1 : i32
    %add3A = arith.addi %mul3A_2, %arg1 : i32
    %mul3A_3 = arith.constant 25000 : i32
    %mul3A_4 = arith.muli %add3A, %mul3A_3 : i32
    "tpu.region"() ({
      %run_scoped3A = tpu.sem_alloc : memref<!tpu.dma_semaphore, #tpu.memory_space<semaphore_mem>>
      %dma_start3A = tpu.memref_slice %arg2[%mul3A_4] : memref<800000xi32, #tpu.memory_space<hbm>> -> memref<25000xi32, #tpu.memory_space<hbm>>
      %dma_start3A_9 = tpu.memref_slice %arg2[%mul3A_4] : memref<800000xi32, #tpu.memory_space<hbm>> -> memref<25000xi32, #tpu.memory_space<hbm>>
      tpu.enqueue_dma source(%dma_start3A_9 : memref<25000xi32, #tpu.memory_space<hbm>>) target(%arg6 : memref<25000xi32, #tpu.memory_space<vmem>>) target_semaphore(%run_scoped3A : memref<!tpu.dma_semaphore, #tpu.memory_space<semaphore_mem>>)
      %dma_wait3A = tpu.memref_slice %arg2[%mul3A_4] : memref<800000xi32, #tpu.memory_space<hbm>> -> memref<25000xi32, #tpu.memory_space<hbm>>
      %dma_wait3A_10 = tpu.memref_slice %arg2[%mul3A_4] : memref<800000xi32, #tpu.memory_space<hbm>> -> memref<25000xi32, #tpu.memory_space<hbm>>
      tpu.wait_dma2 semaphore(%run_scoped3A : memref<!tpu.dma_semaphore, #tpu.memory_space<semaphore_mem>>) src(%dma_wait3A_10 : memref<25000xi32, #tpu.memory_space<hbm>>) dst(%arg6 : memref<25000xi32, #tpu.memory_space<vmem>>)
      tpu.yield
    }) : () -> ()
    "tpu.region"() ({
      %run_scoped3A = tpu.sem_alloc : memref<!tpu.dma_semaphore, #tpu.memory_space<semaphore_mem>>
      tpu.enqueue_dma source(%arg3 : memref<25000xf32, #tpu.memory_space<hbm>>) target(%arg7 : memref<25000xf32, #tpu.memory_space<vmem>>) target_semaphore(%run_scoped3A : memref<!tpu.dma_semaphore, #tpu.memory_space<semaphore_mem>>)
      tpu.wait_dma2 semaphore(%run_scoped3A : memref<!tpu.dma_semaphore, #tpu.memory_space<semaphore_mem>>) src(%arg3 : memref<25000xf32, #tpu.memory_space<hbm>>) dst(%arg7 : memref<25000xf32, #tpu.memory_space<vmem>>)
      tpu.yield
    }) : () -> ()
    "tpu.region"() ({
      %run_scoped3A = tpu.sem_alloc : memref<!tpu.dma_semaphore, #tpu.memory_space<semaphore_mem>>
      %dma_start3A = arith.constant 0 : i32
      %dma_start3A_9 = tpu.memref_slice %arg8[%dma_start3A] : memref<51200xf32, #tpu.memory_space<vmem_shared>> -> memref<51200xf32, #tpu.memory_space<vmem_shared>>
      tpu.enqueue_indirect_dma source(%arg7 : memref<25000xf32, #tpu.memory_space<vmem>>) target(%dma_start3A_9 : memref<51200xf32, #tpu.memory_space<vmem_shared>>) offsets(%arg6 : memref<25000xi32, #tpu.memory_space<vmem>>) semaphore(%run_scoped3A : memref<!tpu.dma_semaphore, #tpu.memory_space<semaphore_mem>>) {add = true}
      %dma_wait3A = arith.constant 0 : i32
      %dma_wait3A_10 = tpu.memref_slice %arg8[%dma_wait3A] : memref<51200xf32, #tpu.memory_space<vmem_shared>> -> memref<51200xf32, #tpu.memory_space<vmem_shared>>
      tpu.wait_indirect_dma semaphore(%run_scoped3A : memref<!tpu.dma_semaphore, #tpu.memory_space<semaphore_mem>>) src(%arg7 : memref<25000xf32, #tpu.memory_space<vmem>>) dst(%dma_wait3A_10 : memref<51200xf32, #tpu.memory_space<vmem_shared>>)
      tpu.yield
    }) : () -> ()
    %barrier3A_5 = arith.constant 0 : index
    tpu.barrier barrier_id(%barrier3A_5)
    %mul3A_6 = arith.constant 51200 : i32
    %mul3A_7 = arith.muli %arg0, %mul3A_6 : i32
    %add3A_8 = arith.addi %mul3A_7, %mul3A_0 : i32
    "tpu.region"() ({
      %run_scoped3A = tpu.sem_alloc : memref<!tpu.dma_semaphore, #tpu.memory_space<semaphore_mem>>
      %dma_start3A = tpu.memref_slice %arg5[%add3A_8] : memref<102400xf32, #tpu.memory_space<hbm>> -> memref<3200xf32, #tpu.memory_space<hbm>>
      %dma_start3A_9 = tpu.memref_slice %arg8[%mul3A_0] : memref<51200xf32, #tpu.memory_space<vmem_shared>> -> memref<3200xf32, #tpu.memory_space<vmem_shared>>
      tpu.enqueue_dma source(%dma_start3A_9 : memref<3200xf32, #tpu.memory_space<vmem_shared>>) target(%dma_start3A : memref<3200xf32, #tpu.memory_space<hbm>>) target_semaphore(%run_scoped3A : memref<!tpu.dma_semaphore, #tpu.memory_space<semaphore_mem>>)
      %dma_wait3A = tpu.memref_slice %arg5[%add3A_8] : memref<102400xf32, #tpu.memory_space<hbm>> -> memref<3200xf32, #tpu.memory_space<hbm>>
      %dma_wait3A_10 = tpu.memref_slice %arg8[%mul3A_0] : memref<51200xf32, #tpu.memory_space<vmem_shared>> -> memref<3200xf32, #tpu.memory_space<vmem_shared>>
      tpu.wait_dma2 semaphore(%run_scoped3A : memref<!tpu.dma_semaphore, #tpu.memory_space<semaphore_mem>>) src(%dma_wait3A_10 : memref<3200xf32, #tpu.memory_space<vmem_shared>>) dst(%dma_wait3A : memref<3200xf32, #tpu.memory_space<hbm>>)
      tpu.yield
    }) : () -> ()
    return
  }
}

#map = affine_map<(d0, d1) -> (0)>
#map1 = affine_map<(d0, d1) -> (0, 0)>
#map2 = affine_map<(d0, d1) -> (0, 0, 0)>
module attributes {stable_mosaic.version = 14 : i64} {
  func.func @_sc_agg_wide(%arg0: i32, %arg1: i32, %arg2: memref<800000xi32, #tpu.memory_space<hbm>>, %arg3: memref<800000xi32, #tpu.memory_space<hbm>>, %arg4: memref<50000x32xf32, #tpu.memory_space<hbm>>, %arg5: memref<50000x32xf32, #tpu.memory_space<hbm>>, %arg6: memref<3200x32xf32, #tpu.memory_space<hbm>>, %arg7: memref<2x51200x32xf32, #tpu.memory_space<hbm>>, %arg8: memref<200xi32, #tpu.memory_space<vmem>>, %arg9: memref<200xi32, #tpu.memory_space<vmem>>, %arg10: memref<200xi32, #tpu.memory_space<vmem>>, %arg11: memref<200xi32, #tpu.memory_space<vmem>>, %arg12: memref<200xi32, #tpu.memory_space<vmem>>, %arg13: memref<200xi32, #tpu.memory_space<vmem>>, %arg14: memref<200xi32, #tpu.memory_space<vmem>>, %arg15: memref<200xi32, #tpu.memory_space<vmem>>, %arg16: memref<200x32xf32, #tpu.memory_space<vmem>>, %arg17: memref<200x32xf32, #tpu.memory_space<vmem>>, %arg18: memref<200x32xf32, #tpu.memory_space<vmem>>, %arg19: memref<200x32xf32, #tpu.memory_space<vmem>>, %arg20: memref<51200x32xf32, #tpu.memory_space<vmem_shared>>, %arg21: memref<!tpu.dma_semaphore, #tpu.memory_space<semaphore_mem>>, %arg22: memref<!tpu.dma_semaphore, #tpu.memory_space<semaphore_mem>>, %arg23: memref<!tpu.dma_semaphore, #tpu.memory_space<semaphore_mem>>, %arg24: memref<!tpu.dma_semaphore, #tpu.memory_space<semaphore_mem>>, %arg25: memref<!tpu.dma_semaphore, #tpu.memory_space<semaphore_mem>>, %arg26: memref<!tpu.dma_semaphore, #tpu.memory_space<semaphore_mem>>, %arg27: memref<!tpu.dma_semaphore, #tpu.memory_space<semaphore_mem>>, %arg28: memref<!tpu.dma_semaphore, #tpu.memory_space<semaphore_mem>>, %arg29: memref<!tpu.dma_semaphore, #tpu.memory_space<semaphore_mem>>, %arg30: memref<!tpu.dma_semaphore, #tpu.memory_space<semaphore_mem>>, %arg31: memref<!tpu.dma_semaphore, #tpu.memory_space<semaphore_mem>>, %arg32: memref<!tpu.dma_semaphore, #tpu.memory_space<semaphore_mem>>) attributes {dimension_semantics = [#tpu.dimension_semantics<core_parallel>, #tpu.dimension_semantics<subcore_parallel>], iteration_bounds = array<i64: 2, 16>, scalar_prefetch = 0 : i64, scratch_operands = 25 : i64, tpu.core_type = #tpu.core_type<sc_vector_subcore>, window_params = [{transform_indices = #map}, {transform_indices = #map}, {transform_indices = #map1}, {transform_indices = #map1}, {transform_indices = #map1}, {transform_indices = #map2}]} {
    %mul3A = arith.constant 3200 : i32
    %mul3A_0 = arith.muli %arg1, %mul3A : i32
    "tpu.region"() ({
      %run_scoped3A = tpu.sem_alloc : memref<!tpu.dma_semaphore, #tpu.memory_space<semaphore_mem>>
      %dma_start3A_59 = arith.constant 0 : i32
      %dma_start3A_60 = tpu.memref_slice %arg20[%mul3A_0, %dma_start3A_59] : memref<51200x32xf32, #tpu.memory_space<vmem_shared>> -> memref<3200x32xf32, #tpu.memory_space<vmem_shared>>
      tpu.enqueue_dma source(%arg6 : memref<3200x32xf32, #tpu.memory_space<hbm>>) target(%dma_start3A_60 : memref<3200x32xf32, #tpu.memory_space<vmem_shared>>) target_semaphore(%run_scoped3A : memref<!tpu.dma_semaphore, #tpu.memory_space<semaphore_mem>>)
      %dma_wait3A_61 = arith.constant 0 : i32
      %dma_wait3A_62 = tpu.memref_slice %arg20[%mul3A_0, %dma_wait3A_61] : memref<51200x32xf32, #tpu.memory_space<vmem_shared>> -> memref<3200x32xf32, #tpu.memory_space<vmem_shared>>
      tpu.wait_dma2 semaphore(%run_scoped3A : memref<!tpu.dma_semaphore, #tpu.memory_space<semaphore_mem>>) src(%arg6 : memref<3200x32xf32, #tpu.memory_space<hbm>>) dst(%dma_wait3A_62 : memref<3200x32xf32, #tpu.memory_space<vmem_shared>>)
      tpu.yield
    }) : () -> ()
    %barrier3A = arith.constant 0 : index
    tpu.barrier barrier_id(%barrier3A)
    %scan3A = arith.constant 0 : i32
    %scan3A_1 = arith.constant 0 : i32
    %scan3A_2 = arith.constant 62 : i32
    %scan3A_3 = arith.addi %scan3A_1, %scan3A_2 : i32
    %scan3A_4 = arith.constant 1 : i32
    scf.for %scan3A_59 = %scan3A_1 to %scan3A_3 step %scan3A_4  : i32 {
      %mul3A_60 = arith.constant 50000 : i32
      %mul3A_61 = arith.muli %arg1, %mul3A_60 : i32
      %mul3A_62 = arith.constant 4 : i32
      %mul3A_63 = arith.muli %scan3A_59, %mul3A_62 : i32
      %add3A_64 = arith.constant 0 : i32
      %add3A_65 = arith.addi %mul3A_63, %add3A_64 : i32
      %mul3A_66 = arith.constant 200 : i32
      %mul3A_67 = arith.muli %add3A_65, %mul3A_66 : i32
      %add3A_68 = arith.addi %mul3A_61, %mul3A_67 : i32
      %gt3A = arith.constant 0 : i32
      %gt3A_69 = arith.cmpi sgt, %scan3A_59, %gt3A : i32
      %convert_element_type3A_70 = arith.extui %gt3A_69 : i1 to i32
      %cond3A_71 = arith.constant 0 : i32
      %cond3A_72 = arith.cmpi ne, %convert_element_type3A_70, %cond3A_71 : i32
      scf.if %cond3A_72 {
        %dma_wait3A_247 = arith.constant 0 : i32
        %dma_wait3A_248 = arith.constant 0 : i32
        %dma_wait3A_249 = tpu.memref_slice %arg20[%dma_wait3A_247, %dma_wait3A_248] : memref<51200x32xf32, #tpu.memory_space<vmem_shared>> -> memref<51200x32xf32, #tpu.memory_space<vmem_shared>>
        tpu.wait_indirect_dma semaphore(%arg29 : memref<!tpu.dma_semaphore, #tpu.memory_space<semaphore_mem>>) src(%arg16 : memref<200x32xf32, #tpu.memory_space<vmem>>) dst(%dma_wait3A_249 : memref<51200x32xf32, #tpu.memory_space<vmem_shared>>)
      } else {
      }
      %dma_start3A_73 = tpu.memref_slice %arg2[%add3A_68] : memref<800000xi32, #tpu.memory_space<hbm>> -> memref<200xi32, #tpu.memory_space<hbm>>
      %dma_start3A_74 = tpu.memref_slice %arg2[%add3A_68] : memref<800000xi32, #tpu.memory_space<hbm>> -> memref<200xi32, #tpu.memory_space<hbm>>
      tpu.enqueue_dma source(%dma_start3A_74 : memref<200xi32, #tpu.memory_space<hbm>>) target(%arg8 : memref<200xi32, #tpu.memory_space<vmem>>) target_semaphore(%arg21 : memref<!tpu.dma_semaphore, #tpu.memory_space<semaphore_mem>>)
      %dma_start3A_75 = tpu.memref_slice %arg3[%add3A_68] : memref<800000xi32, #tpu.memory_space<hbm>> -> memref<200xi32, #tpu.memory_space<hbm>>
      %dma_start3A_76 = tpu.memref_slice %arg3[%add3A_68] : memref<800000xi32, #tpu.memory_space<hbm>> -> memref<200xi32, #tpu.memory_space<hbm>>
      tpu.enqueue_dma source(%dma_start3A_76 : memref<200xi32, #tpu.memory_space<hbm>>) target(%arg12 : memref<200xi32, #tpu.memory_space<vmem>>) target_semaphore(%arg21 : memref<!tpu.dma_semaphore, #tpu.memory_space<semaphore_mem>>)
      %mul3A_77 = arith.constant 50000 : i32
      %mul3A_78 = arith.muli %arg1, %mul3A_77 : i32
      %mul3A_79 = arith.constant 4 : i32
      %mul3A_80 = arith.muli %scan3A_59, %mul3A_79 : i32
      %add3A_81 = arith.constant 1 : i32
      %add3A_82 = arith.addi %mul3A_80, %add3A_81 : i32
      %mul3A_83 = arith.constant 200 : i32
      %mul3A_84 = arith.muli %add3A_82, %mul3A_83 : i32
      %add3A_85 = arith.addi %mul3A_78, %mul3A_84 : i32
      %gt3A_86 = arith.constant 0 : i32
      %gt3A_87 = arith.cmpi sgt, %scan3A_59, %gt3A_86 : i32
      %convert_element_type3A_88 = arith.extui %gt3A_87 : i1 to i32
      %cond3A_89 = arith.constant 0 : i32
      %cond3A_90 = arith.cmpi ne, %convert_element_type3A_88, %cond3A_89 : i32
      scf.if %cond3A_90 {
        %dma_wait3A_247 = arith.constant 0 : i32
        %dma_wait3A_248 = arith.constant 0 : i32
        %dma_wait3A_249 = tpu.memref_slice %arg20[%dma_wait3A_247, %dma_wait3A_248] : memref<51200x32xf32, #tpu.memory_space<vmem_shared>> -> memref<51200x32xf32, #tpu.memory_space<vmem_shared>>
        tpu.wait_indirect_dma semaphore(%arg30 : memref<!tpu.dma_semaphore, #tpu.memory_space<semaphore_mem>>) src(%arg17 : memref<200x32xf32, #tpu.memory_space<vmem>>) dst(%dma_wait3A_249 : memref<51200x32xf32, #tpu.memory_space<vmem_shared>>)
      } else {
      }
      %dma_start3A_91 = tpu.memref_slice %arg2[%add3A_85] : memref<800000xi32, #tpu.memory_space<hbm>> -> memref<200xi32, #tpu.memory_space<hbm>>
      %dma_start3A_92 = tpu.memref_slice %arg2[%add3A_85] : memref<800000xi32, #tpu.memory_space<hbm>> -> memref<200xi32, #tpu.memory_space<hbm>>
      tpu.enqueue_dma source(%dma_start3A_92 : memref<200xi32, #tpu.memory_space<hbm>>) target(%arg9 : memref<200xi32, #tpu.memory_space<vmem>>) target_semaphore(%arg22 : memref<!tpu.dma_semaphore, #tpu.memory_space<semaphore_mem>>)
      %dma_start3A_93 = tpu.memref_slice %arg3[%add3A_85] : memref<800000xi32, #tpu.memory_space<hbm>> -> memref<200xi32, #tpu.memory_space<hbm>>
      %dma_start3A_94 = tpu.memref_slice %arg3[%add3A_85] : memref<800000xi32, #tpu.memory_space<hbm>> -> memref<200xi32, #tpu.memory_space<hbm>>
      tpu.enqueue_dma source(%dma_start3A_94 : memref<200xi32, #tpu.memory_space<hbm>>) target(%arg13 : memref<200xi32, #tpu.memory_space<vmem>>) target_semaphore(%arg22 : memref<!tpu.dma_semaphore, #tpu.memory_space<semaphore_mem>>)
      %mul3A_95 = arith.constant 50000 : i32
      %mul3A_96 = arith.muli %arg1, %mul3A_95 : i32
      %mul3A_97 = arith.constant 4 : i32
      %mul3A_98 = arith.muli %scan3A_59, %mul3A_97 : i32
      %add3A_99 = arith.constant 2 : i32
      %add3A_100 = arith.addi %mul3A_98, %add3A_99 : i32
      %mul3A_101 = arith.constant 200 : i32
      %mul3A_102 = arith.muli %add3A_100, %mul3A_101 : i32
      %add3A_103 = arith.addi %mul3A_96, %mul3A_102 : i32
      %gt3A_104 = arith.constant 0 : i32
      %gt3A_105 = arith.cmpi sgt, %scan3A_59, %gt3A_104 : i32
      %convert_element_type3A_106 = arith.extui %gt3A_105 : i1 to i32
      %cond3A_107 = arith.constant 0 : i32
      %cond3A_108 = arith.cmpi ne, %convert_element_type3A_106, %cond3A_107 : i32
      scf.if %cond3A_108 {
        %dma_wait3A_247 = arith.constant 0 : i32
        %dma_wait3A_248 = arith.constant 0 : i32
        %dma_wait3A_249 = tpu.memref_slice %arg20[%dma_wait3A_247, %dma_wait3A_248] : memref<51200x32xf32, #tpu.memory_space<vmem_shared>> -> memref<51200x32xf32, #tpu.memory_space<vmem_shared>>
        tpu.wait_indirect_dma semaphore(%arg31 : memref<!tpu.dma_semaphore, #tpu.memory_space<semaphore_mem>>) src(%arg18 : memref<200x32xf32, #tpu.memory_space<vmem>>) dst(%dma_wait3A_249 : memref<51200x32xf32, #tpu.memory_space<vmem_shared>>)
      } else {
      }
      %dma_start3A_109 = tpu.memref_slice %arg2[%add3A_103] : memref<800000xi32, #tpu.memory_space<hbm>> -> memref<200xi32, #tpu.memory_space<hbm>>
      %dma_start3A_110 = tpu.memref_slice %arg2[%add3A_103] : memref<800000xi32, #tpu.memory_space<hbm>> -> memref<200xi32, #tpu.memory_space<hbm>>
      tpu.enqueue_dma source(%dma_start3A_110 : memref<200xi32, #tpu.memory_space<hbm>>) target(%arg10 : memref<200xi32, #tpu.memory_space<vmem>>) target_semaphore(%arg23 : memref<!tpu.dma_semaphore, #tpu.memory_space<semaphore_mem>>)
      %dma_start3A_111 = tpu.memref_slice %arg3[%add3A_103] : memref<800000xi32, #tpu.memory_space<hbm>> -> memref<200xi32, #tpu.memory_space<hbm>>
      %dma_start3A_112 = tpu.memref_slice %arg3[%add3A_103] : memref<800000xi32, #tpu.memory_space<hbm>> -> memref<200xi32, #tpu.memory_space<hbm>>
      tpu.enqueue_dma source(%dma_start3A_112 : memref<200xi32, #tpu.memory_space<hbm>>) target(%arg14 : memref<200xi32, #tpu.memory_space<vmem>>) target_semaphore(%arg23 : memref<!tpu.dma_semaphore, #tpu.memory_space<semaphore_mem>>)
      %mul3A_113 = arith.constant 50000 : i32
      %mul3A_114 = arith.muli %arg1, %mul3A_113 : i32
      %mul3A_115 = arith.constant 4 : i32
      %mul3A_116 = arith.muli %scan3A_59, %mul3A_115 : i32
      %add3A_117 = arith.constant 3 : i32
      %add3A_118 = arith.addi %mul3A_116, %add3A_117 : i32
      %mul3A_119 = arith.constant 200 : i32
      %mul3A_120 = arith.muli %add3A_118, %mul3A_119 : i32
      %add3A_121 = arith.addi %mul3A_114, %mul3A_120 : i32
      %gt3A_122 = arith.constant 0 : i32
      %gt3A_123 = arith.cmpi sgt, %scan3A_59, %gt3A_122 : i32
      %convert_element_type3A_124 = arith.extui %gt3A_123 : i1 to i32
      %cond3A_125 = arith.constant 0 : i32
      %cond3A_126 = arith.cmpi ne, %convert_element_type3A_124, %cond3A_125 : i32
      scf.if %cond3A_126 {
        %dma_wait3A_247 = arith.constant 0 : i32
        %dma_wait3A_248 = arith.constant 0 : i32
        %dma_wait3A_249 = tpu.memref_slice %arg20[%dma_wait3A_247, %dma_wait3A_248] : memref<51200x32xf32, #tpu.memory_space<vmem_shared>> -> memref<51200x32xf32, #tpu.memory_space<vmem_shared>>
        tpu.wait_indirect_dma semaphore(%arg32 : memref<!tpu.dma_semaphore, #tpu.memory_space<semaphore_mem>>) src(%arg19 : memref<200x32xf32, #tpu.memory_space<vmem>>) dst(%dma_wait3A_249 : memref<51200x32xf32, #tpu.memory_space<vmem_shared>>)
      } else {
      }
      %dma_start3A_127 = tpu.memref_slice %arg2[%add3A_121] : memref<800000xi32, #tpu.memory_space<hbm>> -> memref<200xi32, #tpu.memory_space<hbm>>
      %dma_start3A_128 = tpu.memref_slice %arg2[%add3A_121] : memref<800000xi32, #tpu.memory_space<hbm>> -> memref<200xi32, #tpu.memory_space<hbm>>
      tpu.enqueue_dma source(%dma_start3A_128 : memref<200xi32, #tpu.memory_space<hbm>>) target(%arg11 : memref<200xi32, #tpu.memory_space<vmem>>) target_semaphore(%arg24 : memref<!tpu.dma_semaphore, #tpu.memory_space<semaphore_mem>>)
      %dma_start3A_129 = tpu.memref_slice %arg3[%add3A_121] : memref<800000xi32, #tpu.memory_space<hbm>> -> memref<200xi32, #tpu.memory_space<hbm>>
      %dma_start3A_130 = tpu.memref_slice %arg3[%add3A_121] : memref<800000xi32, #tpu.memory_space<hbm>> -> memref<200xi32, #tpu.memory_space<hbm>>
      tpu.enqueue_dma source(%dma_start3A_130 : memref<200xi32, #tpu.memory_space<hbm>>) target(%arg15 : memref<200xi32, #tpu.memory_space<vmem>>) target_semaphore(%arg24 : memref<!tpu.dma_semaphore, #tpu.memory_space<semaphore_mem>>)
      %mul3A_131 = arith.constant 50000 : i32
      %mul3A_132 = arith.muli %arg1, %mul3A_131 : i32
      %mul3A_133 = arith.constant 4 : i32
      %mul3A_134 = arith.muli %scan3A_59, %mul3A_133 : i32
      %add3A_135 = arith.constant 0 : i32
      %add3A_136 = arith.addi %mul3A_134, %add3A_135 : i32
      %mul3A_137 = arith.constant 200 : i32
      %mul3A_138 = arith.muli %add3A_136, %mul3A_137 : i32
      %add3A_139 = arith.addi %mul3A_132, %mul3A_138 : i32
      %dma_wait3A_140 = tpu.memref_slice %arg2[%add3A_139] : memref<800000xi32, #tpu.memory_space<hbm>> -> memref<200xi32, #tpu.memory_space<hbm>>
      %dma_wait3A_141 = tpu.memref_slice %arg2[%add3A_139] : memref<800000xi32, #tpu.memory_space<hbm>> -> memref<200xi32, #tpu.memory_space<hbm>>
      tpu.wait_dma2 semaphore(%arg21 : memref<!tpu.dma_semaphore, #tpu.memory_space<semaphore_mem>>) src(%dma_wait3A_141 : memref<200xi32, #tpu.memory_space<hbm>>) dst(%arg8 : memref<200xi32, #tpu.memory_space<vmem>>)
      %dma_wait3A_142 = tpu.memref_slice %arg3[%add3A_139] : memref<800000xi32, #tpu.memory_space<hbm>> -> memref<200xi32, #tpu.memory_space<hbm>>
      %dma_wait3A_143 = tpu.memref_slice %arg3[%add3A_139] : memref<800000xi32, #tpu.memory_space<hbm>> -> memref<200xi32, #tpu.memory_space<hbm>>
      tpu.wait_dma2 semaphore(%arg21 : memref<!tpu.dma_semaphore, #tpu.memory_space<semaphore_mem>>) src(%dma_wait3A_143 : memref<200xi32, #tpu.memory_space<hbm>>) dst(%arg12 : memref<200xi32, #tpu.memory_space<vmem>>)
      %eq3A_144 = arith.constant 0 : i32
      %eq3A_145 = arith.cmpi eq, %arg0, %eq3A_144 : i32
      %convert_element_type3A_146 = arith.extui %eq3A_145 : i1 to i32
      %cond3A_147 = arith.constant 0 : i32
      %cond3A_148 = arith.cmpi ne, %convert_element_type3A_146, %cond3A_147 : i32
      scf.if %cond3A_148 {
        %dma_start3A_247 = arith.constant 0 : i32
        %dma_start3A_248 = arith.constant 0 : i32
        %dma_start3A_249 = tpu.memref_slice %arg4[%dma_start3A_247, %dma_start3A_248] : memref<50000x32xf32, #tpu.memory_space<hbm>> -> memref<50000x32xf32, #tpu.memory_space<hbm>>
        tpu.enqueue_indirect_dma source(%dma_start3A_249 : memref<50000x32xf32, #tpu.memory_space<hbm>>) target(%arg16 : memref<200x32xf32, #tpu.memory_space<vmem>>) offsets(%arg8 : memref<200xi32, #tpu.memory_space<vmem>>) semaphore(%arg25 : memref<!tpu.dma_semaphore, #tpu.memory_space<semaphore_mem>>)
      } else {
      }
      %eq3A_149 = arith.constant 1 : i32
      %eq3A_150 = arith.cmpi eq, %arg0, %eq3A_149 : i32
      %convert_element_type3A_151 = arith.extui %eq3A_150 : i1 to i32
      %cond3A_152 = arith.constant 0 : i32
      %cond3A_153 = arith.cmpi ne, %convert_element_type3A_151, %cond3A_152 : i32
      scf.if %cond3A_153 {
        %dma_start3A_247 = arith.constant 0 : i32
        %dma_start3A_248 = arith.constant 0 : i32
        %dma_start3A_249 = tpu.memref_slice %arg5[%dma_start3A_247, %dma_start3A_248] : memref<50000x32xf32, #tpu.memory_space<hbm>> -> memref<50000x32xf32, #tpu.memory_space<hbm>>
        tpu.enqueue_indirect_dma source(%dma_start3A_249 : memref<50000x32xf32, #tpu.memory_space<hbm>>) target(%arg16 : memref<200x32xf32, #tpu.memory_space<vmem>>) offsets(%arg8 : memref<200xi32, #tpu.memory_space<vmem>>) semaphore(%arg25 : memref<!tpu.dma_semaphore, #tpu.memory_space<semaphore_mem>>)
      } else {
      }
      %mul3A_154 = arith.constant 50000 : i32
      %mul3A_155 = arith.muli %arg1, %mul3A_154 : i32
      %mul3A_156 = arith.constant 4 : i32
      %mul3A_157 = arith.muli %scan3A_59, %mul3A_156 : i32
      %add3A_158 = arith.constant 1 : i32
      %add3A_159 = arith.addi %mul3A_157, %add3A_158 : i32
      %mul3A_160 = arith.constant 200 : i32
      %mul3A_161 = arith.muli %add3A_159, %mul3A_160 : i32
      %add3A_162 = arith.addi %mul3A_155, %mul3A_161 : i32
      %dma_wait3A_163 = tpu.memref_slice %arg2[%add3A_162] : memref<800000xi32, #tpu.memory_space<hbm>> -> memref<200xi32, #tpu.memory_space<hbm>>
      %dma_wait3A_164 = tpu.memref_slice %arg2[%add3A_162] : memref<800000xi32, #tpu.memory_space<hbm>> -> memref<200xi32, #tpu.memory_space<hbm>>
      tpu.wait_dma2 semaphore(%arg22 : memref<!tpu.dma_semaphore, #tpu.memory_space<semaphore_mem>>) src(%dma_wait3A_164 : memref<200xi32, #tpu.memory_space<hbm>>) dst(%arg9 : memref<200xi32, #tpu.memory_space<vmem>>)
      %dma_wait3A_165 = tpu.memref_slice %arg3[%add3A_162] : memref<800000xi32, #tpu.memory_space<hbm>> -> memref<200xi32, #tpu.memory_space<hbm>>
      %dma_wait3A_166 = tpu.memref_slice %arg3[%add3A_162] : memref<800000xi32, #tpu.memory_space<hbm>> -> memref<200xi32, #tpu.memory_space<hbm>>
      tpu.wait_dma2 semaphore(%arg22 : memref<!tpu.dma_semaphore, #tpu.memory_space<semaphore_mem>>) src(%dma_wait3A_166 : memref<200xi32, #tpu.memory_space<hbm>>) dst(%arg13 : memref<200xi32, #tpu.memory_space<vmem>>)
      %eq3A_167 = arith.constant 0 : i32
      %eq3A_168 = arith.cmpi eq, %arg0, %eq3A_167 : i32
      %convert_element_type3A_169 = arith.extui %eq3A_168 : i1 to i32
      %cond3A_170 = arith.constant 0 : i32
      %cond3A_171 = arith.cmpi ne, %convert_element_type3A_169, %cond3A_170 : i32
      scf.if %cond3A_171 {
        %dma_start3A_247 = arith.constant 0 : i32
        %dma_start3A_248 = arith.constant 0 : i32
        %dma_start3A_249 = tpu.memref_slice %arg4[%dma_start3A_247, %dma_start3A_248] : memref<50000x32xf32, #tpu.memory_space<hbm>> -> memref<50000x32xf32, #tpu.memory_space<hbm>>
        tpu.enqueue_indirect_dma source(%dma_start3A_249 : memref<50000x32xf32, #tpu.memory_space<hbm>>) target(%arg17 : memref<200x32xf32, #tpu.memory_space<vmem>>) offsets(%arg9 : memref<200xi32, #tpu.memory_space<vmem>>) semaphore(%arg26 : memref<!tpu.dma_semaphore, #tpu.memory_space<semaphore_mem>>)
      } else {
      }
      %eq3A_172 = arith.constant 1 : i32
      %eq3A_173 = arith.cmpi eq, %arg0, %eq3A_172 : i32
      %convert_element_type3A_174 = arith.extui %eq3A_173 : i1 to i32
      %cond3A_175 = arith.constant 0 : i32
      %cond3A_176 = arith.cmpi ne, %convert_element_type3A_174, %cond3A_175 : i32
      scf.if %cond3A_176 {
        %dma_start3A_247 = arith.constant 0 : i32
        %dma_start3A_248 = arith.constant 0 : i32
        %dma_start3A_249 = tpu.memref_slice %arg5[%dma_start3A_247, %dma_start3A_248] : memref<50000x32xf32, #tpu.memory_space<hbm>> -> memref<50000x32xf32, #tpu.memory_space<hbm>>
        tpu.enqueue_indirect_dma source(%dma_start3A_249 : memref<50000x32xf32, #tpu.memory_space<hbm>>) target(%arg17 : memref<200x32xf32, #tpu.memory_space<vmem>>) offsets(%arg9 : memref<200xi32, #tpu.memory_space<vmem>>) semaphore(%arg26 : memref<!tpu.dma_semaphore, #tpu.memory_space<semaphore_mem>>)
      } else {
      }
      %mul3A_177 = arith.constant 50000 : i32
      %mul3A_178 = arith.muli %arg1, %mul3A_177 : i32
      %mul3A_179 = arith.constant 4 : i32
      %mul3A_180 = arith.muli %scan3A_59, %mul3A_179 : i32
      %add3A_181 = arith.constant 2 : i32
      %add3A_182 = arith.addi %mul3A_180, %add3A_181 : i32
      %mul3A_183 = arith.constant 200 : i32
      %mul3A_184 = arith.muli %add3A_182, %mul3A_183 : i32
      %add3A_185 = arith.addi %mul3A_178, %mul3A_184 : i32
      %dma_wait3A_186 = tpu.memref_slice %arg2[%add3A_185] : memref<800000xi32, #tpu.memory_space<hbm>> -> memref<200xi32, #tpu.memory_space<hbm>>
      %dma_wait3A_187 = tpu.memref_slice %arg2[%add3A_185] : memref<800000xi32, #tpu.memory_space<hbm>> -> memref<200xi32, #tpu.memory_space<hbm>>
      tpu.wait_dma2 semaphore(%arg23 : memref<!tpu.dma_semaphore, #tpu.memory_space<semaphore_mem>>) src(%dma_wait3A_187 : memref<200xi32, #tpu.memory_space<hbm>>) dst(%arg10 : memref<200xi32, #tpu.memory_space<vmem>>)
      %dma_wait3A_188 = tpu.memref_slice %arg3[%add3A_185] : memref<800000xi32, #tpu.memory_space<hbm>> -> memref<200xi32, #tpu.memory_space<hbm>>
      %dma_wait3A_189 = tpu.memref_slice %arg3[%add3A_185] : memref<800000xi32, #tpu.memory_space<hbm>> -> memref<200xi32, #tpu.memory_space<hbm>>
      tpu.wait_dma2 semaphore(%arg23 : memref<!tpu.dma_semaphore, #tpu.memory_space<semaphore_mem>>) src(%dma_wait3A_189 : memref<200xi32, #tpu.memory_space<hbm>>) dst(%arg14 : memref<200xi32, #tpu.memory_space<vmem>>)
      %eq3A_190 = arith.constant 0 : i32
      %eq3A_191 = arith.cmpi eq, %arg0, %eq3A_190 : i32
      %convert_element_type3A_192 = arith.extui %eq3A_191 : i1 to i32
      %cond3A_193 = arith.constant 0 : i32
      %cond3A_194 = arith.cmpi ne, %convert_element_type3A_192, %cond3A_193 : i32
      scf.if %cond3A_194 {
        %dma_start3A_247 = arith.constant 0 : i32
        %dma_start3A_248 = arith.constant 0 : i32
        %dma_start3A_249 = tpu.memref_slice %arg4[%dma_start3A_247, %dma_start3A_248] : memref<50000x32xf32, #tpu.memory_space<hbm>> -> memref<50000x32xf32, #tpu.memory_space<hbm>>
        tpu.enqueue_indirect_dma source(%dma_start3A_249 : memref<50000x32xf32, #tpu.memory_space<hbm>>) target(%arg18 : memref<200x32xf32, #tpu.memory_space<vmem>>) offsets(%arg10 : memref<200xi32, #tpu.memory_space<vmem>>) semaphore(%arg27 : memref<!tpu.dma_semaphore, #tpu.memory_space<semaphore_mem>>)
      } else {
      }
      %eq3A_195 = arith.constant 1 : i32
      %eq3A_196 = arith.cmpi eq, %arg0, %eq3A_195 : i32
      %convert_element_type3A_197 = arith.extui %eq3A_196 : i1 to i32
      %cond3A_198 = arith.constant 0 : i32
      %cond3A_199 = arith.cmpi ne, %convert_element_type3A_197, %cond3A_198 : i32
      scf.if %cond3A_199 {
        %dma_start3A_247 = arith.constant 0 : i32
        %dma_start3A_248 = arith.constant 0 : i32
        %dma_start3A_249 = tpu.memref_slice %arg5[%dma_start3A_247, %dma_start3A_248] : memref<50000x32xf32, #tpu.memory_space<hbm>> -> memref<50000x32xf32, #tpu.memory_space<hbm>>
        tpu.enqueue_indirect_dma source(%dma_start3A_249 : memref<50000x32xf32, #tpu.memory_space<hbm>>) target(%arg18 : memref<200x32xf32, #tpu.memory_space<vmem>>) offsets(%arg10 : memref<200xi32, #tpu.memory_space<vmem>>) semaphore(%arg27 : memref<!tpu.dma_semaphore, #tpu.memory_space<semaphore_mem>>)
      } else {
      }
      %mul3A_200 = arith.constant 50000 : i32
      %mul3A_201 = arith.muli %arg1, %mul3A_200 : i32
      %mul3A_202 = arith.constant 4 : i32
      %mul3A_203 = arith.muli %scan3A_59, %mul3A_202 : i32
      %add3A_204 = arith.constant 3 : i32
      %add3A_205 = arith.addi %mul3A_203, %add3A_204 : i32
      %mul3A_206 = arith.constant 200 : i32
      %mul3A_207 = arith.muli %add3A_205, %mul3A_206 : i32
      %add3A_208 = arith.addi %mul3A_201, %mul3A_207 : i32
      %dma_wait3A_209 = tpu.memref_slice %arg2[%add3A_208] : memref<800000xi32, #tpu.memory_space<hbm>> -> memref<200xi32, #tpu.memory_space<hbm>>
      %dma_wait3A_210 = tpu.memref_slice %arg2[%add3A_208] : memref<800000xi32, #tpu.memory_space<hbm>> -> memref<200xi32, #tpu.memory_space<hbm>>
      tpu.wait_dma2 semaphore(%arg24 : memref<!tpu.dma_semaphore, #tpu.memory_space<semaphore_mem>>) src(%dma_wait3A_210 : memref<200xi32, #tpu.memory_space<hbm>>) dst(%arg11 : memref<200xi32, #tpu.memory_space<vmem>>)
      %dma_wait3A_211 = tpu.memref_slice %arg3[%add3A_208] : memref<800000xi32, #tpu.memory_space<hbm>> -> memref<200xi32, #tpu.memory_space<hbm>>
      %dma_wait3A_212 = tpu.memref_slice %arg3[%add3A_208] : memref<800000xi32, #tpu.memory_space<hbm>> -> memref<200xi32, #tpu.memory_space<hbm>>
      tpu.wait_dma2 semaphore(%arg24 : memref<!tpu.dma_semaphore, #tpu.memory_space<semaphore_mem>>) src(%dma_wait3A_212 : memref<200xi32, #tpu.memory_space<hbm>>) dst(%arg15 : memref<200xi32, #tpu.memory_space<vmem>>)
      %eq3A_213 = arith.constant 0 : i32
      %eq3A_214 = arith.cmpi eq, %arg0, %eq3A_213 : i32
      %convert_element_type3A_215 = arith.extui %eq3A_214 : i1 to i32
      %cond3A_216 = arith.constant 0 : i32
      %cond3A_217 = arith.cmpi ne, %convert_element_type3A_215, %cond3A_216 : i32
      scf.if %cond3A_217 {
        %dma_start3A_247 = arith.constant 0 : i32
        %dma_start3A_248 = arith.constant 0 : i32
        %dma_start3A_249 = tpu.memref_slice %arg4[%dma_start3A_247, %dma_start3A_248] : memref<50000x32xf32, #tpu.memory_space<hbm>> -> memref<50000x32xf32, #tpu.memory_space<hbm>>
        tpu.enqueue_indirect_dma source(%dma_start3A_249 : memref<50000x32xf32, #tpu.memory_space<hbm>>) target(%arg19 : memref<200x32xf32, #tpu.memory_space<vmem>>) offsets(%arg11 : memref<200xi32, #tpu.memory_space<vmem>>) semaphore(%arg28 : memref<!tpu.dma_semaphore, #tpu.memory_space<semaphore_mem>>)
      } else {
      }
      %eq3A_218 = arith.constant 1 : i32
      %eq3A_219 = arith.cmpi eq, %arg0, %eq3A_218 : i32
      %convert_element_type3A_220 = arith.extui %eq3A_219 : i1 to i32
      %cond3A_221 = arith.constant 0 : i32
      %cond3A_222 = arith.cmpi ne, %convert_element_type3A_220, %cond3A_221 : i32
      scf.if %cond3A_222 {
        %dma_start3A_247 = arith.constant 0 : i32
        %dma_start3A_248 = arith.constant 0 : i32
        %dma_start3A_249 = tpu.memref_slice %arg5[%dma_start3A_247, %dma_start3A_248] : memref<50000x32xf32, #tpu.memory_space<hbm>> -> memref<50000x32xf32, #tpu.memory_space<hbm>>
        tpu.enqueue_indirect_dma source(%dma_start3A_249 : memref<50000x32xf32, #tpu.memory_space<hbm>>) target(%arg19 : memref<200x32xf32, #tpu.memory_space<vmem>>) offsets(%arg11 : memref<200xi32, #tpu.memory_space<vmem>>) semaphore(%arg28 : memref<!tpu.dma_semaphore, #tpu.memory_space<semaphore_mem>>)
      } else {
      }
      %dma_wait3A_223 = arith.constant 0 : i32
      %dma_wait3A_224 = arith.constant 0 : i32
      %dma_wait3A_225 = tpu.memref_slice %arg4[%dma_wait3A_223, %dma_wait3A_224] : memref<50000x32xf32, #tpu.memory_space<hbm>> -> memref<50000x32xf32, #tpu.memory_space<hbm>>
      tpu.wait_indirect_dma semaphore(%arg25 : memref<!tpu.dma_semaphore, #tpu.memory_space<semaphore_mem>>) src(%dma_wait3A_225 : memref<50000x32xf32, #tpu.memory_space<hbm>>) dst(%arg16 : memref<200x32xf32, #tpu.memory_space<vmem>>)
      %dma_start3A_226 = arith.constant 0 : i32
      %dma_start3A_227 = arith.constant 0 : i32
      %dma_start3A_228 = tpu.memref_slice %arg20[%dma_start3A_226, %dma_start3A_227] : memref<51200x32xf32, #tpu.memory_space<vmem_shared>> -> memref<51200x32xf32, #tpu.memory_space<vmem_shared>>
      tpu.enqueue_indirect_dma source(%arg16 : memref<200x32xf32, #tpu.memory_space<vmem>>) target(%dma_start3A_228 : memref<51200x32xf32, #tpu.memory_space<vmem_shared>>) offsets(%arg12 : memref<200xi32, #tpu.memory_space<vmem>>) semaphore(%arg29 : memref<!tpu.dma_semaphore, #tpu.memory_space<semaphore_mem>>) {add = true}
      %dma_wait3A_229 = arith.constant 0 : i32
      %dma_wait3A_230 = arith.constant 0 : i32
      %dma_wait3A_231 = tpu.memref_slice %arg4[%dma_wait3A_229, %dma_wait3A_230] : memref<50000x32xf32, #tpu.memory_space<hbm>> -> memref<50000x32xf32, #tpu.memory_space<hbm>>
      tpu.wait_indirect_dma semaphore(%arg26 : memref<!tpu.dma_semaphore, #tpu.memory_space<semaphore_mem>>) src(%dma_wait3A_231 : memref<50000x32xf32, #tpu.memory_space<hbm>>) dst(%arg17 : memref<200x32xf32, #tpu.memory_space<vmem>>)
      %dma_start3A_232 = arith.constant 0 : i32
      %dma_start3A_233 = arith.constant 0 : i32
      %dma_start3A_234 = tpu.memref_slice %arg20[%dma_start3A_232, %dma_start3A_233] : memref<51200x32xf32, #tpu.memory_space<vmem_shared>> -> memref<51200x32xf32, #tpu.memory_space<vmem_shared>>
      tpu.enqueue_indirect_dma source(%arg17 : memref<200x32xf32, #tpu.memory_space<vmem>>) target(%dma_start3A_234 : memref<51200x32xf32, #tpu.memory_space<vmem_shared>>) offsets(%arg13 : memref<200xi32, #tpu.memory_space<vmem>>) semaphore(%arg30 : memref<!tpu.dma_semaphore, #tpu.memory_space<semaphore_mem>>) {add = true}
      %dma_wait3A_235 = arith.constant 0 : i32
      %dma_wait3A_236 = arith.constant 0 : i32
      %dma_wait3A_237 = tpu.memref_slice %arg4[%dma_wait3A_235, %dma_wait3A_236] : memref<50000x32xf32, #tpu.memory_space<hbm>> -> memref<50000x32xf32, #tpu.memory_space<hbm>>
      tpu.wait_indirect_dma semaphore(%arg27 : memref<!tpu.dma_semaphore, #tpu.memory_space<semaphore_mem>>) src(%dma_wait3A_237 : memref<50000x32xf32, #tpu.memory_space<hbm>>) dst(%arg18 : memref<200x32xf32, #tpu.memory_space<vmem>>)
      %dma_start3A_238 = arith.constant 0 : i32
      %dma_start3A_239 = arith.constant 0 : i32
      %dma_start3A_240 = tpu.memref_slice %arg20[%dma_start3A_238, %dma_start3A_239] : memref<51200x32xf32, #tpu.memory_space<vmem_shared>> -> memref<51200x32xf32, #tpu.memory_space<vmem_shared>>
      tpu.enqueue_indirect_dma source(%arg18 : memref<200x32xf32, #tpu.memory_space<vmem>>) target(%dma_start3A_240 : memref<51200x32xf32, #tpu.memory_space<vmem_shared>>) offsets(%arg14 : memref<200xi32, #tpu.memory_space<vmem>>) semaphore(%arg31 : memref<!tpu.dma_semaphore, #tpu.memory_space<semaphore_mem>>) {add = true}
      %dma_wait3A_241 = arith.constant 0 : i32
      %dma_wait3A_242 = arith.constant 0 : i32
      %dma_wait3A_243 = tpu.memref_slice %arg4[%dma_wait3A_241, %dma_wait3A_242] : memref<50000x32xf32, #tpu.memory_space<hbm>> -> memref<50000x32xf32, #tpu.memory_space<hbm>>
      tpu.wait_indirect_dma semaphore(%arg28 : memref<!tpu.dma_semaphore, #tpu.memory_space<semaphore_mem>>) src(%dma_wait3A_243 : memref<50000x32xf32, #tpu.memory_space<hbm>>) dst(%arg19 : memref<200x32xf32, #tpu.memory_space<vmem>>)
      %dma_start3A_244 = arith.constant 0 : i32
      %dma_start3A_245 = arith.constant 0 : i32
      %dma_start3A_246 = tpu.memref_slice %arg20[%dma_start3A_244, %dma_start3A_245] : memref<51200x32xf32, #tpu.memory_space<vmem_shared>> -> memref<51200x32xf32, #tpu.memory_space<vmem_shared>>
      tpu.enqueue_indirect_dma source(%arg19 : memref<200x32xf32, #tpu.memory_space<vmem>>) target(%dma_start3A_246 : memref<51200x32xf32, #tpu.memory_space<vmem_shared>>) offsets(%arg15 : memref<200xi32, #tpu.memory_space<vmem>>) semaphore(%arg32 : memref<!tpu.dma_semaphore, #tpu.memory_space<semaphore_mem>>) {add = true}
    }
    %scan3A_5 = arith.constant 62 : i32
    %dma_wait3A = arith.constant 0 : i32
    %dma_wait3A_6 = arith.constant 0 : i32
    %dma_wait3A_7 = tpu.memref_slice %arg20[%dma_wait3A, %dma_wait3A_6] : memref<51200x32xf32, #tpu.memory_space<vmem_shared>> -> memref<51200x32xf32, #tpu.memory_space<vmem_shared>>
    tpu.wait_indirect_dma semaphore(%arg29 : memref<!tpu.dma_semaphore, #tpu.memory_space<semaphore_mem>>) src(%arg16 : memref<200x32xf32, #tpu.memory_space<vmem>>) dst(%dma_wait3A_7 : memref<51200x32xf32, #tpu.memory_space<vmem_shared>>)
    %dma_wait3A_8 = arith.constant 0 : i32
    %dma_wait3A_9 = arith.constant 0 : i32
    %dma_wait3A_10 = tpu.memref_slice %arg20[%dma_wait3A_8, %dma_wait3A_9] : memref<51200x32xf32, #tpu.memory_space<vmem_shared>> -> memref<51200x32xf32, #tpu.memory_space<vmem_shared>>
    tpu.wait_indirect_dma semaphore(%arg30 : memref<!tpu.dma_semaphore, #tpu.memory_space<semaphore_mem>>) src(%arg17 : memref<200x32xf32, #tpu.memory_space<vmem>>) dst(%dma_wait3A_10 : memref<51200x32xf32, #tpu.memory_space<vmem_shared>>)
    %dma_wait3A_11 = arith.constant 0 : i32
    %dma_wait3A_12 = arith.constant 0 : i32
    %dma_wait3A_13 = tpu.memref_slice %arg20[%dma_wait3A_11, %dma_wait3A_12] : memref<51200x32xf32, #tpu.memory_space<vmem_shared>> -> memref<51200x32xf32, #tpu.memory_space<vmem_shared>>
    tpu.wait_indirect_dma semaphore(%arg31 : memref<!tpu.dma_semaphore, #tpu.memory_space<semaphore_mem>>) src(%arg18 : memref<200x32xf32, #tpu.memory_space<vmem>>) dst(%dma_wait3A_13 : memref<51200x32xf32, #tpu.memory_space<vmem_shared>>)
    %dma_wait3A_14 = arith.constant 0 : i32
    %dma_wait3A_15 = arith.constant 0 : i32
    %dma_wait3A_16 = tpu.memref_slice %arg20[%dma_wait3A_14, %dma_wait3A_15] : memref<51200x32xf32, #tpu.memory_space<vmem_shared>> -> memref<51200x32xf32, #tpu.memory_space<vmem_shared>>
    tpu.wait_indirect_dma semaphore(%arg32 : memref<!tpu.dma_semaphore, #tpu.memory_space<semaphore_mem>>) src(%arg19 : memref<200x32xf32, #tpu.memory_space<vmem>>) dst(%dma_wait3A_16 : memref<51200x32xf32, #tpu.memory_space<vmem_shared>>)
    %mul3A_17 = arith.constant 50000 : i32
    %mul3A_18 = arith.muli %arg1, %mul3A_17 : i32
    %add3A = arith.constant 49600 : i32
    %add3A_19 = arith.addi %mul3A_18, %add3A : i32
    "tpu.region"() ({
      %run_scoped3A = tpu.sem_alloc : memref<!tpu.dma_semaphore, #tpu.memory_space<semaphore_mem>>
      %dma_start3A_59 = tpu.memref_slice %arg2[%add3A_19] : memref<800000xi32, #tpu.memory_space<hbm>> -> memref<200xi32, #tpu.memory_space<hbm>>
      %dma_start3A_60 = tpu.memref_slice %arg2[%add3A_19] : memref<800000xi32, #tpu.memory_space<hbm>> -> memref<200xi32, #tpu.memory_space<hbm>>
      tpu.enqueue_dma source(%dma_start3A_60 : memref<200xi32, #tpu.memory_space<hbm>>) target(%arg8 : memref<200xi32, #tpu.memory_space<vmem>>) target_semaphore(%run_scoped3A : memref<!tpu.dma_semaphore, #tpu.memory_space<semaphore_mem>>)
      %dma_wait3A_61 = tpu.memref_slice %arg2[%add3A_19] : memref<800000xi32, #tpu.memory_space<hbm>> -> memref<200xi32, #tpu.memory_space<hbm>>
      %dma_wait3A_62 = tpu.memref_slice %arg2[%add3A_19] : memref<800000xi32, #tpu.memory_space<hbm>> -> memref<200xi32, #tpu.memory_space<hbm>>
      tpu.wait_dma2 semaphore(%run_scoped3A : memref<!tpu.dma_semaphore, #tpu.memory_space<semaphore_mem>>) src(%dma_wait3A_62 : memref<200xi32, #tpu.memory_space<hbm>>) dst(%arg8 : memref<200xi32, #tpu.memory_space<vmem>>)
      tpu.yield
    }) : () -> ()
    "tpu.region"() ({
      %run_scoped3A = tpu.sem_alloc : memref<!tpu.dma_semaphore, #tpu.memory_space<semaphore_mem>>
      %dma_start3A_59 = tpu.memref_slice %arg3[%add3A_19] : memref<800000xi32, #tpu.memory_space<hbm>> -> memref<200xi32, #tpu.memory_space<hbm>>
      %dma_start3A_60 = tpu.memref_slice %arg3[%add3A_19] : memref<800000xi32, #tpu.memory_space<hbm>> -> memref<200xi32, #tpu.memory_space<hbm>>
      tpu.enqueue_dma source(%dma_start3A_60 : memref<200xi32, #tpu.memory_space<hbm>>) target(%arg12 : memref<200xi32, #tpu.memory_space<vmem>>) target_semaphore(%run_scoped3A : memref<!tpu.dma_semaphore, #tpu.memory_space<semaphore_mem>>)
      %dma_wait3A_61 = tpu.memref_slice %arg3[%add3A_19] : memref<800000xi32, #tpu.memory_space<hbm>> -> memref<200xi32, #tpu.memory_space<hbm>>
      %dma_wait3A_62 = tpu.memref_slice %arg3[%add3A_19] : memref<800000xi32, #tpu.memory_space<hbm>> -> memref<200xi32, #tpu.memory_space<hbm>>
      tpu.wait_dma2 semaphore(%run_scoped3A : memref<!tpu.dma_semaphore, #tpu.memory_space<semaphore_mem>>) src(%dma_wait3A_62 : memref<200xi32, #tpu.memory_space<hbm>>) dst(%arg12 : memref<200xi32, #tpu.memory_space<vmem>>)
      tpu.yield
    }) : () -> ()
    %eq3A = arith.constant 0 : i32
    %eq3A_20 = arith.cmpi eq, %arg0, %eq3A : i32
    %convert_element_type3A = arith.extui %eq3A_20 : i1 to i32
    %cond3A = arith.constant 0 : i32
    %cond3A_21 = arith.cmpi ne, %convert_element_type3A, %cond3A : i32
    scf.if %cond3A_21 {
      %dma_start3A_59 = arith.constant 0 : i32
      %dma_start3A_60 = arith.constant 0 : i32
      %dma_start3A_61 = tpu.memref_slice %arg4[%dma_start3A_59, %dma_start3A_60] : memref<50000x32xf32, #tpu.memory_space<hbm>> -> memref<50000x32xf32, #tpu.memory_space<hbm>>
      tpu.enqueue_indirect_dma source(%dma_start3A_61 : memref<50000x32xf32, #tpu.memory_space<hbm>>) target(%arg16 : memref<200x32xf32, #tpu.memory_space<vmem>>) offsets(%arg8 : memref<200xi32, #tpu.memory_space<vmem>>) semaphore(%arg25 : memref<!tpu.dma_semaphore, #tpu.memory_space<semaphore_mem>>)
    } else {
    }
    %eq3A_22 = arith.constant 1 : i32
    %eq3A_23 = arith.cmpi eq, %arg0, %eq3A_22 : i32
    %convert_element_type3A_24 = arith.extui %eq3A_23 : i1 to i32
    %cond3A_25 = arith.constant 0 : i32
    %cond3A_26 = arith.cmpi ne, %convert_element_type3A_24, %cond3A_25 : i32
    scf.if %cond3A_26 {
      %dma_start3A_59 = arith.constant 0 : i32
      %dma_start3A_60 = arith.constant 0 : i32
      %dma_start3A_61 = tpu.memref_slice %arg5[%dma_start3A_59, %dma_start3A_60] : memref<50000x32xf32, #tpu.memory_space<hbm>> -> memref<50000x32xf32, #tpu.memory_space<hbm>>
      tpu.enqueue_indirect_dma source(%dma_start3A_61 : memref<50000x32xf32, #tpu.memory_space<hbm>>) target(%arg16 : memref<200x32xf32, #tpu.memory_space<vmem>>) offsets(%arg8 : memref<200xi32, #tpu.memory_space<vmem>>) semaphore(%arg25 : memref<!tpu.dma_semaphore, #tpu.memory_space<semaphore_mem>>)
    } else {
    }
    %dma_wait3A_27 = arith.constant 0 : i32
    %dma_wait3A_28 = arith.constant 0 : i32
    %dma_wait3A_29 = tpu.memref_slice %arg4[%dma_wait3A_27, %dma_wait3A_28] : memref<50000x32xf32, #tpu.memory_space<hbm>> -> memref<50000x32xf32, #tpu.memory_space<hbm>>
    tpu.wait_indirect_dma semaphore(%arg25 : memref<!tpu.dma_semaphore, #tpu.memory_space<semaphore_mem>>) src(%dma_wait3A_29 : memref<50000x32xf32, #tpu.memory_space<hbm>>) dst(%arg16 : memref<200x32xf32, #tpu.memory_space<vmem>>)
    %dma_start3A = arith.constant 0 : i32
    %dma_start3A_30 = arith.constant 0 : i32
    %dma_start3A_31 = tpu.memref_slice %arg20[%dma_start3A, %dma_start3A_30] : memref<51200x32xf32, #tpu.memory_space<vmem_shared>> -> memref<51200x32xf32, #tpu.memory_space<vmem_shared>>
    tpu.enqueue_indirect_dma source(%arg16 : memref<200x32xf32, #tpu.memory_space<vmem>>) target(%dma_start3A_31 : memref<51200x32xf32, #tpu.memory_space<vmem_shared>>) offsets(%arg12 : memref<200xi32, #tpu.memory_space<vmem>>) semaphore(%arg29 : memref<!tpu.dma_semaphore, #tpu.memory_space<semaphore_mem>>) {add = true}
    %mul3A_32 = arith.constant 50000 : i32
    %mul3A_33 = arith.muli %arg1, %mul3A_32 : i32
    %add3A_34 = arith.constant 49800 : i32
    %add3A_35 = arith.addi %mul3A_33, %add3A_34 : i32
    "tpu.region"() ({
      %run_scoped3A = tpu.sem_alloc : memref<!tpu.dma_semaphore, #tpu.memory_space<semaphore_mem>>
      %dma_start3A_59 = tpu.memref_slice %arg2[%add3A_35] : memref<800000xi32, #tpu.memory_space<hbm>> -> memref<200xi32, #tpu.memory_space<hbm>>
      %dma_start3A_60 = tpu.memref_slice %arg2[%add3A_35] : memref<800000xi32, #tpu.memory_space<hbm>> -> memref<200xi32, #tpu.memory_space<hbm>>
      tpu.enqueue_dma source(%dma_start3A_60 : memref<200xi32, #tpu.memory_space<hbm>>) target(%arg9 : memref<200xi32, #tpu.memory_space<vmem>>) target_semaphore(%run_scoped3A : memref<!tpu.dma_semaphore, #tpu.memory_space<semaphore_mem>>)
      %dma_wait3A_61 = tpu.memref_slice %arg2[%add3A_35] : memref<800000xi32, #tpu.memory_space<hbm>> -> memref<200xi32, #tpu.memory_space<hbm>>
      %dma_wait3A_62 = tpu.memref_slice %arg2[%add3A_35] : memref<800000xi32, #tpu.memory_space<hbm>> -> memref<200xi32, #tpu.memory_space<hbm>>
      tpu.wait_dma2 semaphore(%run_scoped3A : memref<!tpu.dma_semaphore, #tpu.memory_space<semaphore_mem>>) src(%dma_wait3A_62 : memref<200xi32, #tpu.memory_space<hbm>>) dst(%arg9 : memref<200xi32, #tpu.memory_space<vmem>>)
      tpu.yield
    }) : () -> ()
    "tpu.region"() ({
      %run_scoped3A = tpu.sem_alloc : memref<!tpu.dma_semaphore, #tpu.memory_space<semaphore_mem>>
      %dma_start3A_59 = tpu.memref_slice %arg3[%add3A_35] : memref<800000xi32, #tpu.memory_space<hbm>> -> memref<200xi32, #tpu.memory_space<hbm>>
      %dma_start3A_60 = tpu.memref_slice %arg3[%add3A_35] : memref<800000xi32, #tpu.memory_space<hbm>> -> memref<200xi32, #tpu.memory_space<hbm>>
      tpu.enqueue_dma source(%dma_start3A_60 : memref<200xi32, #tpu.memory_space<hbm>>) target(%arg13 : memref<200xi32, #tpu.memory_space<vmem>>) target_semaphore(%run_scoped3A : memref<!tpu.dma_semaphore, #tpu.memory_space<semaphore_mem>>)
      %dma_wait3A_61 = tpu.memref_slice %arg3[%add3A_35] : memref<800000xi32, #tpu.memory_space<hbm>> -> memref<200xi32, #tpu.memory_space<hbm>>
      %dma_wait3A_62 = tpu.memref_slice %arg3[%add3A_35] : memref<800000xi32, #tpu.memory_space<hbm>> -> memref<200xi32, #tpu.memory_space<hbm>>
      tpu.wait_dma2 semaphore(%run_scoped3A : memref<!tpu.dma_semaphore, #tpu.memory_space<semaphore_mem>>) src(%dma_wait3A_62 : memref<200xi32, #tpu.memory_space<hbm>>) dst(%arg13 : memref<200xi32, #tpu.memory_space<vmem>>)
      tpu.yield
    }) : () -> ()
    %eq3A_36 = arith.constant 0 : i32
    %eq3A_37 = arith.cmpi eq, %arg0, %eq3A_36 : i32
    %convert_element_type3A_38 = arith.extui %eq3A_37 : i1 to i32
    %cond3A_39 = arith.constant 0 : i32
    %cond3A_40 = arith.cmpi ne, %convert_element_type3A_38, %cond3A_39 : i32
    scf.if %cond3A_40 {
      %dma_start3A_59 = arith.constant 0 : i32
      %dma_start3A_60 = arith.constant 0 : i32
      %dma_start3A_61 = tpu.memref_slice %arg4[%dma_start3A_59, %dma_start3A_60] : memref<50000x32xf32, #tpu.memory_space<hbm>> -> memref<50000x32xf32, #tpu.memory_space<hbm>>
      tpu.enqueue_indirect_dma source(%dma_start3A_61 : memref<50000x32xf32, #tpu.memory_space<hbm>>) target(%arg17 : memref<200x32xf32, #tpu.memory_space<vmem>>) offsets(%arg9 : memref<200xi32, #tpu.memory_space<vmem>>) semaphore(%arg26 : memref<!tpu.dma_semaphore, #tpu.memory_space<semaphore_mem>>)
    } else {
    }
    %eq3A_41 = arith.constant 1 : i32
    %eq3A_42 = arith.cmpi eq, %arg0, %eq3A_41 : i32
    %convert_element_type3A_43 = arith.extui %eq3A_42 : i1 to i32
    %cond3A_44 = arith.constant 0 : i32
    %cond3A_45 = arith.cmpi ne, %convert_element_type3A_43, %cond3A_44 : i32
    scf.if %cond3A_45 {
      %dma_start3A_59 = arith.constant 0 : i32
      %dma_start3A_60 = arith.constant 0 : i32
      %dma_start3A_61 = tpu.memref_slice %arg5[%dma_start3A_59, %dma_start3A_60] : memref<50000x32xf32, #tpu.memory_space<hbm>> -> memref<50000x32xf32, #tpu.memory_space<hbm>>
      tpu.enqueue_indirect_dma source(%dma_start3A_61 : memref<50000x32xf32, #tpu.memory_space<hbm>>) target(%arg17 : memref<200x32xf32, #tpu.memory_space<vmem>>) offsets(%arg9 : memref<200xi32, #tpu.memory_space<vmem>>) semaphore(%arg26 : memref<!tpu.dma_semaphore, #tpu.memory_space<semaphore_mem>>)
    } else {
    }
    %dma_wait3A_46 = arith.constant 0 : i32
    %dma_wait3A_47 = arith.constant 0 : i32
    %dma_wait3A_48 = tpu.memref_slice %arg4[%dma_wait3A_46, %dma_wait3A_47] : memref<50000x32xf32, #tpu.memory_space<hbm>> -> memref<50000x32xf32, #tpu.memory_space<hbm>>
    tpu.wait_indirect_dma semaphore(%arg26 : memref<!tpu.dma_semaphore, #tpu.memory_space<semaphore_mem>>) src(%dma_wait3A_48 : memref<50000x32xf32, #tpu.memory_space<hbm>>) dst(%arg17 : memref<200x32xf32, #tpu.memory_space<vmem>>)
    %dma_start3A_49 = arith.constant 0 : i32
    %dma_start3A_50 = arith.constant 0 : i32
    %dma_start3A_51 = tpu.memref_slice %arg20[%dma_start3A_49, %dma_start3A_50] : memref<51200x32xf32, #tpu.memory_space<vmem_shared>> -> memref<51200x32xf32, #tpu.memory_space<vmem_shared>>
    tpu.enqueue_indirect_dma source(%arg17 : memref<200x32xf32, #tpu.memory_space<vmem>>) target(%dma_start3A_51 : memref<51200x32xf32, #tpu.memory_space<vmem_shared>>) offsets(%arg13 : memref<200xi32, #tpu.memory_space<vmem>>) semaphore(%arg30 : memref<!tpu.dma_semaphore, #tpu.memory_space<semaphore_mem>>) {add = true}
    %dma_wait3A_52 = arith.constant 0 : i32
    %dma_wait3A_53 = arith.constant 0 : i32
    %dma_wait3A_54 = tpu.memref_slice %arg20[%dma_wait3A_52, %dma_wait3A_53] : memref<51200x32xf32, #tpu.memory_space<vmem_shared>> -> memref<51200x32xf32, #tpu.memory_space<vmem_shared>>
    tpu.wait_indirect_dma semaphore(%arg29 : memref<!tpu.dma_semaphore, #tpu.memory_space<semaphore_mem>>) src(%arg16 : memref<200x32xf32, #tpu.memory_space<vmem>>) dst(%dma_wait3A_54 : memref<51200x32xf32, #tpu.memory_space<vmem_shared>>)
    %dma_wait3A_55 = arith.constant 0 : i32
    %dma_wait3A_56 = arith.constant 0 : i32
    %dma_wait3A_57 = tpu.memref_slice %arg20[%dma_wait3A_55, %dma_wait3A_56] : memref<51200x32xf32, #tpu.memory_space<vmem_shared>> -> memref<51200x32xf32, #tpu.memory_space<vmem_shared>>
    tpu.wait_indirect_dma semaphore(%arg30 : memref<!tpu.dma_semaphore, #tpu.memory_space<semaphore_mem>>) src(%arg17 : memref<200x32xf32, #tpu.memory_space<vmem>>) dst(%dma_wait3A_57 : memref<51200x32xf32, #tpu.memory_space<vmem_shared>>)
    %barrier3A_58 = arith.constant 0 : index
    tpu.barrier barrier_id(%barrier3A_58)
    "tpu.region"() ({
      %run_scoped3A = tpu.sem_alloc : memref<!tpu.dma_semaphore, #tpu.memory_space<semaphore_mem>>
      %dma_start3A_59 = arith.constant 0 : i32
      %dma_start3A_60 = tpu.memref_slice %arg7[%arg0, %mul3A_0, %dma_start3A_59] : memref<2x51200x32xf32, #tpu.memory_space<hbm>> -> memref<1x3200x32xf32, #tpu.memory_space<hbm>>
      %dma_start3A_61 = tpu.memref_squeeze %dma_start3A_60 : memref<1x3200x32xf32, #tpu.memory_space<hbm>> -> memref<3200x32xf32, #tpu.memory_space<hbm>>
      %dma_start3A_62 = arith.constant 0 : i32
      %dma_start3A_63 = tpu.memref_slice %arg20[%mul3A_0, %dma_start3A_62] : memref<51200x32xf32, #tpu.memory_space<vmem_shared>> -> memref<3200x32xf32, #tpu.memory_space<vmem_shared>>
      tpu.enqueue_dma source(%dma_start3A_63 : memref<3200x32xf32, #tpu.memory_space<vmem_shared>>) target(%dma_start3A_61 : memref<3200x32xf32, #tpu.memory_space<hbm>>) target_semaphore(%run_scoped3A : memref<!tpu.dma_semaphore, #tpu.memory_space<semaphore_mem>>)
      %dma_wait3A_64 = arith.constant 0 : i32
      %dma_wait3A_65 = tpu.memref_slice %arg7[%arg0, %mul3A_0, %dma_wait3A_64] : memref<2x51200x32xf32, #tpu.memory_space<hbm>> -> memref<1x3200x32xf32, #tpu.memory_space<hbm>>
      %dma_wait3A_66 = tpu.memref_squeeze %dma_wait3A_65 : memref<1x3200x32xf32, #tpu.memory_space<hbm>> -> memref<3200x32xf32, #tpu.memory_space<hbm>>
      %dma_wait3A_67 = arith.constant 0 : i32
      %dma_wait3A_68 = tpu.memref_slice %arg20[%mul3A_0, %dma_wait3A_67] : memref<51200x32xf32, #tpu.memory_space<vmem_shared>> -> memref<3200x32xf32, #tpu.memory_space<vmem_shared>>
      tpu.wait_dma2 semaphore(%run_scoped3A : memref<!tpu.dma_semaphore, #tpu.memory_space<semaphore_mem>>) src(%dma_wait3A_68 : memref<3200x32xf32, #tpu.memory_space<vmem_shared>>) dst(%dma_wait3A_66 : memref<3200x32xf32, #tpu.memory_space<hbm>>)
      tpu.yield
    }) : () -> ()
    return
  }
}

#map = affine_map<(d0, d1) -> (0)>
#map1 = affine_map<(d0, d1) -> (0, 0)>
#map2 = affine_map<(d0, d1) -> (0, 0, 0)>
module attributes {stable_mosaic.version = 14 : i64} {
  func.func @agg(%arg0: i32, %arg1: i32, %arg2: memref<800000xi32, #tpu.memory_space<hbm>>, %arg3: memref<800000xi32, #tpu.memory_space<hbm>>, %arg4: memref<50000x16xf32, #tpu.memory_space<hbm>>, %arg5: memref<3200x16xf32, #tpu.memory_space<hbm>>, %arg6: memref<2x51200x16xf32, #tpu.memory_space<hbm>>, %arg7: memref<200xi32, #tpu.memory_space<vmem>>, %arg8: memref<200xi32, #tpu.memory_space<vmem>>, %arg9: memref<200xi32, #tpu.memory_space<vmem>>, %arg10: memref<200xi32, #tpu.memory_space<vmem>>, %arg11: memref<200xi32, #tpu.memory_space<vmem>>, %arg12: memref<200xi32, #tpu.memory_space<vmem>>, %arg13: memref<200xi32, #tpu.memory_space<vmem>>, %arg14: memref<200xi32, #tpu.memory_space<vmem>>, %arg15: memref<200xi32, #tpu.memory_space<vmem>>, %arg16: memref<200xi32, #tpu.memory_space<vmem>>, %arg17: memref<200x16xf32, #tpu.memory_space<vmem>>, %arg18: memref<200x16xf32, #tpu.memory_space<vmem>>, %arg19: memref<200x16xf32, #tpu.memory_space<vmem>>, %arg20: memref<200x16xf32, #tpu.memory_space<vmem>>, %arg21: memref<200x16xf32, #tpu.memory_space<vmem>>, %arg22: memref<51200x16xf32, #tpu.memory_space<vmem_shared>>, %arg23: memref<!tpu.dma_semaphore, #tpu.memory_space<semaphore_mem>>, %arg24: memref<!tpu.dma_semaphore, #tpu.memory_space<semaphore_mem>>, %arg25: memref<!tpu.dma_semaphore, #tpu.memory_space<semaphore_mem>>, %arg26: memref<!tpu.dma_semaphore, #tpu.memory_space<semaphore_mem>>, %arg27: memref<!tpu.dma_semaphore, #tpu.memory_space<semaphore_mem>>, %arg28: memref<!tpu.dma_semaphore, #tpu.memory_space<semaphore_mem>>, %arg29: memref<!tpu.dma_semaphore, #tpu.memory_space<semaphore_mem>>, %arg30: memref<!tpu.dma_semaphore, #tpu.memory_space<semaphore_mem>>, %arg31: memref<!tpu.dma_semaphore, #tpu.memory_space<semaphore_mem>>, %arg32: memref<!tpu.dma_semaphore, #tpu.memory_space<semaphore_mem>>, %arg33: memref<!tpu.dma_semaphore, #tpu.memory_space<semaphore_mem>>, %arg34: memref<!tpu.dma_semaphore, #tpu.memory_space<semaphore_mem>>, %arg35: memref<!tpu.dma_semaphore, #tpu.memory_space<semaphore_mem>>, %arg36: memref<!tpu.dma_semaphore, #tpu.memory_space<semaphore_mem>>, %arg37: memref<!tpu.dma_semaphore, #tpu.memory_space<semaphore_mem>>) attributes {dimension_semantics = [#tpu.dimension_semantics<core_parallel>, #tpu.dimension_semantics<subcore_parallel>], iteration_bounds = array<i64: 2, 16>, scalar_prefetch = 0 : i64, scratch_operands = 31 : i64, tpu.core_type = #tpu.core_type<sc_vector_subcore>, window_params = [{transform_indices = #map}, {transform_indices = #map}, {transform_indices = #map1}, {transform_indices = #map1}, {transform_indices = #map2}]} {
    %mul3A = arith.constant 3200 : i32
    %mul3A_0 = arith.muli %arg1, %mul3A : i32
    "tpu.region"() ({
      %run_scoped3A = tpu.sem_alloc : memref<!tpu.dma_semaphore, #tpu.memory_space<semaphore_mem>>
      %dma_start3A = arith.constant 0 : i32
      %dma_start3A_21 = tpu.memref_slice %arg22[%mul3A_0, %dma_start3A] : memref<51200x16xf32, #tpu.memory_space<vmem_shared>> -> memref<3200x16xf32, #tpu.memory_space<vmem_shared>>
      tpu.enqueue_dma source(%arg5 : memref<3200x16xf32, #tpu.memory_space<hbm>>) target(%dma_start3A_21 : memref<3200x16xf32, #tpu.memory_space<vmem_shared>>) target_semaphore(%run_scoped3A : memref<!tpu.dma_semaphore, #tpu.memory_space<semaphore_mem>>)
      %dma_wait3A_22 = arith.constant 0 : i32
      %dma_wait3A_23 = tpu.memref_slice %arg22[%mul3A_0, %dma_wait3A_22] : memref<51200x16xf32, #tpu.memory_space<vmem_shared>> -> memref<3200x16xf32, #tpu.memory_space<vmem_shared>>
      tpu.wait_dma2 semaphore(%run_scoped3A : memref<!tpu.dma_semaphore, #tpu.memory_space<semaphore_mem>>) src(%arg5 : memref<3200x16xf32, #tpu.memory_space<hbm>>) dst(%dma_wait3A_23 : memref<3200x16xf32, #tpu.memory_space<vmem_shared>>)
      tpu.yield
    }) : () -> ()
    %barrier3A = arith.constant 0 : index
    tpu.barrier barrier_id(%barrier3A)
    %scan3A = arith.constant 0 : i32
    %scan3A_1 = arith.constant 0 : i32
    %scan3A_2 = arith.constant 25 : i32
    %scan3A_3 = arith.addi %scan3A_1, %scan3A_2 : i32
    %scan3A_4 = arith.constant 1 : i32
    scf.for %scan3A_21 = %scan3A_1 to %scan3A_3 step %scan3A_4  : i32 {
      %mul3A_22 = arith.constant 16 : i32
      %mul3A_23 = arith.muli %arg0, %mul3A_22 : i32
      %add3A = arith.addi %mul3A_23, %arg1 : i32
      %mul3A_24 = arith.constant 25000 : i32
      %mul3A_25 = arith.muli %add3A, %mul3A_24 : i32
      %mul3A_26 = arith.constant 5 : i32
      %mul3A_27 = arith.muli %scan3A_21, %mul3A_26 : i32
      %add3A_28 = arith.constant 0 : i32
      %add3A_29 = arith.addi %mul3A_27, %add3A_28 : i32
      %mul3A_30 = arith.constant 200 : i32
      %mul3A_31 = arith.muli %add3A_29, %mul3A_30 : i32
      %add3A_32 = arith.addi %mul3A_25, %mul3A_31 : i32
      %gt3A = arith.constant 0 : i32
      %gt3A_33 = arith.cmpi sgt, %scan3A_21, %gt3A : i32
      %convert_element_type3A = arith.extui %gt3A_33 : i1 to i32
      %cond3A = arith.constant 0 : i32
      %cond3A_34 = arith.cmpi ne, %convert_element_type3A, %cond3A : i32
      scf.if %cond3A_34 {
        %dma_wait3A_247 = arith.constant 0 : i32
        %dma_wait3A_248 = arith.constant 0 : i32
        %dma_wait3A_249 = tpu.memref_slice %arg22[%dma_wait3A_247, %dma_wait3A_248] : memref<51200x16xf32, #tpu.memory_space<vmem_shared>> -> memref<51200x16xf32, #tpu.memory_space<vmem_shared>>
        tpu.wait_indirect_dma semaphore(%arg33 : memref<!tpu.dma_semaphore, #tpu.memory_space<semaphore_mem>>) src(%arg17 : memref<200x16xf32, #tpu.memory_space<vmem>>) dst(%dma_wait3A_249 : memref<51200x16xf32, #tpu.memory_space<vmem_shared>>)
      } else {
      }
      %dma_start3A = tpu.memref_slice %arg2[%add3A_32] : memref<800000xi32, #tpu.memory_space<hbm>> -> memref<200xi32, #tpu.memory_space<hbm>>
      %dma_start3A_35 = tpu.memref_slice %arg2[%add3A_32] : memref<800000xi32, #tpu.memory_space<hbm>> -> memref<200xi32, #tpu.memory_space<hbm>>
      tpu.enqueue_dma source(%dma_start3A_35 : memref<200xi32, #tpu.memory_space<hbm>>) target(%arg7 : memref<200xi32, #tpu.memory_space<vmem>>) target_semaphore(%arg23 : memref<!tpu.dma_semaphore, #tpu.memory_space<semaphore_mem>>)
      %dma_start3A_36 = tpu.memref_slice %arg3[%add3A_32] : memref<800000xi32, #tpu.memory_space<hbm>> -> memref<200xi32, #tpu.memory_space<hbm>>
      %dma_start3A_37 = tpu.memref_slice %arg3[%add3A_32] : memref<800000xi32, #tpu.memory_space<hbm>> -> memref<200xi32, #tpu.memory_space<hbm>>
      tpu.enqueue_dma source(%dma_start3A_37 : memref<200xi32, #tpu.memory_space<hbm>>) target(%arg12 : memref<200xi32, #tpu.memory_space<vmem>>) target_semaphore(%arg23 : memref<!tpu.dma_semaphore, #tpu.memory_space<semaphore_mem>>)
      %mul3A_38 = arith.constant 16 : i32
      %mul3A_39 = arith.muli %arg0, %mul3A_38 : i32
      %add3A_40 = arith.addi %mul3A_39, %arg1 : i32
      %mul3A_41 = arith.constant 25000 : i32
      %mul3A_42 = arith.muli %add3A_40, %mul3A_41 : i32
      %mul3A_43 = arith.constant 5 : i32
      %mul3A_44 = arith.muli %scan3A_21, %mul3A_43 : i32
      %add3A_45 = arith.constant 1 : i32
      %add3A_46 = arith.addi %mul3A_44, %add3A_45 : i32
      %mul3A_47 = arith.constant 200 : i32
      %mul3A_48 = arith.muli %add3A_46, %mul3A_47 : i32
      %add3A_49 = arith.addi %mul3A_42, %mul3A_48 : i32
      %gt3A_50 = arith.constant 0 : i32
      %gt3A_51 = arith.cmpi sgt, %scan3A_21, %gt3A_50 : i32
      %convert_element_type3A_52 = arith.extui %gt3A_51 : i1 to i32
      %cond3A_53 = arith.constant 0 : i32
      %cond3A_54 = arith.cmpi ne, %convert_element_type3A_52, %cond3A_53 : i32
      scf.if %cond3A_54 {
        %dma_wait3A_247 = arith.constant 0 : i32
        %dma_wait3A_248 = arith.constant 0 : i32
        %dma_wait3A_249 = tpu.memref_slice %arg22[%dma_wait3A_247, %dma_wait3A_248] : memref<51200x16xf32, #tpu.memory_space<vmem_shared>> -> memref<51200x16xf32, #tpu.memory_space<vmem_shared>>
        tpu.wait_indirect_dma semaphore(%arg34 : memref<!tpu.dma_semaphore, #tpu.memory_space<semaphore_mem>>) src(%arg18 : memref<200x16xf32, #tpu.memory_space<vmem>>) dst(%dma_wait3A_249 : memref<51200x16xf32, #tpu.memory_space<vmem_shared>>)
      } else {
      }
      %dma_start3A_55 = tpu.memref_slice %arg2[%add3A_49] : memref<800000xi32, #tpu.memory_space<hbm>> -> memref<200xi32, #tpu.memory_space<hbm>>
      %dma_start3A_56 = tpu.memref_slice %arg2[%add3A_49] : memref<800000xi32, #tpu.memory_space<hbm>> -> memref<200xi32, #tpu.memory_space<hbm>>
      tpu.enqueue_dma source(%dma_start3A_56 : memref<200xi32, #tpu.memory_space<hbm>>) target(%arg8 : memref<200xi32, #tpu.memory_space<vmem>>) target_semaphore(%arg24 : memref<!tpu.dma_semaphore, #tpu.memory_space<semaphore_mem>>)
      %dma_start3A_57 = tpu.memref_slice %arg3[%add3A_49] : memref<800000xi32, #tpu.memory_space<hbm>> -> memref<200xi32, #tpu.memory_space<hbm>>
      %dma_start3A_58 = tpu.memref_slice %arg3[%add3A_49] : memref<800000xi32, #tpu.memory_space<hbm>> -> memref<200xi32, #tpu.memory_space<hbm>>
      tpu.enqueue_dma source(%dma_start3A_58 : memref<200xi32, #tpu.memory_space<hbm>>) target(%arg13 : memref<200xi32, #tpu.memory_space<vmem>>) target_semaphore(%arg24 : memref<!tpu.dma_semaphore, #tpu.memory_space<semaphore_mem>>)
      %mul3A_59 = arith.constant 16 : i32
      %mul3A_60 = arith.muli %arg0, %mul3A_59 : i32
      %add3A_61 = arith.addi %mul3A_60, %arg1 : i32
      %mul3A_62 = arith.constant 25000 : i32
      %mul3A_63 = arith.muli %add3A_61, %mul3A_62 : i32
      %mul3A_64 = arith.constant 5 : i32
      %mul3A_65 = arith.muli %scan3A_21, %mul3A_64 : i32
      %add3A_66 = arith.constant 2 : i32
      %add3A_67 = arith.addi %mul3A_65, %add3A_66 : i32
      %mul3A_68 = arith.constant 200 : i32
      %mul3A_69 = arith.muli %add3A_67, %mul3A_68 : i32
      %add3A_70 = arith.addi %mul3A_63, %mul3A_69 : i32
      %gt3A_71 = arith.constant 0 : i32
      %gt3A_72 = arith.cmpi sgt, %scan3A_21, %gt3A_71 : i32
      %convert_element_type3A_73 = arith.extui %gt3A_72 : i1 to i32
      %cond3A_74 = arith.constant 0 : i32
      %cond3A_75 = arith.cmpi ne, %convert_element_type3A_73, %cond3A_74 : i32
      scf.if %cond3A_75 {
        %dma_wait3A_247 = arith.constant 0 : i32
        %dma_wait3A_248 = arith.constant 0 : i32
        %dma_wait3A_249 = tpu.memref_slice %arg22[%dma_wait3A_247, %dma_wait3A_248] : memref<51200x16xf32, #tpu.memory_space<vmem_shared>> -> memref<51200x16xf32, #tpu.memory_space<vmem_shared>>
        tpu.wait_indirect_dma semaphore(%arg35 : memref<!tpu.dma_semaphore, #tpu.memory_space<semaphore_mem>>) src(%arg19 : memref<200x16xf32, #tpu.memory_space<vmem>>) dst(%dma_wait3A_249 : memref<51200x16xf32, #tpu.memory_space<vmem_shared>>)
      } else {
      }
      %dma_start3A_76 = tpu.memref_slice %arg2[%add3A_70] : memref<800000xi32, #tpu.memory_space<hbm>> -> memref<200xi32, #tpu.memory_space<hbm>>
      %dma_start3A_77 = tpu.memref_slice %arg2[%add3A_70] : memref<800000xi32, #tpu.memory_space<hbm>> -> memref<200xi32, #tpu.memory_space<hbm>>
      tpu.enqueue_dma source(%dma_start3A_77 : memref<200xi32, #tpu.memory_space<hbm>>) target(%arg9 : memref<200xi32, #tpu.memory_space<vmem>>) target_semaphore(%arg25 : memref<!tpu.dma_semaphore, #tpu.memory_space<semaphore_mem>>)
      %dma_start3A_78 = tpu.memref_slice %arg3[%add3A_70] : memref<800000xi32, #tpu.memory_space<hbm>> -> memref<200xi32, #tpu.memory_space<hbm>>
      %dma_start3A_79 = tpu.memref_slice %arg3[%add3A_70] : memref<800000xi32, #tpu.memory_space<hbm>> -> memref<200xi32, #tpu.memory_space<hbm>>
      tpu.enqueue_dma source(%dma_start3A_79 : memref<200xi32, #tpu.memory_space<hbm>>) target(%arg14 : memref<200xi32, #tpu.memory_space<vmem>>) target_semaphore(%arg25 : memref<!tpu.dma_semaphore, #tpu.memory_space<semaphore_mem>>)
      %mul3A_80 = arith.constant 16 : i32
      %mul3A_81 = arith.muli %arg0, %mul3A_80 : i32
      %add3A_82 = arith.addi %mul3A_81, %arg1 : i32
      %mul3A_83 = arith.constant 25000 : i32
      %mul3A_84 = arith.muli %add3A_82, %mul3A_83 : i32
      %mul3A_85 = arith.constant 5 : i32
      %mul3A_86 = arith.muli %scan3A_21, %mul3A_85 : i32
      %add3A_87 = arith.constant 3 : i32
      %add3A_88 = arith.addi %mul3A_86, %add3A_87 : i32
      %mul3A_89 = arith.constant 200 : i32
      %mul3A_90 = arith.muli %add3A_88, %mul3A_89 : i32
      %add3A_91 = arith.addi %mul3A_84, %mul3A_90 : i32
      %gt3A_92 = arith.constant 0 : i32
      %gt3A_93 = arith.cmpi sgt, %scan3A_21, %gt3A_92 : i32
      %convert_element_type3A_94 = arith.extui %gt3A_93 : i1 to i32
      %cond3A_95 = arith.constant 0 : i32
      %cond3A_96 = arith.cmpi ne, %convert_element_type3A_94, %cond3A_95 : i32
      scf.if %cond3A_96 {
        %dma_wait3A_247 = arith.constant 0 : i32
        %dma_wait3A_248 = arith.constant 0 : i32
        %dma_wait3A_249 = tpu.memref_slice %arg22[%dma_wait3A_247, %dma_wait3A_248] : memref<51200x16xf32, #tpu.memory_space<vmem_shared>> -> memref<51200x16xf32, #tpu.memory_space<vmem_shared>>
        tpu.wait_indirect_dma semaphore(%arg36 : memref<!tpu.dma_semaphore, #tpu.memory_space<semaphore_mem>>) src(%arg20 : memref<200x16xf32, #tpu.memory_space<vmem>>) dst(%dma_wait3A_249 : memref<51200x16xf32, #tpu.memory_space<vmem_shared>>)
      } else {
      }
      %dma_start3A_97 = tpu.memref_slice %arg2[%add3A_91] : memref<800000xi32, #tpu.memory_space<hbm>> -> memref<200xi32, #tpu.memory_space<hbm>>
      %dma_start3A_98 = tpu.memref_slice %arg2[%add3A_91] : memref<800000xi32, #tpu.memory_space<hbm>> -> memref<200xi32, #tpu.memory_space<hbm>>
      tpu.enqueue_dma source(%dma_start3A_98 : memref<200xi32, #tpu.memory_space<hbm>>) target(%arg10 : memref<200xi32, #tpu.memory_space<vmem>>) target_semaphore(%arg26 : memref<!tpu.dma_semaphore, #tpu.memory_space<semaphore_mem>>)
      %dma_start3A_99 = tpu.memref_slice %arg3[%add3A_91] : memref<800000xi32, #tpu.memory_space<hbm>> -> memref<200xi32, #tpu.memory_space<hbm>>
      %dma_start3A_100 = tpu.memref_slice %arg3[%add3A_91] : memref<800000xi32, #tpu.memory_space<hbm>> -> memref<200xi32, #tpu.memory_space<hbm>>
      tpu.enqueue_dma source(%dma_start3A_100 : memref<200xi32, #tpu.memory_space<hbm>>) target(%arg15 : memref<200xi32, #tpu.memory_space<vmem>>) target_semaphore(%arg26 : memref<!tpu.dma_semaphore, #tpu.memory_space<semaphore_mem>>)
      %mul3A_101 = arith.constant 16 : i32
      %mul3A_102 = arith.muli %arg0, %mul3A_101 : i32
      %add3A_103 = arith.addi %mul3A_102, %arg1 : i32
      %mul3A_104 = arith.constant 25000 : i32
      %mul3A_105 = arith.muli %add3A_103, %mul3A_104 : i32
      %mul3A_106 = arith.constant 5 : i32
      %mul3A_107 = arith.muli %scan3A_21, %mul3A_106 : i32
      %add3A_108 = arith.constant 4 : i32
      %add3A_109 = arith.addi %mul3A_107, %add3A_108 : i32
      %mul3A_110 = arith.constant 200 : i32
      %mul3A_111 = arith.muli %add3A_109, %mul3A_110 : i32
      %add3A_112 = arith.addi %mul3A_105, %mul3A_111 : i32
      %gt3A_113 = arith.constant 0 : i32
      %gt3A_114 = arith.cmpi sgt, %scan3A_21, %gt3A_113 : i32
      %convert_element_type3A_115 = arith.extui %gt3A_114 : i1 to i32
      %cond3A_116 = arith.constant 0 : i32
      %cond3A_117 = arith.cmpi ne, %convert_element_type3A_115, %cond3A_116 : i32
      scf.if %cond3A_117 {
        %dma_wait3A_247 = arith.constant 0 : i32
        %dma_wait3A_248 = arith.constant 0 : i32
        %dma_wait3A_249 = tpu.memref_slice %arg22[%dma_wait3A_247, %dma_wait3A_248] : memref<51200x16xf32, #tpu.memory_space<vmem_shared>> -> memref<51200x16xf32, #tpu.memory_space<vmem_shared>>
        tpu.wait_indirect_dma semaphore(%arg37 : memref<!tpu.dma_semaphore, #tpu.memory_space<semaphore_mem>>) src(%arg21 : memref<200x16xf32, #tpu.memory_space<vmem>>) dst(%dma_wait3A_249 : memref<51200x16xf32, #tpu.memory_space<vmem_shared>>)
      } else {
      }
      %dma_start3A_118 = tpu.memref_slice %arg2[%add3A_112] : memref<800000xi32, #tpu.memory_space<hbm>> -> memref<200xi32, #tpu.memory_space<hbm>>
      %dma_start3A_119 = tpu.memref_slice %arg2[%add3A_112] : memref<800000xi32, #tpu.memory_space<hbm>> -> memref<200xi32, #tpu.memory_space<hbm>>
      tpu.enqueue_dma source(%dma_start3A_119 : memref<200xi32, #tpu.memory_space<hbm>>) target(%arg11 : memref<200xi32, #tpu.memory_space<vmem>>) target_semaphore(%arg27 : memref<!tpu.dma_semaphore, #tpu.memory_space<semaphore_mem>>)
      %dma_start3A_120 = tpu.memref_slice %arg3[%add3A_112] : memref<800000xi32, #tpu.memory_space<hbm>> -> memref<200xi32, #tpu.memory_space<hbm>>
      %dma_start3A_121 = tpu.memref_slice %arg3[%add3A_112] : memref<800000xi32, #tpu.memory_space<hbm>> -> memref<200xi32, #tpu.memory_space<hbm>>
      tpu.enqueue_dma source(%dma_start3A_121 : memref<200xi32, #tpu.memory_space<hbm>>) target(%arg16 : memref<200xi32, #tpu.memory_space<vmem>>) target_semaphore(%arg27 : memref<!tpu.dma_semaphore, #tpu.memory_space<semaphore_mem>>)
      %mul3A_122 = arith.constant 16 : i32
      %mul3A_123 = arith.muli %arg0, %mul3A_122 : i32
      %add3A_124 = arith.addi %mul3A_123, %arg1 : i32
      %mul3A_125 = arith.constant 25000 : i32
      %mul3A_126 = arith.muli %add3A_124, %mul3A_125 : i32
      %mul3A_127 = arith.constant 5 : i32
      %mul3A_128 = arith.muli %scan3A_21, %mul3A_127 : i32
      %add3A_129 = arith.constant 0 : i32
      %add3A_130 = arith.addi %mul3A_128, %add3A_129 : i32
      %mul3A_131 = arith.constant 200 : i32
      %mul3A_132 = arith.muli %add3A_130, %mul3A_131 : i32
      %add3A_133 = arith.addi %mul3A_126, %mul3A_132 : i32
      %dma_wait3A_134 = tpu.memref_slice %arg2[%add3A_133] : memref<800000xi32, #tpu.memory_space<hbm>> -> memref<200xi32, #tpu.memory_space<hbm>>
      %dma_wait3A_135 = tpu.memref_slice %arg2[%add3A_133] : memref<800000xi32, #tpu.memory_space<hbm>> -> memref<200xi32, #tpu.memory_space<hbm>>
      tpu.wait_dma2 semaphore(%arg23 : memref<!tpu.dma_semaphore, #tpu.memory_space<semaphore_mem>>) src(%dma_wait3A_135 : memref<200xi32, #tpu.memory_space<hbm>>) dst(%arg7 : memref<200xi32, #tpu.memory_space<vmem>>)
      %dma_wait3A_136 = tpu.memref_slice %arg3[%add3A_133] : memref<800000xi32, #tpu.memory_space<hbm>> -> memref<200xi32, #tpu.memory_space<hbm>>
      %dma_wait3A_137 = tpu.memref_slice %arg3[%add3A_133] : memref<800000xi32, #tpu.memory_space<hbm>> -> memref<200xi32, #tpu.memory_space<hbm>>
      tpu.wait_dma2 semaphore(%arg23 : memref<!tpu.dma_semaphore, #tpu.memory_space<semaphore_mem>>) src(%dma_wait3A_137 : memref<200xi32, #tpu.memory_space<hbm>>) dst(%arg12 : memref<200xi32, #tpu.memory_space<vmem>>)
      %dma_start3A_138 = arith.constant 0 : i32
      %dma_start3A_139 = arith.constant 0 : i32
      %dma_start3A_140 = tpu.memref_slice %arg4[%dma_start3A_138, %dma_start3A_139] : memref<50000x16xf32, #tpu.memory_space<hbm>> -> memref<50000x16xf32, #tpu.memory_space<hbm>>
      tpu.enqueue_indirect_dma source(%dma_start3A_140 : memref<50000x16xf32, #tpu.memory_space<hbm>>) target(%arg17 : memref<200x16xf32, #tpu.memory_space<vmem>>) offsets(%arg7 : memref<200xi32, #tpu.memory_space<vmem>>) semaphore(%arg28 : memref<!tpu.dma_semaphore, #tpu.memory_space<semaphore_mem>>)
      %mul3A_141 = arith.constant 16 : i32
      %mul3A_142 = arith.muli %arg0, %mul3A_141 : i32
      %add3A_143 = arith.addi %mul3A_142, %arg1 : i32
      %mul3A_144 = arith.constant 25000 : i32
      %mul3A_145 = arith.muli %add3A_143, %mul3A_144 : i32
      %mul3A_146 = arith.constant 5 : i32
      %mul3A_147 = arith.muli %scan3A_21, %mul3A_146 : i32
      %add3A_148 = arith.constant 1 : i32
      %add3A_149 = arith.addi %mul3A_147, %add3A_148 : i32
      %mul3A_150 = arith.constant 200 : i32
      %mul3A_151 = arith.muli %add3A_149, %mul3A_150 : i32
      %add3A_152 = arith.addi %mul3A_145, %mul3A_151 : i32
      %dma_wait3A_153 = tpu.memref_slice %arg2[%add3A_152] : memref<800000xi32, #tpu.memory_space<hbm>> -> memref<200xi32, #tpu.memory_space<hbm>>
      %dma_wait3A_154 = tpu.memref_slice %arg2[%add3A_152] : memref<800000xi32, #tpu.memory_space<hbm>> -> memref<200xi32, #tpu.memory_space<hbm>>
      tpu.wait_dma2 semaphore(%arg24 : memref<!tpu.dma_semaphore, #tpu.memory_space<semaphore_mem>>) src(%dma_wait3A_154 : memref<200xi32, #tpu.memory_space<hbm>>) dst(%arg8 : memref<200xi32, #tpu.memory_space<vmem>>)
      %dma_wait3A_155 = tpu.memref_slice %arg3[%add3A_152] : memref<800000xi32, #tpu.memory_space<hbm>> -> memref<200xi32, #tpu.memory_space<hbm>>
      %dma_wait3A_156 = tpu.memref_slice %arg3[%add3A_152] : memref<800000xi32, #tpu.memory_space<hbm>> -> memref<200xi32, #tpu.memory_space<hbm>>
      tpu.wait_dma2 semaphore(%arg24 : memref<!tpu.dma_semaphore, #tpu.memory_space<semaphore_mem>>) src(%dma_wait3A_156 : memref<200xi32, #tpu.memory_space<hbm>>) dst(%arg13 : memref<200xi32, #tpu.memory_space<vmem>>)
      %dma_start3A_157 = arith.constant 0 : i32
      %dma_start3A_158 = arith.constant 0 : i32
      %dma_start3A_159 = tpu.memref_slice %arg4[%dma_start3A_157, %dma_start3A_158] : memref<50000x16xf32, #tpu.memory_space<hbm>> -> memref<50000x16xf32, #tpu.memory_space<hbm>>
      tpu.enqueue_indirect_dma source(%dma_start3A_159 : memref<50000x16xf32, #tpu.memory_space<hbm>>) target(%arg18 : memref<200x16xf32, #tpu.memory_space<vmem>>) offsets(%arg8 : memref<200xi32, #tpu.memory_space<vmem>>) semaphore(%arg29 : memref<!tpu.dma_semaphore, #tpu.memory_space<semaphore_mem>>)
      %mul3A_160 = arith.constant 16 : i32
      %mul3A_161 = arith.muli %arg0, %mul3A_160 : i32
      %add3A_162 = arith.addi %mul3A_161, %arg1 : i32
      %mul3A_163 = arith.constant 25000 : i32
      %mul3A_164 = arith.muli %add3A_162, %mul3A_163 : i32
      %mul3A_165 = arith.constant 5 : i32
      %mul3A_166 = arith.muli %scan3A_21, %mul3A_165 : i32
      %add3A_167 = arith.constant 2 : i32
      %add3A_168 = arith.addi %mul3A_166, %add3A_167 : i32
      %mul3A_169 = arith.constant 200 : i32
      %mul3A_170 = arith.muli %add3A_168, %mul3A_169 : i32
      %add3A_171 = arith.addi %mul3A_164, %mul3A_170 : i32
      %dma_wait3A_172 = tpu.memref_slice %arg2[%add3A_171] : memref<800000xi32, #tpu.memory_space<hbm>> -> memref<200xi32, #tpu.memory_space<hbm>>
      %dma_wait3A_173 = tpu.memref_slice %arg2[%add3A_171] : memref<800000xi32, #tpu.memory_space<hbm>> -> memref<200xi32, #tpu.memory_space<hbm>>
      tpu.wait_dma2 semaphore(%arg25 : memref<!tpu.dma_semaphore, #tpu.memory_space<semaphore_mem>>) src(%dma_wait3A_173 : memref<200xi32, #tpu.memory_space<hbm>>) dst(%arg9 : memref<200xi32, #tpu.memory_space<vmem>>)
      %dma_wait3A_174 = tpu.memref_slice %arg3[%add3A_171] : memref<800000xi32, #tpu.memory_space<hbm>> -> memref<200xi32, #tpu.memory_space<hbm>>
      %dma_wait3A_175 = tpu.memref_slice %arg3[%add3A_171] : memref<800000xi32, #tpu.memory_space<hbm>> -> memref<200xi32, #tpu.memory_space<hbm>>
      tpu.wait_dma2 semaphore(%arg25 : memref<!tpu.dma_semaphore, #tpu.memory_space<semaphore_mem>>) src(%dma_wait3A_175 : memref<200xi32, #tpu.memory_space<hbm>>) dst(%arg14 : memref<200xi32, #tpu.memory_space<vmem>>)
      %dma_start3A_176 = arith.constant 0 : i32
      %dma_start3A_177 = arith.constant 0 : i32
      %dma_start3A_178 = tpu.memref_slice %arg4[%dma_start3A_176, %dma_start3A_177] : memref<50000x16xf32, #tpu.memory_space<hbm>> -> memref<50000x16xf32, #tpu.memory_space<hbm>>
      tpu.enqueue_indirect_dma source(%dma_start3A_178 : memref<50000x16xf32, #tpu.memory_space<hbm>>) target(%arg19 : memref<200x16xf32, #tpu.memory_space<vmem>>) offsets(%arg9 : memref<200xi32, #tpu.memory_space<vmem>>) semaphore(%arg30 : memref<!tpu.dma_semaphore, #tpu.memory_space<semaphore_mem>>)
      %mul3A_179 = arith.constant 16 : i32
      %mul3A_180 = arith.muli %arg0, %mul3A_179 : i32
      %add3A_181 = arith.addi %mul3A_180, %arg1 : i32
      %mul3A_182 = arith.constant 25000 : i32
      %mul3A_183 = arith.muli %add3A_181, %mul3A_182 : i32
      %mul3A_184 = arith.constant 5 : i32
      %mul3A_185 = arith.muli %scan3A_21, %mul3A_184 : i32
      %add3A_186 = arith.constant 3 : i32
      %add3A_187 = arith.addi %mul3A_185, %add3A_186 : i32
      %mul3A_188 = arith.constant 200 : i32
      %mul3A_189 = arith.muli %add3A_187, %mul3A_188 : i32
      %add3A_190 = arith.addi %mul3A_183, %mul3A_189 : i32
      %dma_wait3A_191 = tpu.memref_slice %arg2[%add3A_190] : memref<800000xi32, #tpu.memory_space<hbm>> -> memref<200xi32, #tpu.memory_space<hbm>>
      %dma_wait3A_192 = tpu.memref_slice %arg2[%add3A_190] : memref<800000xi32, #tpu.memory_space<hbm>> -> memref<200xi32, #tpu.memory_space<hbm>>
      tpu.wait_dma2 semaphore(%arg26 : memref<!tpu.dma_semaphore, #tpu.memory_space<semaphore_mem>>) src(%dma_wait3A_192 : memref<200xi32, #tpu.memory_space<hbm>>) dst(%arg10 : memref<200xi32, #tpu.memory_space<vmem>>)
      %dma_wait3A_193 = tpu.memref_slice %arg3[%add3A_190] : memref<800000xi32, #tpu.memory_space<hbm>> -> memref<200xi32, #tpu.memory_space<hbm>>
      %dma_wait3A_194 = tpu.memref_slice %arg3[%add3A_190] : memref<800000xi32, #tpu.memory_space<hbm>> -> memref<200xi32, #tpu.memory_space<hbm>>
      tpu.wait_dma2 semaphore(%arg26 : memref<!tpu.dma_semaphore, #tpu.memory_space<semaphore_mem>>) src(%dma_wait3A_194 : memref<200xi32, #tpu.memory_space<hbm>>) dst(%arg15 : memref<200xi32, #tpu.memory_space<vmem>>)
      %dma_start3A_195 = arith.constant 0 : i32
      %dma_start3A_196 = arith.constant 0 : i32
      %dma_start3A_197 = tpu.memref_slice %arg4[%dma_start3A_195, %dma_start3A_196] : memref<50000x16xf32, #tpu.memory_space<hbm>> -> memref<50000x16xf32, #tpu.memory_space<hbm>>
      tpu.enqueue_indirect_dma source(%dma_start3A_197 : memref<50000x16xf32, #tpu.memory_space<hbm>>) target(%arg20 : memref<200x16xf32, #tpu.memory_space<vmem>>) offsets(%arg10 : memref<200xi32, #tpu.memory_space<vmem>>) semaphore(%arg31 : memref<!tpu.dma_semaphore, #tpu.memory_space<semaphore_mem>>)
      %mul3A_198 = arith.constant 16 : i32
      %mul3A_199 = arith.muli %arg0, %mul3A_198 : i32
      %add3A_200 = arith.addi %mul3A_199, %arg1 : i32
      %mul3A_201 = arith.constant 25000 : i32
      %mul3A_202 = arith.muli %add3A_200, %mul3A_201 : i32
      %mul3A_203 = arith.constant 5 : i32
      %mul3A_204 = arith.muli %scan3A_21, %mul3A_203 : i32
      %add3A_205 = arith.constant 4 : i32
      %add3A_206 = arith.addi %mul3A_204, %add3A_205 : i32
      %mul3A_207 = arith.constant 200 : i32
      %mul3A_208 = arith.muli %add3A_206, %mul3A_207 : i32
      %add3A_209 = arith.addi %mul3A_202, %mul3A_208 : i32
      %dma_wait3A_210 = tpu.memref_slice %arg2[%add3A_209] : memref<800000xi32, #tpu.memory_space<hbm>> -> memref<200xi32, #tpu.memory_space<hbm>>
      %dma_wait3A_211 = tpu.memref_slice %arg2[%add3A_209] : memref<800000xi32, #tpu.memory_space<hbm>> -> memref<200xi32, #tpu.memory_space<hbm>>
      tpu.wait_dma2 semaphore(%arg27 : memref<!tpu.dma_semaphore, #tpu.memory_space<semaphore_mem>>) src(%dma_wait3A_211 : memref<200xi32, #tpu.memory_space<hbm>>) dst(%arg11 : memref<200xi32, #tpu.memory_space<vmem>>)
      %dma_wait3A_212 = tpu.memref_slice %arg3[%add3A_209] : memref<800000xi32, #tpu.memory_space<hbm>> -> memref<200xi32, #tpu.memory_space<hbm>>
      %dma_wait3A_213 = tpu.memref_slice %arg3[%add3A_209] : memref<800000xi32, #tpu.memory_space<hbm>> -> memref<200xi32, #tpu.memory_space<hbm>>
      tpu.wait_dma2 semaphore(%arg27 : memref<!tpu.dma_semaphore, #tpu.memory_space<semaphore_mem>>) src(%dma_wait3A_213 : memref<200xi32, #tpu.memory_space<hbm>>) dst(%arg16 : memref<200xi32, #tpu.memory_space<vmem>>)
      %dma_start3A_214 = arith.constant 0 : i32
      %dma_start3A_215 = arith.constant 0 : i32
      %dma_start3A_216 = tpu.memref_slice %arg4[%dma_start3A_214, %dma_start3A_215] : memref<50000x16xf32, #tpu.memory_space<hbm>> -> memref<50000x16xf32, #tpu.memory_space<hbm>>
      tpu.enqueue_indirect_dma source(%dma_start3A_216 : memref<50000x16xf32, #tpu.memory_space<hbm>>) target(%arg21 : memref<200x16xf32, #tpu.memory_space<vmem>>) offsets(%arg11 : memref<200xi32, #tpu.memory_space<vmem>>) semaphore(%arg32 : memref<!tpu.dma_semaphore, #tpu.memory_space<semaphore_mem>>)
      %dma_wait3A_217 = arith.constant 0 : i32
      %dma_wait3A_218 = arith.constant 0 : i32
      %dma_wait3A_219 = tpu.memref_slice %arg4[%dma_wait3A_217, %dma_wait3A_218] : memref<50000x16xf32, #tpu.memory_space<hbm>> -> memref<50000x16xf32, #tpu.memory_space<hbm>>
      tpu.wait_indirect_dma semaphore(%arg28 : memref<!tpu.dma_semaphore, #tpu.memory_space<semaphore_mem>>) src(%dma_wait3A_219 : memref<50000x16xf32, #tpu.memory_space<hbm>>) dst(%arg17 : memref<200x16xf32, #tpu.memory_space<vmem>>)
      %dma_start3A_220 = arith.constant 0 : i32
      %dma_start3A_221 = arith.constant 0 : i32
      %dma_start3A_222 = tpu.memref_slice %arg22[%dma_start3A_220, %dma_start3A_221] : memref<51200x16xf32, #tpu.memory_space<vmem_shared>> -> memref<51200x16xf32, #tpu.memory_space<vmem_shared>>
      tpu.enqueue_indirect_dma source(%arg17 : memref<200x16xf32, #tpu.memory_space<vmem>>) target(%dma_start3A_222 : memref<51200x16xf32, #tpu.memory_space<vmem_shared>>) offsets(%arg12 : memref<200xi32, #tpu.memory_space<vmem>>) semaphore(%arg33 : memref<!tpu.dma_semaphore, #tpu.memory_space<semaphore_mem>>) {add = true}
      %dma_wait3A_223 = arith.constant 0 : i32
      %dma_wait3A_224 = arith.constant 0 : i32
      %dma_wait3A_225 = tpu.memref_slice %arg4[%dma_wait3A_223, %dma_wait3A_224] : memref<50000x16xf32, #tpu.memory_space<hbm>> -> memref<50000x16xf32, #tpu.memory_space<hbm>>
      tpu.wait_indirect_dma semaphore(%arg29 : memref<!tpu.dma_semaphore, #tpu.memory_space<semaphore_mem>>) src(%dma_wait3A_225 : memref<50000x16xf32, #tpu.memory_space<hbm>>) dst(%arg18 : memref<200x16xf32, #tpu.memory_space<vmem>>)
      %dma_start3A_226 = arith.constant 0 : i32
      %dma_start3A_227 = arith.constant 0 : i32
      %dma_start3A_228 = tpu.memref_slice %arg22[%dma_start3A_226, %dma_start3A_227] : memref<51200x16xf32, #tpu.memory_space<vmem_shared>> -> memref<51200x16xf32, #tpu.memory_space<vmem_shared>>
      tpu.enqueue_indirect_dma source(%arg18 : memref<200x16xf32, #tpu.memory_space<vmem>>) target(%dma_start3A_228 : memref<51200x16xf32, #tpu.memory_space<vmem_shared>>) offsets(%arg13 : memref<200xi32, #tpu.memory_space<vmem>>) semaphore(%arg34 : memref<!tpu.dma_semaphore, #tpu.memory_space<semaphore_mem>>) {add = true}
      %dma_wait3A_229 = arith.constant 0 : i32
      %dma_wait3A_230 = arith.constant 0 : i32
      %dma_wait3A_231 = tpu.memref_slice %arg4[%dma_wait3A_229, %dma_wait3A_230] : memref<50000x16xf32, #tpu.memory_space<hbm>> -> memref<50000x16xf32, #tpu.memory_space<hbm>>
      tpu.wait_indirect_dma semaphore(%arg30 : memref<!tpu.dma_semaphore, #tpu.memory_space<semaphore_mem>>) src(%dma_wait3A_231 : memref<50000x16xf32, #tpu.memory_space<hbm>>) dst(%arg19 : memref<200x16xf32, #tpu.memory_space<vmem>>)
      %dma_start3A_232 = arith.constant 0 : i32
      %dma_start3A_233 = arith.constant 0 : i32
      %dma_start3A_234 = tpu.memref_slice %arg22[%dma_start3A_232, %dma_start3A_233] : memref<51200x16xf32, #tpu.memory_space<vmem_shared>> -> memref<51200x16xf32, #tpu.memory_space<vmem_shared>>
      tpu.enqueue_indirect_dma source(%arg19 : memref<200x16xf32, #tpu.memory_space<vmem>>) target(%dma_start3A_234 : memref<51200x16xf32, #tpu.memory_space<vmem_shared>>) offsets(%arg14 : memref<200xi32, #tpu.memory_space<vmem>>) semaphore(%arg35 : memref<!tpu.dma_semaphore, #tpu.memory_space<semaphore_mem>>) {add = true}
      %dma_wait3A_235 = arith.constant 0 : i32
      %dma_wait3A_236 = arith.constant 0 : i32
      %dma_wait3A_237 = tpu.memref_slice %arg4[%dma_wait3A_235, %dma_wait3A_236] : memref<50000x16xf32, #tpu.memory_space<hbm>> -> memref<50000x16xf32, #tpu.memory_space<hbm>>
      tpu.wait_indirect_dma semaphore(%arg31 : memref<!tpu.dma_semaphore, #tpu.memory_space<semaphore_mem>>) src(%dma_wait3A_237 : memref<50000x16xf32, #tpu.memory_space<hbm>>) dst(%arg20 : memref<200x16xf32, #tpu.memory_space<vmem>>)
      %dma_start3A_238 = arith.constant 0 : i32
      %dma_start3A_239 = arith.constant 0 : i32
      %dma_start3A_240 = tpu.memref_slice %arg22[%dma_start3A_238, %dma_start3A_239] : memref<51200x16xf32, #tpu.memory_space<vmem_shared>> -> memref<51200x16xf32, #tpu.memory_space<vmem_shared>>
      tpu.enqueue_indirect_dma source(%arg20 : memref<200x16xf32, #tpu.memory_space<vmem>>) target(%dma_start3A_240 : memref<51200x16xf32, #tpu.memory_space<vmem_shared>>) offsets(%arg15 : memref<200xi32, #tpu.memory_space<vmem>>) semaphore(%arg36 : memref<!tpu.dma_semaphore, #tpu.memory_space<semaphore_mem>>) {add = true}
      %dma_wait3A_241 = arith.constant 0 : i32
      %dma_wait3A_242 = arith.constant 0 : i32
      %dma_wait3A_243 = tpu.memref_slice %arg4[%dma_wait3A_241, %dma_wait3A_242] : memref<50000x16xf32, #tpu.memory_space<hbm>> -> memref<50000x16xf32, #tpu.memory_space<hbm>>
      tpu.wait_indirect_dma semaphore(%arg32 : memref<!tpu.dma_semaphore, #tpu.memory_space<semaphore_mem>>) src(%dma_wait3A_243 : memref<50000x16xf32, #tpu.memory_space<hbm>>) dst(%arg21 : memref<200x16xf32, #tpu.memory_space<vmem>>)
      %dma_start3A_244 = arith.constant 0 : i32
      %dma_start3A_245 = arith.constant 0 : i32
      %dma_start3A_246 = tpu.memref_slice %arg22[%dma_start3A_244, %dma_start3A_245] : memref<51200x16xf32, #tpu.memory_space<vmem_shared>> -> memref<51200x16xf32, #tpu.memory_space<vmem_shared>>
      tpu.enqueue_indirect_dma source(%arg21 : memref<200x16xf32, #tpu.memory_space<vmem>>) target(%dma_start3A_246 : memref<51200x16xf32, #tpu.memory_space<vmem_shared>>) offsets(%arg16 : memref<200xi32, #tpu.memory_space<vmem>>) semaphore(%arg37 : memref<!tpu.dma_semaphore, #tpu.memory_space<semaphore_mem>>) {add = true}
    }
    %scan3A_5 = arith.constant 25 : i32
    %dma_wait3A = arith.constant 0 : i32
    %dma_wait3A_6 = arith.constant 0 : i32
    %dma_wait3A_7 = tpu.memref_slice %arg22[%dma_wait3A, %dma_wait3A_6] : memref<51200x16xf32, #tpu.memory_space<vmem_shared>> -> memref<51200x16xf32, #tpu.memory_space<vmem_shared>>
    tpu.wait_indirect_dma semaphore(%arg33 : memref<!tpu.dma_semaphore, #tpu.memory_space<semaphore_mem>>) src(%arg17 : memref<200x16xf32, #tpu.memory_space<vmem>>) dst(%dma_wait3A_7 : memref<51200x16xf32, #tpu.memory_space<vmem_shared>>)
    %dma_wait3A_8 = arith.constant 0 : i32
    %dma_wait3A_9 = arith.constant 0 : i32
    %dma_wait3A_10 = tpu.memref_slice %arg22[%dma_wait3A_8, %dma_wait3A_9] : memref<51200x16xf32, #tpu.memory_space<vmem_shared>> -> memref<51200x16xf32, #tpu.memory_space<vmem_shared>>
    tpu.wait_indirect_dma semaphore(%arg34 : memref<!tpu.dma_semaphore, #tpu.memory_space<semaphore_mem>>) src(%arg18 : memref<200x16xf32, #tpu.memory_space<vmem>>) dst(%dma_wait3A_10 : memref<51200x16xf32, #tpu.memory_space<vmem_shared>>)
    %dma_wait3A_11 = arith.constant 0 : i32
    %dma_wait3A_12 = arith.constant 0 : i32
    %dma_wait3A_13 = tpu.memref_slice %arg22[%dma_wait3A_11, %dma_wait3A_12] : memref<51200x16xf32, #tpu.memory_space<vmem_shared>> -> memref<51200x16xf32, #tpu.memory_space<vmem_shared>>
    tpu.wait_indirect_dma semaphore(%arg35 : memref<!tpu.dma_semaphore, #tpu.memory_space<semaphore_mem>>) src(%arg19 : memref<200x16xf32, #tpu.memory_space<vmem>>) dst(%dma_wait3A_13 : memref<51200x16xf32, #tpu.memory_space<vmem_shared>>)
    %dma_wait3A_14 = arith.constant 0 : i32
    %dma_wait3A_15 = arith.constant 0 : i32
    %dma_wait3A_16 = tpu.memref_slice %arg22[%dma_wait3A_14, %dma_wait3A_15] : memref<51200x16xf32, #tpu.memory_space<vmem_shared>> -> memref<51200x16xf32, #tpu.memory_space<vmem_shared>>
    tpu.wait_indirect_dma semaphore(%arg36 : memref<!tpu.dma_semaphore, #tpu.memory_space<semaphore_mem>>) src(%arg20 : memref<200x16xf32, #tpu.memory_space<vmem>>) dst(%dma_wait3A_16 : memref<51200x16xf32, #tpu.memory_space<vmem_shared>>)
    %dma_wait3A_17 = arith.constant 0 : i32
    %dma_wait3A_18 = arith.constant 0 : i32
    %dma_wait3A_19 = tpu.memref_slice %arg22[%dma_wait3A_17, %dma_wait3A_18] : memref<51200x16xf32, #tpu.memory_space<vmem_shared>> -> memref<51200x16xf32, #tpu.memory_space<vmem_shared>>
    tpu.wait_indirect_dma semaphore(%arg37 : memref<!tpu.dma_semaphore, #tpu.memory_space<semaphore_mem>>) src(%arg21 : memref<200x16xf32, #tpu.memory_space<vmem>>) dst(%dma_wait3A_19 : memref<51200x16xf32, #tpu.memory_space<vmem_shared>>)
    %barrier3A_20 = arith.constant 0 : index
    tpu.barrier barrier_id(%barrier3A_20)
    "tpu.region"() ({
      %run_scoped3A = tpu.sem_alloc : memref<!tpu.dma_semaphore, #tpu.memory_space<semaphore_mem>>
      %dma_start3A = arith.constant 0 : i32
      %dma_start3A_21 = tpu.memref_slice %arg6[%arg0, %mul3A_0, %dma_start3A] : memref<2x51200x16xf32, #tpu.memory_space<hbm>> -> memref<1x3200x16xf32, #tpu.memory_space<hbm>>
      %dma_start3A_22 = tpu.memref_squeeze %dma_start3A_21 : memref<1x3200x16xf32, #tpu.memory_space<hbm>> -> memref<3200x16xf32, #tpu.memory_space<hbm>>
      %dma_start3A_23 = arith.constant 0 : i32
      %dma_start3A_24 = tpu.memref_slice %arg22[%mul3A_0, %dma_start3A_23] : memref<51200x16xf32, #tpu.memory_space<vmem_shared>> -> memref<3200x16xf32, #tpu.memory_space<vmem_shared>>
      tpu.enqueue_dma source(%dma_start3A_24 : memref<3200x16xf32, #tpu.memory_space<vmem_shared>>) target(%dma_start3A_22 : memref<3200x16xf32, #tpu.memory_space<hbm>>) target_semaphore(%run_scoped3A : memref<!tpu.dma_semaphore, #tpu.memory_space<semaphore_mem>>)
      %dma_wait3A_25 = arith.constant 0 : i32
      %dma_wait3A_26 = tpu.memref_slice %arg6[%arg0, %mul3A_0, %dma_wait3A_25] : memref<2x51200x16xf32, #tpu.memory_space<hbm>> -> memref<1x3200x16xf32, #tpu.memory_space<hbm>>
      %dma_wait3A_27 = tpu.memref_squeeze %dma_wait3A_26 : memref<1x3200x16xf32, #tpu.memory_space<hbm>> -> memref<3200x16xf32, #tpu.memory_space<hbm>>
      %dma_wait3A_28 = arith.constant 0 : i32
      %dma_wait3A_29 = tpu.memref_slice %arg22[%mul3A_0, %dma_wait3A_28] : memref<51200x16xf32, #tpu.memory_space<vmem_shared>> -> memref<3200x16xf32, #tpu.memory_space<vmem_shared>>
      tpu.wait_dma2 semaphore(%run_scoped3A : memref<!tpu.dma_semaphore, #tpu.memory_space<semaphore_mem>>) src(%dma_wait3A_29 : memref<3200x16xf32, #tpu.memory_space<vmem_shared>>) dst(%dma_wait3A_27 : memref<3200x16xf32, #tpu.memory_space<hbm>>)
      tpu.yield
    }) : () -> ()
    return
  }
}

#map = affine_map<(d0, d1) -> (0)>
#map1 = affine_map<(d0, d1) -> (0, 0)>
#map2 = affine_map<(d0, d1) -> (0, 0, 0)>
module attributes {stable_mosaic.version = 14 : i64} {
  func.func @_sc_agg_wide(%arg0: i32, %arg1: i32, %arg2: memref<800000xi32, #tpu.memory_space<hbm>>, %arg3: memref<800000xi32, #tpu.memory_space<hbm>>, %arg4: memref<50000x32xf32, #tpu.memory_space<hbm>>, %arg5: memref<50000x32xf32, #tpu.memory_space<hbm>>, %arg6: memref<3200x32xf32, #tpu.memory_space<hbm>>, %arg7: memref<2x51200x32xf32, #tpu.memory_space<hbm>>, %arg8: memref<200xi32, #tpu.memory_space<vmem>>, %arg9: memref<200xi32, #tpu.memory_space<vmem>>, %arg10: memref<200xi32, #tpu.memory_space<vmem>>, %arg11: memref<200xi32, #tpu.memory_space<vmem>>, %arg12: memref<200xi32, #tpu.memory_space<vmem>>, %arg13: memref<200xi32, #tpu.memory_space<vmem>>, %arg14: memref<200xi32, #tpu.memory_space<vmem>>, %arg15: memref<200xi32, #tpu.memory_space<vmem>>, %arg16: memref<200x32xf32, #tpu.memory_space<vmem>>, %arg17: memref<200x32xf32, #tpu.memory_space<vmem>>, %arg18: memref<200x32xf32, #tpu.memory_space<vmem>>, %arg19: memref<200x32xf32, #tpu.memory_space<vmem>>, %arg20: memref<51200x32xf32, #tpu.memory_space<vmem_shared>>, %arg21: memref<!tpu.dma_semaphore, #tpu.memory_space<semaphore_mem>>, %arg22: memref<!tpu.dma_semaphore, #tpu.memory_space<semaphore_mem>>, %arg23: memref<!tpu.dma_semaphore, #tpu.memory_space<semaphore_mem>>, %arg24: memref<!tpu.dma_semaphore, #tpu.memory_space<semaphore_mem>>, %arg25: memref<!tpu.dma_semaphore, #tpu.memory_space<semaphore_mem>>, %arg26: memref<!tpu.dma_semaphore, #tpu.memory_space<semaphore_mem>>, %arg27: memref<!tpu.dma_semaphore, #tpu.memory_space<semaphore_mem>>, %arg28: memref<!tpu.dma_semaphore, #tpu.memory_space<semaphore_mem>>, %arg29: memref<!tpu.dma_semaphore, #tpu.memory_space<semaphore_mem>>, %arg30: memref<!tpu.dma_semaphore, #tpu.memory_space<semaphore_mem>>, %arg31: memref<!tpu.dma_semaphore, #tpu.memory_space<semaphore_mem>>, %arg32: memref<!tpu.dma_semaphore, #tpu.memory_space<semaphore_mem>>) attributes {dimension_semantics = [#tpu.dimension_semantics<core_parallel>, #tpu.dimension_semantics<subcore_parallel>], iteration_bounds = array<i64: 2, 16>, scalar_prefetch = 0 : i64, scratch_operands = 25 : i64, tpu.core_type = #tpu.core_type<sc_vector_subcore>, window_params = [{transform_indices = #map}, {transform_indices = #map}, {transform_indices = #map1}, {transform_indices = #map1}, {transform_indices = #map1}, {transform_indices = #map2}]} {
    %mul3A = arith.constant 3200 : i32
    %mul3A_0 = arith.muli %arg1, %mul3A : i32
    "tpu.region"() ({
      %run_scoped3A = tpu.sem_alloc : memref<!tpu.dma_semaphore, #tpu.memory_space<semaphore_mem>>
      %dma_start3A_59 = arith.constant 0 : i32
      %dma_start3A_60 = tpu.memref_slice %arg20[%mul3A_0, %dma_start3A_59] : memref<51200x32xf32, #tpu.memory_space<vmem_shared>> -> memref<3200x32xf32, #tpu.memory_space<vmem_shared>>
      tpu.enqueue_dma source(%arg6 : memref<3200x32xf32, #tpu.memory_space<hbm>>) target(%dma_start3A_60 : memref<3200x32xf32, #tpu.memory_space<vmem_shared>>) target_semaphore(%run_scoped3A : memref<!tpu.dma_semaphore, #tpu.memory_space<semaphore_mem>>)
      %dma_wait3A_61 = arith.constant 0 : i32
      %dma_wait3A_62 = tpu.memref_slice %arg20[%mul3A_0, %dma_wait3A_61] : memref<51200x32xf32, #tpu.memory_space<vmem_shared>> -> memref<3200x32xf32, #tpu.memory_space<vmem_shared>>
      tpu.wait_dma2 semaphore(%run_scoped3A : memref<!tpu.dma_semaphore, #tpu.memory_space<semaphore_mem>>) src(%arg6 : memref<3200x32xf32, #tpu.memory_space<hbm>>) dst(%dma_wait3A_62 : memref<3200x32xf32, #tpu.memory_space<vmem_shared>>)
      tpu.yield
    }) : () -> ()
    %barrier3A = arith.constant 0 : index
    tpu.barrier barrier_id(%barrier3A)
    %scan3A = arith.constant 0 : i32
    %scan3A_1 = arith.constant 0 : i32
    %scan3A_2 = arith.constant 62 : i32
    %scan3A_3 = arith.addi %scan3A_1, %scan3A_2 : i32
    %scan3A_4 = arith.constant 1 : i32
    scf.for %scan3A_59 = %scan3A_1 to %scan3A_3 step %scan3A_4  : i32 {
      %mul3A_60 = arith.constant 50000 : i32
      %mul3A_61 = arith.muli %arg1, %mul3A_60 : i32
      %mul3A_62 = arith.constant 4 : i32
      %mul3A_63 = arith.muli %scan3A_59, %mul3A_62 : i32
      %add3A_64 = arith.constant 0 : i32
      %add3A_65 = arith.addi %mul3A_63, %add3A_64 : i32
      %mul3A_66 = arith.constant 200 : i32
      %mul3A_67 = arith.muli %add3A_65, %mul3A_66 : i32
      %add3A_68 = arith.addi %mul3A_61, %mul3A_67 : i32
      %gt3A = arith.constant 0 : i32
      %gt3A_69 = arith.cmpi sgt, %scan3A_59, %gt3A : i32
      %convert_element_type3A_70 = arith.extui %gt3A_69 : i1 to i32
      %cond3A_71 = arith.constant 0 : i32
      %cond3A_72 = arith.cmpi ne, %convert_element_type3A_70, %cond3A_71 : i32
      scf.if %cond3A_72 {
        %dma_wait3A_247 = arith.constant 0 : i32
        %dma_wait3A_248 = arith.constant 0 : i32
        %dma_wait3A_249 = tpu.memref_slice %arg20[%dma_wait3A_247, %dma_wait3A_248] : memref<51200x32xf32, #tpu.memory_space<vmem_shared>> -> memref<51200x32xf32, #tpu.memory_space<vmem_shared>>
        tpu.wait_indirect_dma semaphore(%arg29 : memref<!tpu.dma_semaphore, #tpu.memory_space<semaphore_mem>>) src(%arg16 : memref<200x32xf32, #tpu.memory_space<vmem>>) dst(%dma_wait3A_249 : memref<51200x32xf32, #tpu.memory_space<vmem_shared>>)
      } else {
      }
      %dma_start3A_73 = tpu.memref_slice %arg2[%add3A_68] : memref<800000xi32, #tpu.memory_space<hbm>> -> memref<200xi32, #tpu.memory_space<hbm>>
      %dma_start3A_74 = tpu.memref_slice %arg2[%add3A_68] : memref<800000xi32, #tpu.memory_space<hbm>> -> memref<200xi32, #tpu.memory_space<hbm>>
      tpu.enqueue_dma source(%dma_start3A_74 : memref<200xi32, #tpu.memory_space<hbm>>) target(%arg8 : memref<200xi32, #tpu.memory_space<vmem>>) target_semaphore(%arg21 : memref<!tpu.dma_semaphore, #tpu.memory_space<semaphore_mem>>)
      %dma_start3A_75 = tpu.memref_slice %arg3[%add3A_68] : memref<800000xi32, #tpu.memory_space<hbm>> -> memref<200xi32, #tpu.memory_space<hbm>>
      %dma_start3A_76 = tpu.memref_slice %arg3[%add3A_68] : memref<800000xi32, #tpu.memory_space<hbm>> -> memref<200xi32, #tpu.memory_space<hbm>>
      tpu.enqueue_dma source(%dma_start3A_76 : memref<200xi32, #tpu.memory_space<hbm>>) target(%arg12 : memref<200xi32, #tpu.memory_space<vmem>>) target_semaphore(%arg21 : memref<!tpu.dma_semaphore, #tpu.memory_space<semaphore_mem>>)
      %mul3A_77 = arith.constant 50000 : i32
      %mul3A_78 = arith.muli %arg1, %mul3A_77 : i32
      %mul3A_79 = arith.constant 4 : i32
      %mul3A_80 = arith.muli %scan3A_59, %mul3A_79 : i32
      %add3A_81 = arith.constant 1 : i32
      %add3A_82 = arith.addi %mul3A_80, %add3A_81 : i32
      %mul3A_83 = arith.constant 200 : i32
      %mul3A_84 = arith.muli %add3A_82, %mul3A_83 : i32
      %add3A_85 = arith.addi %mul3A_78, %mul3A_84 : i32
      %gt3A_86 = arith.constant 0 : i32
      %gt3A_87 = arith.cmpi sgt, %scan3A_59, %gt3A_86 : i32
      %convert_element_type3A_88 = arith.extui %gt3A_87 : i1 to i32
      %cond3A_89 = arith.constant 0 : i32
      %cond3A_90 = arith.cmpi ne, %convert_element_type3A_88, %cond3A_89 : i32
      scf.if %cond3A_90 {
        %dma_wait3A_247 = arith.constant 0 : i32
        %dma_wait3A_248 = arith.constant 0 : i32
        %dma_wait3A_249 = tpu.memref_slice %arg20[%dma_wait3A_247, %dma_wait3A_248] : memref<51200x32xf32, #tpu.memory_space<vmem_shared>> -> memref<51200x32xf32, #tpu.memory_space<vmem_shared>>
        tpu.wait_indirect_dma semaphore(%arg30 : memref<!tpu.dma_semaphore, #tpu.memory_space<semaphore_mem>>) src(%arg17 : memref<200x32xf32, #tpu.memory_space<vmem>>) dst(%dma_wait3A_249 : memref<51200x32xf32, #tpu.memory_space<vmem_shared>>)
      } else {
      }
      %dma_start3A_91 = tpu.memref_slice %arg2[%add3A_85] : memref<800000xi32, #tpu.memory_space<hbm>> -> memref<200xi32, #tpu.memory_space<hbm>>
      %dma_start3A_92 = tpu.memref_slice %arg2[%add3A_85] : memref<800000xi32, #tpu.memory_space<hbm>> -> memref<200xi32, #tpu.memory_space<hbm>>
      tpu.enqueue_dma source(%dma_start3A_92 : memref<200xi32, #tpu.memory_space<hbm>>) target(%arg9 : memref<200xi32, #tpu.memory_space<vmem>>) target_semaphore(%arg22 : memref<!tpu.dma_semaphore, #tpu.memory_space<semaphore_mem>>)
      %dma_start3A_93 = tpu.memref_slice %arg3[%add3A_85] : memref<800000xi32, #tpu.memory_space<hbm>> -> memref<200xi32, #tpu.memory_space<hbm>>
      %dma_start3A_94 = tpu.memref_slice %arg3[%add3A_85] : memref<800000xi32, #tpu.memory_space<hbm>> -> memref<200xi32, #tpu.memory_space<hbm>>
      tpu.enqueue_dma source(%dma_start3A_94 : memref<200xi32, #tpu.memory_space<hbm>>) target(%arg13 : memref<200xi32, #tpu.memory_space<vmem>>) target_semaphore(%arg22 : memref<!tpu.dma_semaphore, #tpu.memory_space<semaphore_mem>>)
      %mul3A_95 = arith.constant 50000 : i32
      %mul3A_96 = arith.muli %arg1, %mul3A_95 : i32
      %mul3A_97 = arith.constant 4 : i32
      %mul3A_98 = arith.muli %scan3A_59, %mul3A_97 : i32
      %add3A_99 = arith.constant 2 : i32
      %add3A_100 = arith.addi %mul3A_98, %add3A_99 : i32
      %mul3A_101 = arith.constant 200 : i32
      %mul3A_102 = arith.muli %add3A_100, %mul3A_101 : i32
      %add3A_103 = arith.addi %mul3A_96, %mul3A_102 : i32
      %gt3A_104 = arith.constant 0 : i32
      %gt3A_105 = arith.cmpi sgt, %scan3A_59, %gt3A_104 : i32
      %convert_element_type3A_106 = arith.extui %gt3A_105 : i1 to i32
      %cond3A_107 = arith.constant 0 : i32
      %cond3A_108 = arith.cmpi ne, %convert_element_type3A_106, %cond3A_107 : i32
      scf.if %cond3A_108 {
        %dma_wait3A_247 = arith.constant 0 : i32
        %dma_wait3A_248 = arith.constant 0 : i32
        %dma_wait3A_249 = tpu.memref_slice %arg20[%dma_wait3A_247, %dma_wait3A_248] : memref<51200x32xf32, #tpu.memory_space<vmem_shared>> -> memref<51200x32xf32, #tpu.memory_space<vmem_shared>>
        tpu.wait_indirect_dma semaphore(%arg31 : memref<!tpu.dma_semaphore, #tpu.memory_space<semaphore_mem>>) src(%arg18 : memref<200x32xf32, #tpu.memory_space<vmem>>) dst(%dma_wait3A_249 : memref<51200x32xf32, #tpu.memory_space<vmem_shared>>)
      } else {
      }
      %dma_start3A_109 = tpu.memref_slice %arg2[%add3A_103] : memref<800000xi32, #tpu.memory_space<hbm>> -> memref<200xi32, #tpu.memory_space<hbm>>
      %dma_start3A_110 = tpu.memref_slice %arg2[%add3A_103] : memref<800000xi32, #tpu.memory_space<hbm>> -> memref<200xi32, #tpu.memory_space<hbm>>
      tpu.enqueue_dma source(%dma_start3A_110 : memref<200xi32, #tpu.memory_space<hbm>>) target(%arg10 : memref<200xi32, #tpu.memory_space<vmem>>) target_semaphore(%arg23 : memref<!tpu.dma_semaphore, #tpu.memory_space<semaphore_mem>>)
      %dma_start3A_111 = tpu.memref_slice %arg3[%add3A_103] : memref<800000xi32, #tpu.memory_space<hbm>> -> memref<200xi32, #tpu.memory_space<hbm>>
      %dma_start3A_112 = tpu.memref_slice %arg3[%add3A_103] : memref<800000xi32, #tpu.memory_space<hbm>> -> memref<200xi32, #tpu.memory_space<hbm>>
      tpu.enqueue_dma source(%dma_start3A_112 : memref<200xi32, #tpu.memory_space<hbm>>) target(%arg14 : memref<200xi32, #tpu.memory_space<vmem>>) target_semaphore(%arg23 : memref<!tpu.dma_semaphore, #tpu.memory_space<semaphore_mem>>)
      %mul3A_113 = arith.constant 50000 : i32
      %mul3A_114 = arith.muli %arg1, %mul3A_113 : i32
      %mul3A_115 = arith.constant 4 : i32
      %mul3A_116 = arith.muli %scan3A_59, %mul3A_115 : i32
      %add3A_117 = arith.constant 3 : i32
      %add3A_118 = arith.addi %mul3A_116, %add3A_117 : i32
      %mul3A_119 = arith.constant 200 : i32
      %mul3A_120 = arith.muli %add3A_118, %mul3A_119 : i32
      %add3A_121 = arith.addi %mul3A_114, %mul3A_120 : i32
      %gt3A_122 = arith.constant 0 : i32
      %gt3A_123 = arith.cmpi sgt, %scan3A_59, %gt3A_122 : i32
      %convert_element_type3A_124 = arith.extui %gt3A_123 : i1 to i32
      %cond3A_125 = arith.constant 0 : i32
      %cond3A_126 = arith.cmpi ne, %convert_element_type3A_124, %cond3A_125 : i32
      scf.if %cond3A_126 {
        %dma_wait3A_247 = arith.constant 0 : i32
        %dma_wait3A_248 = arith.constant 0 : i32
        %dma_wait3A_249 = tpu.memref_slice %arg20[%dma_wait3A_247, %dma_wait3A_248] : memref<51200x32xf32, #tpu.memory_space<vmem_shared>> -> memref<51200x32xf32, #tpu.memory_space<vmem_shared>>
        tpu.wait_indirect_dma semaphore(%arg32 : memref<!tpu.dma_semaphore, #tpu.memory_space<semaphore_mem>>) src(%arg19 : memref<200x32xf32, #tpu.memory_space<vmem>>) dst(%dma_wait3A_249 : memref<51200x32xf32, #tpu.memory_space<vmem_shared>>)
      } else {
      }
      %dma_start3A_127 = tpu.memref_slice %arg2[%add3A_121] : memref<800000xi32, #tpu.memory_space<hbm>> -> memref<200xi32, #tpu.memory_space<hbm>>
      %dma_start3A_128 = tpu.memref_slice %arg2[%add3A_121] : memref<800000xi32, #tpu.memory_space<hbm>> -> memref<200xi32, #tpu.memory_space<hbm>>
      tpu.enqueue_dma source(%dma_start3A_128 : memref<200xi32, #tpu.memory_space<hbm>>) target(%arg11 : memref<200xi32, #tpu.memory_space<vmem>>) target_semaphore(%arg24 : memref<!tpu.dma_semaphore, #tpu.memory_space<semaphore_mem>>)
      %dma_start3A_129 = tpu.memref_slice %arg3[%add3A_121] : memref<800000xi32, #tpu.memory_space<hbm>> -> memref<200xi32, #tpu.memory_space<hbm>>
      %dma_start3A_130 = tpu.memref_slice %arg3[%add3A_121] : memref<800000xi32, #tpu.memory_space<hbm>> -> memref<200xi32, #tpu.memory_space<hbm>>
      tpu.enqueue_dma source(%dma_start3A_130 : memref<200xi32, #tpu.memory_space<hbm>>) target(%arg15 : memref<200xi32, #tpu.memory_space<vmem>>) target_semaphore(%arg24 : memref<!tpu.dma_semaphore, #tpu.memory_space<semaphore_mem>>)
      %mul3A_131 = arith.constant 50000 : i32
      %mul3A_132 = arith.muli %arg1, %mul3A_131 : i32
      %mul3A_133 = arith.constant 4 : i32
      %mul3A_134 = arith.muli %scan3A_59, %mul3A_133 : i32
      %add3A_135 = arith.constant 0 : i32
      %add3A_136 = arith.addi %mul3A_134, %add3A_135 : i32
      %mul3A_137 = arith.constant 200 : i32
      %mul3A_138 = arith.muli %add3A_136, %mul3A_137 : i32
      %add3A_139 = arith.addi %mul3A_132, %mul3A_138 : i32
      %dma_wait3A_140 = tpu.memref_slice %arg2[%add3A_139] : memref<800000xi32, #tpu.memory_space<hbm>> -> memref<200xi32, #tpu.memory_space<hbm>>
      %dma_wait3A_141 = tpu.memref_slice %arg2[%add3A_139] : memref<800000xi32, #tpu.memory_space<hbm>> -> memref<200xi32, #tpu.memory_space<hbm>>
      tpu.wait_dma2 semaphore(%arg21 : memref<!tpu.dma_semaphore, #tpu.memory_space<semaphore_mem>>) src(%dma_wait3A_141 : memref<200xi32, #tpu.memory_space<hbm>>) dst(%arg8 : memref<200xi32, #tpu.memory_space<vmem>>)
      %dma_wait3A_142 = tpu.memref_slice %arg3[%add3A_139] : memref<800000xi32, #tpu.memory_space<hbm>> -> memref<200xi32, #tpu.memory_space<hbm>>
      %dma_wait3A_143 = tpu.memref_slice %arg3[%add3A_139] : memref<800000xi32, #tpu.memory_space<hbm>> -> memref<200xi32, #tpu.memory_space<hbm>>
      tpu.wait_dma2 semaphore(%arg21 : memref<!tpu.dma_semaphore, #tpu.memory_space<semaphore_mem>>) src(%dma_wait3A_143 : memref<200xi32, #tpu.memory_space<hbm>>) dst(%arg12 : memref<200xi32, #tpu.memory_space<vmem>>)
      %eq3A_144 = arith.constant 0 : i32
      %eq3A_145 = arith.cmpi eq, %arg0, %eq3A_144 : i32
      %convert_element_type3A_146 = arith.extui %eq3A_145 : i1 to i32
      %cond3A_147 = arith.constant 0 : i32
      %cond3A_148 = arith.cmpi ne, %convert_element_type3A_146, %cond3A_147 : i32
      scf.if %cond3A_148 {
        %dma_start3A_247 = arith.constant 0 : i32
        %dma_start3A_248 = arith.constant 0 : i32
        %dma_start3A_249 = tpu.memref_slice %arg4[%dma_start3A_247, %dma_start3A_248] : memref<50000x32xf32, #tpu.memory_space<hbm>> -> memref<50000x32xf32, #tpu.memory_space<hbm>>
        tpu.enqueue_indirect_dma source(%dma_start3A_249 : memref<50000x32xf32, #tpu.memory_space<hbm>>) target(%arg16 : memref<200x32xf32, #tpu.memory_space<vmem>>) offsets(%arg8 : memref<200xi32, #tpu.memory_space<vmem>>) semaphore(%arg25 : memref<!tpu.dma_semaphore, #tpu.memory_space<semaphore_mem>>)
      } else {
      }
      %eq3A_149 = arith.constant 1 : i32
      %eq3A_150 = arith.cmpi eq, %arg0, %eq3A_149 : i32
      %convert_element_type3A_151 = arith.extui %eq3A_150 : i1 to i32
      %cond3A_152 = arith.constant 0 : i32
      %cond3A_153 = arith.cmpi ne, %convert_element_type3A_151, %cond3A_152 : i32
      scf.if %cond3A_153 {
        %dma_start3A_247 = arith.constant 0 : i32
        %dma_start3A_248 = arith.constant 0 : i32
        %dma_start3A_249 = tpu.memref_slice %arg5[%dma_start3A_247, %dma_start3A_248] : memref<50000x32xf32, #tpu.memory_space<hbm>> -> memref<50000x32xf32, #tpu.memory_space<hbm>>
        tpu.enqueue_indirect_dma source(%dma_start3A_249 : memref<50000x32xf32, #tpu.memory_space<hbm>>) target(%arg16 : memref<200x32xf32, #tpu.memory_space<vmem>>) offsets(%arg8 : memref<200xi32, #tpu.memory_space<vmem>>) semaphore(%arg25 : memref<!tpu.dma_semaphore, #tpu.memory_space<semaphore_mem>>)
      } else {
      }
      %mul3A_154 = arith.constant 50000 : i32
      %mul3A_155 = arith.muli %arg1, %mul3A_154 : i32
      %mul3A_156 = arith.constant 4 : i32
      %mul3A_157 = arith.muli %scan3A_59, %mul3A_156 : i32
      %add3A_158 = arith.constant 1 : i32
      %add3A_159 = arith.addi %mul3A_157, %add3A_158 : i32
      %mul3A_160 = arith.constant 200 : i32
      %mul3A_161 = arith.muli %add3A_159, %mul3A_160 : i32
      %add3A_162 = arith.addi %mul3A_155, %mul3A_161 : i32
      %dma_wait3A_163 = tpu.memref_slice %arg2[%add3A_162] : memref<800000xi32, #tpu.memory_space<hbm>> -> memref<200xi32, #tpu.memory_space<hbm>>
      %dma_wait3A_164 = tpu.memref_slice %arg2[%add3A_162] : memref<800000xi32, #tpu.memory_space<hbm>> -> memref<200xi32, #tpu.memory_space<hbm>>
      tpu.wait_dma2 semaphore(%arg22 : memref<!tpu.dma_semaphore, #tpu.memory_space<semaphore_mem>>) src(%dma_wait3A_164 : memref<200xi32, #tpu.memory_space<hbm>>) dst(%arg9 : memref<200xi32, #tpu.memory_space<vmem>>)
      %dma_wait3A_165 = tpu.memref_slice %arg3[%add3A_162] : memref<800000xi32, #tpu.memory_space<hbm>> -> memref<200xi32, #tpu.memory_space<hbm>>
      %dma_wait3A_166 = tpu.memref_slice %arg3[%add3A_162] : memref<800000xi32, #tpu.memory_space<hbm>> -> memref<200xi32, #tpu.memory_space<hbm>>
      tpu.wait_dma2 semaphore(%arg22 : memref<!tpu.dma_semaphore, #tpu.memory_space<semaphore_mem>>) src(%dma_wait3A_166 : memref<200xi32, #tpu.memory_space<hbm>>) dst(%arg13 : memref<200xi32, #tpu.memory_space<vmem>>)
      %eq3A_167 = arith.constant 0 : i32
      %eq3A_168 = arith.cmpi eq, %arg0, %eq3A_167 : i32
      %convert_element_type3A_169 = arith.extui %eq3A_168 : i1 to i32
      %cond3A_170 = arith.constant 0 : i32
      %cond3A_171 = arith.cmpi ne, %convert_element_type3A_169, %cond3A_170 : i32
      scf.if %cond3A_171 {
        %dma_start3A_247 = arith.constant 0 : i32
        %dma_start3A_248 = arith.constant 0 : i32
        %dma_start3A_249 = tpu.memref_slice %arg4[%dma_start3A_247, %dma_start3A_248] : memref<50000x32xf32, #tpu.memory_space<hbm>> -> memref<50000x32xf32, #tpu.memory_space<hbm>>
        tpu.enqueue_indirect_dma source(%dma_start3A_249 : memref<50000x32xf32, #tpu.memory_space<hbm>>) target(%arg17 : memref<200x32xf32, #tpu.memory_space<vmem>>) offsets(%arg9 : memref<200xi32, #tpu.memory_space<vmem>>) semaphore(%arg26 : memref<!tpu.dma_semaphore, #tpu.memory_space<semaphore_mem>>)
      } else {
      }
      %eq3A_172 = arith.constant 1 : i32
      %eq3A_173 = arith.cmpi eq, %arg0, %eq3A_172 : i32
      %convert_element_type3A_174 = arith.extui %eq3A_173 : i1 to i32
      %cond3A_175 = arith.constant 0 : i32
      %cond3A_176 = arith.cmpi ne, %convert_element_type3A_174, %cond3A_175 : i32
      scf.if %cond3A_176 {
        %dma_start3A_247 = arith.constant 0 : i32
        %dma_start3A_248 = arith.constant 0 : i32
        %dma_start3A_249 = tpu.memref_slice %arg5[%dma_start3A_247, %dma_start3A_248] : memref<50000x32xf32, #tpu.memory_space<hbm>> -> memref<50000x32xf32, #tpu.memory_space<hbm>>
        tpu.enqueue_indirect_dma source(%dma_start3A_249 : memref<50000x32xf32, #tpu.memory_space<hbm>>) target(%arg17 : memref<200x32xf32, #tpu.memory_space<vmem>>) offsets(%arg9 : memref<200xi32, #tpu.memory_space<vmem>>) semaphore(%arg26 : memref<!tpu.dma_semaphore, #tpu.memory_space<semaphore_mem>>)
      } else {
      }
      %mul3A_177 = arith.constant 50000 : i32
      %mul3A_178 = arith.muli %arg1, %mul3A_177 : i32
      %mul3A_179 = arith.constant 4 : i32
      %mul3A_180 = arith.muli %scan3A_59, %mul3A_179 : i32
      %add3A_181 = arith.constant 2 : i32
      %add3A_182 = arith.addi %mul3A_180, %add3A_181 : i32
      %mul3A_183 = arith.constant 200 : i32
      %mul3A_184 = arith.muli %add3A_182, %mul3A_183 : i32
      %add3A_185 = arith.addi %mul3A_178, %mul3A_184 : i32
      %dma_wait3A_186 = tpu.memref_slice %arg2[%add3A_185] : memref<800000xi32, #tpu.memory_space<hbm>> -> memref<200xi32, #tpu.memory_space<hbm>>
      %dma_wait3A_187 = tpu.memref_slice %arg2[%add3A_185] : memref<800000xi32, #tpu.memory_space<hbm>> -> memref<200xi32, #tpu.memory_space<hbm>>
      tpu.wait_dma2 semaphore(%arg23 : memref<!tpu.dma_semaphore, #tpu.memory_space<semaphore_mem>>) src(%dma_wait3A_187 : memref<200xi32, #tpu.memory_space<hbm>>) dst(%arg10 : memref<200xi32, #tpu.memory_space<vmem>>)
      %dma_wait3A_188 = tpu.memref_slice %arg3[%add3A_185] : memref<800000xi32, #tpu.memory_space<hbm>> -> memref<200xi32, #tpu.memory_space<hbm>>
      %dma_wait3A_189 = tpu.memref_slice %arg3[%add3A_185] : memref<800000xi32, #tpu.memory_space<hbm>> -> memref<200xi32, #tpu.memory_space<hbm>>
      tpu.wait_dma2 semaphore(%arg23 : memref<!tpu.dma_semaphore, #tpu.memory_space<semaphore_mem>>) src(%dma_wait3A_189 : memref<200xi32, #tpu.memory_space<hbm>>) dst(%arg14 : memref<200xi32, #tpu.memory_space<vmem>>)
      %eq3A_190 = arith.constant 0 : i32
      %eq3A_191 = arith.cmpi eq, %arg0, %eq3A_190 : i32
      %convert_element_type3A_192 = arith.extui %eq3A_191 : i1 to i32
      %cond3A_193 = arith.constant 0 : i32
      %cond3A_194 = arith.cmpi ne, %convert_element_type3A_192, %cond3A_193 : i32
      scf.if %cond3A_194 {
        %dma_start3A_247 = arith.constant 0 : i32
        %dma_start3A_248 = arith.constant 0 : i32
        %dma_start3A_249 = tpu.memref_slice %arg4[%dma_start3A_247, %dma_start3A_248] : memref<50000x32xf32, #tpu.memory_space<hbm>> -> memref<50000x32xf32, #tpu.memory_space<hbm>>
        tpu.enqueue_indirect_dma source(%dma_start3A_249 : memref<50000x32xf32, #tpu.memory_space<hbm>>) target(%arg18 : memref<200x32xf32, #tpu.memory_space<vmem>>) offsets(%arg10 : memref<200xi32, #tpu.memory_space<vmem>>) semaphore(%arg27 : memref<!tpu.dma_semaphore, #tpu.memory_space<semaphore_mem>>)
      } else {
      }
      %eq3A_195 = arith.constant 1 : i32
      %eq3A_196 = arith.cmpi eq, %arg0, %eq3A_195 : i32
      %convert_element_type3A_197 = arith.extui %eq3A_196 : i1 to i32
      %cond3A_198 = arith.constant 0 : i32
      %cond3A_199 = arith.cmpi ne, %convert_element_type3A_197, %cond3A_198 : i32
      scf.if %cond3A_199 {
        %dma_start3A_247 = arith.constant 0 : i32
        %dma_start3A_248 = arith.constant 0 : i32
        %dma_start3A_249 = tpu.memref_slice %arg5[%dma_start3A_247, %dma_start3A_248] : memref<50000x32xf32, #tpu.memory_space<hbm>> -> memref<50000x32xf32, #tpu.memory_space<hbm>>
        tpu.enqueue_indirect_dma source(%dma_start3A_249 : memref<50000x32xf32, #tpu.memory_space<hbm>>) target(%arg18 : memref<200x32xf32, #tpu.memory_space<vmem>>) offsets(%arg10 : memref<200xi32, #tpu.memory_space<vmem>>) semaphore(%arg27 : memref<!tpu.dma_semaphore, #tpu.memory_space<semaphore_mem>>)
      } else {
      }
      %mul3A_200 = arith.constant 50000 : i32
      %mul3A_201 = arith.muli %arg1, %mul3A_200 : i32
      %mul3A_202 = arith.constant 4 : i32
      %mul3A_203 = arith.muli %scan3A_59, %mul3A_202 : i32
      %add3A_204 = arith.constant 3 : i32
      %add3A_205 = arith.addi %mul3A_203, %add3A_204 : i32
      %mul3A_206 = arith.constant 200 : i32
      %mul3A_207 = arith.muli %add3A_205, %mul3A_206 : i32
      %add3A_208 = arith.addi %mul3A_201, %mul3A_207 : i32
      %dma_wait3A_209 = tpu.memref_slice %arg2[%add3A_208] : memref<800000xi32, #tpu.memory_space<hbm>> -> memref<200xi32, #tpu.memory_space<hbm>>
      %dma_wait3A_210 = tpu.memref_slice %arg2[%add3A_208] : memref<800000xi32, #tpu.memory_space<hbm>> -> memref<200xi32, #tpu.memory_space<hbm>>
      tpu.wait_dma2 semaphore(%arg24 : memref<!tpu.dma_semaphore, #tpu.memory_space<semaphore_mem>>) src(%dma_wait3A_210 : memref<200xi32, #tpu.memory_space<hbm>>) dst(%arg11 : memref<200xi32, #tpu.memory_space<vmem>>)
      %dma_wait3A_211 = tpu.memref_slice %arg3[%add3A_208] : memref<800000xi32, #tpu.memory_space<hbm>> -> memref<200xi32, #tpu.memory_space<hbm>>
      %dma_wait3A_212 = tpu.memref_slice %arg3[%add3A_208] : memref<800000xi32, #tpu.memory_space<hbm>> -> memref<200xi32, #tpu.memory_space<hbm>>
      tpu.wait_dma2 semaphore(%arg24 : memref<!tpu.dma_semaphore, #tpu.memory_space<semaphore_mem>>) src(%dma_wait3A_212 : memref<200xi32, #tpu.memory_space<hbm>>) dst(%arg15 : memref<200xi32, #tpu.memory_space<vmem>>)
      %eq3A_213 = arith.constant 0 : i32
      %eq3A_214 = arith.cmpi eq, %arg0, %eq3A_213 : i32
      %convert_element_type3A_215 = arith.extui %eq3A_214 : i1 to i32
      %cond3A_216 = arith.constant 0 : i32
      %cond3A_217 = arith.cmpi ne, %convert_element_type3A_215, %cond3A_216 : i32
      scf.if %cond3A_217 {
        %dma_start3A_247 = arith.constant 0 : i32
        %dma_start3A_248 = arith.constant 0 : i32
        %dma_start3A_249 = tpu.memref_slice %arg4[%dma_start3A_247, %dma_start3A_248] : memref<50000x32xf32, #tpu.memory_space<hbm>> -> memref<50000x32xf32, #tpu.memory_space<hbm>>
        tpu.enqueue_indirect_dma source(%dma_start3A_249 : memref<50000x32xf32, #tpu.memory_space<hbm>>) target(%arg19 : memref<200x32xf32, #tpu.memory_space<vmem>>) offsets(%arg11 : memref<200xi32, #tpu.memory_space<vmem>>) semaphore(%arg28 : memref<!tpu.dma_semaphore, #tpu.memory_space<semaphore_mem>>)
      } else {
      }
      %eq3A_218 = arith.constant 1 : i32
      %eq3A_219 = arith.cmpi eq, %arg0, %eq3A_218 : i32
      %convert_element_type3A_220 = arith.extui %eq3A_219 : i1 to i32
      %cond3A_221 = arith.constant 0 : i32
      %cond3A_222 = arith.cmpi ne, %convert_element_type3A_220, %cond3A_221 : i32
      scf.if %cond3A_222 {
        %dma_start3A_247 = arith.constant 0 : i32
        %dma_start3A_248 = arith.constant 0 : i32
        %dma_start3A_249 = tpu.memref_slice %arg5[%dma_start3A_247, %dma_start3A_248] : memref<50000x32xf32, #tpu.memory_space<hbm>> -> memref<50000x32xf32, #tpu.memory_space<hbm>>
        tpu.enqueue_indirect_dma source(%dma_start3A_249 : memref<50000x32xf32, #tpu.memory_space<hbm>>) target(%arg19 : memref<200x32xf32, #tpu.memory_space<vmem>>) offsets(%arg11 : memref<200xi32, #tpu.memory_space<vmem>>) semaphore(%arg28 : memref<!tpu.dma_semaphore, #tpu.memory_space<semaphore_mem>>)
      } else {
      }
      %dma_wait3A_223 = arith.constant 0 : i32
      %dma_wait3A_224 = arith.constant 0 : i32
      %dma_wait3A_225 = tpu.memref_slice %arg4[%dma_wait3A_223, %dma_wait3A_224] : memref<50000x32xf32, #tpu.memory_space<hbm>> -> memref<50000x32xf32, #tpu.memory_space<hbm>>
      tpu.wait_indirect_dma semaphore(%arg25 : memref<!tpu.dma_semaphore, #tpu.memory_space<semaphore_mem>>) src(%dma_wait3A_225 : memref<50000x32xf32, #tpu.memory_space<hbm>>) dst(%arg16 : memref<200x32xf32, #tpu.memory_space<vmem>>)
      %dma_start3A_226 = arith.constant 0 : i32
      %dma_start3A_227 = arith.constant 0 : i32
      %dma_start3A_228 = tpu.memref_slice %arg20[%dma_start3A_226, %dma_start3A_227] : memref<51200x32xf32, #tpu.memory_space<vmem_shared>> -> memref<51200x32xf32, #tpu.memory_space<vmem_shared>>
      tpu.enqueue_indirect_dma source(%arg16 : memref<200x32xf32, #tpu.memory_space<vmem>>) target(%dma_start3A_228 : memref<51200x32xf32, #tpu.memory_space<vmem_shared>>) offsets(%arg12 : memref<200xi32, #tpu.memory_space<vmem>>) semaphore(%arg29 : memref<!tpu.dma_semaphore, #tpu.memory_space<semaphore_mem>>) {add = true}
      %dma_wait3A_229 = arith.constant 0 : i32
      %dma_wait3A_230 = arith.constant 0 : i32
      %dma_wait3A_231 = tpu.memref_slice %arg4[%dma_wait3A_229, %dma_wait3A_230] : memref<50000x32xf32, #tpu.memory_space<hbm>> -> memref<50000x32xf32, #tpu.memory_space<hbm>>
      tpu.wait_indirect_dma semaphore(%arg26 : memref<!tpu.dma_semaphore, #tpu.memory_space<semaphore_mem>>) src(%dma_wait3A_231 : memref<50000x32xf32, #tpu.memory_space<hbm>>) dst(%arg17 : memref<200x32xf32, #tpu.memory_space<vmem>>)
      %dma_start3A_232 = arith.constant 0 : i32
      %dma_start3A_233 = arith.constant 0 : i32
      %dma_start3A_234 = tpu.memref_slice %arg20[%dma_start3A_232, %dma_start3A_233] : memref<51200x32xf32, #tpu.memory_space<vmem_shared>> -> memref<51200x32xf32, #tpu.memory_space<vmem_shared>>
      tpu.enqueue_indirect_dma source(%arg17 : memref<200x32xf32, #tpu.memory_space<vmem>>) target(%dma_start3A_234 : memref<51200x32xf32, #tpu.memory_space<vmem_shared>>) offsets(%arg13 : memref<200xi32, #tpu.memory_space<vmem>>) semaphore(%arg30 : memref<!tpu.dma_semaphore, #tpu.memory_space<semaphore_mem>>) {add = true}
      %dma_wait3A_235 = arith.constant 0 : i32
      %dma_wait3A_236 = arith.constant 0 : i32
      %dma_wait3A_237 = tpu.memref_slice %arg4[%dma_wait3A_235, %dma_wait3A_236] : memref<50000x32xf32, #tpu.memory_space<hbm>> -> memref<50000x32xf32, #tpu.memory_space<hbm>>
      tpu.wait_indirect_dma semaphore(%arg27 : memref<!tpu.dma_semaphore, #tpu.memory_space<semaphore_mem>>) src(%dma_wait3A_237 : memref<50000x32xf32, #tpu.memory_space<hbm>>) dst(%arg18 : memref<200x32xf32, #tpu.memory_space<vmem>>)
      %dma_start3A_238 = arith.constant 0 : i32
      %dma_start3A_239 = arith.constant 0 : i32
      %dma_start3A_240 = tpu.memref_slice %arg20[%dma_start3A_238, %dma_start3A_239] : memref<51200x32xf32, #tpu.memory_space<vmem_shared>> -> memref<51200x32xf32, #tpu.memory_space<vmem_shared>>
      tpu.enqueue_indirect_dma source(%arg18 : memref<200x32xf32, #tpu.memory_space<vmem>>) target(%dma_start3A_240 : memref<51200x32xf32, #tpu.memory_space<vmem_shared>>) offsets(%arg14 : memref<200xi32, #tpu.memory_space<vmem>>) semaphore(%arg31 : memref<!tpu.dma_semaphore, #tpu.memory_space<semaphore_mem>>) {add = true}
      %dma_wait3A_241 = arith.constant 0 : i32
      %dma_wait3A_242 = arith.constant 0 : i32
      %dma_wait3A_243 = tpu.memref_slice %arg4[%dma_wait3A_241, %dma_wait3A_242] : memref<50000x32xf32, #tpu.memory_space<hbm>> -> memref<50000x32xf32, #tpu.memory_space<hbm>>
      tpu.wait_indirect_dma semaphore(%arg28 : memref<!tpu.dma_semaphore, #tpu.memory_space<semaphore_mem>>) src(%dma_wait3A_243 : memref<50000x32xf32, #tpu.memory_space<hbm>>) dst(%arg19 : memref<200x32xf32, #tpu.memory_space<vmem>>)
      %dma_start3A_244 = arith.constant 0 : i32
      %dma_start3A_245 = arith.constant 0 : i32
      %dma_start3A_246 = tpu.memref_slice %arg20[%dma_start3A_244, %dma_start3A_245] : memref<51200x32xf32, #tpu.memory_space<vmem_shared>> -> memref<51200x32xf32, #tpu.memory_space<vmem_shared>>
      tpu.enqueue_indirect_dma source(%arg19 : memref<200x32xf32, #tpu.memory_space<vmem>>) target(%dma_start3A_246 : memref<51200x32xf32, #tpu.memory_space<vmem_shared>>) offsets(%arg15 : memref<200xi32, #tpu.memory_space<vmem>>) semaphore(%arg32 : memref<!tpu.dma_semaphore, #tpu.memory_space<semaphore_mem>>) {add = true}
    }
    %scan3A_5 = arith.constant 62 : i32
    %dma_wait3A = arith.constant 0 : i32
    %dma_wait3A_6 = arith.constant 0 : i32
    %dma_wait3A_7 = tpu.memref_slice %arg20[%dma_wait3A, %dma_wait3A_6] : memref<51200x32xf32, #tpu.memory_space<vmem_shared>> -> memref<51200x32xf32, #tpu.memory_space<vmem_shared>>
    tpu.wait_indirect_dma semaphore(%arg29 : memref<!tpu.dma_semaphore, #tpu.memory_space<semaphore_mem>>) src(%arg16 : memref<200x32xf32, #tpu.memory_space<vmem>>) dst(%dma_wait3A_7 : memref<51200x32xf32, #tpu.memory_space<vmem_shared>>)
    %dma_wait3A_8 = arith.constant 0 : i32
    %dma_wait3A_9 = arith.constant 0 : i32
    %dma_wait3A_10 = tpu.memref_slice %arg20[%dma_wait3A_8, %dma_wait3A_9] : memref<51200x32xf32, #tpu.memory_space<vmem_shared>> -> memref<51200x32xf32, #tpu.memory_space<vmem_shared>>
    tpu.wait_indirect_dma semaphore(%arg30 : memref<!tpu.dma_semaphore, #tpu.memory_space<semaphore_mem>>) src(%arg17 : memref<200x32xf32, #tpu.memory_space<vmem>>) dst(%dma_wait3A_10 : memref<51200x32xf32, #tpu.memory_space<vmem_shared>>)
    %dma_wait3A_11 = arith.constant 0 : i32
    %dma_wait3A_12 = arith.constant 0 : i32
    %dma_wait3A_13 = tpu.memref_slice %arg20[%dma_wait3A_11, %dma_wait3A_12] : memref<51200x32xf32, #tpu.memory_space<vmem_shared>> -> memref<51200x32xf32, #tpu.memory_space<vmem_shared>>
    tpu.wait_indirect_dma semaphore(%arg31 : memref<!tpu.dma_semaphore, #tpu.memory_space<semaphore_mem>>) src(%arg18 : memref<200x32xf32, #tpu.memory_space<vmem>>) dst(%dma_wait3A_13 : memref<51200x32xf32, #tpu.memory_space<vmem_shared>>)
    %dma_wait3A_14 = arith.constant 0 : i32
    %dma_wait3A_15 = arith.constant 0 : i32
    %dma_wait3A_16 = tpu.memref_slice %arg20[%dma_wait3A_14, %dma_wait3A_15] : memref<51200x32xf32, #tpu.memory_space<vmem_shared>> -> memref<51200x32xf32, #tpu.memory_space<vmem_shared>>
    tpu.wait_indirect_dma semaphore(%arg32 : memref<!tpu.dma_semaphore, #tpu.memory_space<semaphore_mem>>) src(%arg19 : memref<200x32xf32, #tpu.memory_space<vmem>>) dst(%dma_wait3A_16 : memref<51200x32xf32, #tpu.memory_space<vmem_shared>>)
    %mul3A_17 = arith.constant 50000 : i32
    %mul3A_18 = arith.muli %arg1, %mul3A_17 : i32
    %add3A = arith.constant 49600 : i32
    %add3A_19 = arith.addi %mul3A_18, %add3A : i32
    "tpu.region"() ({
      %run_scoped3A = tpu.sem_alloc : memref<!tpu.dma_semaphore, #tpu.memory_space<semaphore_mem>>
      %dma_start3A_59 = tpu.memref_slice %arg2[%add3A_19] : memref<800000xi32, #tpu.memory_space<hbm>> -> memref<200xi32, #tpu.memory_space<hbm>>
      %dma_start3A_60 = tpu.memref_slice %arg2[%add3A_19] : memref<800000xi32, #tpu.memory_space<hbm>> -> memref<200xi32, #tpu.memory_space<hbm>>
      tpu.enqueue_dma source(%dma_start3A_60 : memref<200xi32, #tpu.memory_space<hbm>>) target(%arg8 : memref<200xi32, #tpu.memory_space<vmem>>) target_semaphore(%run_scoped3A : memref<!tpu.dma_semaphore, #tpu.memory_space<semaphore_mem>>)
      %dma_wait3A_61 = tpu.memref_slice %arg2[%add3A_19] : memref<800000xi32, #tpu.memory_space<hbm>> -> memref<200xi32, #tpu.memory_space<hbm>>
      %dma_wait3A_62 = tpu.memref_slice %arg2[%add3A_19] : memref<800000xi32, #tpu.memory_space<hbm>> -> memref<200xi32, #tpu.memory_space<hbm>>
      tpu.wait_dma2 semaphore(%run_scoped3A : memref<!tpu.dma_semaphore, #tpu.memory_space<semaphore_mem>>) src(%dma_wait3A_62 : memref<200xi32, #tpu.memory_space<hbm>>) dst(%arg8 : memref<200xi32, #tpu.memory_space<vmem>>)
      tpu.yield
    }) : () -> ()
    "tpu.region"() ({
      %run_scoped3A = tpu.sem_alloc : memref<!tpu.dma_semaphore, #tpu.memory_space<semaphore_mem>>
      %dma_start3A_59 = tpu.memref_slice %arg3[%add3A_19] : memref<800000xi32, #tpu.memory_space<hbm>> -> memref<200xi32, #tpu.memory_space<hbm>>
      %dma_start3A_60 = tpu.memref_slice %arg3[%add3A_19] : memref<800000xi32, #tpu.memory_space<hbm>> -> memref<200xi32, #tpu.memory_space<hbm>>
      tpu.enqueue_dma source(%dma_start3A_60 : memref<200xi32, #tpu.memory_space<hbm>>) target(%arg12 : memref<200xi32, #tpu.memory_space<vmem>>) target_semaphore(%run_scoped3A : memref<!tpu.dma_semaphore, #tpu.memory_space<semaphore_mem>>)
      %dma_wait3A_61 = tpu.memref_slice %arg3[%add3A_19] : memref<800000xi32, #tpu.memory_space<hbm>> -> memref<200xi32, #tpu.memory_space<hbm>>
      %dma_wait3A_62 = tpu.memref_slice %arg3[%add3A_19] : memref<800000xi32, #tpu.memory_space<hbm>> -> memref<200xi32, #tpu.memory_space<hbm>>
      tpu.wait_dma2 semaphore(%run_scoped3A : memref<!tpu.dma_semaphore, #tpu.memory_space<semaphore_mem>>) src(%dma_wait3A_62 : memref<200xi32, #tpu.memory_space<hbm>>) dst(%arg12 : memref<200xi32, #tpu.memory_space<vmem>>)
      tpu.yield
    }) : () -> ()
    %eq3A = arith.constant 0 : i32
    %eq3A_20 = arith.cmpi eq, %arg0, %eq3A : i32
    %convert_element_type3A = arith.extui %eq3A_20 : i1 to i32
    %cond3A = arith.constant 0 : i32
    %cond3A_21 = arith.cmpi ne, %convert_element_type3A, %cond3A : i32
    scf.if %cond3A_21 {
      %dma_start3A_59 = arith.constant 0 : i32
      %dma_start3A_60 = arith.constant 0 : i32
      %dma_start3A_61 = tpu.memref_slice %arg4[%dma_start3A_59, %dma_start3A_60] : memref<50000x32xf32, #tpu.memory_space<hbm>> -> memref<50000x32xf32, #tpu.memory_space<hbm>>
      tpu.enqueue_indirect_dma source(%dma_start3A_61 : memref<50000x32xf32, #tpu.memory_space<hbm>>) target(%arg16 : memref<200x32xf32, #tpu.memory_space<vmem>>) offsets(%arg8 : memref<200xi32, #tpu.memory_space<vmem>>) semaphore(%arg25 : memref<!tpu.dma_semaphore, #tpu.memory_space<semaphore_mem>>)
    } else {
    }
    %eq3A_22 = arith.constant 1 : i32
    %eq3A_23 = arith.cmpi eq, %arg0, %eq3A_22 : i32
    %convert_element_type3A_24 = arith.extui %eq3A_23 : i1 to i32
    %cond3A_25 = arith.constant 0 : i32
    %cond3A_26 = arith.cmpi ne, %convert_element_type3A_24, %cond3A_25 : i32
    scf.if %cond3A_26 {
      %dma_start3A_59 = arith.constant 0 : i32
      %dma_start3A_60 = arith.constant 0 : i32
      %dma_start3A_61 = tpu.memref_slice %arg5[%dma_start3A_59, %dma_start3A_60] : memref<50000x32xf32, #tpu.memory_space<hbm>> -> memref<50000x32xf32, #tpu.memory_space<hbm>>
      tpu.enqueue_indirect_dma source(%dma_start3A_61 : memref<50000x32xf32, #tpu.memory_space<hbm>>) target(%arg16 : memref<200x32xf32, #tpu.memory_space<vmem>>) offsets(%arg8 : memref<200xi32, #tpu.memory_space<vmem>>) semaphore(%arg25 : memref<!tpu.dma_semaphore, #tpu.memory_space<semaphore_mem>>)
    } else {
    }
    %dma_wait3A_27 = arith.constant 0 : i32
    %dma_wait3A_28 = arith.constant 0 : i32
    %dma_wait3A_29 = tpu.memref_slice %arg4[%dma_wait3A_27, %dma_wait3A_28] : memref<50000x32xf32, #tpu.memory_space<hbm>> -> memref<50000x32xf32, #tpu.memory_space<hbm>>
    tpu.wait_indirect_dma semaphore(%arg25 : memref<!tpu.dma_semaphore, #tpu.memory_space<semaphore_mem>>) src(%dma_wait3A_29 : memref<50000x32xf32, #tpu.memory_space<hbm>>) dst(%arg16 : memref<200x32xf32, #tpu.memory_space<vmem>>)
    %dma_start3A = arith.constant 0 : i32
    %dma_start3A_30 = arith.constant 0 : i32
    %dma_start3A_31 = tpu.memref_slice %arg20[%dma_start3A, %dma_start3A_30] : memref<51200x32xf32, #tpu.memory_space<vmem_shared>> -> memref<51200x32xf32, #tpu.memory_space<vmem_shared>>
    tpu.enqueue_indirect_dma source(%arg16 : memref<200x32xf32, #tpu.memory_space<vmem>>) target(%dma_start3A_31 : memref<51200x32xf32, #tpu.memory_space<vmem_shared>>) offsets(%arg12 : memref<200xi32, #tpu.memory_space<vmem>>) semaphore(%arg29 : memref<!tpu.dma_semaphore, #tpu.memory_space<semaphore_mem>>) {add = true}
    %mul3A_32 = arith.constant 50000 : i32
    %mul3A_33 = arith.muli %arg1, %mul3A_32 : i32
    %add3A_34 = arith.constant 49800 : i32
    %add3A_35 = arith.addi %mul3A_33, %add3A_34 : i32
    "tpu.region"() ({
      %run_scoped3A = tpu.sem_alloc : memref<!tpu.dma_semaphore, #tpu.memory_space<semaphore_mem>>
      %dma_start3A_59 = tpu.memref_slice %arg2[%add3A_35] : memref<800000xi32, #tpu.memory_space<hbm>> -> memref<200xi32, #tpu.memory_space<hbm>>
      %dma_start3A_60 = tpu.memref_slice %arg2[%add3A_35] : memref<800000xi32, #tpu.memory_space<hbm>> -> memref<200xi32, #tpu.memory_space<hbm>>
      tpu.enqueue_dma source(%dma_start3A_60 : memref<200xi32, #tpu.memory_space<hbm>>) target(%arg9 : memref<200xi32, #tpu.memory_space<vmem>>) target_semaphore(%run_scoped3A : memref<!tpu.dma_semaphore, #tpu.memory_space<semaphore_mem>>)
      %dma_wait3A_61 = tpu.memref_slice %arg2[%add3A_35] : memref<800000xi32, #tpu.memory_space<hbm>> -> memref<200xi32, #tpu.memory_space<hbm>>
      %dma_wait3A_62 = tpu.memref_slice %arg2[%add3A_35] : memref<800000xi32, #tpu.memory_space<hbm>> -> memref<200xi32, #tpu.memory_space<hbm>>
      tpu.wait_dma2 semaphore(%run_scoped3A : memref<!tpu.dma_semaphore, #tpu.memory_space<semaphore_mem>>) src(%dma_wait3A_62 : memref<200xi32, #tpu.memory_space<hbm>>) dst(%arg9 : memref<200xi32, #tpu.memory_space<vmem>>)
      tpu.yield
    }) : () -> ()
    "tpu.region"() ({
      %run_scoped3A = tpu.sem_alloc : memref<!tpu.dma_semaphore, #tpu.memory_space<semaphore_mem>>
      %dma_start3A_59 = tpu.memref_slice %arg3[%add3A_35] : memref<800000xi32, #tpu.memory_space<hbm>> -> memref<200xi32, #tpu.memory_space<hbm>>
      %dma_start3A_60 = tpu.memref_slice %arg3[%add3A_35] : memref<800000xi32, #tpu.memory_space<hbm>> -> memref<200xi32, #tpu.memory_space<hbm>>
      tpu.enqueue_dma source(%dma_start3A_60 : memref<200xi32, #tpu.memory_space<hbm>>) target(%arg13 : memref<200xi32, #tpu.memory_space<vmem>>) target_semaphore(%run_scoped3A : memref<!tpu.dma_semaphore, #tpu.memory_space<semaphore_mem>>)
      %dma_wait3A_61 = tpu.memref_slice %arg3[%add3A_35] : memref<800000xi32, #tpu.memory_space<hbm>> -> memref<200xi32, #tpu.memory_space<hbm>>
      %dma_wait3A_62 = tpu.memref_slice %arg3[%add3A_35] : memref<800000xi32, #tpu.memory_space<hbm>> -> memref<200xi32, #tpu.memory_space<hbm>>
      tpu.wait_dma2 semaphore(%run_scoped3A : memref<!tpu.dma_semaphore, #tpu.memory_space<semaphore_mem>>) src(%dma_wait3A_62 : memref<200xi32, #tpu.memory_space<hbm>>) dst(%arg13 : memref<200xi32, #tpu.memory_space<vmem>>)
      tpu.yield
    }) : () -> ()
    %eq3A_36 = arith.constant 0 : i32
    %eq3A_37 = arith.cmpi eq, %arg0, %eq3A_36 : i32
    %convert_element_type3A_38 = arith.extui %eq3A_37 : i1 to i32
    %cond3A_39 = arith.constant 0 : i32
    %cond3A_40 = arith.cmpi ne, %convert_element_type3A_38, %cond3A_39 : i32
    scf.if %cond3A_40 {
      %dma_start3A_59 = arith.constant 0 : i32
      %dma_start3A_60 = arith.constant 0 : i32
      %dma_start3A_61 = tpu.memref_slice %arg4[%dma_start3A_59, %dma_start3A_60] : memref<50000x32xf32, #tpu.memory_space<hbm>> -> memref<50000x32xf32, #tpu.memory_space<hbm>>
      tpu.enqueue_indirect_dma source(%dma_start3A_61 : memref<50000x32xf32, #tpu.memory_space<hbm>>) target(%arg17 : memref<200x32xf32, #tpu.memory_space<vmem>>) offsets(%arg9 : memref<200xi32, #tpu.memory_space<vmem>>) semaphore(%arg26 : memref<!tpu.dma_semaphore, #tpu.memory_space<semaphore_mem>>)
    } else {
    }
    %eq3A_41 = arith.constant 1 : i32
    %eq3A_42 = arith.cmpi eq, %arg0, %eq3A_41 : i32
    %convert_element_type3A_43 = arith.extui %eq3A_42 : i1 to i32
    %cond3A_44 = arith.constant 0 : i32
    %cond3A_45 = arith.cmpi ne, %convert_element_type3A_43, %cond3A_44 : i32
    scf.if %cond3A_45 {
      %dma_start3A_59 = arith.constant 0 : i32
      %dma_start3A_60 = arith.constant 0 : i32
      %dma_start3A_61 = tpu.memref_slice %arg5[%dma_start3A_59, %dma_start3A_60] : memref<50000x32xf32, #tpu.memory_space<hbm>> -> memref<50000x32xf32, #tpu.memory_space<hbm>>
      tpu.enqueue_indirect_dma source(%dma_start3A_61 : memref<50000x32xf32, #tpu.memory_space<hbm>>) target(%arg17 : memref<200x32xf32, #tpu.memory_space<vmem>>) offsets(%arg9 : memref<200xi32, #tpu.memory_space<vmem>>) semaphore(%arg26 : memref<!tpu.dma_semaphore, #tpu.memory_space<semaphore_mem>>)
    } else {
    }
    %dma_wait3A_46 = arith.constant 0 : i32
    %dma_wait3A_47 = arith.constant 0 : i32
    %dma_wait3A_48 = tpu.memref_slice %arg4[%dma_wait3A_46, %dma_wait3A_47] : memref<50000x32xf32, #tpu.memory_space<hbm>> -> memref<50000x32xf32, #tpu.memory_space<hbm>>
    tpu.wait_indirect_dma semaphore(%arg26 : memref<!tpu.dma_semaphore, #tpu.memory_space<semaphore_mem>>) src(%dma_wait3A_48 : memref<50000x32xf32, #tpu.memory_space<hbm>>) dst(%arg17 : memref<200x32xf32, #tpu.memory_space<vmem>>)
    %dma_start3A_49 = arith.constant 0 : i32
    %dma_start3A_50 = arith.constant 0 : i32
    %dma_start3A_51 = tpu.memref_slice %arg20[%dma_start3A_49, %dma_start3A_50] : memref<51200x32xf32, #tpu.memory_space<vmem_shared>> -> memref<51200x32xf32, #tpu.memory_space<vmem_shared>>
    tpu.enqueue_indirect_dma source(%arg17 : memref<200x32xf32, #tpu.memory_space<vmem>>) target(%dma_start3A_51 : memref<51200x32xf32, #tpu.memory_space<vmem_shared>>) offsets(%arg13 : memref<200xi32, #tpu.memory_space<vmem>>) semaphore(%arg30 : memref<!tpu.dma_semaphore, #tpu.memory_space<semaphore_mem>>) {add = true}
    %dma_wait3A_52 = arith.constant 0 : i32
    %dma_wait3A_53 = arith.constant 0 : i32
    %dma_wait3A_54 = tpu.memref_slice %arg20[%dma_wait3A_52, %dma_wait3A_53] : memref<51200x32xf32, #tpu.memory_space<vmem_shared>> -> memref<51200x32xf32, #tpu.memory_space<vmem_shared>>
    tpu.wait_indirect_dma semaphore(%arg29 : memref<!tpu.dma_semaphore, #tpu.memory_space<semaphore_mem>>) src(%arg16 : memref<200x32xf32, #tpu.memory_space<vmem>>) dst(%dma_wait3A_54 : memref<51200x32xf32, #tpu.memory_space<vmem_shared>>)
    %dma_wait3A_55 = arith.constant 0 : i32
    %dma_wait3A_56 = arith.constant 0 : i32
    %dma_wait3A_57 = tpu.memref_slice %arg20[%dma_wait3A_55, %dma_wait3A_56] : memref<51200x32xf32, #tpu.memory_space<vmem_shared>> -> memref<51200x32xf32, #tpu.memory_space<vmem_shared>>
    tpu.wait_indirect_dma semaphore(%arg30 : memref<!tpu.dma_semaphore, #tpu.memory_space<semaphore_mem>>) src(%arg17 : memref<200x32xf32, #tpu.memory_space<vmem>>) dst(%dma_wait3A_57 : memref<51200x32xf32, #tpu.memory_space<vmem_shared>>)
    %barrier3A_58 = arith.constant 0 : index
    tpu.barrier barrier_id(%barrier3A_58)
    "tpu.region"() ({
      %run_scoped3A = tpu.sem_alloc : memref<!tpu.dma_semaphore, #tpu.memory_space<semaphore_mem>>
      %dma_start3A_59 = arith.constant 0 : i32
      %dma_start3A_60 = tpu.memref_slice %arg7[%arg0, %mul3A_0, %dma_start3A_59] : memref<2x51200x32xf32, #tpu.memory_space<hbm>> -> memref<1x3200x32xf32, #tpu.memory_space<hbm>>
      %dma_start3A_61 = tpu.memref_squeeze %dma_start3A_60 : memref<1x3200x32xf32, #tpu.memory_space<hbm>> -> memref<3200x32xf32, #tpu.memory_space<hbm>>
      %dma_start3A_62 = arith.constant 0 : i32
      %dma_start3A_63 = tpu.memref_slice %arg20[%mul3A_0, %dma_start3A_62] : memref<51200x32xf32, #tpu.memory_space<vmem_shared>> -> memref<3200x32xf32, #tpu.memory_space<vmem_shared>>
      tpu.enqueue_dma source(%dma_start3A_63 : memref<3200x32xf32, #tpu.memory_space<vmem_shared>>) target(%dma_start3A_61 : memref<3200x32xf32, #tpu.memory_space<hbm>>) target_semaphore(%run_scoped3A : memref<!tpu.dma_semaphore, #tpu.memory_space<semaphore_mem>>)
      %dma_wait3A_64 = arith.constant 0 : i32
      %dma_wait3A_65 = tpu.memref_slice %arg7[%arg0, %mul3A_0, %dma_wait3A_64] : memref<2x51200x32xf32, #tpu.memory_space<hbm>> -> memref<1x3200x32xf32, #tpu.memory_space<hbm>>
      %dma_wait3A_66 = tpu.memref_squeeze %dma_wait3A_65 : memref<1x3200x32xf32, #tpu.memory_space<hbm>> -> memref<3200x32xf32, #tpu.memory_space<hbm>>
      %dma_wait3A_67 = arith.constant 0 : i32
      %dma_wait3A_68 = tpu.memref_slice %arg20[%mul3A_0, %dma_wait3A_67] : memref<51200x32xf32, #tpu.memory_space<vmem_shared>> -> memref<3200x32xf32, #tpu.memory_space<vmem_shared>>
      tpu.wait_dma2 semaphore(%run_scoped3A : memref<!tpu.dma_semaphore, #tpu.memory_space<semaphore_mem>>) src(%dma_wait3A_68 : memref<3200x32xf32, #tpu.memory_space<vmem_shared>>) dst(%dma_wait3A_66 : memref<3200x32xf32, #tpu.memory_space<hbm>>)
      tpu.yield
    }) : () -> ()
    return
  }
}

#map = affine_map<(d0, d1) -> (0)>
module attributes {stable_mosaic.version = 14 : i64} {
  func.func @agg(%arg0: i32, %arg1: i32, %arg2: memref<800000xi32, #tpu.memory_space<hbm>>, %arg3: memref<800000xi32, #tpu.memory_space<hbm>>, %arg4: memref<50000xf32, #tpu.memory_space<hbm>>, %arg5: memref<3200xf32, #tpu.memory_space<hbm>>, %arg6: memref<102400xf32, #tpu.memory_space<hbm>>, %arg7: memref<1000xi32, #tpu.memory_space<vmem>>, %arg8: memref<1000xi32, #tpu.memory_space<vmem>>, %arg9: memref<1000xi32, #tpu.memory_space<vmem>>, %arg10: memref<1000xi32, #tpu.memory_space<vmem>>, %arg11: memref<1000xi32, #tpu.memory_space<vmem>>, %arg12: memref<1000xi32, #tpu.memory_space<vmem>>, %arg13: memref<1000xi32, #tpu.memory_space<vmem>>, %arg14: memref<1000xi32, #tpu.memory_space<vmem>>, %arg15: memref<1000xi32, #tpu.memory_space<vmem>>, %arg16: memref<1000xi32, #tpu.memory_space<vmem>>, %arg17: memref<1000xf32, #tpu.memory_space<vmem>>, %arg18: memref<1000xf32, #tpu.memory_space<vmem>>, %arg19: memref<1000xf32, #tpu.memory_space<vmem>>, %arg20: memref<1000xf32, #tpu.memory_space<vmem>>, %arg21: memref<1000xf32, #tpu.memory_space<vmem>>, %arg22: memref<51200xf32, #tpu.memory_space<vmem_shared>>, %arg23: memref<!tpu.dma_semaphore, #tpu.memory_space<semaphore_mem>>, %arg24: memref<!tpu.dma_semaphore, #tpu.memory_space<semaphore_mem>>, %arg25: memref<!tpu.dma_semaphore, #tpu.memory_space<semaphore_mem>>, %arg26: memref<!tpu.dma_semaphore, #tpu.memory_space<semaphore_mem>>, %arg27: memref<!tpu.dma_semaphore, #tpu.memory_space<semaphore_mem>>, %arg28: memref<!tpu.dma_semaphore, #tpu.memory_space<semaphore_mem>>, %arg29: memref<!tpu.dma_semaphore, #tpu.memory_space<semaphore_mem>>, %arg30: memref<!tpu.dma_semaphore, #tpu.memory_space<semaphore_mem>>, %arg31: memref<!tpu.dma_semaphore, #tpu.memory_space<semaphore_mem>>, %arg32: memref<!tpu.dma_semaphore, #tpu.memory_space<semaphore_mem>>, %arg33: memref<!tpu.dma_semaphore, #tpu.memory_space<semaphore_mem>>, %arg34: memref<!tpu.dma_semaphore, #tpu.memory_space<semaphore_mem>>, %arg35: memref<!tpu.dma_semaphore, #tpu.memory_space<semaphore_mem>>, %arg36: memref<!tpu.dma_semaphore, #tpu.memory_space<semaphore_mem>>, %arg37: memref<!tpu.dma_semaphore, #tpu.memory_space<semaphore_mem>>) attributes {dimension_semantics = [#tpu.dimension_semantics<core_parallel>, #tpu.dimension_semantics<subcore_parallel>], iteration_bounds = array<i64: 2, 16>, scalar_prefetch = 0 : i64, scratch_operands = 31 : i64, tpu.core_type = #tpu.core_type<sc_vector_subcore>, window_params = [{transform_indices = #map}, {transform_indices = #map}, {transform_indices = #map}, {transform_indices = #map}, {transform_indices = #map}]} {
    %mul3A = arith.constant 3200 : i32
    %mul3A_0 = arith.muli %arg1, %mul3A : i32
    "tpu.region"() ({
      %run_scoped3A = tpu.sem_alloc : memref<!tpu.dma_semaphore, #tpu.memory_space<semaphore_mem>>
      %dma_start3A = tpu.memref_slice %arg22[%mul3A_0] : memref<51200xf32, #tpu.memory_space<vmem_shared>> -> memref<3200xf32, #tpu.memory_space<vmem_shared>>
      tpu.enqueue_dma source(%arg5 : memref<3200xf32, #tpu.memory_space<hbm>>) target(%dma_start3A : memref<3200xf32, #tpu.memory_space<vmem_shared>>) target_semaphore(%run_scoped3A : memref<!tpu.dma_semaphore, #tpu.memory_space<semaphore_mem>>)
      %dma_wait3A_18 = tpu.memref_slice %arg22[%mul3A_0] : memref<51200xf32, #tpu.memory_space<vmem_shared>> -> memref<3200xf32, #tpu.memory_space<vmem_shared>>
      tpu.wait_dma2 semaphore(%run_scoped3A : memref<!tpu.dma_semaphore, #tpu.memory_space<semaphore_mem>>) src(%arg5 : memref<3200xf32, #tpu.memory_space<hbm>>) dst(%dma_wait3A_18 : memref<3200xf32, #tpu.memory_space<vmem_shared>>)
      tpu.yield
    }) : () -> ()
    %barrier3A = arith.constant 0 : index
    tpu.barrier barrier_id(%barrier3A)
    %scan3A = arith.constant 0 : i32
    %scan3A_1 = arith.constant 0 : i32
    %scan3A_2 = arith.constant 5 : i32
    %scan3A_3 = arith.addi %scan3A_1, %scan3A_2 : i32
    %scan3A_4 = arith.constant 1 : i32
    scf.for %scan3A_18 = %scan3A_1 to %scan3A_3 step %scan3A_4  : i32 {
      %mul3A_19 = arith.constant 16 : i32
      %mul3A_20 = arith.muli %arg0, %mul3A_19 : i32
      %add3A_21 = arith.addi %mul3A_20, %arg1 : i32
      %mul3A_22 = arith.constant 25000 : i32
      %mul3A_23 = arith.muli %add3A_21, %mul3A_22 : i32
      %mul3A_24 = arith.constant 5 : i32
      %mul3A_25 = arith.muli %scan3A_18, %mul3A_24 : i32
      %add3A_26 = arith.constant 0 : i32
      %add3A_27 = arith.addi %mul3A_25, %add3A_26 : i32
      %mul3A_28 = arith.constant 1000 : i32
      %mul3A_29 = arith.muli %add3A_27, %mul3A_28 : i32
      %add3A_30 = arith.addi %mul3A_23, %mul3A_29 : i32
      %gt3A = arith.constant 0 : i32
      %gt3A_31 = arith.cmpi sgt, %scan3A_18, %gt3A : i32
      %convert_element_type3A = arith.extui %gt3A_31 : i1 to i32
      %cond3A = arith.constant 0 : i32
      %cond3A_32 = arith.cmpi ne, %convert_element_type3A, %cond3A : i32
      scf.if %cond3A_32 {
        %dma_wait3A_230 = arith.constant 0 : i32
        %dma_wait3A_231 = tpu.memref_slice %arg22[%dma_wait3A_230] : memref<51200xf32, #tpu.memory_space<vmem_shared>> -> memref<51200xf32, #tpu.memory_space<vmem_shared>>
        tpu.wait_indirect_dma semaphore(%arg33 : memref<!tpu.dma_semaphore, #tpu.memory_space<semaphore_mem>>) src(%arg17 : memref<1000xf32, #tpu.memory_space<vmem>>) dst(%dma_wait3A_231 : memref<51200xf32, #tpu.memory_space<vmem_shared>>)
      } else {
      }
      %dma_start3A = tpu.memref_slice %arg2[%add3A_30] : memref<800000xi32, #tpu.memory_space<hbm>> -> memref<1000xi32, #tpu.memory_space<hbm>>
      %dma_start3A_33 = tpu.memref_slice %arg2[%add3A_30] : memref<800000xi32, #tpu.memory_space<hbm>> -> memref<1000xi32, #tpu.memory_space<hbm>>
      tpu.enqueue_dma source(%dma_start3A_33 : memref<1000xi32, #tpu.memory_space<hbm>>) target(%arg7 : memref<1000xi32, #tpu.memory_space<vmem>>) target_semaphore(%arg23 : memref<!tpu.dma_semaphore, #tpu.memory_space<semaphore_mem>>)
      %dma_start3A_34 = tpu.memref_slice %arg3[%add3A_30] : memref<800000xi32, #tpu.memory_space<hbm>> -> memref<1000xi32, #tpu.memory_space<hbm>>
      %dma_start3A_35 = tpu.memref_slice %arg3[%add3A_30] : memref<800000xi32, #tpu.memory_space<hbm>> -> memref<1000xi32, #tpu.memory_space<hbm>>
      tpu.enqueue_dma source(%dma_start3A_35 : memref<1000xi32, #tpu.memory_space<hbm>>) target(%arg12 : memref<1000xi32, #tpu.memory_space<vmem>>) target_semaphore(%arg23 : memref<!tpu.dma_semaphore, #tpu.memory_space<semaphore_mem>>)
      %mul3A_36 = arith.constant 16 : i32
      %mul3A_37 = arith.muli %arg0, %mul3A_36 : i32
      %add3A_38 = arith.addi %mul3A_37, %arg1 : i32
      %mul3A_39 = arith.constant 25000 : i32
      %mul3A_40 = arith.muli %add3A_38, %mul3A_39 : i32
      %mul3A_41 = arith.constant 5 : i32
      %mul3A_42 = arith.muli %scan3A_18, %mul3A_41 : i32
      %add3A_43 = arith.constant 1 : i32
      %add3A_44 = arith.addi %mul3A_42, %add3A_43 : i32
      %mul3A_45 = arith.constant 1000 : i32
      %mul3A_46 = arith.muli %add3A_44, %mul3A_45 : i32
      %add3A_47 = arith.addi %mul3A_40, %mul3A_46 : i32
      %gt3A_48 = arith.constant 0 : i32
      %gt3A_49 = arith.cmpi sgt, %scan3A_18, %gt3A_48 : i32
      %convert_element_type3A_50 = arith.extui %gt3A_49 : i1 to i32
      %cond3A_51 = arith.constant 0 : i32
      %cond3A_52 = arith.cmpi ne, %convert_element_type3A_50, %cond3A_51 : i32
      scf.if %cond3A_52 {
        %dma_wait3A_230 = arith.constant 0 : i32
        %dma_wait3A_231 = tpu.memref_slice %arg22[%dma_wait3A_230] : memref<51200xf32, #tpu.memory_space<vmem_shared>> -> memref<51200xf32, #tpu.memory_space<vmem_shared>>
        tpu.wait_indirect_dma semaphore(%arg34 : memref<!tpu.dma_semaphore, #tpu.memory_space<semaphore_mem>>) src(%arg18 : memref<1000xf32, #tpu.memory_space<vmem>>) dst(%dma_wait3A_231 : memref<51200xf32, #tpu.memory_space<vmem_shared>>)
      } else {
      }
      %dma_start3A_53 = tpu.memref_slice %arg2[%add3A_47] : memref<800000xi32, #tpu.memory_space<hbm>> -> memref<1000xi32, #tpu.memory_space<hbm>>
      %dma_start3A_54 = tpu.memref_slice %arg2[%add3A_47] : memref<800000xi32, #tpu.memory_space<hbm>> -> memref<1000xi32, #tpu.memory_space<hbm>>
      tpu.enqueue_dma source(%dma_start3A_54 : memref<1000xi32, #tpu.memory_space<hbm>>) target(%arg8 : memref<1000xi32, #tpu.memory_space<vmem>>) target_semaphore(%arg24 : memref<!tpu.dma_semaphore, #tpu.memory_space<semaphore_mem>>)
      %dma_start3A_55 = tpu.memref_slice %arg3[%add3A_47] : memref<800000xi32, #tpu.memory_space<hbm>> -> memref<1000xi32, #tpu.memory_space<hbm>>
      %dma_start3A_56 = tpu.memref_slice %arg3[%add3A_47] : memref<800000xi32, #tpu.memory_space<hbm>> -> memref<1000xi32, #tpu.memory_space<hbm>>
      tpu.enqueue_dma source(%dma_start3A_56 : memref<1000xi32, #tpu.memory_space<hbm>>) target(%arg13 : memref<1000xi32, #tpu.memory_space<vmem>>) target_semaphore(%arg24 : memref<!tpu.dma_semaphore, #tpu.memory_space<semaphore_mem>>)
      %mul3A_57 = arith.constant 16 : i32
      %mul3A_58 = arith.muli %arg0, %mul3A_57 : i32
      %add3A_59 = arith.addi %mul3A_58, %arg1 : i32
      %mul3A_60 = arith.constant 25000 : i32
      %mul3A_61 = arith.muli %add3A_59, %mul3A_60 : i32
      %mul3A_62 = arith.constant 5 : i32
      %mul3A_63 = arith.muli %scan3A_18, %mul3A_62 : i32
      %add3A_64 = arith.constant 2 : i32
      %add3A_65 = arith.addi %mul3A_63, %add3A_64 : i32
      %mul3A_66 = arith.constant 1000 : i32
      %mul3A_67 = arith.muli %add3A_65, %mul3A_66 : i32
      %add3A_68 = arith.addi %mul3A_61, %mul3A_67 : i32
      %gt3A_69 = arith.constant 0 : i32
      %gt3A_70 = arith.cmpi sgt, %scan3A_18, %gt3A_69 : i32
      %convert_element_type3A_71 = arith.extui %gt3A_70 : i1 to i32
      %cond3A_72 = arith.constant 0 : i32
      %cond3A_73 = arith.cmpi ne, %convert_element_type3A_71, %cond3A_72 : i32
      scf.if %cond3A_73 {
        %dma_wait3A_230 = arith.constant 0 : i32
        %dma_wait3A_231 = tpu.memref_slice %arg22[%dma_wait3A_230] : memref<51200xf32, #tpu.memory_space<vmem_shared>> -> memref<51200xf32, #tpu.memory_space<vmem_shared>>
        tpu.wait_indirect_dma semaphore(%arg35 : memref<!tpu.dma_semaphore, #tpu.memory_space<semaphore_mem>>) src(%arg19 : memref<1000xf32, #tpu.memory_space<vmem>>) dst(%dma_wait3A_231 : memref<51200xf32, #tpu.memory_space<vmem_shared>>)
      } else {
      }
      %dma_start3A_74 = tpu.memref_slice %arg2[%add3A_68] : memref<800000xi32, #tpu.memory_space<hbm>> -> memref<1000xi32, #tpu.memory_space<hbm>>
      %dma_start3A_75 = tpu.memref_slice %arg2[%add3A_68] : memref<800000xi32, #tpu.memory_space<hbm>> -> memref<1000xi32, #tpu.memory_space<hbm>>
      tpu.enqueue_dma source(%dma_start3A_75 : memref<1000xi32, #tpu.memory_space<hbm>>) target(%arg9 : memref<1000xi32, #tpu.memory_space<vmem>>) target_semaphore(%arg25 : memref<!tpu.dma_semaphore, #tpu.memory_space<semaphore_mem>>)
      %dma_start3A_76 = tpu.memref_slice %arg3[%add3A_68] : memref<800000xi32, #tpu.memory_space<hbm>> -> memref<1000xi32, #tpu.memory_space<hbm>>
      %dma_start3A_77 = tpu.memref_slice %arg3[%add3A_68] : memref<800000xi32, #tpu.memory_space<hbm>> -> memref<1000xi32, #tpu.memory_space<hbm>>
      tpu.enqueue_dma source(%dma_start3A_77 : memref<1000xi32, #tpu.memory_space<hbm>>) target(%arg14 : memref<1000xi32, #tpu.memory_space<vmem>>) target_semaphore(%arg25 : memref<!tpu.dma_semaphore, #tpu.memory_space<semaphore_mem>>)
      %mul3A_78 = arith.constant 16 : i32
      %mul3A_79 = arith.muli %arg0, %mul3A_78 : i32
      %add3A_80 = arith.addi %mul3A_79, %arg1 : i32
      %mul3A_81 = arith.constant 25000 : i32
      %mul3A_82 = arith.muli %add3A_80, %mul3A_81 : i32
      %mul3A_83 = arith.constant 5 : i32
      %mul3A_84 = arith.muli %scan3A_18, %mul3A_83 : i32
      %add3A_85 = arith.constant 3 : i32
      %add3A_86 = arith.addi %mul3A_84, %add3A_85 : i32
      %mul3A_87 = arith.constant 1000 : i32
      %mul3A_88 = arith.muli %add3A_86, %mul3A_87 : i32
      %add3A_89 = arith.addi %mul3A_82, %mul3A_88 : i32
      %gt3A_90 = arith.constant 0 : i32
      %gt3A_91 = arith.cmpi sgt, %scan3A_18, %gt3A_90 : i32
      %convert_element_type3A_92 = arith.extui %gt3A_91 : i1 to i32
      %cond3A_93 = arith.constant 0 : i32
      %cond3A_94 = arith.cmpi ne, %convert_element_type3A_92, %cond3A_93 : i32
      scf.if %cond3A_94 {
        %dma_wait3A_230 = arith.constant 0 : i32
        %dma_wait3A_231 = tpu.memref_slice %arg22[%dma_wait3A_230] : memref<51200xf32, #tpu.memory_space<vmem_shared>> -> memref<51200xf32, #tpu.memory_space<vmem_shared>>
        tpu.wait_indirect_dma semaphore(%arg36 : memref<!tpu.dma_semaphore, #tpu.memory_space<semaphore_mem>>) src(%arg20 : memref<1000xf32, #tpu.memory_space<vmem>>) dst(%dma_wait3A_231 : memref<51200xf32, #tpu.memory_space<vmem_shared>>)
      } else {
      }
      %dma_start3A_95 = tpu.memref_slice %arg2[%add3A_89] : memref<800000xi32, #tpu.memory_space<hbm>> -> memref<1000xi32, #tpu.memory_space<hbm>>
      %dma_start3A_96 = tpu.memref_slice %arg2[%add3A_89] : memref<800000xi32, #tpu.memory_space<hbm>> -> memref<1000xi32, #tpu.memory_space<hbm>>
      tpu.enqueue_dma source(%dma_start3A_96 : memref<1000xi32, #tpu.memory_space<hbm>>) target(%arg10 : memref<1000xi32, #tpu.memory_space<vmem>>) target_semaphore(%arg26 : memref<!tpu.dma_semaphore, #tpu.memory_space<semaphore_mem>>)
      %dma_start3A_97 = tpu.memref_slice %arg3[%add3A_89] : memref<800000xi32, #tpu.memory_space<hbm>> -> memref<1000xi32, #tpu.memory_space<hbm>>
      %dma_start3A_98 = tpu.memref_slice %arg3[%add3A_89] : memref<800000xi32, #tpu.memory_space<hbm>> -> memref<1000xi32, #tpu.memory_space<hbm>>
      tpu.enqueue_dma source(%dma_start3A_98 : memref<1000xi32, #tpu.memory_space<hbm>>) target(%arg15 : memref<1000xi32, #tpu.memory_space<vmem>>) target_semaphore(%arg26 : memref<!tpu.dma_semaphore, #tpu.memory_space<semaphore_mem>>)
      %mul3A_99 = arith.constant 16 : i32
      %mul3A_100 = arith.muli %arg0, %mul3A_99 : i32
      %add3A_101 = arith.addi %mul3A_100, %arg1 : i32
      %mul3A_102 = arith.constant 25000 : i32
      %mul3A_103 = arith.muli %add3A_101, %mul3A_102 : i32
      %mul3A_104 = arith.constant 5 : i32
      %mul3A_105 = arith.muli %scan3A_18, %mul3A_104 : i32
      %add3A_106 = arith.constant 4 : i32
      %add3A_107 = arith.addi %mul3A_105, %add3A_106 : i32
      %mul3A_108 = arith.constant 1000 : i32
      %mul3A_109 = arith.muli %add3A_107, %mul3A_108 : i32
      %add3A_110 = arith.addi %mul3A_103, %mul3A_109 : i32
      %gt3A_111 = arith.constant 0 : i32
      %gt3A_112 = arith.cmpi sgt, %scan3A_18, %gt3A_111 : i32
      %convert_element_type3A_113 = arith.extui %gt3A_112 : i1 to i32
      %cond3A_114 = arith.constant 0 : i32
      %cond3A_115 = arith.cmpi ne, %convert_element_type3A_113, %cond3A_114 : i32
      scf.if %cond3A_115 {
        %dma_wait3A_230 = arith.constant 0 : i32
        %dma_wait3A_231 = tpu.memref_slice %arg22[%dma_wait3A_230] : memref<51200xf32, #tpu.memory_space<vmem_shared>> -> memref<51200xf32, #tpu.memory_space<vmem_shared>>
        tpu.wait_indirect_dma semaphore(%arg37 : memref<!tpu.dma_semaphore, #tpu.memory_space<semaphore_mem>>) src(%arg21 : memref<1000xf32, #tpu.memory_space<vmem>>) dst(%dma_wait3A_231 : memref<51200xf32, #tpu.memory_space<vmem_shared>>)
      } else {
      }
      %dma_start3A_116 = tpu.memref_slice %arg2[%add3A_110] : memref<800000xi32, #tpu.memory_space<hbm>> -> memref<1000xi32, #tpu.memory_space<hbm>>
      %dma_start3A_117 = tpu.memref_slice %arg2[%add3A_110] : memref<800000xi32, #tpu.memory_space<hbm>> -> memref<1000xi32, #tpu.memory_space<hbm>>
      tpu.enqueue_dma source(%dma_start3A_117 : memref<1000xi32, #tpu.memory_space<hbm>>) target(%arg11 : memref<1000xi32, #tpu.memory_space<vmem>>) target_semaphore(%arg27 : memref<!tpu.dma_semaphore, #tpu.memory_space<semaphore_mem>>)
      %dma_start3A_118 = tpu.memref_slice %arg3[%add3A_110] : memref<800000xi32, #tpu.memory_space<hbm>> -> memref<1000xi32, #tpu.memory_space<hbm>>
      %dma_start3A_119 = tpu.memref_slice %arg3[%add3A_110] : memref<800000xi32, #tpu.memory_space<hbm>> -> memref<1000xi32, #tpu.memory_space<hbm>>
      tpu.enqueue_dma source(%dma_start3A_119 : memref<1000xi32, #tpu.memory_space<hbm>>) target(%arg16 : memref<1000xi32, #tpu.memory_space<vmem>>) target_semaphore(%arg27 : memref<!tpu.dma_semaphore, #tpu.memory_space<semaphore_mem>>)
      %mul3A_120 = arith.constant 16 : i32
      %mul3A_121 = arith.muli %arg0, %mul3A_120 : i32
      %add3A_122 = arith.addi %mul3A_121, %arg1 : i32
      %mul3A_123 = arith.constant 25000 : i32
      %mul3A_124 = arith.muli %add3A_122, %mul3A_123 : i32
      %mul3A_125 = arith.constant 5 : i32
      %mul3A_126 = arith.muli %scan3A_18, %mul3A_125 : i32
      %add3A_127 = arith.constant 0 : i32
      %add3A_128 = arith.addi %mul3A_126, %add3A_127 : i32
      %mul3A_129 = arith.constant 1000 : i32
      %mul3A_130 = arith.muli %add3A_128, %mul3A_129 : i32
      %add3A_131 = arith.addi %mul3A_124, %mul3A_130 : i32
      %dma_wait3A_132 = tpu.memref_slice %arg2[%add3A_131] : memref<800000xi32, #tpu.memory_space<hbm>> -> memref<1000xi32, #tpu.memory_space<hbm>>
      %dma_wait3A_133 = tpu.memref_slice %arg2[%add3A_131] : memref<800000xi32, #tpu.memory_space<hbm>> -> memref<1000xi32, #tpu.memory_space<hbm>>
      tpu.wait_dma2 semaphore(%arg23 : memref<!tpu.dma_semaphore, #tpu.memory_space<semaphore_mem>>) src(%dma_wait3A_133 : memref<1000xi32, #tpu.memory_space<hbm>>) dst(%arg7 : memref<1000xi32, #tpu.memory_space<vmem>>)
      %dma_wait3A_134 = tpu.memref_slice %arg3[%add3A_131] : memref<800000xi32, #tpu.memory_space<hbm>> -> memref<1000xi32, #tpu.memory_space<hbm>>
      %dma_wait3A_135 = tpu.memref_slice %arg3[%add3A_131] : memref<800000xi32, #tpu.memory_space<hbm>> -> memref<1000xi32, #tpu.memory_space<hbm>>
      tpu.wait_dma2 semaphore(%arg23 : memref<!tpu.dma_semaphore, #tpu.memory_space<semaphore_mem>>) src(%dma_wait3A_135 : memref<1000xi32, #tpu.memory_space<hbm>>) dst(%arg12 : memref<1000xi32, #tpu.memory_space<vmem>>)
      %dma_start3A_136 = arith.constant 0 : i32
      %dma_start3A_137 = tpu.memref_slice %arg4[%dma_start3A_136] : memref<50000xf32, #tpu.memory_space<hbm>> -> memref<50000xf32, #tpu.memory_space<hbm>>
      tpu.enqueue_indirect_dma source(%dma_start3A_137 : memref<50000xf32, #tpu.memory_space<hbm>>) target(%arg17 : memref<1000xf32, #tpu.memory_space<vmem>>) offsets(%arg7 : memref<1000xi32, #tpu.memory_space<vmem>>) semaphore(%arg28 : memref<!tpu.dma_semaphore, #tpu.memory_space<semaphore_mem>>)
      %mul3A_138 = arith.constant 16 : i32
      %mul3A_139 = arith.muli %arg0, %mul3A_138 : i32
      %add3A_140 = arith.addi %mul3A_139, %arg1 : i32
      %mul3A_141 = arith.constant 25000 : i32
      %mul3A_142 = arith.muli %add3A_140, %mul3A_141 : i32
      %mul3A_143 = arith.constant 5 : i32
      %mul3A_144 = arith.muli %scan3A_18, %mul3A_143 : i32
      %add3A_145 = arith.constant 1 : i32
      %add3A_146 = arith.addi %mul3A_144, %add3A_145 : i32
      %mul3A_147 = arith.constant 1000 : i32
      %mul3A_148 = arith.muli %add3A_146, %mul3A_147 : i32
      %add3A_149 = arith.addi %mul3A_142, %mul3A_148 : i32
      %dma_wait3A_150 = tpu.memref_slice %arg2[%add3A_149] : memref<800000xi32, #tpu.memory_space<hbm>> -> memref<1000xi32, #tpu.memory_space<hbm>>
      %dma_wait3A_151 = tpu.memref_slice %arg2[%add3A_149] : memref<800000xi32, #tpu.memory_space<hbm>> -> memref<1000xi32, #tpu.memory_space<hbm>>
      tpu.wait_dma2 semaphore(%arg24 : memref<!tpu.dma_semaphore, #tpu.memory_space<semaphore_mem>>) src(%dma_wait3A_151 : memref<1000xi32, #tpu.memory_space<hbm>>) dst(%arg8 : memref<1000xi32, #tpu.memory_space<vmem>>)
      %dma_wait3A_152 = tpu.memref_slice %arg3[%add3A_149] : memref<800000xi32, #tpu.memory_space<hbm>> -> memref<1000xi32, #tpu.memory_space<hbm>>
      %dma_wait3A_153 = tpu.memref_slice %arg3[%add3A_149] : memref<800000xi32, #tpu.memory_space<hbm>> -> memref<1000xi32, #tpu.memory_space<hbm>>
      tpu.wait_dma2 semaphore(%arg24 : memref<!tpu.dma_semaphore, #tpu.memory_space<semaphore_mem>>) src(%dma_wait3A_153 : memref<1000xi32, #tpu.memory_space<hbm>>) dst(%arg13 : memref<1000xi32, #tpu.memory_space<vmem>>)
      %dma_start3A_154 = arith.constant 0 : i32
      %dma_start3A_155 = tpu.memref_slice %arg4[%dma_start3A_154] : memref<50000xf32, #tpu.memory_space<hbm>> -> memref<50000xf32, #tpu.memory_space<hbm>>
      tpu.enqueue_indirect_dma source(%dma_start3A_155 : memref<50000xf32, #tpu.memory_space<hbm>>) target(%arg18 : memref<1000xf32, #tpu.memory_space<vmem>>) offsets(%arg8 : memref<1000xi32, #tpu.memory_space<vmem>>) semaphore(%arg29 : memref<!tpu.dma_semaphore, #tpu.memory_space<semaphore_mem>>)
      %mul3A_156 = arith.constant 16 : i32
      %mul3A_157 = arith.muli %arg0, %mul3A_156 : i32
      %add3A_158 = arith.addi %mul3A_157, %arg1 : i32
      %mul3A_159 = arith.constant 25000 : i32
      %mul3A_160 = arith.muli %add3A_158, %mul3A_159 : i32
      %mul3A_161 = arith.constant 5 : i32
      %mul3A_162 = arith.muli %scan3A_18, %mul3A_161 : i32
      %add3A_163 = arith.constant 2 : i32
      %add3A_164 = arith.addi %mul3A_162, %add3A_163 : i32
      %mul3A_165 = arith.constant 1000 : i32
      %mul3A_166 = arith.muli %add3A_164, %mul3A_165 : i32
      %add3A_167 = arith.addi %mul3A_160, %mul3A_166 : i32
      %dma_wait3A_168 = tpu.memref_slice %arg2[%add3A_167] : memref<800000xi32, #tpu.memory_space<hbm>> -> memref<1000xi32, #tpu.memory_space<hbm>>
      %dma_wait3A_169 = tpu.memref_slice %arg2[%add3A_167] : memref<800000xi32, #tpu.memory_space<hbm>> -> memref<1000xi32, #tpu.memory_space<hbm>>
      tpu.wait_dma2 semaphore(%arg25 : memref<!tpu.dma_semaphore, #tpu.memory_space<semaphore_mem>>) src(%dma_wait3A_169 : memref<1000xi32, #tpu.memory_space<hbm>>) dst(%arg9 : memref<1000xi32, #tpu.memory_space<vmem>>)
      %dma_wait3A_170 = tpu.memref_slice %arg3[%add3A_167] : memref<800000xi32, #tpu.memory_space<hbm>> -> memref<1000xi32, #tpu.memory_space<hbm>>
      %dma_wait3A_171 = tpu.memref_slice %arg3[%add3A_167] : memref<800000xi32, #tpu.memory_space<hbm>> -> memref<1000xi32, #tpu.memory_space<hbm>>
      tpu.wait_dma2 semaphore(%arg25 : memref<!tpu.dma_semaphore, #tpu.memory_space<semaphore_mem>>) src(%dma_wait3A_171 : memref<1000xi32, #tpu.memory_space<hbm>>) dst(%arg14 : memref<1000xi32, #tpu.memory_space<vmem>>)
      %dma_start3A_172 = arith.constant 0 : i32
      %dma_start3A_173 = tpu.memref_slice %arg4[%dma_start3A_172] : memref<50000xf32, #tpu.memory_space<hbm>> -> memref<50000xf32, #tpu.memory_space<hbm>>
      tpu.enqueue_indirect_dma source(%dma_start3A_173 : memref<50000xf32, #tpu.memory_space<hbm>>) target(%arg19 : memref<1000xf32, #tpu.memory_space<vmem>>) offsets(%arg9 : memref<1000xi32, #tpu.memory_space<vmem>>) semaphore(%arg30 : memref<!tpu.dma_semaphore, #tpu.memory_space<semaphore_mem>>)
      %mul3A_174 = arith.constant 16 : i32
      %mul3A_175 = arith.muli %arg0, %mul3A_174 : i32
      %add3A_176 = arith.addi %mul3A_175, %arg1 : i32
      %mul3A_177 = arith.constant 25000 : i32
      %mul3A_178 = arith.muli %add3A_176, %mul3A_177 : i32
      %mul3A_179 = arith.constant 5 : i32
      %mul3A_180 = arith.muli %scan3A_18, %mul3A_179 : i32
      %add3A_181 = arith.constant 3 : i32
      %add3A_182 = arith.addi %mul3A_180, %add3A_181 : i32
      %mul3A_183 = arith.constant 1000 : i32
      %mul3A_184 = arith.muli %add3A_182, %mul3A_183 : i32
      %add3A_185 = arith.addi %mul3A_178, %mul3A_184 : i32
      %dma_wait3A_186 = tpu.memref_slice %arg2[%add3A_185] : memref<800000xi32, #tpu.memory_space<hbm>> -> memref<1000xi32, #tpu.memory_space<hbm>>
      %dma_wait3A_187 = tpu.memref_slice %arg2[%add3A_185] : memref<800000xi32, #tpu.memory_space<hbm>> -> memref<1000xi32, #tpu.memory_space<hbm>>
      tpu.wait_dma2 semaphore(%arg26 : memref<!tpu.dma_semaphore, #tpu.memory_space<semaphore_mem>>) src(%dma_wait3A_187 : memref<1000xi32, #tpu.memory_space<hbm>>) dst(%arg10 : memref<1000xi32, #tpu.memory_space<vmem>>)
      %dma_wait3A_188 = tpu.memref_slice %arg3[%add3A_185] : memref<800000xi32, #tpu.memory_space<hbm>> -> memref<1000xi32, #tpu.memory_space<hbm>>
      %dma_wait3A_189 = tpu.memref_slice %arg3[%add3A_185] : memref<800000xi32, #tpu.memory_space<hbm>> -> memref<1000xi32, #tpu.memory_space<hbm>>
      tpu.wait_dma2 semaphore(%arg26 : memref<!tpu.dma_semaphore, #tpu.memory_space<semaphore_mem>>) src(%dma_wait3A_189 : memref<1000xi32, #tpu.memory_space<hbm>>) dst(%arg15 : memref<1000xi32, #tpu.memory_space<vmem>>)
      %dma_start3A_190 = arith.constant 0 : i32
      %dma_start3A_191 = tpu.memref_slice %arg4[%dma_start3A_190] : memref<50000xf32, #tpu.memory_space<hbm>> -> memref<50000xf32, #tpu.memory_space<hbm>>
      tpu.enqueue_indirect_dma source(%dma_start3A_191 : memref<50000xf32, #tpu.memory_space<hbm>>) target(%arg20 : memref<1000xf32, #tpu.memory_space<vmem>>) offsets(%arg10 : memref<1000xi32, #tpu.memory_space<vmem>>) semaphore(%arg31 : memref<!tpu.dma_semaphore, #tpu.memory_space<semaphore_mem>>)
      %mul3A_192 = arith.constant 16 : i32
      %mul3A_193 = arith.muli %arg0, %mul3A_192 : i32
      %add3A_194 = arith.addi %mul3A_193, %arg1 : i32
      %mul3A_195 = arith.constant 25000 : i32
      %mul3A_196 = arith.muli %add3A_194, %mul3A_195 : i32
      %mul3A_197 = arith.constant 5 : i32
      %mul3A_198 = arith.muli %scan3A_18, %mul3A_197 : i32
      %add3A_199 = arith.constant 4 : i32
      %add3A_200 = arith.addi %mul3A_198, %add3A_199 : i32
      %mul3A_201 = arith.constant 1000 : i32
      %mul3A_202 = arith.muli %add3A_200, %mul3A_201 : i32
      %add3A_203 = arith.addi %mul3A_196, %mul3A_202 : i32
      %dma_wait3A_204 = tpu.memref_slice %arg2[%add3A_203] : memref<800000xi32, #tpu.memory_space<hbm>> -> memref<1000xi32, #tpu.memory_space<hbm>>
      %dma_wait3A_205 = tpu.memref_slice %arg2[%add3A_203] : memref<800000xi32, #tpu.memory_space<hbm>> -> memref<1000xi32, #tpu.memory_space<hbm>>
      tpu.wait_dma2 semaphore(%arg27 : memref<!tpu.dma_semaphore, #tpu.memory_space<semaphore_mem>>) src(%dma_wait3A_205 : memref<1000xi32, #tpu.memory_space<hbm>>) dst(%arg11 : memref<1000xi32, #tpu.memory_space<vmem>>)
      %dma_wait3A_206 = tpu.memref_slice %arg3[%add3A_203] : memref<800000xi32, #tpu.memory_space<hbm>> -> memref<1000xi32, #tpu.memory_space<hbm>>
      %dma_wait3A_207 = tpu.memref_slice %arg3[%add3A_203] : memref<800000xi32, #tpu.memory_space<hbm>> -> memref<1000xi32, #tpu.memory_space<hbm>>
      tpu.wait_dma2 semaphore(%arg27 : memref<!tpu.dma_semaphore, #tpu.memory_space<semaphore_mem>>) src(%dma_wait3A_207 : memref<1000xi32, #tpu.memory_space<hbm>>) dst(%arg16 : memref<1000xi32, #tpu.memory_space<vmem>>)
      %dma_start3A_208 = arith.constant 0 : i32
      %dma_start3A_209 = tpu.memref_slice %arg4[%dma_start3A_208] : memref<50000xf32, #tpu.memory_space<hbm>> -> memref<50000xf32, #tpu.memory_space<hbm>>
      tpu.enqueue_indirect_dma source(%dma_start3A_209 : memref<50000xf32, #tpu.memory_space<hbm>>) target(%arg21 : memref<1000xf32, #tpu.memory_space<vmem>>) offsets(%arg11 : memref<1000xi32, #tpu.memory_space<vmem>>) semaphore(%arg32 : memref<!tpu.dma_semaphore, #tpu.memory_space<semaphore_mem>>)
      %dma_wait3A_210 = arith.constant 0 : i32
      %dma_wait3A_211 = tpu.memref_slice %arg4[%dma_wait3A_210] : memref<50000xf32, #tpu.memory_space<hbm>> -> memref<50000xf32, #tpu.memory_space<hbm>>
      tpu.wait_indirect_dma semaphore(%arg28 : memref<!tpu.dma_semaphore, #tpu.memory_space<semaphore_mem>>) src(%dma_wait3A_211 : memref<50000xf32, #tpu.memory_space<hbm>>) dst(%arg17 : memref<1000xf32, #tpu.memory_space<vmem>>)
      %dma_start3A_212 = arith.constant 0 : i32
      %dma_start3A_213 = tpu.memref_slice %arg22[%dma_start3A_212] : memref<51200xf32, #tpu.memory_space<vmem_shared>> -> memref<51200xf32, #tpu.memory_space<vmem_shared>>
      tpu.enqueue_indirect_dma source(%arg17 : memref<1000xf32, #tpu.memory_space<vmem>>) target(%dma_start3A_213 : memref<51200xf32, #tpu.memory_space<vmem_shared>>) offsets(%arg12 : memref<1000xi32, #tpu.memory_space<vmem>>) semaphore(%arg33 : memref<!tpu.dma_semaphore, #tpu.memory_space<semaphore_mem>>) {add = true}
      %dma_wait3A_214 = arith.constant 0 : i32
      %dma_wait3A_215 = tpu.memref_slice %arg4[%dma_wait3A_214] : memref<50000xf32, #tpu.memory_space<hbm>> -> memref<50000xf32, #tpu.memory_space<hbm>>
      tpu.wait_indirect_dma semaphore(%arg29 : memref<!tpu.dma_semaphore, #tpu.memory_space<semaphore_mem>>) src(%dma_wait3A_215 : memref<50000xf32, #tpu.memory_space<hbm>>) dst(%arg18 : memref<1000xf32, #tpu.memory_space<vmem>>)
      %dma_start3A_216 = arith.constant 0 : i32
      %dma_start3A_217 = tpu.memref_slice %arg22[%dma_start3A_216] : memref<51200xf32, #tpu.memory_space<vmem_shared>> -> memref<51200xf32, #tpu.memory_space<vmem_shared>>
      tpu.enqueue_indirect_dma source(%arg18 : memref<1000xf32, #tpu.memory_space<vmem>>) target(%dma_start3A_217 : memref<51200xf32, #tpu.memory_space<vmem_shared>>) offsets(%arg13 : memref<1000xi32, #tpu.memory_space<vmem>>) semaphore(%arg34 : memref<!tpu.dma_semaphore, #tpu.memory_space<semaphore_mem>>) {add = true}
      %dma_wait3A_218 = arith.constant 0 : i32
      %dma_wait3A_219 = tpu.memref_slice %arg4[%dma_wait3A_218] : memref<50000xf32, #tpu.memory_space<hbm>> -> memref<50000xf32, #tpu.memory_space<hbm>>
      tpu.wait_indirect_dma semaphore(%arg30 : memref<!tpu.dma_semaphore, #tpu.memory_space<semaphore_mem>>) src(%dma_wait3A_219 : memref<50000xf32, #tpu.memory_space<hbm>>) dst(%arg19 : memref<1000xf32, #tpu.memory_space<vmem>>)
      %dma_start3A_220 = arith.constant 0 : i32
      %dma_start3A_221 = tpu.memref_slice %arg22[%dma_start3A_220] : memref<51200xf32, #tpu.memory_space<vmem_shared>> -> memref<51200xf32, #tpu.memory_space<vmem_shared>>
      tpu.enqueue_indirect_dma source(%arg19 : memref<1000xf32, #tpu.memory_space<vmem>>) target(%dma_start3A_221 : memref<51200xf32, #tpu.memory_space<vmem_shared>>) offsets(%arg14 : memref<1000xi32, #tpu.memory_space<vmem>>) semaphore(%arg35 : memref<!tpu.dma_semaphore, #tpu.memory_space<semaphore_mem>>) {add = true}
      %dma_wait3A_222 = arith.constant 0 : i32
      %dma_wait3A_223 = tpu.memref_slice %arg4[%dma_wait3A_222] : memref<50000xf32, #tpu.memory_space<hbm>> -> memref<50000xf32, #tpu.memory_space<hbm>>
      tpu.wait_indirect_dma semaphore(%arg31 : memref<!tpu.dma_semaphore, #tpu.memory_space<semaphore_mem>>) src(%dma_wait3A_223 : memref<50000xf32, #tpu.memory_space<hbm>>) dst(%arg20 : memref<1000xf32, #tpu.memory_space<vmem>>)
      %dma_start3A_224 = arith.constant 0 : i32
      %dma_start3A_225 = tpu.memref_slice %arg22[%dma_start3A_224] : memref<51200xf32, #tpu.memory_space<vmem_shared>> -> memref<51200xf32, #tpu.memory_space<vmem_shared>>
      tpu.enqueue_indirect_dma source(%arg20 : memref<1000xf32, #tpu.memory_space<vmem>>) target(%dma_start3A_225 : memref<51200xf32, #tpu.memory_space<vmem_shared>>) offsets(%arg15 : memref<1000xi32, #tpu.memory_space<vmem>>) semaphore(%arg36 : memref<!tpu.dma_semaphore, #tpu.memory_space<semaphore_mem>>) {add = true}
      %dma_wait3A_226 = arith.constant 0 : i32
      %dma_wait3A_227 = tpu.memref_slice %arg4[%dma_wait3A_226] : memref<50000xf32, #tpu.memory_space<hbm>> -> memref<50000xf32, #tpu.memory_space<hbm>>
      tpu.wait_indirect_dma semaphore(%arg32 : memref<!tpu.dma_semaphore, #tpu.memory_space<semaphore_mem>>) src(%dma_wait3A_227 : memref<50000xf32, #tpu.memory_space<hbm>>) dst(%arg21 : memref<1000xf32, #tpu.memory_space<vmem>>)
      %dma_start3A_228 = arith.constant 0 : i32
      %dma_start3A_229 = tpu.memref_slice %arg22[%dma_start3A_228] : memref<51200xf32, #tpu.memory_space<vmem_shared>> -> memref<51200xf32, #tpu.memory_space<vmem_shared>>
      tpu.enqueue_indirect_dma source(%arg21 : memref<1000xf32, #tpu.memory_space<vmem>>) target(%dma_start3A_229 : memref<51200xf32, #tpu.memory_space<vmem_shared>>) offsets(%arg16 : memref<1000xi32, #tpu.memory_space<vmem>>) semaphore(%arg37 : memref<!tpu.dma_semaphore, #tpu.memory_space<semaphore_mem>>) {add = true}
    }
    %scan3A_5 = arith.constant 5 : i32
    %dma_wait3A = arith.constant 0 : i32
    %dma_wait3A_6 = tpu.memref_slice %arg22[%dma_wait3A] : memref<51200xf32, #tpu.memory_space<vmem_shared>> -> memref<51200xf32, #tpu.memory_space<vmem_shared>>
    tpu.wait_indirect_dma semaphore(%arg33 : memref<!tpu.dma_semaphore, #tpu.memory_space<semaphore_mem>>) src(%arg17 : memref<1000xf32, #tpu.memory_space<vmem>>) dst(%dma_wait3A_6 : memref<51200xf32, #tpu.memory_space<vmem_shared>>)
    %dma_wait3A_7 = arith.constant 0 : i32
    %dma_wait3A_8 = tpu.memref_slice %arg22[%dma_wait3A_7] : memref<51200xf32, #tpu.memory_space<vmem_shared>> -> memref<51200xf32, #tpu.memory_space<vmem_shared>>
    tpu.wait_indirect_dma semaphore(%arg34 : memref<!tpu.dma_semaphore, #tpu.memory_space<semaphore_mem>>) src(%arg18 : memref<1000xf32, #tpu.memory_space<vmem>>) dst(%dma_wait3A_8 : memref<51200xf32, #tpu.memory_space<vmem_shared>>)
    %dma_wait3A_9 = arith.constant 0 : i32
    %dma_wait3A_10 = tpu.memref_slice %arg22[%dma_wait3A_9] : memref<51200xf32, #tpu.memory_space<vmem_shared>> -> memref<51200xf32, #tpu.memory_space<vmem_shared>>
    tpu.wait_indirect_dma semaphore(%arg35 : memref<!tpu.dma_semaphore, #tpu.memory_space<semaphore_mem>>) src(%arg19 : memref<1000xf32, #tpu.memory_space<vmem>>) dst(%dma_wait3A_10 : memref<51200xf32, #tpu.memory_space<vmem_shared>>)
    %dma_wait3A_11 = arith.constant 0 : i32
    %dma_wait3A_12 = tpu.memref_slice %arg22[%dma_wait3A_11] : memref<51200xf32, #tpu.memory_space<vmem_shared>> -> memref<51200xf32, #tpu.memory_space<vmem_shared>>
    tpu.wait_indirect_dma semaphore(%arg36 : memref<!tpu.dma_semaphore, #tpu.memory_space<semaphore_mem>>) src(%arg20 : memref<1000xf32, #tpu.memory_space<vmem>>) dst(%dma_wait3A_12 : memref<51200xf32, #tpu.memory_space<vmem_shared>>)
    %dma_wait3A_13 = arith.constant 0 : i32
    %dma_wait3A_14 = tpu.memref_slice %arg22[%dma_wait3A_13] : memref<51200xf32, #tpu.memory_space<vmem_shared>> -> memref<51200xf32, #tpu.memory_space<vmem_shared>>
    tpu.wait_indirect_dma semaphore(%arg37 : memref<!tpu.dma_semaphore, #tpu.memory_space<semaphore_mem>>) src(%arg21 : memref<1000xf32, #tpu.memory_space<vmem>>) dst(%dma_wait3A_14 : memref<51200xf32, #tpu.memory_space<vmem_shared>>)
    %barrier3A_15 = arith.constant 0 : index
    tpu.barrier barrier_id(%barrier3A_15)
    %mul3A_16 = arith.constant 51200 : i32
    %mul3A_17 = arith.muli %arg0, %mul3A_16 : i32
    %add3A = arith.addi %mul3A_17, %mul3A_0 : i32
    "tpu.region"() ({
      %run_scoped3A = tpu.sem_alloc : memref<!tpu.dma_semaphore, #tpu.memory_space<semaphore_mem>>
      %dma_start3A = tpu.memref_slice %arg6[%add3A] : memref<102400xf32, #tpu.memory_space<hbm>> -> memref<3200xf32, #tpu.memory_space<hbm>>
      %dma_start3A_18 = tpu.memref_slice %arg22[%mul3A_0] : memref<51200xf32, #tpu.memory_space<vmem_shared>> -> memref<3200xf32, #tpu.memory_space<vmem_shared>>
      tpu.enqueue_dma source(%dma_start3A_18 : memref<3200xf32, #tpu.memory_space<vmem_shared>>) target(%dma_start3A : memref<3200xf32, #tpu.memory_space<hbm>>) target_semaphore(%run_scoped3A : memref<!tpu.dma_semaphore, #tpu.memory_space<semaphore_mem>>)
      %dma_wait3A_19 = tpu.memref_slice %arg6[%add3A] : memref<102400xf32, #tpu.memory_space<hbm>> -> memref<3200xf32, #tpu.memory_space<hbm>>
      %dma_wait3A_20 = tpu.memref_slice %arg22[%mul3A_0] : memref<51200xf32, #tpu.memory_space<vmem_shared>> -> memref<3200xf32, #tpu.memory_space<vmem_shared>>
      tpu.wait_dma2 semaphore(%run_scoped3A : memref<!tpu.dma_semaphore, #tpu.memory_space<semaphore_mem>>) src(%dma_wait3A_20 : memref<3200xf32, #tpu.memory_space<vmem_shared>>) dst(%dma_wait3A_19 : memref<3200xf32, #tpu.memory_space<hbm>>)
      tpu.yield
    }) : () -> ()
    return
  }
}

module attributes {stable_mosaic.version = 14 : i64} {
  func.func @_tc_gx_body(%arg0: i32, %arg1: memref<2000x4xf32, #tpu.memory_space<vmem>>, %arg2: memref<2000x1xf32, #tpu.memory_space<vmem>>, %arg3: memref<2000x1xf32, #tpu.memory_space<vmem>>, %arg4: memref<2000x16xf32, #tpu.memory_space<vmem>>) attributes {dimension_semantics = [#tpu.dimension_semantics<arbitrary>], iteration_bounds = array<i64: 25>, scalar_prefetch = 0 : i64, scratch_operands = 0 : i64, tpu.core_type = #tpu.core_type<tc>, window_params = [{transform_indices = @transform_0, window_bounds = array<i64: 2000, 4>}, {transform_indices = @transform_1, window_bounds = array<i64: 2000, 1>}, {transform_indices = @transform_2, window_bounds = array<i64: 2000, 1>}, {transform_indices = @transform_3, window_bounds = array<i64: 2000, 16>}]} {
    %get3A = arith.constant 0 : index
    %get3A_0 = arith.constant 0 : index
    %get3A_1 = vector.load %arg2[%get3A, %get3A_0] : memref<2000x1xf32, #tpu.memory_space<vmem>>, vector<2000x1xf32>
    %get3A_2 = arith.constant 0 : index
    %get3A_3 = arith.constant 0 : index
    %get3A_4 = vector.load %arg3[%get3A_2, %get3A_3] : memref<2000x1xf32, #tpu.memory_space<vmem>>, vector<2000x1xf32>
    %add3A = arith.addf %get3A_1, %get3A_4 : vector<2000x1xf32>
    %add3A_5 = arith.constant 1.000000e+00 : f32
    %add3A_6 = vector.broadcast %add3A_5 : f32 to vector<2000x1xf32>
    %add3A_7 = arith.addf %add3A, %add3A_6 : vector<2000x1xf32>
    %rsqrt3A = math.rsqrt %add3A_7 : vector<2000x1xf32>
    %get3A_8 = arith.constant 0 : index
    %get3A_9 = arith.constant 0 : index
    %get3A_10 = vector.load %arg1[%get3A_8, %get3A_9] : memref<2000x4xf32, #tpu.memory_space<vmem>>, vector<2000x4xf32>
    %mul3A = vector.broadcast %rsqrt3A : vector<2000x1xf32> to vector<2000x4xf32>
    %mul3A_11 = arith.mulf %mul3A, %get3A_10 : vector<2000x4xf32>
    %broadcast_in_dim3A = arith.constant 0.000000e+00 : f32
    %broadcast_in_dim3A_12 = vector.broadcast %broadcast_in_dim3A : f32 to vector<2000x12xf32>
    %concatenate3A = tpu.concatenate %mul3A_11, %broadcast_in_dim3A_12 in 1 : vector<2000x4xf32>, vector<2000x12xf32> -> vector<2000x16xf32>
    %swap3A = arith.constant 0 : index
    %swap3A_13 = arith.constant 0 : index
    %swap3A_14 = vector.load %arg4[%swap3A, %swap3A_13] : memref<2000x16xf32, #tpu.memory_space<vmem>>, vector<2000x16xf32>
    tpu.vector_store %arg4[%swap3A, %swap3A_13], %concatenate3A {strides = array<i32>} : memref<2000x16xf32, #tpu.memory_space<vmem>>, vector<2000x16xf32>,
    return
  }
  func.func @transform_0(%arg0: i32) -> (i32, i32) {
    %c0_i32 = arith.constant 0 : i32
    %c0_i32_0 = arith.constant 0 : i32
    return %arg0, %c0_i32 : i32, i32
  }
  func.func @transform_1(%arg0: i32) -> (i32, i32) {
    %c0_i32 = arith.constant 0 : i32
    %c0_i32_0 = arith.constant 0 : i32
    return %arg0, %c0_i32 : i32, i32
  }
  func.func @transform_2(%arg0: i32) -> (i32, i32) {
    %c0_i32 = arith.constant 0 : i32
    %c0_i32_0 = arith.constant 0 : i32
    return %arg0, %c0_i32 : i32, i32
  }
  func.func @transform_3(%arg0: i32) -> (i32, i32) {
    %c0_i32 = arith.constant 0 : i32
    %c0_i32_0 = arith.constant 0 : i32
    return %arg0, %c0_i32 : i32, i32
  }
}

module attributes {stable_mosaic.version = 14 : i64} {
  func.func @_tc_l1_body(%arg0: i32, %arg1: memref<1x2000x16xf32, #tpu.memory_space<vmem>>, %arg2: memref<1x2000x16xf32, #tpu.memory_space<vmem>>, %arg3: memref<2000x16xf32, #tpu.memory_space<vmem>>, %arg4: memref<16x64xf32, #tpu.memory_space<vmem>>, %arg5: memref<64x64xf32, #tpu.memory_space<vmem>>, %arg6: memref<1x64xf32, #tpu.memory_space<vmem>>, %arg7: memref<2000x1xf32, #tpu.memory_space<vmem>>, %arg8: memref<2000x1xf32, #tpu.memory_space<vmem>>, %arg9: memref<2000x32xf32, #tpu.memory_space<vmem>>, %arg10: memref<2000x32xf32, #tpu.memory_space<vmem>>) attributes {dimension_semantics = [#tpu.dimension_semantics<arbitrary>], iteration_bounds = array<i64: 25>, scalar_prefetch = 0 : i64, scratch_operands = 0 : i64, tpu.core_type = #tpu.core_type<tc>, window_params = [{transform_indices = @transform_0, window_bounds = array<i64: 1, 2000, 16>}, {transform_indices = @transform_1, window_bounds = array<i64: 1, 2000, 16>}, {transform_indices = @transform_2, window_bounds = array<i64: 2000, 16>}, {pipeline_mode = #tpu.pipeline_mode<synchronous>, transform_indices = @transform_3, window_bounds = array<i64: 16, 64>}, {pipeline_mode = #tpu.pipeline_mode<synchronous>, transform_indices = @transform_4, window_bounds = array<i64: 64, 64>}, {pipeline_mode = #tpu.pipeline_mode<synchronous>, transform_indices = @transform_5, window_bounds = array<i64: 1, 64>}, {transform_indices = @transform_6, window_bounds = array<i64: 2000, 1>}, {transform_indices = @transform_7, window_bounds = array<i64: 2000, 1>}, {transform_indices = @transform_8, window_bounds = array<i64: 2000, 32>}, {transform_indices = @transform_9, window_bounds = array<i64: 2000, 32>}]} {
    %get3A = arith.constant 0 : index
    %get3A_0 = arith.constant 0 : index
    %get3A_1 = vector.load %arg7[%get3A, %get3A_0] : memref<2000x1xf32, #tpu.memory_space<vmem>>, vector<2000x1xf32>
    %get3A_2 = arith.constant 0 : index
    %get3A_3 = arith.constant 0 : index
    %get3A_4 = vector.load %arg8[%get3A_2, %get3A_3] : memref<2000x1xf32, #tpu.memory_space<vmem>>, vector<2000x1xf32>
    %add3A = arith.addf %get3A_1, %get3A_4 : vector<2000x1xf32>
    %add3A_5 = arith.constant 1.000000e+00 : f32
    %add3A_6 = vector.broadcast %add3A_5 : f32 to vector<2000x1xf32>
    %add3A_7 = arith.addf %add3A, %add3A_6 : vector<2000x1xf32>
    %rsqrt3A = math.rsqrt %add3A_7 : vector<2000x1xf32>
    %get3A_8 = arith.constant 0 : index
    %get3A_9 = arith.constant 0 : index
    %get3A_10 = arith.constant 0 : index
    %get3A_11 = vector.load %arg1[%get3A_8, %get3A_9, %get3A_10] : memref<1x2000x16xf32, #tpu.memory_space<vmem>>, vector<1x2000x16xf32>
    %get3A_12 = vector.shape_cast %get3A_11 : vector<1x2000x16xf32> to vector<2000x16xf32>
    %get3A_13 = arith.constant 0 : index
    %get3A_14 = arith.constant 0 : index
    %get3A_15 = arith.constant 0 : index
    %get3A_16 = vector.load %arg2[%get3A_13, %get3A_14, %get3A_15] : memref<1x2000x16xf32, #tpu.memory_space<vmem>>, vector<1x2000x16xf32>
    %get3A_17 = vector.shape_cast %get3A_16 : vector<1x2000x16xf32> to vector<2000x16xf32>
    %add3A_18 = arith.addf %get3A_12, %get3A_17 : vector<2000x16xf32>
    %get3A_19 = arith.constant 0 : index
    %get3A_20 = arith.constant 0 : index
    %get3A_21 = vector.load %arg3[%get3A_19, %get3A_20] : memref<2000x16xf32, #tpu.memory_space<vmem>>, vector<2000x16xf32>
    %add3A_22 = arith.addf %add3A_18, %get3A_21 : vector<2000x16xf32>
    %mul3A = vector.broadcast %rsqrt3A : vector<2000x1xf32> to vector<2000x16xf32>
    %mul3A_23 = arith.mulf %mul3A, %add3A_22 : vector<2000x16xf32>
    %get3A_24 = arith.constant 0 : index
    %get3A_25 = arith.constant 0 : index
    %get3A_26 = vector.load %arg4[%get3A_24, %get3A_25] : memref<16x64xf32, #tpu.memory_space<vmem>>, vector<16x64xf32>
    %dot_general3A = arith.constant dense<0.000000e+00> : vector<2000x64xf32>
    %dot_general3A_27 = tpu.matmul %mul3A_23, %get3A_26, %dot_general3A {dimension_numbers = #tpu.dot_dimension_numbers<[1], [0], [0], [1], [0, 0, 1, 1], [], []>, transpose_lhs_hint = false} : vector<2000x16xf32>, vector<16x64xf32>, vector<2000x64xf32> -> vector<2000x64xf32>
    %get3A_28 = arith.constant 0 : index
    %get3A_29 = arith.constant 0 : index
    %get3A_30 = vector.load %arg6[%get3A_28, %get3A_29] : memref<1x64xf32, #tpu.memory_space<vmem>>, vector<1x64xf32>
    %add3A_31 = vector.broadcast %get3A_30 : vector<1x64xf32> to vector<2000x64xf32>
    %add3A_32 = arith.addf %dot_general3A_27, %add3A_31 : vector<2000x64xf32>
    %max3A = arith.constant 0.000000e+00 : f32
    %max3A_33 = vector.broadcast %max3A : f32 to vector<2000x64xf32>
    %max3A_34 = arith.maximumf %add3A_32, %max3A_33 : vector<2000x64xf32>
    %get3A_35 = arith.constant 0 : index
    %get3A_36 = arith.constant 0 : index
    %get3A_37 = vector.load %arg5[%get3A_35, %get3A_36] : memref<64x64xf32, #tpu.memory_space<vmem>>, vector<64x64xf32>
    %dot_general3A_38 = arith.constant dense<0.000000e+00> : vector<2000x64xf32>
    %dot_general3A_39 = tpu.matmul %max3A_34, %get3A_37, %dot_general3A_38 {dimension_numbers = #tpu.dot_dimension_numbers<[1], [0], [0], [1], [0, 0, 1, 1], [], []>, transpose_lhs_hint = false} : vector<2000x64xf32>, vector<64x64xf32>, vector<2000x64xf32> -> vector<2000x64xf32>
    %mul3A_40 = vector.broadcast %rsqrt3A : vector<2000x1xf32> to vector<2000x64xf32>
    %mul3A_41 = arith.mulf %mul3A_40, %dot_general3A_39 : vector<2000x64xf32>
    %slice3A = vector.extract_strided_slice %mul3A_41 {offsets = [0, 0], sizes = [2000, 32], strides = [1, 1]} : vector<2000x64xf32> to vector<2000x32xf32>
    %swap3A = arith.constant 0 : index
    %swap3A_42 = arith.constant 0 : index
    %swap3A_43 = vector.load %arg9[%swap3A, %swap3A_42] : memref<2000x32xf32, #tpu.memory_space<vmem>>, vector<2000x32xf32>
    tpu.vector_store %arg9[%swap3A, %swap3A_42], %slice3A {strides = array<i32>} : memref<2000x32xf32, #tpu.memory_space<vmem>>, vector<2000x32xf32>,
    %slice3A_44 = vector.extract_strided_slice %mul3A_41 {offsets = [0, 32], sizes = [2000, 32], strides = [1, 1]} : vector<2000x64xf32> to vector<2000x32xf32>
    %swap3A_45 = arith.constant 0 : index
    %swap3A_46 = arith.constant 0 : index
    %swap3A_47 = vector.load %arg10[%swap3A_45, %swap3A_46] : memref<2000x32xf32, #tpu.memory_space<vmem>>, vector<2000x32xf32>
    tpu.vector_store %arg10[%swap3A_45, %swap3A_46], %slice3A_44 {strides = array<i32>} : memref<2000x32xf32, #tpu.memory_space<vmem>>, vector<2000x32xf32>,
    return
  }
  func.func @transform_0(%arg0: i32) -> (i32, i32, i32) {
    %c0_i32 = arith.constant 0 : i32
    %c0_i32_0 = arith.constant 0 : i32
    %c0_i32_1 = arith.constant 0 : i32
    return %c0_i32, %arg0, %c0_i32_0 : i32, i32, i32
  }
  func.func @transform_1(%arg0: i32) -> (i32, i32, i32) {
    %c1_i32 = arith.constant 1 : i32
    %c0_i32 = arith.constant 0 : i32
    %c0_i32_0 = arith.constant 0 : i32
    return %c1_i32, %arg0, %c0_i32 : i32, i32, i32
  }
  func.func @transform_2(%arg0: i32) -> (i32, i32) {
    %c0_i32 = arith.constant 0 : i32
    %c0_i32_0 = arith.constant 0 : i32
    return %arg0, %c0_i32 : i32, i32
  }
  func.func @transform_3(%arg0: i32) -> (i32, i32) {
    %c0_i32 = arith.constant 0 : i32
    %c0_i32_0 = arith.constant 0 : i32
    %c0_i32_1 = arith.constant 0 : i32
    return %c0_i32, %c0_i32_0 : i32, i32
  }
  func.func @transform_4(%arg0: i32) -> (i32, i32) {
    %c0_i32 = arith.constant 0 : i32
    %c0_i32_0 = arith.constant 0 : i32
    %c0_i32_1 = arith.constant 0 : i32
    return %c0_i32, %c0_i32_0 : i32, i32
  }
  func.func @transform_5(%arg0: i32) -> (i32, i32) {
    %c0_i32 = arith.constant 0 : i32
    %c0_i32_0 = arith.constant 0 : i32
    %c0_i32_1 = arith.constant 0 : i32
    return %c0_i32, %c0_i32_0 : i32, i32
  }
  func.func @transform_6(%arg0: i32) -> (i32, i32) {
    %c0_i32 = arith.constant 0 : i32
    %c0_i32_0 = arith.constant 0 : i32
    return %arg0, %c0_i32 : i32, i32
  }
  func.func @transform_7(%arg0: i32) -> (i32, i32) {
    %c0_i32 = arith.constant 0 : i32
    %c0_i32_0 = arith.constant 0 : i32
    return %arg0, %c0_i32 : i32, i32
  }
  func.func @transform_8(%arg0: i32) -> (i32, i32) {
    %c0_i32 = arith.constant 0 : i32
    %c0_i32_0 = arith.constant 0 : i32
    return %arg0, %c0_i32 : i32, i32
  }
  func.func @transform_9(%arg0: i32) -> (i32, i32) {
    %c0_i32 = arith.constant 0 : i32
    %c0_i32_0 = arith.constant 0 : i32
    return %arg0, %c0_i32 : i32, i32
  }
}

module attributes {stable_mosaic.version = 14 : i64} {
  func.func @_tc_mid_body(%arg0: i32, %arg1: memref<1x2000x32xf32, #tpu.memory_space<vmem>>, %arg2: memref<1x2000x32xf32, #tpu.memory_space<vmem>>, %arg3: memref<2000x32xf32, #tpu.memory_space<vmem>>, %arg4: memref<2000x32xf32, #tpu.memory_space<vmem>>, %arg5: memref<64x64xf32, #tpu.memory_space<vmem>>, %arg6: memref<1x64xf32, #tpu.memory_space<vmem>>, %arg7: memref<2000x1xf32, #tpu.memory_space<vmem>>, %arg8: memref<2000x1xf32, #tpu.memory_space<vmem>>, %arg9: memref<2000x32xf32, #tpu.memory_space<vmem>>, %arg10: memref<2000x32xf32, #tpu.memory_space<vmem>>) attributes {dimension_semantics = [#tpu.dimension_semantics<arbitrary>], iteration_bounds = array<i64: 25>, scalar_prefetch = 0 : i64, scratch_operands = 0 : i64, tpu.core_type = #tpu.core_type<tc>, window_params = [{transform_indices = @transform_0, window_bounds = array<i64: 1, 2000, 32>}, {transform_indices = @transform_1, window_bounds = array<i64: 1, 2000, 32>}, {transform_indices = @transform_2, window_bounds = array<i64: 2000, 32>}, {transform_indices = @transform_3, window_bounds = array<i64: 2000, 32>}, {pipeline_mode = #tpu.pipeline_mode<synchronous>, transform_indices = @transform_4, window_bounds = array<i64: 64, 64>}, {pipeline_mode = #tpu.pipeline_mode<synchronous>, transform_indices = @transform_5, window_bounds = array<i64: 1, 64>}, {transform_indices = @transform_6, window_bounds = array<i64: 2000, 1>}, {transform_indices = @transform_7, window_bounds = array<i64: 2000, 1>}, {transform_indices = @transform_8, window_bounds = array<i64: 2000, 32>}, {transform_indices = @transform_9, window_bounds = array<i64: 2000, 32>}]} {
    %get3A = arith.constant 0 : index
    %get3A_0 = arith.constant 0 : index
    %get3A_1 = vector.load %arg7[%get3A, %get3A_0] : memref<2000x1xf32, #tpu.memory_space<vmem>>, vector<2000x1xf32>
    %get3A_2 = arith.constant 0 : index
    %get3A_3 = arith.constant 0 : index
    %get3A_4 = vector.load %arg8[%get3A_2, %get3A_3] : memref<2000x1xf32, #tpu.memory_space<vmem>>, vector<2000x1xf32>
    %add3A = arith.addf %get3A_1, %get3A_4 : vector<2000x1xf32>
    %add3A_5 = arith.constant 1.000000e+00 : f32
    %add3A_6 = vector.broadcast %add3A_5 : f32 to vector<2000x1xf32>
    %add3A_7 = arith.addf %add3A, %add3A_6 : vector<2000x1xf32>
    %rsqrt3A = math.rsqrt %add3A_7 : vector<2000x1xf32>
    %get3A_8 = arith.constant 0 : index
    %get3A_9 = arith.constant 0 : index
    %get3A_10 = arith.constant 0 : index
    %get3A_11 = vector.load %arg1[%get3A_8, %get3A_9, %get3A_10] : memref<1x2000x32xf32, #tpu.memory_space<vmem>>, vector<1x2000x32xf32>
    %get3A_12 = vector.shape_cast %get3A_11 : vector<1x2000x32xf32> to vector<2000x32xf32>
    %get3A_13 = arith.constant 0 : index
    %get3A_14 = arith.constant 0 : index
    %get3A_15 = vector.load %arg3[%get3A_13, %get3A_14] : memref<2000x32xf32, #tpu.memory_space<vmem>>, vector<2000x32xf32>
    %add3A_16 = arith.addf %get3A_12, %get3A_15 : vector<2000x32xf32>
    %get3A_17 = arith.constant 0 : index
    %get3A_18 = arith.constant 0 : index
    %get3A_19 = arith.constant 0 : index
    %get3A_20 = vector.load %arg2[%get3A_17, %get3A_18, %get3A_19] : memref<1x2000x32xf32, #tpu.memory_space<vmem>>, vector<1x2000x32xf32>
    %get3A_21 = vector.shape_cast %get3A_20 : vector<1x2000x32xf32> to vector<2000x32xf32>
    %get3A_22 = arith.constant 0 : index
    %get3A_23 = arith.constant 0 : index
    %get3A_24 = vector.load %arg4[%get3A_22, %get3A_23] : memref<2000x32xf32, #tpu.memory_space<vmem>>, vector<2000x32xf32>
    %add3A_25 = arith.addf %get3A_21, %get3A_24 : vector<2000x32xf32>
    %concatenate3A = tpu.concatenate %add3A_16, %add3A_25 in 1 : vector<2000x32xf32>, vector<2000x32xf32> -> vector<2000x64xf32>
    %mul3A = vector.broadcast %rsqrt3A : vector<2000x1xf32> to vector<2000x64xf32>
    %mul3A_26 = arith.mulf %mul3A, %concatenate3A : vector<2000x64xf32>
    %get3A_27 = arith.constant 0 : index
    %get3A_28 = arith.constant 0 : index
    %get3A_29 = vector.load %arg6[%get3A_27, %get3A_28] : memref<1x64xf32, #tpu.memory_space<vmem>>, vector<1x64xf32>
    %add3A_30 = vector.broadcast %get3A_29 : vector<1x64xf32> to vector<2000x64xf32>
    %add3A_31 = arith.addf %mul3A_26, %add3A_30 : vector<2000x64xf32>
    %max3A = arith.constant 0.000000e+00 : f32
    %max3A_32 = vector.broadcast %max3A : f32 to vector<2000x64xf32>
    %max3A_33 = arith.maximumf %add3A_31, %max3A_32 : vector<2000x64xf32>
    %get3A_34 = arith.constant 0 : index
    %get3A_35 = arith.constant 0 : index
    %get3A_36 = vector.load %arg5[%get3A_34, %get3A_35] : memref<64x64xf32, #tpu.memory_space<vmem>>, vector<64x64xf32>
    %dot_general3A = arith.constant dense<0.000000e+00> : vector<2000x64xf32>
    %dot_general3A_37 = tpu.matmul %max3A_33, %get3A_36, %dot_general3A {dimension_numbers = #tpu.dot_dimension_numbers<[1], [0], [0], [1], [0, 0, 1, 1], [], []>, transpose_lhs_hint = false} : vector<2000x64xf32>, vector<64x64xf32>, vector<2000x64xf32> -> vector<2000x64xf32>
    %mul3A_38 = vector.broadcast %rsqrt3A : vector<2000x1xf32> to vector<2000x64xf32>
    %mul3A_39 = arith.mulf %mul3A_38, %dot_general3A_37 : vector<2000x64xf32>
    %slice3A = vector.extract_strided_slice %mul3A_39 {offsets = [0, 0], sizes = [2000, 32], strides = [1, 1]} : vector<2000x64xf32> to vector<2000x32xf32>
    %swap3A = arith.constant 0 : index
    %swap3A_40 = arith.constant 0 : index
    %swap3A_41 = vector.load %arg9[%swap3A, %swap3A_40] : memref<2000x32xf32, #tpu.memory_space<vmem>>, vector<2000x32xf32>
    tpu.vector_store %arg9[%swap3A, %swap3A_40], %slice3A {strides = array<i32>} : memref<2000x32xf32, #tpu.memory_space<vmem>>, vector<2000x32xf32>,
    %slice3A_42 = vector.extract_strided_slice %mul3A_39 {offsets = [0, 32], sizes = [2000, 32], strides = [1, 1]} : vector<2000x64xf32> to vector<2000x32xf32>
    %swap3A_43 = arith.constant 0 : index
    %swap3A_44 = arith.constant 0 : index
    %swap3A_45 = vector.load %arg10[%swap3A_43, %swap3A_44] : memref<2000x32xf32, #tpu.memory_space<vmem>>, vector<2000x32xf32>
    tpu.vector_store %arg10[%swap3A_43, %swap3A_44], %slice3A_42 {strides = array<i32>} : memref<2000x32xf32, #tpu.memory_space<vmem>>, vector<2000x32xf32>,
    return
  }
  func.func @transform_0(%arg0: i32) -> (i32, i32, i32) {
    %c0_i32 = arith.constant 0 : i32
    %c0_i32_0 = arith.constant 0 : i32
    %c0_i32_1 = arith.constant 0 : i32
    return %c0_i32, %arg0, %c0_i32_0 : i32, i32, i32
  }
  func.func @transform_1(%arg0: i32) -> (i32, i32, i32) {
    %c1_i32 = arith.constant 1 : i32
    %c0_i32 = arith.constant 0 : i32
    %c0_i32_0 = arith.constant 0 : i32
    return %c1_i32, %arg0, %c0_i32 : i32, i32, i32
  }
  func.func @transform_2(%arg0: i32) -> (i32, i32) {
    %c0_i32 = arith.constant 0 : i32
    %c0_i32_0 = arith.constant 0 : i32
    return %arg0, %c0_i32 : i32, i32
  }
  func.func @transform_3(%arg0: i32) -> (i32, i32) {
    %c0_i32 = arith.constant 0 : i32
    %c0_i32_0 = arith.constant 0 : i32
    return %arg0, %c0_i32 : i32, i32
  }
  func.func @transform_4(%arg0: i32) -> (i32, i32) {
    %c0_i32 = arith.constant 0 : i32
    %c0_i32_0 = arith.constant 0 : i32
    %c0_i32_1 = arith.constant 0 : i32
    return %c0_i32, %c0_i32_0 : i32, i32
  }
  func.func @transform_5(%arg0: i32) -> (i32, i32) {
    %c0_i32 = arith.constant 0 : i32
    %c0_i32_0 = arith.constant 0 : i32
    %c0_i32_1 = arith.constant 0 : i32
    return %c0_i32, %c0_i32_0 : i32, i32
  }
  func.func @transform_6(%arg0: i32) -> (i32, i32) {
    %c0_i32 = arith.constant 0 : i32
    %c0_i32_0 = arith.constant 0 : i32
    return %arg0, %c0_i32 : i32, i32
  }
  func.func @transform_7(%arg0: i32) -> (i32, i32) {
    %c0_i32 = arith.constant 0 : i32
    %c0_i32_0 = arith.constant 0 : i32
    return %arg0, %c0_i32 : i32, i32
  }
  func.func @transform_8(%arg0: i32) -> (i32, i32) {
    %c0_i32 = arith.constant 0 : i32
    %c0_i32_0 = arith.constant 0 : i32
    return %arg0, %c0_i32 : i32, i32
  }
  func.func @transform_9(%arg0: i32) -> (i32, i32) {
    %c0_i32 = arith.constant 0 : i32
    %c0_i32_0 = arith.constant 0 : i32
    return %arg0, %c0_i32 : i32, i32
  }
}

module attributes {stable_mosaic.version = 14 : i64} {
  func.func @_tc_l4_body(%arg0: i32, %arg1: memref<1x2000x32xf32, #tpu.memory_space<vmem>>, %arg2: memref<1x2000x32xf32, #tpu.memory_space<vmem>>, %arg3: memref<2000x32xf32, #tpu.memory_space<vmem>>, %arg4: memref<2000x32xf32, #tpu.memory_space<vmem>>, %arg5: memref<64x1xf32, #tpu.memory_space<vmem>>, %arg6: memref<1x64xf32, #tpu.memory_space<vmem>>, %arg7: memref<2000x1xf32, #tpu.memory_space<vmem>>, %arg8: memref<2000x1xf32, #tpu.memory_space<vmem>>, %arg9: memref<2000x1xf32, #tpu.memory_space<vmem>>) attributes {dimension_semantics = [#tpu.dimension_semantics<arbitrary>], iteration_bounds = array<i64: 25>, scalar_prefetch = 0 : i64, scratch_operands = 0 : i64, tpu.core_type = #tpu.core_type<tc>, window_params = [{transform_indices = @transform_0, window_bounds = array<i64: 1, 2000, 32>}, {transform_indices = @transform_1, window_bounds = array<i64: 1, 2000, 32>}, {transform_indices = @transform_2, window_bounds = array<i64: 2000, 32>}, {transform_indices = @transform_3, window_bounds = array<i64: 2000, 32>}, {pipeline_mode = #tpu.pipeline_mode<synchronous>, transform_indices = @transform_4, window_bounds = array<i64: 64, 1>}, {pipeline_mode = #tpu.pipeline_mode<synchronous>, transform_indices = @transform_5, window_bounds = array<i64: 1, 64>}, {transform_indices = @transform_6, window_bounds = array<i64: 2000, 1>}, {transform_indices = @transform_7, window_bounds = array<i64: 2000, 1>}, {transform_indices = @transform_8, window_bounds = array<i64: 2000, 1>}]} {
    %get3A = arith.constant 0 : index
    %get3A_0 = arith.constant 0 : index
    %get3A_1 = vector.load %arg7[%get3A, %get3A_0] : memref<2000x1xf32, #tpu.memory_space<vmem>>, vector<2000x1xf32>
    %get3A_2 = arith.constant 0 : index
    %get3A_3 = arith.constant 0 : index
    %get3A_4 = vector.load %arg8[%get3A_2, %get3A_3] : memref<2000x1xf32, #tpu.memory_space<vmem>>, vector<2000x1xf32>
    %add3A = arith.addf %get3A_1, %get3A_4 : vector<2000x1xf32>
    %add3A_5 = arith.constant 1.000000e+00 : f32
    %add3A_6 = vector.broadcast %add3A_5 : f32 to vector<2000x1xf32>
    %add3A_7 = arith.addf %add3A, %add3A_6 : vector<2000x1xf32>
    %rsqrt3A = math.rsqrt %add3A_7 : vector<2000x1xf32>
    %get3A_8 = arith.constant 0 : index
    %get3A_9 = arith.constant 0 : index
    %get3A_10 = arith.constant 0 : index
    %get3A_11 = vector.load %arg1[%get3A_8, %get3A_9, %get3A_10] : memref<1x2000x32xf32, #tpu.memory_space<vmem>>, vector<1x2000x32xf32>
    %get3A_12 = vector.shape_cast %get3A_11 : vector<1x2000x32xf32> to vector<2000x32xf32>
    %get3A_13 = arith.constant 0 : index
    %get3A_14 = arith.constant 0 : index
    %get3A_15 = vector.load %arg3[%get3A_13, %get3A_14] : memref<2000x32xf32, #tpu.memory_space<vmem>>, vector<2000x32xf32>
    %add3A_16 = arith.addf %get3A_12, %get3A_15 : vector<2000x32xf32>
    %get3A_17 = arith.constant 0 : index
    %get3A_18 = arith.constant 0 : index
    %get3A_19 = arith.constant 0 : index
    %get3A_20 = vector.load %arg2[%get3A_17, %get3A_18, %get3A_19] : memref<1x2000x32xf32, #tpu.memory_space<vmem>>, vector<1x2000x32xf32>
    %get3A_21 = vector.shape_cast %get3A_20 : vector<1x2000x32xf32> to vector<2000x32xf32>
    %get3A_22 = arith.constant 0 : index
    %get3A_23 = arith.constant 0 : index
    %get3A_24 = vector.load %arg4[%get3A_22, %get3A_23] : memref<2000x32xf32, #tpu.memory_space<vmem>>, vector<2000x32xf32>
    %add3A_25 = arith.addf %get3A_21, %get3A_24 : vector<2000x32xf32>
    %concatenate3A = tpu.concatenate %add3A_16, %add3A_25 in 1 : vector<2000x32xf32>, vector<2000x32xf32> -> vector<2000x64xf32>
    %mul3A = vector.broadcast %rsqrt3A : vector<2000x1xf32> to vector<2000x64xf32>
    %mul3A_26 = arith.mulf %mul3A, %concatenate3A : vector<2000x64xf32>
    %get3A_27 = arith.constant 0 : index
    %get3A_28 = arith.constant 0 : index
    %get3A_29 = vector.load %arg6[%get3A_27, %get3A_28] : memref<1x64xf32, #tpu.memory_space<vmem>>, vector<1x64xf32>
    %add3A_30 = vector.broadcast %get3A_29 : vector<1x64xf32> to vector<2000x64xf32>
    %add3A_31 = arith.addf %mul3A_26, %add3A_30 : vector<2000x64xf32>
    %max3A = arith.constant 0.000000e+00 : f32
    %max3A_32 = vector.broadcast %max3A : f32 to vector<2000x64xf32>
    %max3A_33 = arith.maximumf %add3A_31, %max3A_32 : vector<2000x64xf32>
    %get3A_34 = arith.constant 0 : index
    %get3A_35 = arith.constant 0 : index
    %get3A_36 = vector.load %arg5[%get3A_34, %get3A_35] : memref<64x1xf32, #tpu.memory_space<vmem>>, vector<64x1xf32>
    %dot_general3A = arith.constant dense<0.000000e+00> : vector<2000x1xf32>
    %dot_general3A_37 = tpu.matmul %max3A_33, %get3A_36, %dot_general3A {dimension_numbers = #tpu.dot_dimension_numbers<[1], [0], [0], [1], [0, 0, 1, 1], [], []>, transpose_lhs_hint = false} : vector<2000x64xf32>, vector<64x1xf32>, vector<2000x1xf32> -> vector<2000x1xf32>
    %mul3A_38 = arith.mulf %rsqrt3A, %dot_general3A_37 : vector<2000x1xf32>
    %swap3A = arith.constant 0 : index
    %swap3A_39 = arith.constant 0 : index
    %swap3A_40 = vector.load %arg9[%swap3A, %swap3A_39] : memref<2000x1xf32, #tpu.memory_space<vmem>>, vector<2000x1xf32>
    tpu.vector_store %arg9[%swap3A, %swap3A_39], %mul3A_38 {strides = array<i32>} : memref<2000x1xf32, #tpu.memory_space<vmem>>, vector<2000x1xf32>,
    return
  }
  func.func @transform_0(%arg0: i32) -> (i32, i32, i32) {
    %c0_i32 = arith.constant 0 : i32
    %c0_i32_0 = arith.constant 0 : i32
    %c0_i32_1 = arith.constant 0 : i32
    return %c0_i32, %arg0, %c0_i32_0 : i32, i32, i32
  }
  func.func @transform_1(%arg0: i32) -> (i32, i32, i32) {
    %c1_i32 = arith.constant 1 : i32
    %c0_i32 = arith.constant 0 : i32
    %c0_i32_0 = arith.constant 0 : i32
    return %c1_i32, %arg0, %c0_i32 : i32, i32, i32
  }
  func.func @transform_2(%arg0: i32) -> (i32, i32) {
    %c0_i32 = arith.constant 0 : i32
    %c0_i32_0 = arith.constant 0 : i32
    return %arg0, %c0_i32 : i32, i32
  }
  func.func @transform_3(%arg0: i32) -> (i32, i32) {
    %c0_i32 = arith.constant 0 : i32
    %c0_i32_0 = arith.constant 0 : i32
    return %arg0, %c0_i32 : i32, i32
  }
  func.func @transform_4(%arg0: i32) -> (i32, i32) {
    %c0_i32 = arith.constant 0 : i32
    %c0_i32_0 = arith.constant 0 : i32
    %c0_i32_1 = arith.constant 0 : i32
    return %c0_i32, %c0_i32_0 : i32, i32
  }
  func.func @transform_5(%arg0: i32) -> (i32, i32) {
    %c0_i32 = arith.constant 0 : i32
    %c0_i32_0 = arith.constant 0 : i32
    %c0_i32_1 = arith.constant 0 : i32
    return %c0_i32, %c0_i32_0 : i32, i32
  }
  func.func @transform_6(%arg0: i32) -> (i32, i32) {
    %c0_i32 = arith.constant 0 : i32
    %c0_i32_0 = arith.constant 0 : i32
    return %arg0, %c0_i32 : i32, i32
  }
  func.func @transform_7(%arg0: i32) -> (i32, i32) {
    %c0_i32 = arith.constant 0 : i32
    %c0_i32_0 = arith.constant 0 : i32
    return %arg0, %c0_i32 : i32, i32
  }
  func.func @transform_8(%arg0: i32) -> (i32, i32) {
    %c0_i32 = arith.constant 0 : i32
    %c0_i32_0 = arith.constant 0 : i32
    return %arg0, %c0_i32 : i32, i32
  }
}

module attributes {stable_mosaic.version = 14 : i64} {
  func.func @_tc_out_body(%arg0: i32, %arg1: memref<2000x1xf32, #tpu.memory_space<vmem>>, %arg2: memref<2000x1xf32, #tpu.memory_space<vmem>>, %arg3: memref<2000x1xf32, #tpu.memory_space<vmem>>, %arg4: memref<1x1xf32, #tpu.memory_space<vmem>>, %arg5: memref<2000x1xf32, #tpu.memory_space<vmem>>, %arg6: memref<2000x1xf32, #tpu.memory_space<vmem>>, %arg7: memref<2000x1xf32, #tpu.memory_space<vmem>>) attributes {dimension_semantics = [#tpu.dimension_semantics<arbitrary>], iteration_bounds = array<i64: 25>, scalar_prefetch = 0 : i64, scratch_operands = 0 : i64, tpu.core_type = #tpu.core_type<tc>, window_params = [{transform_indices = @transform_0, window_bounds = array<i64: 2000, 1>}, {transform_indices = @transform_1, window_bounds = array<i64: 2000, 1>}, {transform_indices = @transform_2, window_bounds = array<i64: 2000, 1>}, {pipeline_mode = #tpu.pipeline_mode<synchronous>, transform_indices = @transform_3, window_bounds = array<i64: 1, 1>}, {transform_indices = @transform_4, window_bounds = array<i64: 2000, 1>}, {transform_indices = @transform_5, window_bounds = array<i64: 2000, 1>}, {transform_indices = @transform_6, window_bounds = array<i64: 2000, 1>}]} {
    %get3A = arith.constant 0 : index
    %get3A_0 = arith.constant 0 : index
    %get3A_1 = vector.load %arg5[%get3A, %get3A_0] : memref<2000x1xf32, #tpu.memory_space<vmem>>, vector<2000x1xf32>
    %get3A_2 = arith.constant 0 : index
    %get3A_3 = arith.constant 0 : index
    %get3A_4 = vector.load %arg6[%get3A_2, %get3A_3] : memref<2000x1xf32, #tpu.memory_space<vmem>>, vector<2000x1xf32>
    %add3A = arith.addf %get3A_1, %get3A_4 : vector<2000x1xf32>
    %add3A_5 = arith.constant 1.000000e+00 : f32
    %add3A_6 = vector.broadcast %add3A_5 : f32 to vector<2000x1xf32>
    %add3A_7 = arith.addf %add3A, %add3A_6 : vector<2000x1xf32>
    %rsqrt3A = math.rsqrt %add3A_7 : vector<2000x1xf32>
    %get3A_8 = arith.constant 0 : index
    %get3A_9 = arith.constant 0 : index
    %get3A_10 = vector.load %arg1[%get3A_8, %get3A_9] : memref<2000x1xf32, #tpu.memory_space<vmem>>, vector<2000x1xf32>
    %get3A_11 = arith.constant 0 : index
    %get3A_12 = arith.constant 0 : index
    %get3A_13 = vector.load %arg2[%get3A_11, %get3A_12] : memref<2000x1xf32, #tpu.memory_space<vmem>>, vector<2000x1xf32>
    %add3A_14 = arith.addf %get3A_10, %get3A_13 : vector<2000x1xf32>
    %get3A_15 = arith.constant 0 : index
    %get3A_16 = arith.constant 0 : index
    %get3A_17 = vector.load %arg3[%get3A_15, %get3A_16] : memref<2000x1xf32, #tpu.memory_space<vmem>>, vector<2000x1xf32>
    %add3A_18 = arith.addf %add3A_14, %get3A_17 : vector<2000x1xf32>
    %mul3A = arith.mulf %rsqrt3A, %add3A_18 : vector<2000x1xf32>
    %get3A_19 = arith.constant 0 : index
    %get3A_20 = arith.constant 0 : index
    %get3A_21 = vector.load %arg4[%get3A_19, %get3A_20] : memref<1x1xf32, #tpu.memory_space<vmem>>, vector<1x1xf32>
    %add3A_22 = vector.broadcast %get3A_21 : vector<1x1xf32> to vector<2000x1xf32>
    %add3A_23 = arith.addf %mul3A, %add3A_22 : vector<2000x1xf32>
    %swap3A = arith.constant 0 : index
    %swap3A_24 = arith.constant 0 : index
    %swap3A_25 = vector.load %arg7[%swap3A, %swap3A_24] : memref<2000x1xf32, #tpu.memory_space<vmem>>, vector<2000x1xf32>
    tpu.vector_store %arg7[%swap3A, %swap3A_24], %add3A_23 {strides = array<i32>} : memref<2000x1xf32, #tpu.memory_space<vmem>>, vector<2000x1xf32>,
    return
  }
  func.func @transform_0(%arg0: i32) -> (i32, i32) {
    %c0_i32 = arith.constant 0 : i32
    %c0_i32_0 = arith.constant 0 : i32
    return %arg0, %c0_i32 : i32, i32
  }
  func.func @transform_1(%arg0: i32) -> (i32, i32) {
    %c0_i32 = arith.constant 0 : i32
    %c0_i32_0 = arith.constant 0 : i32
    return %arg0, %c0_i32 : i32, i32
  }
  func.func @transform_2(%arg0: i32) -> (i32, i32) {
    %c0_i32 = arith.constant 0 : i32
    %c0_i32_0 = arith.constant 0 : i32
    return %arg0, %c0_i32 : i32, i32
  }
  func.func @transform_3(%arg0: i32) -> (i32, i32) {
    %c0_i32 = arith.constant 0 : i32
    %c0_i32_0 = arith.constant 0 : i32
    %c0_i32_1 = arith.constant 0 : i32
    return %c0_i32, %c0_i32_0 : i32, i32
  }
  func.func @transform_4(%arg0: i32) -> (i32, i32) {
    %c0_i32 = arith.constant 0 : i32
    %c0_i32_0 = arith.constant 0 : i32
    return %arg0, %c0_i32 : i32, i32
  }
  func.func @transform_5(%arg0: i32) -> (i32, i32) {
    %c0_i32 = arith.constant 0 : i32
    %c0_i32_0 = arith.constant 0 : i32
    return %arg0, %c0_i32 : i32, i32
  }
  func.func @transform_6(%arg0: i32) -> (i32, i32) {
    %c0_i32 = arith.constant 0 : i32
    %c0_i32_0 = arith.constant 0 : i32
    return %arg0, %c0_i32 : i32, i32
  }
}

</mosaic_0001>

<sc_bundles>
// kernel: kernel.12.cloned.1.call-start
scs
__scs_entry_jumppad:
0x0: {  	(pc) =	sbr.rel $0x88, $3  }
0x1: {  	(tag) =	ssettag $0x0;
	lr =	simm.s32 $0x1  }
0x2: {  	[smem:$0x3F97] =	sst lr;
	_ =	strace $0xD0000000  }
0x3: {  	_ = 	snop  }
0x4: {  	_ = 	snop  }
0x5: {  	_ = 	snop  }
0x6: {  	_ = 	snop  }
0x7: {  	_ = 	snop  }
__scs_overlays_trampoline_lowered:
0x8: {  	[smem:$0x3FA6] =	sst s0  }
0x9: {  	[smem:$0x3FA7] =	sst s1  }
0xa: {  	[smem:$0x3FA8] =	sst s2  }
0xb: {  	[smem:$0x3FA9] =	sst s3  }
0xc: {  	[smem:$0x3FAA] =	sst s4  }
0xd: {  	[smem:$0x3FAB] =	sst s5  }
0xe: {  	[smem:$0x3FAC] =	sst s6  }
0xf: {  	[smem:$0x3FAD] =	sst s7  }
0x10: {  	[smem:$0x3FAE] =	sst s8  }
0x11: {  	[smem:$0x3FAF] =	sst s9;
	s0 =	simm.s32 @!p0 $0x0  }
0x12: {  	s1 =	sld [smem:$0x3F95];
	s0 =	simm.s32 @p0 $0x1  }
0x13: {  	[smem:$0x3FB0] =	sst s0;
	s0 =	simm.s32 @!p1 $0x0  }
0x14: {  	s2 =	sld [smem:$0x3F94];
	s0 =	simm.s32 @p1 $0x1  }
0x15: {  	[smem:$0x3FB1] =	sst s0;
	s0 =	simm.s32 @!p2 $0x0  }
0x16: {  	s3 =	sld [smem:$0x3FDB];
	s0 =	simm.s32 @p2 $0x1  }
0x17: {  	s4 =	simm.s32 $0x1BF5;
	[smem:$0x3FB3] =	sst s0  }
0x18: {  	s0 =	sld [smem:$0x3F96];
	_ =	swait.ge [sflag:s4], $0x0  }
0x19: {  	s7 =	sld [smem:$0x3F97]  }
0x1a: {  	s8 =	sadd.s32 $0xFFFFE003, lr  }
0x1b: {  	s9 =	sadd.s32 $0xFFFFFEF7, lr;
	s5 =	simm.s32 $0xFFFFFFFF;
	p2 =	slt.u32 s8, $0xFFFFF086  }
0x1c: {  	p1 =	slt.u32 s9, $0xF7A;
	s5 =	simm.s32 @!p2 $0x0  }
0x1d: {  	s5 =	simm.s32 @p1 $0x1;
	p0 =	seq.s32 s7, s2  }
0x1e: {  	s7 =	smul.u32 @!p0 $0xF7A, s2;
	p2 =	seq.s32 @!p0 s5, $0x0  }
0x1f: {  	s9 =	smul.u32 $0xF7A, s1;
	s8 =	simm.s32 @!p0 $0x1BF5;
	p2 =	por !p2, p0  }
0x20: {  	[sflag:s8] =	ssyncset.s32 @!p0 $0xFFFFF086;
	s6 =	sadd.s32 @!p0 s3, s7;
	s7 =	simm.s32 @!p0 $0x108  }
0x21: {  	s3 =	sadd.s32 s3, s9;
	s6 =	sadd.s32 @!p0 $0x88, s6;
	s7 =	simm.s32 @p2 $0x1082  }
0x22: {  	[simem:s7], [sflag:s8] =	dma.local @!p0 [hbm:s6], $0xF7A  }
0x23: {  	s9 =	sor.u32 $0xD0000000, s2;
	s6 =	simm.s32 $0x108;
	_ =	swait.ge @!p0 [sflag:s8], $0x0  }
0x24: {  	s3 =	sadd.s32 $0x88, s3;
	s6 =	simm.s32 @!p1 $0x1082;
	[sflag:s4] =	ssyncset.s32 $0xFFFFF086  }
0x25: {  	[simem:s6], [sflag:s4] =	dma.local [hbm:s3], $0xF7A  }
0x26: {  	[smem:$0x3F97] =	sst s1;
	(tag) =	ssettag s2;
	_ =	strace s9  }
0x27: {  	s1 =	sld [smem:$0x3FA7]  }
0x28: {  	s2 =	sld [smem:$0x3FA8]  }
0x29: {  	s4 =	sld [smem:$0x3FAA]  }
0x2a: {  	p0 =	seq.s32 s5, $0x0;
	s5 =	sld [smem:$0x3FAB]  }
0x2b: {  	s6 =	sld [smem:$0x3FAC]  }
0x2c: {  	s7 =	sld [smem:$0x3FAD]  }
0x2d: {  	s3 =	simm.s32 $0x108;
	s8 =	sld [smem:$0x3FAE]  }
0x2e: {  	s3 =	simm.s32 @!p0 $0x1082;
	s9 =	sld [smem:$0x3FAF]  }
0x2f: {  	lr =	sadd.s32 s0, s3;
	s0 =	sld [smem:$0x3FA6]  }
0x30: {  	s3 =	sld [smem:$0x3FA9]  }
0x31: {  	[smem:$0x3FB2] =	sst s10  }
0x32: {  	s10 =	sld [smem:$0x3FB0];
	_ =	sdelay $0x3  }
0x33: {  	p0 =	seq.s32 s10, $0x1;
	s10 =	sld [smem:$0x3FB2];
	_ =	sdelay $0x3  }
0x34: {  	[smem:$0x3FB2] =	sst s10  }
0x35: {  	s10 =	sld [smem:$0x3FB1];
	_ =	sdelay $0x3  }
0x36: {  	p1 =	seq.s32 s10, $0x1;
	s10 =	sld [smem:$0x3FB2];
	_ =	sdelay $0x3  }
0x37: {  	[smem:$0x3FB2] =	sst s10  }
0x38: {  	s10 =	sld [smem:$0x3FB3]  }
0x39: {  	_ = 	snop;
	(pc) =	sbr.ind lr, $3  }
0x3a: {  	_ = 	snop  }
0x3b: {  	_ = 	snop  }
0x3c: {  	p2 =	seq.s32 s10, $0x1;
	s10 =	sld [smem:$0x3FB2]  }
0x3d: {  	_ =	shalt  }
0x3e: {  	_ =	shalt  }
0x3f: {  	_ =	shalt  }
0x40: {  	_ =	shalt  }
0x41: {  	_ =	shalt  }
0x42: {  	_ =	shalt  }
0x43: {  	_ =	shalt  }
0x44: {  	_ =	shalt  }
0x45: {  	_ =	shalt  }
0x46: {  	_ =	shalt  }
0x47: {  	_ =	shalt  }
0x48: {  	_ =	shalt  }
0x49: {  	_ =	shalt  }
0x4a: {  	_ =	shalt  }
0x4b: {  	_ =	shalt  }
0x4c: {  	_ =	shalt  }
0x4d: {  	_ =	shalt  }
0x4e: {  	_ =	shalt  }
0x4f: {  	_ =	shalt  }
0x50: {  	_ =	shalt  }
0x51: {  	_ =	shalt  }
0x52: {  	_ =	shalt  }
0x53: {  	_ =	shalt  }
0x54: {  	_ =	shalt  }
0x55: {  	_ =	shalt  }
0x56: {  	_ =	shalt  }
0x57: {  	_ =	shalt  }
0x58: {  	_ =	shalt  }
0x59: {  	_ =	shalt  }
0x5a: {  	_ =	shalt  }
0x5b: {  	_ =	shalt  }
0x5c: {  	_ =	shalt  }
0x5d: {  	_ =	shalt  }
0x5e: {  	_ =	shalt  }
0x5f: {  	_ =	shalt  }
0x60: {  	_ =	shalt  }
0x61: {  	_ =	shalt  }
0x62: {  	_ =	shalt  }
0x63: {  	_ =	shalt  }
0x64: {  	_ =	shalt  }
0x65: {  	_ =	shalt  }
0x66: {  	_ =	shalt  }
0x67: {  	_ =	shalt  }
0x68: {  	_ =	shalt  }
0x69: {  	_ =	shalt  }
0x6a: {  	_ =	shalt  }
0x6b: {  	_ =	shalt  }
0x6c: {  	_ =	shalt  }
0x6d: {  	_ =	shalt  }
0x6e: {  	_ =	shalt  }
0x6f: {  	_ =	shalt  }
0x70: {  	_ =	shalt  }
0x71: {  	_ =	shalt  }
0x72: {  	_ =	shalt  }
0x73: {  	_ =	shalt  }
0x74: {  	_ =	shalt  }
0x75: {  	_ =	shalt  }
0x76: {  	_ =	shalt  }
0x77: {  	_ =	shalt  }
0x78: {  	_ =	shalt  }
0x79: {  	_ =	shalt  }
0x7a: {  	_ =	shalt  }
0x7b: {  	_ =	shalt  }
0x7c: {  	_ =	shalt  }
0x7d: {  	_ =	shalt  }
0x7e: {  	_ =	shalt  }
0x7f: {  	_ =	shalt  }
0x80: {  	_ =	shalt  }
0x81: {  	_ =	shalt  }
0x82: {  	_ =	shalt  }
0x83: {  	_ =	shalt  }
0x84: {  	_ =	shalt  }
0x85: {  	_ =	shalt  }
0x86: {  	_ =	shalt  }
0x87: {  	_ =	shalt  }
.Lfunc_end0:
.L_simem_size_0:
called_computation_lowered:
.L_overlay_start_0:
0x88: {  	s2 =	sld [smem:$0x3FD9]  }
0x89: {  	s3 =	sld [smem:$0x3FFE];
	_ =	sdelay $0x1  }
0x8a: {  	s1 =	srdreg.scid  }
0x8b: {  	s0 =	sand.u32 $0x1, s1  }
0x8c: {  	s17 =	sshll.u32 s0, $0xA;
	s2 =	sadd.s32 s3, s2  }
0x8d: {  	s2 =	sadd.s32 s2, s17  }
0x8e: {  	[smem:$0x3FBE] =	sst s2  }
0x8f: {  	_ = 	snop  }
0x90: {  	s2 =	sld [smem:$0x3FD0];
	(tm) =	ssettm $0x1  }
0x91: {  	s18 =	sld [smem:$0x3FFB];
	_ =	sdelay $0x3  }
0x92: {  	_ =	strace s18  }
0x93: {  	s3 =	sld [smem:$0x3FFC];
	_ =	sdelay $0x3  }
0x94: {  	_ =	strace s3  }
0x95: {  	s3 =	sld [smem:$0x3FFD];
	_ =	sdelay $0x3  }
0x96: {  	_ =	strace s3  }
0x97: {  	_ =	strace $0x8FFFFFFF  }
0x98: {  	s19 =	sld [smem:$0x3FDB];
	_ =	sdelay $0x1  }
0x99: {  	s4 =	simm.s32 $_scs_section_size  }
0x9a: {  	s5 =	simm.s32 $_size__tile_overlayer_lowered;
	s6 =	simm.s32 $_tile_overlayer_lowered  }
0x9b: {  	s22 =	simm.s32 $0x1BFF;
	s21 =	sshll.u32 s6, $0x1;
	s3 =	sadd.s32 s4, s19  }
0x9c: {  	s7 =	simm.s32 $0x0;
	s20 =	sshll.u32 s5, $0x1;
	s5 =	sadd.s32 s21, s3  }
0x9d: {  	[timem:s7], [sflag:s22] =	dma.local [hbm:s5], s20  }
0x9e: {  	_ =	swait.ge [sflag:s22], s20  }
0x9f: {  	s4 =	ssub.s32 $0x0, s20;
	[sflag:s22] =	ssyncset.done $0x0  }
0xa0: {  	[sflag:s22] =	ssyncadd.s32 s4;
	_ =	sdelay $0x1  }
0xa1: {  	s23 =	simm.s32 $0x1B8B  }
0xa2: {  	_ =	swait.ge [sflag:s23], $0x1  }
0xa3: {  	[sflag:s23] =	ssyncset.done $0x0  }
0xa4: {  	s25 =	simm.s32 $0x1B8E;
	s24 =	sld [smem:$0x3FFE];
	[sflag:s23] =	ssyncadd.s32 $0xFFFFFFFF  }
0xa5: {  	s26 =	simm.s32 $execute0_lowered;
	[smem:$0x3FD2] =	sst s25  }
0xa6: {  	s5 =	sshll.u32 s26, $0x1;
	_ =	strace $0x80000046;
	[dreg:$0x1] =	wrdreg $0xFFFFFFFF  }
0xa7: {  	s28 =	simm.s32 $_size_execute0_lowered;
	s3 =	sadd.s32 s3, s5;
	[dreg:$0x0] =	wrdreg $0x0  }
0xa8: {  	s5 =	sshll.u32 s28, $0x1;
	[dreg:$0x2] =	wrdreg s3  }
0xa9: {  	[dreg:$0x3] =	wrdreg s5  }
0xaa: {  	[dreg:$0x4] =	wrdreg $0xC0  }
0xab: {  	_ =	task [dreg:s7], $0x5FFFF  }
0xac: {  	[dreg:$0x1] =	wrdreg $0xFFFFFFFF  }
0xad: {  	[dreg:$0x0] =	wrdreg $0x60  }
0xae: {  	[dreg:$0x2] =	wrdreg s24  }
0xaf: {  	[dreg:$0x3] =	wrdreg s2  }
0xb0: {  	[dreg:$0x4] =	wrdreg $0xC3500  }
0xb1: {  	[dreg:$0x5] =	wrdreg $0x9  }
0xb2: {  	_ =	task.clear_ibuf [dreg:s7], $0x6FFFF;
	_ =	strace $0x90000046  }
0xb3: {  	s29 =	simm.s32 $0x9;
	_ =	strace $0x80000048  }
0xb4: {  	_ =	swait.ge [sflag:s29], $0x1  }
0xb5: {  	[sflag:s29] =	ssyncadd.s32 $0xFFFFFFFF  }
0xb6: {  	_ =	strace $0x90000048  }
0xb7: {  	_ =	sfence  }
0xb8: {  	s30 =	sld [smem:$0x0];
	_ =	sdelay $0x2  }
0xb9: {  	s31 =	sshll.u32 s1, $0xD;
	s1 =	sshrl.u32 s1, $0x2  }
0xba: {  	s3 =	sand.u32 $0x4000, s31;
	s1 =	sadd.s32 s1, s30  }
0xbb: {  	s0 =	sor.u32 s3, s0;
	s1 =	sshll.u32 s1, $0x11  }
0xbc: {  	s0 =	sor.u32 s1, s0  }
0xbd: {  	s0 =	sadd.s32 $0x8F2B, s0  }
0xbe: {  	[sflag:s0] =	ssyncadd.remote.s32 $0x1  }
0xbf: {  	_ =	sfence.sel $0xFFFF  }
0xc0: {  	[dreg:$0x0] =	wrdreg $0xFFFFFFFF;
	(pc) =	sbr.abs _section_cstart, $3  }
0xc1: {  	[dreg:$0x1] =	wrdreg $0xFFFFFFFF  }
0xc2: {  	_ =	task.clear_ibuf [dreg:s7], $0x2FFFF;
	_ =	strace $0x9FFFFFFF  }
0xc3: {  	(tm) =	ssettm $0x7FFFFFFF  }
tec
execute0_lowered:
.L_overlay_start_1:
0x0: {  	(tag) =	ssettag $0x1  }
0x1: {  	s11 =	rddreg [dreg:$0x0]  }
0x2: {  	s2 =	rddreg [dreg:$0x1]  }
0x3: {  	s3 =	rddreg [dreg:$0x2]  }
0x4: {  	s0 =	rddreg [dreg:$0x3]  }
0x5: {  	s5 =	srdreg.scid;
	s4 =	simm.s32 $0x0;
	s1 =	stileid.u32  }
0x6: {  	s12 =	sand.u32 $0x1, s5;
	[smem:$0x7FF] =	sst s4;
	s13 =	smul.u32 $0xC80, s1  }
0x7: {  	s6 =	sshll.u32 s1, $0x6;
	s5 =	sshll.u32 s12, $0x4;
	_ =	strace $0x80000047  }
0x8: {  	s6 =	sor.u32 $0x1C01, s6;
	s9 =	sor.u32 s1, s5;
	s7 =	sadd.s32 s13, s3  }
0x9: {  	s5 =	sadd.s32 $0x33200, s11;
	s8 =	sshrl.u32 s7, $0x3;
	s7 =	simm.s32 $0x1  }
0xa: {  	[spmem:s8], [sflag:s6] =	dma.local [hbm:s5], $0x190  }
0xb: {  	s9 =	smul.u32 $0xC35, s9;
	_ =	swait.ge [sflag:s7], $0x190  }
0xc: {  	[sflag:s7] =	ssyncset.done $0x0  }
0xd: {  	s9 =	sadd.s32 s9, s11;
	[sflag:s7] =	ssyncadd.s32 $0xFFFFFE70  }
0xe: {  	s9 =	sadd.s32 $0x2200, s9;
	[bflag:$0x0] =	sbarrier.arrive $0xFFFF  }
0xf: {  	[tilespmem:s4], [sflag:$0x1] =	stream.linear.gather [hbm4b:s9+s4], $0x61A8, $0x38;
	[tilespmem:$0xCFD0] =	vst v63  }
0x10: {  	_ =	swait.ge [sflag:s7], $0x61A8  }
0x11: {  	[sflag:s7] =	ssyncset.done $0x0  }
0x12: {  	s10 =	simm.s32 $0x61A8;
	[sflag:s7] =	ssyncadd.s32 $0xFFFF9E58  }
0x13: {  	[tilespmem:s10], [sflag:$0x1] =	stream.linear.gather [hbm4b:s2+s4], $0x61A8, $0x38;
	[tilespmem:$0xCFD0] =	vst v63  }
0x14: {  	s14 =	smul.u32 $0xC800, s12;
	s12 =	ssub.s32 $0x2, s12;
	_ =	swait.ge [sflag:s7], $0x61A8  }
0x15: {  	s31 =	sshrl.u32 s12, $0x1;
	[sflag:s7] =	ssyncset.done $0x0  }
0x16: {  	s12 =	ssub.s32 s12, s31;
	[sflag:s7] =	ssyncadd.s32 $0xFFFF9E58  }
0x17: {  	[spmem:s3] =	stream.indirect.scatter.add.f32 [tilespmem:s10], [sflag:$0x1], $0x1, s4, s10, $0xb8;
	[tilespmem:$0xCFD0] =	vst v63  }
0x18: {  	s13 =	sadd.s32 s13, s14;
	s12 =	smax.u32 s12, $0x1;
	_ =	swait.ge [sflag:s7], $0x61A8  }
0x19: {  	s13 =	sshrl.u32 s13, $0x3;
	p0 =	sne.s32 s12, $0x1;
	[sflag:s7] =	ssyncset.done $0x0  }
.Ltmp0:
0x1a: {  	s11 =	sadd.s32 s13, s11;
	[sflag:s7] =	ssyncadd.s32 $0xFFFF9E58;
	(pc) =	sbr.rel @!p0 .LBB2_2-.Ltmp0, $4  }
0x1b: {  	s11 =	sadd.s32 $0x33400, s11;
	[bflag:$0x0] =	sbarrier.arrive $0xFFFF  }
0x1c: {  	[hbm:s11], [sflag:s6] =	dma.local [spmem:s8], $0x190  }
0x1d: {  	_ =	swait.ge [sflag:s7], $0x190  }
0x1e: {  	s12 =	sadd.s32 $0xFFFFFFFF, s12;
	[sflag:s7] =	ssyncset.done $0x0  }
.LBB2_1:
0x1f: {  	p0 =	sne.s32 s12, $0x1;
	s12 =	sadd.s32 $0xFFFFFFFF, s12;
	[sflag:s7] =	ssyncadd.s32 $0xFFFFFE70  }
0x20: {  	[spmem:s8], [sflag:s6] =	dma.local [hbm:s5], $0x190  }
0x21: {  	_ =	swait.ge [sflag:s7], $0x190  }
0x22: {  	[sflag:s7] =	ssyncset.done $0x0  }
0x23: {  	[sflag:s7] =	ssyncadd.s32 $0xFFFFFE70  }
0x24: {  	[bflag:$0x0] =	sbarrier.arrive $0xFFFF  }
0x25: {  	[tilespmem:s4], [sflag:$0x1] =	stream.linear.gather [hbm4b:s9+s4], $0x61A8, $0x38;
	[tilespmem:$0xCFD0] =	vst v63  }
0x26: {  	_ =	swait.ge [sflag:s7], $0x61A8  }
0x27: {  	[sflag:s7] =	ssyncset.done $0x0  }
0x28: {  	[sflag:s7] =	ssyncadd.s32 $0xFFFF9E58  }
0x29: {  	[tilespmem:s10], [sflag:$0x1] =	stream.linear.gather [hbm4b:s2+s4], $0x61A8, $0x38;
	[tilespmem:$0xCFD0] =	vst v63  }
0x2a: {  	_ =	swait.ge [sflag:s7], $0x61A8  }
0x2b: {  	[sflag:s7] =	ssyncset.done $0x0  }
0x2c: {  	[sflag:s7] =	ssyncadd.s32 $0xFFFF9E58  }
0x2d: {  	[spmem:s3] =	stream.indirect.scatter.add.f32 [tilespmem:s10], [sflag:$0x1], $0x1, s4, s10, $0xb8;
	[tilespmem:$0xCFD0] =	vst v63  }
0x2e: {  	_ =	swait.ge [sflag:s7], $0x61A8  }
0x2f: {  	[sflag:s7] =	ssyncset.done $0x0  }
.Ltmp1:
0x30: {  	[sflag:s7] =	ssyncadd.s32 $0xFFFF9E58;
	(pc) =	sbr.rel @p0 .LBB2_1-.Ltmp1, $4  }
0x31: {  	[bflag:$0x0] =	sbarrier.arrive $0xFFFF  }
0x32: {  	[hbm:s11], [sflag:s6] =	dma.local [spmem:s8], $0x190  }
0x33: {  	_ =	swait.ge [sflag:s7], $0x190  }
0x34: {  	[sflag:s7] =	ssyncset.done $0x0  }
.LBB2_2:
0x35: {  	[sflag:s7] =	ssyncadd.s32 $0xFFFFFE70  }
0x36: {  	_ =	sfence.sel $0x180000  }
0x37: {  	[bflag:$0x0] =	sbarrier.arrive $0xFFFF  }
0x38: {  	p0 =	sne.s32 s1, $0x0;
	_ =	strace $0x90000047  }
0x39: {  	s0 =	sadd.s32 @!p0 $0x100000, s0;
	[bflag:$0x2] =	sbarrier.arrive $0xFFFF  }
0x3a: {  	[sflag:s0] =	ssyncadd.tile.s32 @!p0 $0x1;
	_ =	shalt  }
.Lfunc_end2:
_tile_overlayer_lowered:
.L_overlay_start_2:
0x3b: {  	(tag) =	ssettag $0x2  }
0x3c: {  	s0 =	rddreg [dreg:$0x0];
	s2 =	stileid.u32  }
0x3d: {  	s1 =	rddreg [dreg:$0x1];
	p0 =	sne.s32 s2, $0x0  }
0x3e: {  	s3 =	rddreg [dreg:$0x2];
	[bflag:$0x3] =	sbarrier.arrive $0xFFFF;
	s2 =	simm.s32 @!p0 $0x1C01  }
0x3f: {  	[timem:s3], [sflag:s2] =	dma.local @!p0 [hbm:s0], s1  }
0x40: {  	s0 =	simm.s32 @!p0 $0x1  }
0x41: {  	_ =	swait.ge @!p0 [sflag:s0], s1  }
0x42: {  	s1 =	ssub.s32 @!p0 $0x0, s1;
	[sflag:s0] =	ssyncset.done @!p0 $0x0  }
0x43: {  	[sflag:s0] =	ssyncadd.s32 @!p0 s1  }
0x44: {  	[bflag:$0x3] =	sbarrier.arrive $0xFFFF  }
0x45: {  	_ =	shalt  }

// kernel: kernel.15.cloned.1.call-start
scs
__scs_entry_jumppad:
0x0: {  	(pc) =	sbr.rel $0x88, $3  }
0x1: {  	(tag) =	ssettag $0x0;
	lr =	simm.s32 $0x1  }
0x2: {  	[smem:$0x3F97] =	sst lr;
	_ =	strace $0xD0000000  }
0x3: {  	_ = 	snop  }
0x4: {  	_ = 	snop  }
0x5: {  	_ = 	snop  }
0x6: {  	_ = 	snop  }
0x7: {  	_ = 	snop  }
__scs_overlays_trampoline_lowered:
0x8: {  	[smem:$0x3FA6] =	sst s0  }
0x9: {  	[smem:$0x3FA7] =	sst s1  }
0xa: {  	[smem:$0x3FA8] =	sst s2  }
0xb: {  	[smem:$0x3FA9] =	sst s3  }
0xc: {  	[smem:$0x3FAA] =	sst s4  }
0xd: {  	[smem:$0x3FAB] =	sst s5  }
0xe: {  	[smem:$0x3FAC] =	sst s6  }
0xf: {  	[smem:$0x3FAD] =	sst s7  }
0x10: {  	[smem:$0x3FAE] =	sst s8  }
0x11: {  	[smem:$0x3FAF] =	sst s9;
	s0 =	simm.s32 @!p0 $0x0  }
0x12: {  	s1 =	sld [smem:$0x3F95];
	s0 =	simm.s32 @p0 $0x1  }
0x13: {  	[smem:$0x3FB0] =	sst s0;
	s0 =	simm.s32 @!p1 $0x0  }
0x14: {  	s2 =	sld [smem:$0x3F94];
	s0 =	simm.s32 @p1 $0x1  }
0x15: {  	[smem:$0x3FB1] =	sst s0;
	s0 =	simm.s32 @!p2 $0x0  }
0x16: {  	s3 =	sld [smem:$0x3FDB];
	s0 =	simm.s32 @p2 $0x1  }
0x17: {  	s4 =	simm.s32 $0x1BF5;
	[smem:$0x3FB3] =	sst s0  }
0x18: {  	s0 =	sld [smem:$0x3F96];
	_ =	swait.ge [sflag:s4], $0x0  }
0x19: {  	s7 =	sld [smem:$0x3F97]  }
0x1a: {  	s8 =	sadd.s32 $0xFFFFE003, lr  }
0x1b: {  	s9 =	sadd.s32 $0xFFFFFEF7, lr;
	s5 =	simm.s32 $0xFFFFFFFF;
	p2 =	slt.u32 s8, $0xFFFFF086  }
0x1c: {  	p1 =	slt.u32 s9, $0xF7A;
	s5 =	simm.s32 @!p2 $0x0  }
0x1d: {  	s5 =	simm.s32 @p1 $0x1;
	p0 =	seq.s32 s7, s2  }
0x1e: {  	s7 =	smul.u32 @!p0 $0xF7A, s2;
	p2 =	seq.s32 @!p0 s5, $0x0  }
0x1f: {  	s9 =	smul.u32 $0xF7A, s1;
	s8 =	simm.s32 @!p0 $0x1BF5;
	p2 =	por !p2, p0  }
0x20: {  	[sflag:s8] =	ssyncset.s32 @!p0 $0xFFFFF086;
	s6 =	sadd.s32 @!p0 s3, s7;
	s7 =	simm.s32 @!p0 $0x108  }
0x21: {  	s3 =	sadd.s32 s3, s9;
	s6 =	sadd.s32 @!p0 $0x88, s6;
	s7 =	simm.s32 @p2 $0x1082  }
0x22: {  	[simem:s7], [sflag:s8] =	dma.local @!p0 [hbm:s6], $0xF7A  }
0x23: {  	s9 =	sor.u32 $0xD0000000, s2;
	s6 =	simm.s32 $0x108;
	_ =	swait.ge @!p0 [sflag:s8], $0x0  }
0x24: {  	s3 =	sadd.s32 $0x88, s3;
	s6 =	simm.s32 @!p1 $0x1082;
	[sflag:s4] =	ssyncset.s32 $0xFFFFF086  }
0x25: {  	[simem:s6], [sflag:s4] =	dma.local [hbm:s3], $0xF7A  }
0x26: {  	[smem:$0x3F97] =	sst s1;
	(tag) =	ssettag s2;
	_ =	strace s9  }
0x27: {  	s1 =	sld [smem:$0x3FA7]  }
0x28: {  	s2 =	sld [smem:$0x3FA8]  }
0x29: {  	s4 =	sld [smem:$0x3FAA]  }
0x2a: {  	p0 =	seq.s32 s5, $0x0;
	s5 =	sld [smem:$0x3FAB]  }
0x2b: {  	s6 =	sld [smem:$0x3FAC]  }
0x2c: {  	s7 =	sld [smem:$0x3FAD]  }
0x2d: {  	s3 =	simm.s32 $0x108;
	s8 =	sld [smem:$0x3FAE]  }
0x2e: {  	s3 =	simm.s32 @!p0 $0x1082;
	s9 =	sld [smem:$0x3FAF]  }
0x2f: {  	lr =	sadd.s32 s0, s3;
	s0 =	sld [smem:$0x3FA6]  }
0x30: {  	s3 =	sld [smem:$0x3FA9]  }
0x31: {  	[smem:$0x3FB2] =	sst s10  }
0x32: {  	s10 =	sld [smem:$0x3FB0];
	_ =	sdelay $0x3  }
0x33: {  	p0 =	seq.s32 s10, $0x1;
	s10 =	sld [smem:$0x3FB2];
	_ =	sdelay $0x3  }
0x34: {  	[smem:$0x3FB2] =	sst s10  }
0x35: {  	s10 =	sld [smem:$0x3FB1];
	_ =	sdelay $0x3  }
0x36: {  	p1 =	seq.s32 s10, $0x1;
	s10 =	sld [smem:$0x3FB2];
	_ =	sdelay $0x3  }
0x37: {  	[smem:$0x3FB2] =	sst s10  }
0x38: {  	s10 =	sld [smem:$0x3FB3]  }
0x39: {  	_ = 	snop;
	(pc) =	sbr.ind lr, $3  }
0x3a: {  	_ = 	snop  }
0x3b: {  	_ = 	snop  }
0x3c: {  	p2 =	seq.s32 s10, $0x1;
	s10 =	sld [smem:$0x3FB2]  }
0x3d: {  	_ =	shalt  }
0x3e: {  	_ =	shalt  }
0x3f: {  	_ =	shalt  }
0x40: {  	_ =	shalt  }
0x41: {  	_ =	shalt  }
0x42: {  	_ =	shalt  }
0x43: {  	_ =	shalt  }
0x44: {  	_ =	shalt  }
0x45: {  	_ =	shalt  }
0x46: {  	_ =	shalt  }
0x47: {  	_ =	shalt  }
0x48: {  	_ =	shalt  }
0x49: {  	_ =	shalt  }
0x4a: {  	_ =	shalt  }
0x4b: {  	_ =	shalt  }
0x4c: {  	_ =	shalt  }
0x4d: {  	_ =	shalt  }
0x4e: {  	_ =	shalt  }
0x4f: {  	_ =	shalt  }
0x50: {  	_ =	shalt  }
0x51: {  	_ =	shalt  }
0x52: {  	_ =	shalt  }
0x53: {  	_ =	shalt  }
0x54: {  	_ =	shalt  }
0x55: {  	_ =	shalt  }
0x56: {  	_ =	shalt  }
0x57: {  	_ =	shalt  }
0x58: {  	_ =	shalt  }
0x59: {  	_ =	shalt  }
0x5a: {  	_ =	shalt  }
0x5b: {  	_ =	shalt  }
0x5c: {  	_ =	shalt  }
0x5d: {  	_ =	shalt  }
0x5e: {  	_ =	shalt  }
0x5f: {  	_ =	shalt  }
0x60: {  	_ =	shalt  }
0x61: {  	_ =	shalt  }
0x62: {  	_ =	shalt  }
0x63: {  	_ =	shalt  }
0x64: {  	_ =	shalt  }
0x65: {  	_ =	shalt  }
0x66: {  	_ =	shalt  }
0x67: {  	_ =	shalt  }
0x68: {  	_ =	shalt  }
0x69: {  	_ =	shalt  }
0x6a: {  	_ =	shalt  }
0x6b: {  	_ =	shalt  }
0x6c: {  	_ =	shalt  }
0x6d: {  	_ =	shalt  }
0x6e: {  	_ =	shalt  }
0x6f: {  	_ =	shalt  }
0x70: {  	_ =	shalt  }
0x71: {  	_ =	shalt  }
0x72: {  	_ =	shalt  }
0x73: {  	_ =	shalt  }
0x74: {  	_ =	shalt  }
0x75: {  	_ =	shalt  }
0x76: {  	_ =	shalt  }
0x77: {  	_ =	shalt  }
0x78: {  	_ =	shalt  }
0x79: {  	_ =	shalt  }
0x7a: {  	_ =	shalt  }
0x7b: {  	_ =	shalt  }
0x7c: {  	_ =	shalt  }
0x7d: {  	_ =	shalt  }
0x7e: {  	_ =	shalt  }
0x7f: {  	_ =	shalt  }
0x80: {  	_ =	shalt  }
0x81: {  	_ =	shalt  }
0x82: {  	_ =	shalt  }
0x83: {  	_ =	shalt  }
0x84: {  	_ =	shalt  }
0x85: {  	_ =	shalt  }
0x86: {  	_ =	shalt  }
0x87: {  	_ =	shalt  }
.Lfunc_end0:
.L_simem_size_0:
called_computation.1_lowered:
.L_overlay_start_0:
0x88: {  	s2 =	sld [smem:$0x3FD9]  }
0x89: {  	s3 =	sld [smem:$0x3FFE];
	_ =	sdelay $0x1  }
0x8a: {  	s1 =	srdreg.scid  }
0x8b: {  	s0 =	sand.u32 $0x1, s1  }
0x8c: {  	s16 =	sshll.u32 s0, $0xA;
	s2 =	sadd.s32 s3, s2  }
0x8d: {  	s2 =	sadd.s32 s2, s16  }
0x8e: {  	[smem:$0x3FBE] =	sst s2  }
0x8f: {  	_ = 	snop  }
0x90: {  	(tm) =	ssettm $0x1  }
0x91: {  	s17 =	sld [smem:$0x3FFB];
	_ =	sdelay $0x3  }
0x92: {  	_ =	strace s17  }
0x93: {  	s2 =	sld [smem:$0x3FFC];
	_ =	sdelay $0x3  }
0x94: {  	_ =	strace s2  }
0x95: {  	s2 =	sld [smem:$0x3FFD];
	_ =	sdelay $0x3  }
0x96: {  	_ =	strace s2  }
0x97: {  	_ =	strace $0x8FFFFFFF  }
0x98: {  	s18 =	sld [smem:$0x3FDB];
	_ =	sdelay $0x1  }
0x99: {  	s19 =	simm.s32 $_scs_section_size  }
0x9a: {  	s4 =	simm.s32 $_size__tile_overlayer_lowered;
	s5 =	simm.s32 $_tile_overlayer_lowered  }
0x9b: {  	s22 =	simm.s32 $0x1BFF;
	s21 =	sshll.u32 s5, $0x1;
	s2 =	sadd.s32 s19, s18  }
0x9c: {  	s6 =	simm.s32 $0x0;
	s20 =	sshll.u32 s4, $0x1;
	s4 =	sadd.s32 s21, s2  }
0x9d: {  	[timem:s6], [sflag:s22] =	dma.local [hbm:s4], s20  }
0x9e: {  	_ =	swait.ge [sflag:s22], s20  }
0x9f: {  	s3 =	ssub.s32 $0x0, s20;
	[sflag:s22] =	ssyncset.done $0x0  }
0xa0: {  	[sflag:s22] =	ssyncadd.s32 s3;
	_ =	sdelay $0x1  }
0xa1: {  	s23 =	simm.s32 $0x1B8B  }
0xa2: {  	_ =	swait.ge [sflag:s23], $0x1  }
0xa3: {  	[sflag:s23] =	ssyncset.done $0x0  }
0xa4: {  	s25 =	simm.s32 $0x1B8E;
	s24 =	sld [smem:$0x3FFE];
	[sflag:s23] =	ssyncadd.s32 $0xFFFFFFFF  }
0xa5: {  	s26 =	simm.s32 $execute0_lowered;
	[smem:$0x3FD2] =	sst s25  }
0xa6: {  	s4 =	sshll.u32 s26, $0x1;
	_ =	strace $0x80000049;
	[dreg:$0x1] =	wrdreg $0xFFFFFFFF  }
0xa7: {  	s28 =	simm.s32 $_size_execute0_lowered;
	s2 =	sadd.s32 s2, s4;
	[dreg:$0x0] =	wrdreg $0x0  }
0xa8: {  	s4 =	sshll.u32 s28, $0x1;
	[dreg:$0x2] =	wrdreg s2  }
0xa9: {  	[dreg:$0x3] =	wrdreg s4  }
0xaa: {  	[dreg:$0x4] =	wrdreg $0xC0  }
0xab: {  	_ =	task [dreg:s6], $0x5FFFF  }
0xac: {  	[dreg:$0x1] =	wrdreg $0xFFFFFFFF  }
0xad: {  	[dreg:$0x0] =	wrdreg $0x60  }
0xae: {  	[dreg:$0x2] =	wrdreg s24  }
0xaf: {  	[dreg:$0x3] =	wrdreg $0x46500  }
0xb0: {  	[dreg:$0x4] =	wrdreg $0x9  }
0xb1: {  	_ =	task.clear_ibuf [dreg:s6], $0x5FFFF;
	_ =	strace $0x90000049  }
0xb2: {  	s29 =	simm.s32 $0x9;
	_ =	strace $0x8000004B  }
0xb3: {  	_ =	swait.ge [sflag:s29], $0x1  }
0xb4: {  	[sflag:s29] =	ssyncadd.s32 $0xFFFFFFFF  }
0xb5: {  	_ =	strace $0x9000004B  }
0xb6: {  	_ =	sfence  }
0xb7: {  	s30 =	sld [smem:$0x0];
	_ =	sdelay $0x2  }
0xb8: {  	s31 =	sshll.u32 s1, $0xD;
	s1 =	sshrl.u32 s1, $0x2  }
0xb9: {  	s3 =	sand.u32 $0x4000, s31;
	s1 =	sadd.s32 s1, s30  }
0xba: {  	s0 =	sor.u32 s3, s0;
	s1 =	sshll.u32 s1, $0x11  }
0xbb: {  	s0 =	sor.u32 s1, s0  }
0xbc: {  	s0 =	sadd.s32 $0x8F2B, s0  }
0xbd: {  	[sflag:s0] =	ssyncadd.remote.s32 $0x1  }
0xbe: {  	_ =	sfence.sel $0xFFFF  }
0xbf: {  	[dreg:$0x0] =	wrdreg $0xFFFFFFFF;
	(pc) =	sbr.abs _section_cstart, $3  }
0xc0: {  	[dreg:$0x1] =	wrdreg $0xFFFFFFFF  }
0xc1: {  	_ =	task.clear_ibuf [dreg:s6], $0x2FFFF;
	_ =	strace $0x9FFFFFFF  }
0xc2: {  	(tm) =	ssettm $0x7FFFFFFF  }
0xc3: {  	_ =	shalt  }
tec
execute0_lowered:
.L_overlay_start_1:
0x0: {  	(tag) =	ssettag $0x1  }
0x1: {  	s0 =	rddreg [dreg:$0x0];
	s1 =	srdreg.scid  }
0x2: {  	s12 =	stileid.u32;
	s2 =	rddreg [dreg:$0x1]  }
0x3: {  	s3 =	simm.s32 $0x0;
	s28 =	simm.s32 $0x2D50;
	s29 =	simm.s32 $0x5  }
0x4: {  	s30 =	simm.s32 $0x39D0;
	s31 =	simm.s32 $0x6;
	s1 =	sand.u32 $0x1, s1  }
0x5: {  	s5 =	smul.u32 $0xC800, s12;
	[smem:$0x7FF] =	sst s3;
	s8 =	sadd.s32 $0x1AA00, s0  }
0x6: {  	s9 =	smul.u32 $0x61A8, s12;
	s10 =	sadd.s32 $0x2200, s0;
	s4 =	sadd.s32 $0x33400, s0  }
0x7: {  	s11 =	sadd.s32 $0x4BC00, s0;
	s21 =	sshll.u32 s12, $0x6;
	s6 =	smul.u32 $0xC8000, s1  }
0x8: {  	s12 =	simm.s32 $0xC8;
	s7 =	smul.u32 $0x61A80, s1;
	s1 =	ssub.s32 $0x2, s1  }
0x9: {  	_ =	strace $0x8000004A;
	[dreg:$0xd] =	wrdreg s11;
	s22 =	sshrl.u32 s1, $0x1  }
0xa: {  	s6 =	sadd.s32 s5, s6;
	s7 =	sadd.s32 s9, s7;
	s1 =	ssub.s32 s1, s22  }
0xb: {  	s5 =	sadd.s32 s5, s2;
	s9 =	sor.u32 $0x1C10, s21;
	s21 =	simm.s32 $0x708  }
0xc: {  	s6 =	sshrl.u32 s6, $0x3;
	s23 =	sadd.s32 $0x320, s7;
	[dreg:$0xe] =	wrdreg s5  }
0xd: {  	s26 =	sadd.s32 $0x258, s7;
	s14 =	sadd.s32 $0x190, s7;
	s18 =	sadd.s32 $0xC8, s7  }
0xe: {  	s1 =	smax.u32 s1, $0x1;
	[dreg:$0xf] =	wrdreg s9;
	s24 =	sshrl.u32 s23, $0x3  }
0xf: {  	s0 =	sadd.s32 s6, s0;
	[dreg:$0x11] =	wrdreg s1;
	s25 =	sadd.s32 s24, s10  }
0x10: {  	s11 =	sshrl.u32 s26, $0x3;
	s6 =	sadd.s32 s24, s8;
	[dreg:$0x3] =	wrdreg s25  }
0x11: {  	s5 =	simm.s32 $0x9;
	s13 =	sadd.s32 s11, s10;
	[dreg:$0x4] =	wrdreg s6  }
0x12: {  	s16 =	sshrl.u32 s14, $0x3;
	s15 =	sadd.s32 s11, s8;
	[dreg:$0x5] =	wrdreg s13  }
0x13: {  	s20 =	sshrl.u32 s18, $0x3;
	s17 =	sadd.s32 s16, s10;
	[dreg:$0x6] =	wrdreg s15  }
0x14: {  	s1 =	simm.s32 $0x7;
	s19 =	sadd.s32 s16, s8;
	[dreg:$0x7] =	wrdreg s17  }
0x15: {  	s22 =	sadd.s32 s20, s10;
	s23 =	sadd.s32 s20, s8;
	[dreg:$0x8] =	wrdreg s19  }
0x16: {  	s24 =	sshrl.u32 s7, $0x3;
	s0 =	sadd.s32 $0x4D600, s0;
	[dreg:$0x9] =	wrdreg s22  }
0x17: {  	s20 =	simm.s32 $0x1;
	[dreg:$0xa] =	wrdreg s23;
	s25 =	sadd.s32 s24, s10  }
0x18: {  	[dreg:$0x10] =	wrdreg s0;
	s26 =	sadd.s32 s24, s8;
	s8 =	simm.s32 $0x10  }
0x19: {  	s17 =	simm.s32 $0x708;
	s22 =	simm.s32 $0x2;
	s23 =	simm.s32 $0x1450  }
0x1a: {  	s24 =	simm.s32 $0x3;
	s0 =	simm.s32 $0x8;
	s6 =	simm.s32 $0xA  }
0x1b: {  	s10 =	simm.s32 $0x0;
	s19 =	simm.s32 $0x640;
	[dreg:$0xb] =	wrdreg s25  }
0x1c: {  	[dreg:$0xc] =	wrdreg s26;
	s25 =	simm.s32 $0x20D0;
	s26 =	simm.s32 $0x4  }
.LBB2_1:
0x1d: {  	[dreg:$0x12] =	wrdreg s10  }
0x1e: {  	s7 =	rddreg [dreg:$0xe]  }
0x1f: {  	s15 =	rddreg [dreg:$0xd];
	s14 =	sshrl.u32 s7, $0x3  }
0x20: {  	[dreg:$0x13] =	wrdreg s14  }
0x21: {  	[spmem:s14], [sflag:s9] =	dma.local [hbm:s15], $0x1900  }
0x22: {  	_ =	swait.ge [sflag:s8], $0x1900  }
0x23: {  	[sflag:s8] =	ssyncset.done $0x0  }
0x24: {  	p0 =	por $0x1, $0x1;
	[sflag:s8] =	ssyncadd.s32 $0xFFFFE700  }
0x25: {  	s7 =	simm.s32 @!p0 $0xB;
	[bflag:$0x0] =	sbarrier.arrive $0xFFFF  }
0x26: {  	_ =	swait.ge @!p0 [sflag:s7], $0xC80  }
0x27: {  	s16 =	rddreg [dreg:$0xc];
	[sflag:s7] =	ssyncset.done @!p0 $0x0  }
0x28: {  	s18 =	rddreg [dreg:$0xb];
	[sflag:s7] =	ssyncadd.s32 @!p0 $0xFFFFF380;
	s9 =	sadd.s32 $0x0, s16  }
0x29: {  	[tilespmem:s3], [sflag:$0x1] =	stream.linear.gather [hbm4b:s9+s3], $0xC8, $0x38;
	[tilespmem:$0x10E50] =	vst v63  }
0x2a: {  	s8 =	simm.s32 @!p0 $0xC;
	s11 =	sadd.s32 $0x0, s18;
	s9 =	simm.s32 $0x3E8  }
0x2b: {  	[tilespmem:s9], [sflag:$0x1] =	stream.linear.gather [hbm4b:s11+s3], $0xC8, $0x38;
	[tilespmem:$0x10E50] =	vst v63  }
0x2c: {  	_ =	swait.ge @!p0 [sflag:s8], $0xC80  }
0x2d: {  	s13 =	rddreg [dreg:$0xa];
	[sflag:s8] =	ssyncset.done @!p0 $0x0  }
0x2e: {  	s14 =	rddreg [dreg:$0x9];
	[sflag:s8] =	ssyncadd.s32 @!p0 $0xFFFFF380;
	s7 =	sadd.s32 $0x0, s13  }
0x2f: {  	[tilespmem:s12], [sflag:$0x2] =	stream.linear.gather [hbm4b:s7+s3], $0xC8, $0x38;
	[tilespmem:$0x10E50] =	vst v63  }
0x30: {  	s11 =	simm.s32 $0x4B0;
	s15 =	sadd.s32 $0x0, s14;
	s8 =	simm.s32 @!p0 $0xD  }
0x31: {  	[tilespmem:s11], [sflag:$0x2] =	stream.linear.gather [hbm4b:s15+s3], $0xC8, $0x38;
	[tilespmem:$0x10E50] =	vst v63  }
0x32: {  	_ =	swait.ge @!p0 [sflag:s8], $0xC80  }
0x33: {  	s13 =	simm.s32 $0x190;
	s16 =	rddreg [dreg:$0x8];
	[sflag:s8] =	ssyncset.done @!p0 $0x0  }
0x34: {  	s18 =	rddreg [dreg:$0x7];
	[sflag:s8] =	ssyncadd.s32 @!p0 $0xFFFFF380;
	s7 =	sadd.s32 $0x0, s16  }
0x35: {  	[tilespmem:s13], [sflag:$0x3] =	stream.linear.gather [hbm4b:s7+s3], $0xC8, $0x38;
	[tilespmem:$0x10E50] =	vst v63  }
0x36: {  	s14 =	simm.s32 $0x578;
	s10 =	sadd.s32 $0x0, s18;
	s8 =	simm.s32 @!p0 $0xE  }
0x37: {  	[tilespmem:s14], [sflag:$0x3] =	stream.linear.gather [hbm4b:s10+s3], $0xC8, $0x38;
	[tilespmem:$0x10E50] =	vst v63  }
0x38: {  	_ =	swait.ge @!p0 [sflag:s8], $0xC80  }
0x39: {  	s15 =	rddreg [dreg:$0x6]  }
0x3a: {  	[sflag:s8] =	ssyncset.done @!p0 $0x0;
	s16 =	rddreg [dreg:$0x5]  }
0x3b: {  	[sflag:s8] =	ssyncadd.s32 @!p0 $0xFFFFF380;
	s7 =	sadd.s32 $0x0, s15;
	s15 =	simm.s32 $0x258  }
0x3c: {  	[tilespmem:s15], [sflag:$0x4] =	stream.linear.gather [hbm4b:s7+s3], $0xC8, $0x38;
	[tilespmem:$0x10E50] =	vst v63  }
0x3d: {  	s18 =	sadd.s32 $0x0, s16;
	s8 =	simm.s32 @!p0 $0xF;
	s16 =	simm.s32 $0x640  }
0x3e: {  	[tilespmem:s16], [sflag:$0x4] =	stream.linear.gather [hbm4b:s18+s3], $0xC8, $0x38;
	[tilespmem:$0x10E50] =	vst v63  }
0x3f: {  	_ =	swait.ge @!p0 [sflag:s8], $0xC80  }
0x40: {  	s10 =	rddreg [dreg:$0x4]  }
0x41: {  	[sflag:s8] =	ssyncset.done @!p0 $0x0;
	s18 =	rddreg [dreg:$0x3]  }
0x42: {  	[sflag:s8] =	ssyncadd.s32 @!p0 $0xFFFFF380;
	s7 =	sadd.s32 $0x0, s10;
	s8 =	simm.s32 $0x320  }
0x43: {  	[tilespmem:s8], [sflag:$0x5] =	stream.linear.gather [hbm4b:s7+s3], $0xC8, $0x38;
	[tilespmem:$0x10E50] =	vst v63  }
0x44: {  	s10 =	sadd.s32 $0x0, s18  }
0x45: {  	[tilespmem:s17], [sflag:$0x5] =	stream.linear.gather [hbm4b:s10+s3], $0xC8, $0x38;
	[tilespmem:$0x10E50] =	vst v63  }
0x46: {  	_ =	swait.ge [sflag:s20], $0xC8  }
0x47: {  	[sflag:s20] =	ssyncset.done $0x0  }
0x48: {  	[sflag:s20] =	ssyncadd.s32 $0xFFFFFF38  }
0x49: {  	_ =	swait.ge [sflag:s20], $0xC8  }
0x4a: {  	[sflag:s20] =	ssyncset.done $0x0  }
0x4b: {  	s18 =	simm.s32 $0x7D0;
	[sflag:s20] =	ssyncadd.s32 $0xFFFFFF38  }
0x4c: {  	[tilespmem:s18], [sflag:$0x6] =	stream.indirect.gather [hbm4b:s4+s12], $0x10, s3, s12, $0xb8;
	[tilespmem:$0x10E50] =	vst v63  }
0x4d: {  	_ =	swait.ge [sflag:s22], $0xC8  }
0x4e: {  	[sflag:s22] =	ssyncset.done $0x0  }
0x4f: {  	[sflag:s22] =	ssyncadd.s32 $0xFFFFFF38  }
0x50: {  	_ =	swait.ge [sflag:s22], $0xC8  }
0x51: {  	[sflag:s22] =	ssyncset.done $0x0  }
0x52: {  	[sflag:s22] =	ssyncadd.s32 $0xFFFFFF38  }
0x53: {  	[tilespmem:s23], [sflag:$0x7] =	stream.indirect.gather [hbm4b:s4+s12], $0x10, s12, s12, $0xb8;
	[tilespmem:$0x10E50] =	vst v63  }
0x54: {  	_ =	swait.ge [sflag:s24], $0xC8  }
0x55: {  	[sflag:s24] =	ssyncset.done $0x0  }
0x56: {  	[sflag:s24] =	ssyncadd.s32 $0xFFFFFF38  }
0x57: {  	_ =	swait.ge [sflag:s24], $0xC8  }
0x58: {  	[sflag:s24] =	ssyncset.done $0x0  }
0x59: {  	[sflag:s24] =	ssyncadd.s32 $0xFFFFFF38  }
0x5a: {  	[tilespmem:s25], [sflag:$0x8] =	stream.indirect.gather [hbm4b:s4+s12], $0x10, s13, s12, $0xb8;
	[tilespmem:$0x10E50] =	vst v63  }
0x5b: {  	_ =	swait.ge [sflag:s26], $0xC8  }
0x5c: {  	[sflag:s26] =	ssyncset.done $0x0  }
0x5d: {  	[sflag:s26] =	ssyncadd.s32 $0xFFFFFF38  }
0x5e: {  	_ =	swait.ge [sflag:s26], $0xC8  }
0x5f: {  	[sflag:s26] =	ssyncset.done $0x0  }
0x60: {  	[sflag:s26] =	ssyncadd.s32 $0xFFFFFF38  }
0x61: {  	[tilespmem:s28], [sflag:$0x9] =	stream.indirect.gather [hbm4b:s4+s12], $0x10, s15, s12, $0xb8;
	[tilespmem:$0x10E50] =	vst v63  }
0x62: {  	_ =	swait.ge [sflag:s29], $0xC8  }
0x63: {  	[sflag:s29] =	ssyncset.done $0x0  }
0x64: {  	[sflag:s29] =	ssyncadd.s32 $0xFFFFFF38  }
0x65: {  	_ =	swait.ge [sflag:s29], $0xC8  }
0x66: {  	[sflag:s29] =	ssyncset.done $0x0  }
0x67: {  	[sflag:s29] =	ssyncadd.s32 $0xFFFFFF38  }
0x68: {  	[tilespmem:s30], [sflag:$0xA] =	stream.indirect.gather [hbm4b:s4+s12], $0x10, s8, s12, $0xb8;
	[tilespmem:$0x10E50] =	vst v63  }
0x69: {  	_ =	swait.ge [sflag:s31], $0xC80  }
0x6a: {  	[sflag:s31] =	ssyncset.done $0x0  }
0x6b: {  	[sflag:s31] =	ssyncadd.s32 $0xFFFFF380  }
0x6c: {  	[spmem:s2] =	stream.indirect.scatter.add.f32 [tilespmem:s18], [sflag:$0xB], $0x10, s9, s12, $0xb8;
	[tilespmem:$0x10E50] =	vst v63  }
0x6d: {  	_ =	swait.ge [sflag:s1], $0xC80  }
0x6e: {  	[sflag:s1] =	ssyncset.done $0x0  }
0x6f: {  	[sflag:s1] =	ssyncadd.s32 $0xFFFFF380  }
0x70: {  	[spmem:s2] =	stream.indirect.scatter.add.f32 [tilespmem:s23], [sflag:$0xC], $0x10, s11, s12, $0xb8;
	[tilespmem:$0x10E50] =	vst v63  }
0x71: {  	_ =	swait.ge [sflag:s0], $0xC80  }
0x72: {  	[sflag:s0] =	ssyncset.done $0x0  }
0x73: {  	[sflag:s0] =	ssyncadd.s32 $0xFFFFF380  }
0x74: {  	[spmem:s2] =	stream.indirect.scatter.add.f32 [tilespmem:s25], [sflag:$0xD], $0x10, s14, s12, $0xb8;
	[tilespmem:$0x10E50] =	vst v63  }
0x75: {  	_ =	swait.ge [sflag:s5], $0xC80  }
0x76: {  	[sflag:s5] =	ssyncset.done $0x0  }
0x77: {  	[sflag:s5] =	ssyncadd.s32 $0xFFFFF380  }
0x78: {  	[spmem:s2] =	stream.indirect.scatter.add.f32 [tilespmem:s28], [sflag:$0xE], $0x10, s16, s12, $0xb8;
	[tilespmem:$0x10E50] =	vst v63  }
0x79: {  	p1 =	por $0x0, $0x0;
	_ =	swait.ge [sflag:s6], $0xC80  }
0x7a: {  	s7 =	simm.s32 $0x7D;
	s10 =	simm.s32 $0xFA;
	[sflag:s6] =	ssyncset.done $0x0  }
.LBB2_2:
0x7b: {  	s9 =	simm.s32 @!p1 $0xB;
	[sflag:s6] =	ssyncadd.s32 $0xFFFFF380  }
0x7c: {  	[spmem:s2] =	stream.indirect.scatter.add.f32 [tilespmem:s30], [sflag:$0xF], $0x10, s21, s12, $0xb8;
	[tilespmem:$0x10E50] =	vst v63  }
0x7d: {  	_ =	swait.ge @!p1 [sflag:s9], $0xC80  }
0x7e: {  	[sflag:s9] =	ssyncset.done @!p1 $0x0;
	s11 =	rddreg [dreg:$0xc]  }
0x7f: {  	s14 =	rddreg [dreg:$0xb];
	[sflag:s9] =	ssyncadd.s32 @!p1 $0xFFFFF380;
	s11 =	sadd.s32 s7, s11  }
0x80: {  	[tilespmem:s3], [sflag:$0x1] =	stream.linear.gather [hbm4b:s11+s3], $0xC8, $0x38;
	[tilespmem:$0x10E50] =	vst v63  }
0x81: {  	s9 =	sadd.s32 s7, s14;
	s14 =	simm.s32 $0x3E8;
	s11 =	simm.s32 @!p1 $0xC  }
0x82: {  	[tilespmem:s14], [sflag:$0x1] =	stream.linear.gather [hbm4b:s9+s3], $0xC8, $0x38;
	[tilespmem:$0x10E50] =	vst v63  }
0x83: {  	_ =	swait.ge @!p1 [sflag:s11], $0xC80  }
0x84: {  	s15 =	rddreg [dreg:$0xa];
	[sflag:s11] =	ssyncset.done @!p1 $0x0  }
0x85: {  	s13 =	rddreg [dreg:$0x9];
	[sflag:s11] =	ssyncadd.s32 @!p1 $0xFFFFF380;
	s9 =	sadd.s32 s7, s15  }
0x86: {  	[tilespmem:s12], [sflag:$0x2] =	stream.linear.gather [hbm4b:s9+s3], $0xC8, $0x38;
	[tilespmem:$0x10E50] =	vst v63  }
0x87: {  	s16 =	sadd.s32 s7, s13;
	s11 =	simm.s32 @!p1 $0xD;
	s15 =	simm.s32 $0x4B0  }
0x88: {  	[tilespmem:s15], [sflag:$0x2] =	stream.linear.gather [hbm4b:s16+s3], $0xC8, $0x38;
	[tilespmem:$0x10E50] =	vst v63  }
0x89: {  	_ =	swait.ge @!p1 [sflag:s11], $0xC80  }
0x8a: {  	s16 =	simm.s32 $0x190;
	s17 =	rddreg [dreg:$0x8];
	[sflag:s11] =	ssyncset.done @!p1 $0x0  }
0x8b: {  	s18 =	rddreg [dreg:$0x7];
	[sflag:s11] =	ssyncadd.s32 @!p1 $0xFFFFF380;
	s9 =	sadd.s32 s7, s17  }
0x8c: {  	[tilespmem:s16], [sflag:$0x3] =	stream.linear.gather [hbm4b:s9+s3], $0xC8, $0x38;
	[tilespmem:$0x10E50] =	vst v63  }
0x8d: {  	s13 =	sadd.s32 s7, s18;
	s11 =	simm.s32 @!p1 $0xE;
	s17 =	simm.s32 $0x578  }
0x8e: {  	[tilespmem:s17], [sflag:$0x3] =	stream.linear.gather [hbm4b:s13+s3], $0xC8, $0x38;
	[tilespmem:$0x10E50] =	vst v63  }
0x8f: {  	_ =	swait.ge @!p1 [sflag:s11], $0xC80  }
0x90: {  	s18 =	rddreg [dreg:$0x6]  }
0x91: {  	[sflag:s11] =	ssyncset.done @!p1 $0x0;
	s13 =	rddreg [dreg:$0x5]  }
0x92: {  	[sflag:s11] =	ssyncadd.s32 @!p1 $0xFFFFF380;
	s9 =	sadd.s32 s7, s18;
	s18 =	simm.s32 $0x258  }
0x93: {  	[tilespmem:s18], [sflag:$0x4] =	stream.linear.gather [hbm4b:s9+s3], $0xC8, $0x38;
	[tilespmem:$0x10E50] =	vst v63  }
0x94: {  	s13 =	sadd.s32 s7, s13;
	s11 =	simm.s32 @!p1 $0xF  }
0x95: {  	[tilespmem:s19], [sflag:$0x4] =	stream.linear.gather [hbm4b:s13+s3], $0xC8, $0x38;
	[tilespmem:$0x10E50] =	vst v63  }
0x96: {  	_ =	swait.ge @!p1 [sflag:s11], $0xC80  }
0x97: {  	s9 =	rddreg [dreg:$0x4]  }
0x98: {  	[sflag:s11] =	ssyncset.done @!p1 $0x0;
	s13 =	rddreg [dreg:$0x3]  }
0x99: {  	[sflag:s11] =	ssyncadd.s32 @!p1 $0xFFFFF380;
	s9 =	sadd.s32 s7, s9;
	s11 =	simm.s32 $0x320  }
0x9a: {  	[tilespmem:s11], [sflag:$0x5] =	stream.linear.gather [hbm4b:s9+s3], $0xC8, $0x38;
	[tilespmem:$0x10E50] =	vst v63  }
0x9b: {  	s13 =	sadd.s32 s7, s13  }
0x9c: {  	[tilespmem:s21], [sflag:$0x5] =	stream.linear.gather [hbm4b:s13+s3], $0xC8, $0x38;
	[tilespmem:$0x10E50] =	vst v63  }
0x9d: {  	_ =	swait.ge [sflag:s20], $0xC8  }
0x9e: {  	[sflag:s20] =	ssyncset.done $0x0  }
0x9f: {  	[sflag:s20] =	ssyncadd.s32 $0xFFFFFF38  }
0xa0: {  	_ =	swait.ge [sflag:s20], $0xC8  }
0xa1: {  	[sflag:s20] =	ssyncset.done $0x0  }
0xa2: {  	s13 =	simm.s32 $0x7D0;
	[sflag:s20] =	ssyncadd.s32 $0xFFFFFF38  }
0xa3: {  	[tilespmem:s13], [sflag:$0x6] =	stream.indirect.gather [hbm4b:s4+s12], $0x10, s3, s12, $0xb8;
	[tilespmem:$0x10E50] =	vst v63  }
0xa4: {  	_ =	swait.ge [sflag:s22], $0xC8  }
0xa5: {  	[sflag:s22] =	ssyncset.done $0x0  }
0xa6: {  	[sflag:s22] =	ssyncadd.s32 $0xFFFFFF38  }
0xa7: {  	_ =	swait.ge [sflag:s22], $0xC8  }
0xa8: {  	[sflag:s22] =	ssyncset.done $0x0  }
0xa9: {  	[sflag:s22] =	ssyncadd.s32 $0xFFFFFF38  }
0xaa: {  	[tilespmem:s23], [sflag:$0x7] =	stream.indirect.gather [hbm4b:s4+s12], $0x10, s12, s12, $0xb8;
	[tilespmem:$0x10E50] =	vst v63  }
0xab: {  	_ =	swait.ge [sflag:s24], $0xC8  }
0xac: {  	[sflag:s24] =	ssyncset.done $0x0  }
0xad: {  	[sflag:s24] =	ssyncadd.s32 $0xFFFFFF38  }
0xae: {  	_ =	swait.ge [sflag:s24], $0xC8  }
0xaf: {  	[sflag:s24] =	ssyncset.done $0x0  }
0xb0: {  	[sflag:s24] =	ssyncadd.s32 $0xFFFFFF38  }
0xb1: {  	[tilespmem:s25], [sflag:$0x8] =	stream.indirect.gather [hbm4b:s4+s12], $0x10, s16, s12, $0xb8;
	[tilespmem:$0x10E50] =	vst v63  }
0xb2: {  	_ =	swait.ge [sflag:s26], $0xC8  }
0xb3: {  	[sflag:s26] =	ssyncset.done $0x0  }
0xb4: {  	[sflag:s26] =	ssyncadd.s32 $0xFFFFFF38  }
0xb5: {  	_ =	swait.ge [sflag:s26], $0xC8  }
0xb6: {  	[sflag:s26] =	ssyncset.done $0x0  }
0xb7: {  	[sflag:s26] =	ssyncadd.s32 $0xFFFFFF38  }
0xb8: {  	[tilespmem:s28], [sflag:$0x9] =	stream.indirect.gather [hbm4b:s4+s12], $0x10, s18, s12, $0xb8;
	[tilespmem:$0x10E50] =	vst v63  }
0xb9: {  	_ =	swait.ge [sflag:s29], $0xC8  }
0xba: {  	[sflag:s29] =	ssyncset.done $0x0  }
0xbb: {  	[sflag:s29] =	ssyncadd.s32 $0xFFFFFF38  }
0xbc: {  	_ =	swait.ge [sflag:s29], $0xC8  }
0xbd: {  	[sflag:s29] =	ssyncset.done $0x0  }
0xbe: {  	[sflag:s29] =	ssyncadd.s32 $0xFFFFFF38  }
0xbf: {  	[tilespmem:s30], [sflag:$0xA] =	stream.indirect.gather [hbm4b:s4+s12], $0x10, s11, s12, $0xb8;
	[tilespmem:$0x10E50] =	vst v63  }
0xc0: {  	_ =	swait.ge [sflag:s31], $0xC80  }
0xc1: {  	[sflag:s31] =	ssyncset.done $0x0  }
0xc2: {  	[sflag:s31] =	ssyncadd.s32 $0xFFFFF380  }
0xc3: {  	[spmem:s2] =	stream.indirect.scatter.add.f32 [tilespmem:s13], [sflag:$0xB], $0x10, s14, s12, $0xb8;
	[tilespmem:$0x10E50] =	vst v63  }
0xc4: {  	_ =	swait.ge [sflag:s1], $0xC80  }
0xc5: {  	[sflag:s1] =	ssyncset.done $0x0  }
0xc6: {  	[sflag:s1] =	ssyncadd.s32 $0xFFFFF380  }
0xc7: {  	[spmem:s2] =	stream.indirect.scatter.add.f32 [tilespmem:s23], [sflag:$0xC], $0x10, s15, s12, $0xb8;
	[tilespmem:$0x10E50] =	vst v63  }
0xc8: {  	_ =	swait.ge [sflag:s0], $0xC80  }
0xc9: {  	[sflag:s0] =	ssyncset.done $0x0  }
0xca: {  	s8 =	smov.u32 s10;
	s10 =	sadd.s32 $0x7D, s10;
	[sflag:s0] =	ssyncadd.s32 $0xFFFFF380  }
0xcb: {  	[spmem:s2] =	stream.indirect.scatter.add.f32 [tilespmem:s25], [sflag:$0xD], $0x10, s17, s12, $0xb8;
	[tilespmem:$0x10E50] =	vst v63  }
0xcc: {  	p0 =	sne.s32 s10, $0xC35;
	_ =	swait.ge [sflag:s5], $0xC80  }
.Ltmp0:
0xcd: {  	[sflag:s5] =	ssyncset.done $0x0;
	(pc) =	sbr.rel @p0 .LBB2_2-.Ltmp0, $4  }
0xce: {  	[sflag:s5] =	ssyncadd.s32 $0xFFFFF380  }
0xcf: {  	[spmem:s2] =	stream.indirect.scatter.add.f32 [tilespmem:s28], [sflag:$0xE], $0x10, s19, s12, $0xb8;
	[tilespmem:$0x10E50] =	vst v63  }
0xd0: {  	s7 =	smov.u32 s8;
	_ =	swait.ge [sflag:s6], $0xC80  }
0xd1: {  	p1 =	seq.s32 s7, $0x0;
	[sflag:s6] =	ssyncset.done $0x0  }
0xd2: {  	s8 =	simm.s32 @!p1 $0xB;
	[sflag:s6] =	ssyncadd.s32 $0xFFFFF380;
	s18 =	simm.s32 $0x708  }
0xd3: {  	[spmem:s2] =	stream.indirect.scatter.add.f32 [tilespmem:s30], [sflag:$0xF], $0x10, s18, s12, $0xb8;
	[tilespmem:$0x10E50] =	vst v63  }
0xd4: {  	_ =	swait.ge @!p1 [sflag:s8], $0xC80  }
0xd5: {  	s9 =	rddreg [dreg:$0xc];
	[sflag:s8] =	ssyncset.done @!p1 $0x0  }
0xd6: {  	s10 =	rddreg [dreg:$0xb];
	[sflag:s8] =	ssyncadd.s32 @!p1 $0xFFFFF380;
	s9 =	sadd.s32 s7, s9  }
0xd7: {  	[tilespmem:s3], [sflag:$0x1] =	stream.linear.gather [hbm4b:s9+s3], $0xC8, $0x38;
	[tilespmem:$0x10E50] =	vst v63  }
0xd8: {  	s11 =	simm.s32 $0x3E8;
	s10 =	sadd.s32 s7, s10;
	s9 =	simm.s32 @!p1 $0xC  }
0xd9: {  	[tilespmem:s11], [sflag:$0x1] =	stream.linear.gather [hbm4b:s10+s3], $0xC8, $0x38;
	[tilespmem:$0x10E50] =	vst v63  }
0xda: {  	_ =	swait.ge @!p1 [sflag:s9], $0xC80  }
0xdb: {  	s13 =	rddreg [dreg:$0xa];
	[sflag:s9] =	ssyncset.done @!p1 $0x0  }
0xdc: {  	s14 =	rddreg [dreg:$0x9];
	[sflag:s9] =	ssyncadd.s32 @!p1 $0xFFFFF380;
	s8 =	sadd.s32 s7, s13  }
0xdd: {  	[tilespmem:s12], [sflag:$0x2] =	stream.linear.gather [hbm4b:s8+s3], $0xC8, $0x38;
	[tilespmem:$0x10E50] =	vst v63  }
0xde: {  	s15 =	sadd.s32 s7, s14;
	s9 =	simm.s32 @!p1 $0xD;
	s13 =	simm.s32 $0x4B0  }
0xdf: {  	[tilespmem:s13], [sflag:$0x2] =	stream.linear.gather [hbm4b:s15+s3], $0xC8, $0x38;
	[tilespmem:$0x10E50] =	vst v63  }
0xe0: {  	_ =	swait.ge @!p1 [sflag:s9], $0xC80  }
0xe1: {  	s14 =	simm.s32 $0x190;
	s16 =	rddreg [dreg:$0x8];
	[sflag:s9] =	ssyncset.done @!p1 $0x0  }
0xe2: {  	s17 =	rddreg [dreg:$0x7];
	[sflag:s9] =	ssyncadd.s32 @!p1 $0xFFFFF380;
	s8 =	sadd.s32 s7, s16  }
0xe3: {  	[tilespmem:s14], [sflag:$0x3] =	stream.linear.gather [hbm4b:s8+s3], $0xC8, $0x38;
	[tilespmem:$0x10E50] =	vst v63  }
0xe4: {  	s15 =	simm.s32 $0x578;
	s10 =	sadd.s32 s7, s17;
	s9 =	simm.s32 @!p1 $0xE  }
0xe5: {  	[tilespmem:s15], [sflag:$0x3] =	stream.linear.gather [hbm4b:s10+s3], $0xC8, $0x38;
	[tilespmem:$0x10E50] =	vst v63  }
0xe6: {  	_ =	swait.ge @!p1 [sflag:s9], $0xC80  }
0xe7: {  	s16 =	rddreg [dreg:$0x6]  }
0xe8: {  	[sflag:s9] =	ssyncset.done @!p1 $0x0;
	s17 =	rddreg [dreg:$0x5]  }
0xe9: {  	[sflag:s9] =	ssyncadd.s32 @!p1 $0xFFFFF380;
	s8 =	sadd.s32 s7, s16;
	s16 =	simm.s32 $0x258  }
0xea: {  	[tilespmem:s16], [sflag:$0x4] =	stream.linear.gather [hbm4b:s8+s3], $0xC8, $0x38;
	[tilespmem:$0x10E50] =	vst v63  }
0xeb: {  	s10 =	sadd.s32 s7, s17;
	s9 =	simm.s32 @!p1 $0xF;
	s17 =	simm.s32 $0x640  }
0xec: {  	[tilespmem:s17], [sflag:$0x4] =	stream.linear.gather [hbm4b:s10+s3], $0xC8, $0x38;
	[tilespmem:$0x10E50] =	vst v63  }
0xed: {  	_ =	swait.ge @!p1 [sflag:s9], $0xC80  }
0xee: {  	s8 =	rddreg [dreg:$0x4]  }
0xef: {  	[sflag:s9] =	ssyncset.done @!p1 $0x0;
	s10 =	rddreg [dreg:$0x3]  }
0xf0: {  	[sflag:s9] =	ssyncadd.s32 @!p1 $0xFFFFF380;
	s8 =	sadd.s32 s7, s8;
	s9 =	simm.s32 $0x320  }
0xf1: {  	[tilespmem:s9], [sflag:$0x5] =	stream.linear.gather [hbm4b:s8+s3], $0xC8, $0x38;
	[tilespmem:$0x10E50] =	vst v63  }
0xf2: {  	s8 =	sadd.s32 s7, s10  }
0xf3: {  	[tilespmem:s18], [sflag:$0x5] =	stream.linear.gather [hbm4b:s8+s3], $0xC8, $0x38;
	[tilespmem:$0x10E50] =	vst v63  }
0xf4: {  	_ =	swait.ge [sflag:s20], $0xC8  }
0xf5: {  	[sflag:s20] =	ssyncset.done $0x0  }
0xf6: {  	[sflag:s20] =	ssyncadd.s32 $0xFFFFFF38  }
0xf7: {  	_ =	swait.ge [sflag:s20], $0xC8  }
0xf8: {  	[sflag:s20] =	ssyncset.done $0x0  }
0xf9: {  	s10 =	simm.s32 $0x7D0;
	[sflag:s20] =	ssyncadd.s32 $0xFFFFFF38  }
0xfa: {  	[tilespmem:s10], [sflag:$0x6] =	stream.indirect.gather [hbm4b:s4+s12], $0x10, s3, s12, $0xb8;
	[tilespmem:$0x10E50] =	vst v63  }
0xfb: {  	_ =	swait.ge [sflag:s22], $0xC8  }
0xfc: {  	[sflag:s22] =	ssyncset.done $0x0  }
0xfd: {  	[sflag:s22] =	ssyncadd.s32 $0xFFFFFF38  }
0xfe: {  	_ =	swait.ge [sflag:s22], $0xC8  }
0xff: {  	[sflag:s22] =	ssyncset.done $0x0  }
0x100: {  	[sflag:s22] =	ssyncadd.s32 $0xFFFFFF38  }
0x101: {  	[tilespmem:s23], [sflag:$0x7] =	stream.indirect.gather [hbm4b:s4+s12], $0x10, s12, s12, $0xb8;
	[tilespmem:$0x10E50] =	vst v63  }
0x102: {  	_ =	swait.ge [sflag:s24], $0xC8  }
0x103: {  	[sflag:s24] =	ssyncset.done $0x0  }
0x104: {  	[sflag:s24] =	ssyncadd.s32 $0xFFFFFF38  }
0x105: {  	_ =	swait.ge [sflag:s24], $0xC8  }
0x106: {  	[sflag:s24] =	ssyncset.done $0x0  }
0x107: {  	[sflag:s24] =	ssyncadd.s32 $0xFFFFFF38  }
0x108: {  	[tilespmem:s25], [sflag:$0x8] =	stream.indirect.gather [hbm4b:s4+s12], $0x10, s14, s12, $0xb8;
	[tilespmem:$0x10E50] =	vst v63  }
0x109: {  	_ =	swait.ge [sflag:s26], $0xC8  }
0x10a: {  	[sflag:s26] =	ssyncset.done $0x0  }
0x10b: {  	[sflag:s26] =	ssyncadd.s32 $0xFFFFFF38  }
0x10c: {  	_ =	swait.ge [sflag:s26], $0xC8  }
0x10d: {  	[sflag:s26] =	ssyncset.done $0x0  }
0x10e: {  	[sflag:s26] =	ssyncadd.s32 $0xFFFFFF38  }
0x10f: {  	[tilespmem:s28], [sflag:$0x9] =	stream.indirect.gather [hbm4b:s4+s12], $0x10, s16, s12, $0xb8;
	[tilespmem:$0x10E50] =	vst v63  }
0x110: {  	_ =	swait.ge [sflag:s29], $0xC8  }
0x111: {  	[sflag:s29] =	ssyncset.done $0x0  }
0x112: {  	[sflag:s29] =	ssyncadd.s32 $0xFFFFFF38  }
0x113: {  	_ =	swait.ge [sflag:s29], $0xC8  }
0x114: {  	[sflag:s29] =	ssyncset.done $0x0  }
0x115: {  	[sflag:s29] =	ssyncadd.s32 $0xFFFFFF38  }
0x116: {  	[tilespmem:s30], [sflag:$0xA] =	stream.indirect.gather [hbm4b:s4+s12], $0x10, s9, s12, $0xb8;
	[tilespmem:$0x10E50] =	vst v63  }
0x117: {  	_ =	swait.ge [sflag:s31], $0xC80  }
0x118: {  	[sflag:s31] =	ssyncset.done $0x0  }
0x119: {  	[sflag:s31] =	ssyncadd.s32 $0xFFFFF380  }
0x11a: {  	[spmem:s2] =	stream.indirect.scatter.add.f32 [tilespmem:s10], [sflag:$0xB], $0x10, s11, s12, $0xb8;
	[tilespmem:$0x10E50] =	vst v63  }
0x11b: {  	_ =	swait.ge [sflag:s1], $0xC80  }
0x11c: {  	[sflag:s1] =	ssyncset.done $0x0  }
0x11d: {  	[sflag:s1] =	ssyncadd.s32 $0xFFFFF380  }
0x11e: {  	[spmem:s2] =	stream.indirect.scatter.add.f32 [tilespmem:s23], [sflag:$0xC], $0x10, s13, s12, $0xb8;
	[tilespmem:$0x10E50] =	vst v63  }
0x11f: {  	_ =	swait.ge [sflag:s0], $0xC80  }
0x120: {  	[sflag:s0] =	ssyncset.done $0x0  }
0x121: {  	[sflag:s0] =	ssyncadd.s32 $0xFFFFF380  }
0x122: {  	[spmem:s2] =	stream.indirect.scatter.add.f32 [tilespmem:s25], [sflag:$0xD], $0x10, s15, s12, $0xb8;
	[tilespmem:$0x10E50] =	vst v63  }
0x123: {  	_ =	swait.ge [sflag:s5], $0xC80  }
0x124: {  	[sflag:s5] =	ssyncset.done $0x0  }
0x125: {  	[sflag:s5] =	ssyncadd.s32 $0xFFFFF380  }
0x126: {  	[spmem:s2] =	stream.indirect.scatter.add.f32 [tilespmem:s28], [sflag:$0xE], $0x10, s17, s12, $0xb8;
	[tilespmem:$0x10E50] =	vst v63  }
0x127: {  	_ =	swait.ge [sflag:s6], $0xC80  }
0x128: {  	[sflag:s6] =	ssyncset.done $0x0  }
0x129: {  	s8 =	simm.s32 $0xB;
	[sflag:s6] =	ssyncadd.s32 $0xFFFFF380  }
0x12a: {  	[spmem:s2] =	stream.indirect.scatter.add.f32 [tilespmem:s30], [sflag:$0xF], $0x10, s18, s12, $0xb8;
	[tilespmem:$0x10E50] =	vst v63  }
0x12b: {  	_ =	swait.ge [sflag:s8], $0xC80  }
0x12c: {  	[sflag:s8] =	ssyncset.done $0x0  }
0x12d: {  	s9 =	simm.s32 $0xC;
	[sflag:s8] =	ssyncadd.s32 $0xFFFFF380  }
0x12e: {  	_ =	swait.ge [sflag:s9], $0xC80  }
0x12f: {  	[sflag:s9] =	ssyncset.done $0x0  }
0x130: {  	s10 =	simm.s32 $0xD;
	[sflag:s9] =	ssyncadd.s32 $0xFFFFF380  }
0x131: {  	_ =	swait.ge [sflag:s10], $0xC80  }
0x132: {  	[sflag:s10] =	ssyncset.done $0x0  }
0x133: {  	s11 =	simm.s32 $0xE;
	[sflag:s10] =	ssyncadd.s32 $0xFFFFF380  }
0x134: {  	_ =	swait.ge [sflag:s11], $0xC80  }
0x135: {  	[sflag:s11] =	ssyncset.done $0x0  }
0x136: {  	s13 =	simm.s32 $0xF;
	[sflag:s11] =	ssyncadd.s32 $0xFFFFF380  }
0x137: {  	_ =	swait.ge [sflag:s13], $0xC80  }
0x138: {  	[sflag:s13] =	ssyncset.done $0x0  }
0x139: {  	[sflag:s13] =	ssyncadd.s32 $0xFFFFF380  }
0x13a: {  	[bflag:$0x0] =	sbarrier.arrive $0xFFFF  }
0x13b: {  	s9 =	rddreg [dreg:$0xf]  }
0x13c: {  	s14 =	rddreg [dreg:$0x10]  }
0x13d: {  	s8 =	simm.s32 $0x10;
	s15 =	rddreg [dreg:$0x13]  }
0x13e: {  	[hbm:s14], [sflag:s9] =	dma.local [spmem:s15], $0x1900  }
0x13f: {  	_ =	swait.ge [sflag:s8], $0x1900  }
0x140: {  	s16 =	rddreg [dreg:$0x12]  }
0x141: {  	s18 =	rddreg [dreg:$0x11];
	s10 =	sadd.s32 $0x1, s16  }
0x142: {  	p0 =	sne.s32 s10, s18  }
.Ltmp1:
0x143: {  	_ = 	snop;
	(pc) =	sbr.rel @p0 .LBB2_1-.Ltmp1, $3  }
0x144: {  	_ =	sdelay $0x1  }
0x145: {  	[sflag:s8] =	ssyncset.done $0x0  }
0x146: {  	s17 =	simm.s32 $0x708;
	[sflag:s8] =	ssyncadd.s32 $0xFFFFE700  }
0x147: {  	_ =	sfence.sel $0x180000  }
0x148: {  	[bflag:$0x0] =	sbarrier.arrive $0xFFFF  }
0x149: {  	_ =	strace $0x9000004A  }
0x14a: {  	s0 =	stileid.u32;
	[bflag:$0x2] =	sbarrier.arrive $0xFFFF  }
0x14b: {  	p0 =	sne.s32 s0, $0x0;
	s0 =	rddreg [dreg:$0x2]  }
0x14c: {  	s0 =	sadd.s32 @!p0 $0x100000, s0  }
0x14d: {  	[sflag:s0] =	ssyncadd.tile.s32 @!p0 $0x1;
	_ =	shalt  }
.Lfunc_end2:
_tile_overlayer_lowered:
.L_overlay_start_2:
0x14e: {  	(tag) =	ssettag $0x2  }
0x14f: {  	s0 =	rddreg [dreg:$0x0];
	s2 =	stileid.u32  }
0x150: {  	s1 =	rddreg [dreg:$0x1];
	p0 =	sne.s32 s2, $0x0  }
0x151: {  	s3 =	rddreg [dreg:$0x2];
	[bflag:$0x3] =	sbarrier.arrive $0xFFFF;
	s2 =	simm.s32 @!p0 $0x1C10  }
0x152: {  	[timem:s3], [sflag:s2] =	dma.local @!p0 [hbm:s0], s1  }
0x153: {  	s0 =	simm.s32 @!p0 $0x10  }
0x154: {  	_ =	swait.ge @!p0 [sflag:s0], s1  }
0x155: {  	s1 =	ssub.s32 @!p0 $0x0, s1;
	[sflag:s0] =	ssyncset.done @!p0 $0x0  }
0x156: {  	[sflag:s0] =	ssyncadd.s32 @!p0 s1  }
0x157: {  	[bflag:$0x3] =	sbarrier.arrive $0xFFFF  }
0x158: {  	_ =	shalt  }

// kernel: kernel.18.cloned.1.call-start
scs
__scs_entry_jumppad:
0x0: {  	(pc) =	sbr.rel $0x88, $3  }
0x1: {  	(tag) =	ssettag $0x0;
	lr =	simm.s32 $0x1  }
0x2: {  	[smem:$0x3F97] =	sst lr;
	_ =	strace $0xD0000000  }
0x3: {  	_ = 	snop  }
0x4: {  	_ = 	snop  }
0x5: {  	_ = 	snop  }
0x6: {  	_ = 	snop  }
0x7: {  	_ = 	snop  }
__scs_overlays_trampoline_lowered:
0x8: {  	[smem:$0x3FA6] =	sst s0  }
0x9: {  	[smem:$0x3FA7] =	sst s1  }
0xa: {  	[smem:$0x3FA8] =	sst s2  }
0xb: {  	[smem:$0x3FA9] =	sst s3  }
0xc: {  	[smem:$0x3FAA] =	sst s4  }
0xd: {  	[smem:$0x3FAB] =	sst s5  }
0xe: {  	[smem:$0x3FAC] =	sst s6  }
0xf: {  	[smem:$0x3FAD] =	sst s7  }
0x10: {  	[smem:$0x3FAE] =	sst s8  }
0x11: {  	[smem:$0x3FAF] =	sst s9;
	s0 =	simm.s32 @!p0 $0x0  }
0x12: {  	s1 =	sld [smem:$0x3F95];
	s0 =	simm.s32 @p0 $0x1  }
0x13: {  	[smem:$0x3FB0] =	sst s0;
	s0 =	simm.s32 @!p1 $0x0  }
0x14: {  	s2 =	sld [smem:$0x3F94];
	s0 =	simm.s32 @p1 $0x1  }
0x15: {  	[smem:$0x3FB1] =	sst s0;
	s0 =	simm.s32 @!p2 $0x0  }
0x16: {  	s3 =	sld [smem:$0x3FDB];
	s0 =	simm.s32 @p2 $0x1  }
0x17: {  	s4 =	simm.s32 $0x1BF5;
	[smem:$0x3FB3] =	sst s0  }
0x18: {  	s0 =	sld [smem:$0x3F96];
	_ =	swait.ge [sflag:s4], $0x0  }
0x19: {  	s7 =	sld [smem:$0x3F97]  }
0x1a: {  	s8 =	sadd.s32 $0xFFFFE003, lr  }
0x1b: {  	s9 =	sadd.s32 $0xFFFFFEF7, lr;
	s5 =	simm.s32 $0xFFFFFFFF;
	p2 =	slt.u32 s8, $0xFFFFF086  }
0x1c: {  	p1 =	slt.u32 s9, $0xF7A;
	s5 =	simm.s32 @!p2 $0x0  }
0x1d: {  	s5 =	simm.s32 @p1 $0x1;
	p0 =	seq.s32 s7, s2  }
0x1e: {  	s7 =	smul.u32 @!p0 $0xF7A, s2;
	p2 =	seq.s32 @!p0 s5, $0x0  }
0x1f: {  	s9 =	smul.u32 $0xF7A, s1;
	s8 =	simm.s32 @!p0 $0x1BF5;
	p2 =	por !p2, p0  }
0x20: {  	[sflag:s8] =	ssyncset.s32 @!p0 $0xFFFFF086;
	s6 =	sadd.s32 @!p0 s3, s7;
	s7 =	simm.s32 @!p0 $0x108  }
0x21: {  	s3 =	sadd.s32 s3, s9;
	s6 =	sadd.s32 @!p0 $0x88, s6;
	s7 =	simm.s32 @p2 $0x1082  }
0x22: {  	[simem:s7], [sflag:s8] =	dma.local @!p0 [hbm:s6], $0xF7A  }
0x23: {  	s9 =	sor.u32 $0xD0000000, s2;
	s6 =	simm.s32 $0x108;
	_ =	swait.ge @!p0 [sflag:s8], $0x0  }
0x24: {  	s3 =	sadd.s32 $0x88, s3;
	s6 =	simm.s32 @!p1 $0x1082;
	[sflag:s4] =	ssyncset.s32 $0xFFFFF086  }
0x25: {  	[simem:s6], [sflag:s4] =	dma.local [hbm:s3], $0xF7A  }
0x26: {  	[smem:$0x3F97] =	sst s1;
	(tag) =	ssettag s2;
	_ =	strace s9  }
0x27: {  	s1 =	sld [smem:$0x3FA7]  }
0x28: {  	s2 =	sld [smem:$0x3FA8]  }
0x29: {  	s4 =	sld [smem:$0x3FAA]  }
0x2a: {  	p0 =	seq.s32 s5, $0x0;
	s5 =	sld [smem:$0x3FAB]  }
0x2b: {  	s6 =	sld [smem:$0x3FAC]  }
0x2c: {  	s7 =	sld [smem:$0x3FAD]  }
0x2d: {  	s3 =	simm.s32 $0x108;
	s8 =	sld [smem:$0x3FAE]  }
0x2e: {  	s3 =	simm.s32 @!p0 $0x1082;
	s9 =	sld [smem:$0x3FAF]  }
0x2f: {  	lr =	sadd.s32 s0, s3;
	s0 =	sld [smem:$0x3FA6]  }
0x30: {  	s3 =	sld [smem:$0x3FA9]  }
0x31: {  	[smem:$0x3FB2] =	sst s10  }
0x32: {  	s10 =	sld [smem:$0x3FB0];
	_ =	sdelay $0x3  }
0x33: {  	p0 =	seq.s32 s10, $0x1;
	s10 =	sld [smem:$0x3FB2];
	_ =	sdelay $0x3  }
0x34: {  	[smem:$0x3FB2] =	sst s10  }
0x35: {  	s10 =	sld [smem:$0x3FB1];
	_ =	sdelay $0x3  }
0x36: {  	p1 =	seq.s32 s10, $0x1;
	s10 =	sld [smem:$0x3FB2];
	_ =	sdelay $0x3  }
0x37: {  	[smem:$0x3FB2] =	sst s10  }
0x38: {  	s10 =	sld [smem:$0x3FB3]  }
0x39: {  	_ = 	snop;
	(pc) =	sbr.ind lr, $3  }
0x3a: {  	_ = 	snop  }
0x3b: {  	_ = 	snop  }
0x3c: {  	p2 =	seq.s32 s10, $0x1;
	s10 =	sld [smem:$0x3FB2]  }
0x3d: {  	_ =	shalt  }
0x3e: {  	_ =	shalt  }
0x3f: {  	_ =	shalt  }
0x40: {  	_ =	shalt  }
0x41: {  	_ =	shalt  }
0x42: {  	_ =	shalt  }
0x43: {  	_ =	shalt  }
0x44: {  	_ =	shalt  }
0x45: {  	_ =	shalt  }
0x46: {  	_ =	shalt  }
0x47: {  	_ =	shalt  }
0x48: {  	_ =	shalt  }
0x49: {  	_ =	shalt  }
0x4a: {  	_ =	shalt  }
0x4b: {  	_ =	shalt  }
0x4c: {  	_ =	shalt  }
0x4d: {  	_ =	shalt  }
0x4e: {  	_ =	shalt  }
0x4f: {  	_ =	shalt  }
0x50: {  	_ =	shalt  }
0x51: {  	_ =	shalt  }
0x52: {  	_ =	shalt  }
0x53: {  	_ =	shalt  }
0x54: {  	_ =	shalt  }
0x55: {  	_ =	shalt  }
0x56: {  	_ =	shalt  }
0x57: {  	_ =	shalt  }
0x58: {  	_ =	shalt  }
0x59: {  	_ =	shalt  }
0x5a: {  	_ =	shalt  }
0x5b: {  	_ =	shalt  }
0x5c: {  	_ =	shalt  }
0x5d: {  	_ =	shalt  }
0x5e: {  	_ =	shalt  }
0x5f: {  	_ =	shalt  }
0x60: {  	_ =	shalt  }
0x61: {  	_ =	shalt  }
0x62: {  	_ =	shalt  }
0x63: {  	_ =	shalt  }
0x64: {  	_ =	shalt  }
0x65: {  	_ =	shalt  }
0x66: {  	_ =	shalt  }
0x67: {  	_ =	shalt  }
0x68: {  	_ =	shalt  }
0x69: {  	_ =	shalt  }
0x6a: {  	_ =	shalt  }
0x6b: {  	_ =	shalt  }
0x6c: {  	_ =	shalt  }
0x6d: {  	_ =	shalt  }
0x6e: {  	_ =	shalt  }
0x6f: {  	_ =	shalt  }
0x70: {  	_ =	shalt  }
0x71: {  	_ =	shalt  }
0x72: {  	_ =	shalt  }
0x73: {  	_ =	shalt  }
0x74: {  	_ =	shalt  }
0x75: {  	_ =	shalt  }
0x76: {  	_ =	shalt  }
0x77: {  	_ =	shalt  }
0x78: {  	_ =	shalt  }
0x79: {  	_ =	shalt  }
0x7a: {  	_ =	shalt  }
0x7b: {  	_ =	shalt  }
0x7c: {  	_ =	shalt  }
0x7d: {  	_ =	shalt  }
0x7e: {  	_ =	shalt  }
0x7f: {  	_ =	shalt  }
0x80: {  	_ =	shalt  }
0x81: {  	_ =	shalt  }
0x82: {  	_ =	shalt  }
0x83: {  	_ =	shalt  }
0x84: {  	_ =	shalt  }
0x85: {  	_ =	shalt  }
0x86: {  	_ =	shalt  }
0x87: {  	_ =	shalt  }
.Lfunc_end0:
.L_simem_size_0:
called_computation.2_lowered:
.L_overlay_start_0:
0x88: {  	s2 =	sld [smem:$0x3FD9]  }
0x89: {  	s3 =	sld [smem:$0x3FFE];
	_ =	sdelay $0x1  }
0x8a: {  	s1 =	srdreg.scid  }
0x8b: {  	s0 =	sand.u32 $0x1, s1  }
0x8c: {  	s16 =	sshll.u32 s0, $0xA;
	s2 =	sadd.s32 s3, s2  }
0x8d: {  	s2 =	sadd.s32 s2, s16  }
0x8e: {  	[smem:$0x3FBE] =	sst s2  }
0x8f: {  	_ = 	snop  }
0x90: {  	(tm) =	ssettm $0x1  }
0x91: {  	s17 =	sld [smem:$0x3FFB];
	_ =	sdelay $0x3  }
0x92: {  	_ =	strace s17  }
0x93: {  	s2 =	sld [smem:$0x3FFC];
	_ =	sdelay $0x3  }
0x94: {  	_ =	strace s2  }
0x95: {  	s2 =	sld [smem:$0x3FFD];
	_ =	sdelay $0x3  }
0x96: {  	_ =	strace s2  }
0x97: {  	_ =	strace $0x8FFFFFFF  }
0x98: {  	s18 =	sld [smem:$0x3FDB];
	_ =	sdelay $0x1  }
0x99: {  	s19 =	simm.s32 $_scs_section_size  }
0x9a: {  	s4 =	simm.s32 $_size__tile_overlayer_lowered;
	s5 =	simm.s32 $_tile_overlayer_lowered  }
0x9b: {  	s22 =	simm.s32 $0x1BFF;
	s21 =	sshll.u32 s5, $0x1;
	s2 =	sadd.s32 s19, s18  }
0x9c: {  	s6 =	simm.s32 $0x0;
	s20 =	sshll.u32 s4, $0x1;
	s4 =	sadd.s32 s21, s2  }
0x9d: {  	[timem:s6], [sflag:s22] =	dma.local [hbm:s4], s20  }
0x9e: {  	_ =	swait.ge [sflag:s22], s20  }
0x9f: {  	s3 =	ssub.s32 $0x0, s20;
	[sflag:s22] =	ssyncset.done $0x0  }
0xa0: {  	[sflag:s22] =	ssyncadd.s32 s3;
	_ =	sdelay $0x1  }
0xa1: {  	s23 =	simm.s32 $0x1B8B  }
0xa2: {  	_ =	swait.ge [sflag:s23], $0x1  }
0xa3: {  	[sflag:s23] =	ssyncset.done $0x0  }
0xa4: {  	s25 =	simm.s32 $0x1B8E;
	s24 =	sld [smem:$0x3FFE];
	[sflag:s23] =	ssyncadd.s32 $0xFFFFFFFF  }
0xa5: {  	s26 =	simm.s32 $execute0_lowered;
	[smem:$0x3FD2] =	sst s25  }
0xa6: {  	s4 =	sshll.u32 s26, $0x1;
	_ =	strace $0x8000004C;
	[dreg:$0x1] =	wrdreg $0xFFFFFFFF  }
0xa7: {  	s28 =	simm.s32 $_size_execute0_lowered;
	s2 =	sadd.s32 s2, s4;
	[dreg:$0x0] =	wrdreg $0x0  }
0xa8: {  	s4 =	sshll.u32 s28, $0x1;
	[dreg:$0x2] =	wrdreg s2  }
0xa9: {  	[dreg:$0x3] =	wrdreg s4  }
0xaa: {  	[dreg:$0x4] =	wrdreg $0xC0  }
0xab: {  	_ =	task [dreg:s6], $0x5FFFF  }
0xac: {  	[dreg:$0x1] =	wrdreg $0xFFFFFFFF  }
0xad: {  	[dreg:$0x0] =	wrdreg $0x60  }
0xae: {  	[dreg:$0x2] =	wrdreg s24  }
0xaf: {  	[dreg:$0x3] =	wrdreg $0x6A400  }
0xb0: {  	[dreg:$0x4] =	wrdreg $0x9  }
0xb1: {  	_ =	task.clear_ibuf [dreg:s6], $0x5FFFF;
	_ =	strace $0x9000004C  }
0xb2: {  	s29 =	simm.s32 $0x9;
	_ =	strace $0x8000004E  }
0xb3: {  	_ =	swait.ge [sflag:s29], $0x1  }
0xb4: {  	[sflag:s29] =	ssyncadd.s32 $0xFFFFFFFF  }
0xb5: {  	_ =	strace $0x9000004E  }
0xb6: {  	_ =	sfence  }
0xb7: {  	s30 =	sld [smem:$0x0];
	_ =	sdelay $0x2  }
0xb8: {  	s31 =	sshll.u32 s1, $0xD;
	s1 =	sshrl.u32 s1, $0x2  }
0xb9: {  	s3 =	sand.u32 $0x4000, s31;
	s1 =	sadd.s32 s1, s30  }
0xba: {  	s0 =	sor.u32 s3, s0;
	s1 =	sshll.u32 s1, $0x11  }
0xbb: {  	s0 =	sor.u32 s1, s0  }
0xbc: {  	s0 =	sadd.s32 $0x8F2B, s0  }
0xbd: {  	[sflag:s0] =	ssyncadd.remote.s32 $0x1  }
0xbe: {  	_ =	sfence.sel $0xFFFF  }
0xbf: {  	[dreg:$0x0] =	wrdreg $0xFFFFFFFF;
	(pc) =	sbr.abs _section_cstart, $3  }
0xc0: {  	[dreg:$0x1] =	wrdreg $0xFFFFFFFF  }
0xc1: {  	_ =	task.clear_ibuf [dreg:s6], $0x2FFFF;
	_ =	strace $0x9FFFFFFF  }
0xc2: {  	(tm) =	ssettm $0x7FFFFFFF  }
0xc3: {  	_ =	shalt  }
tec
execute0_lowered:
.L_overlay_start_1:
0x0: {  	(tag) =	ssettag $0x1  }
0x1: {  	s0 =	rddreg [dreg:$0x0]  }
0x2: {  	s2 =	rddreg [dreg:$0x1]  }
0x3: {  	s1 =	srdreg.scid;
	s12 =	stileid.u32;
	s3 =	simm.s32 $0x0  }
0x4: {  	s14 =	simm.s32 $0xD;
	s15 =	simm.s32 $0x320;
	s28 =	simm.s32 $0x3840  }
0x5: {  	s29 =	simm.s32 $0x4;
	s30 =	simm.s32 $0x5140;
	s31 =	simm.s32 $0x5  }
0x6: {  	s1 =	sand.u32 $0x1, s1;
	s4 =	smul.u32 $0x19000, s12;
	[smem:$0x7FF] =	sst s3  }
0x7: {  	s6 =	sadd.s32 $0x1AA00, s0;
	s7 =	sadd.s32 $0x2200, s0;
	s10 =	smul.u32 $0xC350, s12  }
0x8: {  	s11 =	sadd.s32 $0x2E2400, s0;
	s17 =	sshll.u32 s12, $0x6;
	s23 =	smul.u32 $0x186A, s12  }
0x9: {  	s5 =	smul.u32 $0x190000, s1;
	_ =	strace $0x8000004D;
	s8 =	ssub.s32 $0x2, s1  }
0xa: {  	[dreg:$0x5] =	wrdreg s11;
	s13 =	sor.u32 $0x1C0D, s17;
	p0 =	seq.s32 s1, $0x0  }
0xb: {  	s17 =	simm.s32 $0x3E8;
	s9 =	sshrl.u32 s8, $0x1;
	s18 =	sshrl.u32 s10, $0x3  }
0xc: {  	s10 =	sadd.s32 $0xC288, s10;
	s26 =	sadd.s32 s23, s6;
	[dreg:$0x6] =	wrdreg s13  }
0xd: {  	s5 =	sadd.s32 s4, s5;
	s8 =	ssub.s32 s8, s9;
	s4 =	sadd.s32 s4, s2  }
0xe: {  	s9 =	sadd.s32 $0x1838, s18;
	s20 =	sshrl.u32 s10, $0x3;
	[dreg:$0x4] =	wrdreg s26  }
0xf: {  	s18 =	simm.s32 $0x190;
	s26 =	simm.s32 $0x3;
	s10 =	simm.s32 $0x0  }
0x10: {  	s5 =	sshrl.u32 s5, $0x3;
	s19 =	sadd.s32 s6, s9;
	s21 =	sadd.s32 s7, s9  }
0x11: {  	s22 =	sadd.s32 s6, s20;
	s1 =	sadd.s32 s7, s20;
	[dreg:$0x7] =	wrdreg s19  }
0x12: {  	s25 =	smax.u32 s8, $0x1;
	s7 =	sadd.s32 s23, s7;
	[dreg:$0x8] =	wrdreg s21  }
0x13: {  	s6 =	sshrl.u32 s4, $0x3;
	s20 =	simm.s32 $0x258;
	[dreg:$0x9] =	wrdreg s22  }
0x14: {  	s23 =	simm.s32 $0x640;
	s4 =	simm.s32 $0x8;
	[dreg:$0xa] =	wrdreg s1  }
0x15: {  	s16 =	sadd.s32 s5, s0;
	s1 =	simm.s32 $0x2B1600;
	[dreg:$0xc] =	wrdreg s25  }
0x16: {  	[dreg:$0x3] =	wrdreg s7;
	s19 =	simm.s32 $0x4B0;
	s21 =	simm.s32 $0x578  }
0x17: {  	s22 =	simm.s32 $0x1;
	s25 =	simm.s32 $0x1F40;
	s7 =	simm.s32 $0xA  }
0x18: {  	[dreg:$0xd] =	wrdreg s6;
	s24 =	sadd.s32 $0x2E5600, s16;
	s1 =	simm.s32 @!p0 $0x280800  }
0x19: {  	s16 =	simm.s32 $0xC8;
	[dreg:$0xb] =	wrdreg s24;
	s12 =	sadd.s32 s1, s0  }
0x1a: {  	s24 =	simm.s32 $0x2;
	s0 =	simm.s32 $0x6;
	s1 =	simm.s32 $0x7  }
.LBB2_1:
0x1b: {  	s5 =	rddreg [dreg:$0x5]  }
0x1c: {  	[spmem:s6], [sflag:s13] =	dma.local [hbm:s5], $0x3200  }
0x1d: {  	_ =	swait.ge [sflag:s14], $0x3200  }
0x1e: {  	[sflag:s14] =	ssyncset.done $0x0  }
0x1f: {  	p0 =	por $0x1, $0x1;
	[sflag:s14] =	ssyncadd.s32 $0xFFFFCE00  }
0x20: {  	s8 =	simm.s32 @!p0 $0x9;
	[bflag:$0x0] =	sbarrier.arrive $0xFFFF  }
0x21: {  	_ =	swait.ge @!p0 [sflag:s8], $0x1900  }
0x22: {  	s11 =	rddreg [dreg:$0x4];
	[sflag:s8] =	ssyncset.done @!p0 $0x0  }
0x23: {  	s9 =	rddreg [dreg:$0x3];
	[sflag:s8] =	ssyncadd.s32 @!p0 $0xFFFFE700;
	s8 =	sadd.s32 $0x0, s11  }
0x24: {  	[tilespmem:s3], [sflag:$0x1] =	stream.linear.gather [hbm4b:s8+s3], $0xC8, $0x38;
	[tilespmem:$0x1FA40] =	vst v63  }
0x25: {  	s9 =	sadd.s32 $0x0, s9;
	s11 =	simm.s32 @!p0 $0xA  }
0x26: {  	[tilespmem:s15], [sflag:$0x1] =	stream.linear.gather [hbm4b:s9+s3], $0xC8, $0x38;
	[tilespmem:$0x1FA40] =	vst v63  }
0x27: {  	_ =	swait.ge @!p0 [sflag:s11], $0x1900  }
0x28: {  	[sflag:s11] =	ssyncset.done @!p0 $0x0  }
0x29: {  	s6 =	sadd.s32 $0x19, s8;
	[sflag:s11] =	ssyncadd.s32 @!p0 $0xFFFFE700  }
0x2a: {  	[tilespmem:s16], [sflag:$0x2] =	stream.linear.gather [hbm4b:s6+s3], $0xC8, $0x38;
	[tilespmem:$0x1FA40] =	vst v63  }
0x2b: {  	s13 =	sadd.s32 $0x19, s9;
	s11 =	simm.s32 @!p0 $0xB  }
0x2c: {  	[tilespmem:s17], [sflag:$0x2] =	stream.linear.gather [hbm4b:s13+s3], $0xC8, $0x38;
	[tilespmem:$0x1FA40] =	vst v63  }
0x2d: {  	_ =	swait.ge @!p0 [sflag:s11], $0x1900  }
0x2e: {  	[sflag:s11] =	ssyncset.done @!p0 $0x0  }
0x2f: {  	s5 =	sadd.s32 $0x32, s8;
	[sflag:s11] =	ssyncadd.s32 @!p0 $0xFFFFE700  }
0x30: {  	[tilespmem:s18], [sflag:$0x3] =	stream.linear.gather [hbm4b:s5+s3], $0xC8, $0x38;
	[tilespmem:$0x1FA40] =	vst v63  }
0x31: {  	s6 =	sadd.s32 $0x32, s9;
	s11 =	simm.s32 @!p0 $0xC  }
0x32: {  	[tilespmem:s19], [sflag:$0x3] =	stream.linear.gather [hbm4b:s6+s3], $0xC8, $0x38;
	[tilespmem:$0x1FA40] =	vst v63  }
0x33: {  	_ =	swait.ge @!p0 [sflag:s11], $0x1900  }
0x34: {  	[sflag:s11] =	ssyncset.done @!p0 $0x0  }
0x35: {  	s8 =	sadd.s32 $0x4B, s8;
	[sflag:s11] =	ssyncadd.s32 @!p0 $0xFFFFE700  }
0x36: {  	[tilespmem:s20], [sflag:$0x4] =	stream.linear.gather [hbm4b:s8+s3], $0xC8, $0x38;
	[tilespmem:$0x1FA40] =	vst v63  }
0x37: {  	s13 =	sadd.s32 $0x4B, s9  }
0x38: {  	[tilespmem:s21], [sflag:$0x4] =	stream.linear.gather [hbm4b:s13+s3], $0xC8, $0x38;
	[tilespmem:$0x1FA40] =	vst v63  }
0x39: {  	_ =	swait.ge [sflag:s22], $0xC8  }
0x3a: {  	[sflag:s22] =	ssyncset.done $0x0  }
0x3b: {  	[sflag:s22] =	ssyncadd.s32 $0xFFFFFF38  }
0x3c: {  	_ =	swait.ge [sflag:s22], $0xC8  }
0x3d: {  	[sflag:s22] =	ssyncset.done $0x0  }
0x3e: {  	[sflag:s22] =	ssyncadd.s32 $0xFFFFFF38  }
0x3f: {  	[tilespmem:s23], [sflag:$0x5] =	stream.indirect.gather [hbm4b:s12+s16], $0x20, s3, s16, $0xb8;
	[tilespmem:$0x1FA40] =	vst v63  }
0x40: {  	_ =	swait.ge [sflag:s24], $0xC8  }
0x41: {  	[sflag:s24] =	ssyncset.done $0x0  }
0x42: {  	[sflag:s24] =	ssyncadd.s32 $0xFFFFFF38  }
0x43: {  	_ =	swait.ge [sflag:s24], $0xC8  }
0x44: {  	[sflag:s24] =	ssyncset.done $0x0  }
0x45: {  	[sflag:s24] =	ssyncadd.s32 $0xFFFFFF38  }
0x46: {  	[tilespmem:s25], [sflag:$0x6] =	stream.indirect.gather [hbm4b:s12+s16], $0x20, s16, s16, $0xb8;
	[tilespmem:$0x1FA40] =	vst v63  }
0x47: {  	_ =	swait.ge [sflag:s26], $0xC8  }
0x48: {  	[sflag:s26] =	ssyncset.done $0x0  }
0x49: {  	[sflag:s26] =	ssyncadd.s32 $0xFFFFFF38  }
0x4a: {  	_ =	swait.ge [sflag:s26], $0xC8  }
0x4b: {  	[sflag:s26] =	ssyncset.done $0x0  }
0x4c: {  	[sflag:s26] =	ssyncadd.s32 $0xFFFFFF38  }
0x4d: {  	[tilespmem:s28], [sflag:$0x7] =	stream.indirect.gather [hbm4b:s12+s16], $0x20, s18, s16, $0xb8;
	[tilespmem:$0x1FA40] =	vst v63  }
0x4e: {  	_ =	swait.ge [sflag:s29], $0xC8  }
0x4f: {  	[sflag:s29] =	ssyncset.done $0x0  }
0x50: {  	[sflag:s29] =	ssyncadd.s32 $0xFFFFFF38  }
0x51: {  	_ =	swait.ge [sflag:s29], $0xC8  }
0x52: {  	[sflag:s29] =	ssyncset.done $0x0  }
0x53: {  	[sflag:s29] =	ssyncadd.s32 $0xFFFFFF38  }
0x54: {  	[tilespmem:s30], [sflag:$0x8] =	stream.indirect.gather [hbm4b:s12+s16], $0x20, s20, s16, $0xb8;
	[tilespmem:$0x1FA40] =	vst v63  }
0x55: {  	_ =	swait.ge [sflag:s31], $0x1900  }
0x56: {  	[sflag:s31] =	ssyncset.done $0x0  }
0x57: {  	[sflag:s31] =	ssyncadd.s32 $0xFFFFE700  }
0x58: {  	[spmem:s2] =	stream.indirect.scatter.add.f32 [tilespmem:s23], [sflag:$0x9], $0x20, s15, s16, $0xb8;
	[tilespmem:$0x1FA40] =	vst v63  }
0x59: {  	_ =	swait.ge [sflag:s0], $0x1900  }
0x5a: {  	[sflag:s0] =	ssyncset.done $0x0  }
0x5b: {  	[sflag:s0] =	ssyncadd.s32 $0xFFFFE700  }
0x5c: {  	[spmem:s2] =	stream.indirect.scatter.add.f32 [tilespmem:s25], [sflag:$0xA], $0x20, s17, s16, $0xb8;
	[tilespmem:$0x1FA40] =	vst v63  }
0x5d: {  	_ =	swait.ge [sflag:s1], $0x1900  }
0x5e: {  	[sflag:s1] =	ssyncset.done $0x0  }
0x5f: {  	[sflag:s1] =	ssyncadd.s32 $0xFFFFE700  }
0x60: {  	[spmem:s2] =	stream.indirect.scatter.add.f32 [tilespmem:s28], [sflag:$0xB], $0x20, s19, s16, $0xb8;
	[tilespmem:$0x1FA40] =	vst v63  }
0x61: {  	p1 =	por $0x0, $0x0;
	_ =	swait.ge [sflag:s4], $0x1900  }
0x62: {  	s11 =	simm.s32 $0x64;
	s8 =	simm.s32 $0xC8;
	[sflag:s4] =	ssyncset.done $0x0  }
.LBB2_2:
0x63: {  	s9 =	simm.s32 @!p1 $0x9;
	[sflag:s4] =	ssyncadd.s32 $0xFFFFE700  }
0x64: {  	[spmem:s2] =	stream.indirect.scatter.add.f32 [tilespmem:s30], [sflag:$0xC], $0x20, s21, s16, $0xb8;
	[tilespmem:$0x1FA40] =	vst v63  }
0x65: {  	_ =	swait.ge @!p1 [sflag:s9], $0x1900  }
0x66: {  	[sflag:s9] =	ssyncset.done @!p1 $0x0;
	s13 =	rddreg [dreg:$0x4]  }
0x67: {  	s6 =	rddreg [dreg:$0x3];
	[sflag:s9] =	ssyncadd.s32 @!p1 $0xFFFFE700;
	s13 =	sadd.s32 s11, s13  }
0x68: {  	[tilespmem:s3], [sflag:$0x1] =	stream.linear.gather [hbm4b:s13+s3], $0xC8, $0x38;
	[tilespmem:$0x1FA40] =	vst v63  }
0x69: {  	s9 =	sadd.s32 s11, s6;
	s6 =	simm.s32 @!p1 $0xA  }
0x6a: {  	[tilespmem:s15], [sflag:$0x1] =	stream.linear.gather [hbm4b:s9+s3], $0xC8, $0x38;
	[tilespmem:$0x1FA40] =	vst v63  }
0x6b: {  	_ =	swait.ge @!p1 [sflag:s6], $0x1900  }
0x6c: {  	[sflag:s6] =	ssyncset.done @!p1 $0x0  }
0x6d: {  	s5 =	smov.u32 s8;
	[sflag:s6] =	ssyncadd.s32 @!p1 $0xFFFFE700;
	s6 =	sadd.s32 $0x19, s13  }
0x6e: {  	[tilespmem:s16], [sflag:$0x2] =	stream.linear.gather [hbm4b:s6+s3], $0xC8, $0x38;
	[tilespmem:$0x1FA40] =	vst v63  }
0x6f: {  	s11 =	smov.u32 s5;
	s5 =	sadd.s32 $0x19, s9;
	s6 =	simm.s32 @!p1 $0xB  }
0x70: {  	[tilespmem:s17], [sflag:$0x2] =	stream.linear.gather [hbm4b:s5+s3], $0xC8, $0x38;
	[tilespmem:$0x1FA40] =	vst v63  }
0x71: {  	_ =	swait.ge @!p1 [sflag:s6], $0x1900  }
0x72: {  	[sflag:s6] =	ssyncset.done @!p1 $0x0  }
0x73: {  	[sflag:s6] =	ssyncadd.s32 @!p1 $0xFFFFE700;
	s6 =	sadd.s32 $0x32, s13  }
0x74: {  	[tilespmem:s18], [sflag:$0x3] =	stream.linear.gather [hbm4b:s6+s3], $0xC8, $0x38;
	[tilespmem:$0x1FA40] =	vst v63  }
0x75: {  	s5 =	sadd.s32 $0x32, s9;
	s6 =	simm.s32 @!p1 $0xC  }
0x76: {  	[tilespmem:s19], [sflag:$0x3] =	stream.linear.gather [hbm4b:s5+s3], $0xC8, $0x38;
	[tilespmem:$0x1FA40] =	vst v63  }
0x77: {  	_ =	swait.ge @!p1 [sflag:s6], $0x1900  }
0x78: {  	[sflag:s6] =	ssyncset.done @!p1 $0x0  }
0x79: {  	[sflag:s6] =	ssyncadd.s32 @!p1 $0xFFFFE700;
	s6 =	sadd.s32 $0x4B, s13  }
0x7a: {  	[tilespmem:s20], [sflag:$0x4] =	stream.linear.gather [hbm4b:s6+s3], $0xC8, $0x38;
	[tilespmem:$0x1FA40] =	vst v63  }
0x7b: {  	s13 =	sadd.s32 $0x4B, s9  }
0x7c: {  	[tilespmem:s21], [sflag:$0x4] =	stream.linear.gather [hbm4b:s13+s3], $0xC8, $0x38;
	[tilespmem:$0x1FA40] =	vst v63  }
0x7d: {  	_ =	swait.ge [sflag:s22], $0xC8  }
0x7e: {  	[sflag:s22] =	ssyncset.done $0x0  }
0x7f: {  	[sflag:s22] =	ssyncadd.s32 $0xFFFFFF38  }
0x80: {  	_ =	swait.ge [sflag:s22], $0xC8  }
0x81: {  	[sflag:s22] =	ssyncset.done $0x0  }
0x82: {  	[sflag:s22] =	ssyncadd.s32 $0xFFFFFF38  }
0x83: {  	[tilespmem:s23], [sflag:$0x5] =	stream.indirect.gather [hbm4b:s12+s16], $0x20, s3, s16, $0xb8;
	[tilespmem:$0x1FA40] =	vst v63  }
0x84: {  	_ =	swait.ge [sflag:s24], $0xC8  }
0x85: {  	[sflag:s24] =	ssyncset.done $0x0  }
0x86: {  	[sflag:s24] =	ssyncadd.s32 $0xFFFFFF38  }
0x87: {  	_ =	swait.ge [sflag:s24], $0xC8  }
0x88: {  	[sflag:s24] =	ssyncset.done $0x0  }
0x89: {  	[sflag:s24] =	ssyncadd.s32 $0xFFFFFF38  }
0x8a: {  	[tilespmem:s25], [sflag:$0x6] =	stream.indirect.gather [hbm4b:s12+s16], $0x20, s16, s16, $0xb8;
	[tilespmem:$0x1FA40] =	vst v63  }
0x8b: {  	_ =	swait.ge [sflag:s26], $0xC8  }
0x8c: {  	[sflag:s26] =	ssyncset.done $0x0  }
0x8d: {  	[sflag:s26] =	ssyncadd.s32 $0xFFFFFF38  }
0x8e: {  	_ =	swait.ge [sflag:s26], $0xC8  }
0x8f: {  	[sflag:s26] =	ssyncset.done $0x0  }
0x90: {  	[sflag:s26] =	ssyncadd.s32 $0xFFFFFF38  }
0x91: {  	[tilespmem:s28], [sflag:$0x7] =	stream.indirect.gather [hbm4b:s12+s16], $0x20, s18, s16, $0xb8;
	[tilespmem:$0x1FA40] =	vst v63  }
0x92: {  	_ =	swait.ge [sflag:s29], $0xC8  }
0x93: {  	[sflag:s29] =	ssyncset.done $0x0  }
0x94: {  	[sflag:s29] =	ssyncadd.s32 $0xFFFFFF38  }
0x95: {  	_ =	swait.ge [sflag:s29], $0xC8  }
0x96: {  	[sflag:s29] =	ssyncset.done $0x0  }
0x97: {  	[sflag:s29] =	ssyncadd.s32 $0xFFFFFF38  }
0x98: {  	[tilespmem:s30], [sflag:$0x8] =	stream.indirect.gather [hbm4b:s12+s16], $0x20, s20, s16, $0xb8;
	[tilespmem:$0x1FA40] =	vst v63  }
0x99: {  	_ =	swait.ge [sflag:s31], $0x1900  }
0x9a: {  	[sflag:s31] =	ssyncset.done $0x0  }
0x9b: {  	[sflag:s31] =	ssyncadd.s32 $0xFFFFE700  }
0x9c: {  	[spmem:s2] =	stream.indirect.scatter.add.f32 [tilespmem:s23], [sflag:$0x9], $0x20, s15, s16, $0xb8;
	[tilespmem:$0x1FA40] =	vst v63  }
0x9d: {  	_ =	swait.ge [sflag:s0], $0x1900  }
0x9e: {  	[sflag:s0] =	ssyncset.done $0x0  }
0x9f: {  	s8 =	sadd.s32 $0x64, s8;
	[sflag:s0] =	ssyncadd.s32 $0xFFFFE700  }
0xa0: {  	[spmem:s2] =	stream.indirect.scatter.add.f32 [tilespmem:s25], [sflag:$0xA], $0x20, s17, s16, $0xb8;
	[tilespmem:$0x1FA40] =	vst v63  }
0xa1: {  	p0 =	sne.s32 s8, $0x1838;
	_ =	swait.ge [sflag:s1], $0x1900  }
.Ltmp0:
0xa2: {  	[sflag:s1] =	ssyncset.done $0x0;
	(pc) =	sbr.rel @p0 .LBB2_2-.Ltmp0, $4  }
0xa3: {  	[sflag:s1] =	ssyncadd.s32 $0xFFFFE700  }
0xa4: {  	[spmem:s2] =	stream.indirect.scatter.add.f32 [tilespmem:s28], [sflag:$0xB], $0x20, s19, s16, $0xb8;
	[tilespmem:$0x1FA40] =	vst v63  }
0xa5: {  	_ =	swait.ge [sflag:s4], $0x1900  }
0xa6: {  	p1 =	seq.s32 s11, $0x0;
	[sflag:s4] =	ssyncset.done $0x0  }
0xa7: {  	s5 =	simm.s32 @!p1 $0x9;
	[sflag:s4] =	ssyncadd.s32 $0xFFFFE700  }
0xa8: {  	[spmem:s2] =	stream.indirect.scatter.add.f32 [tilespmem:s30], [sflag:$0xC], $0x20, s21, s16, $0xb8;
	[tilespmem:$0x1FA40] =	vst v63  }
0xa9: {  	_ =	swait.ge @!p1 [sflag:s5], $0x1900  }
0xaa: {  	s6 =	rddreg [dreg:$0x4];
	[sflag:s5] =	ssyncset.done @!p1 $0x0  }
0xab: {  	s8 =	rddreg [dreg:$0x3];
	[sflag:s5] =	ssyncadd.s32 @!p1 $0xFFFFE700;
	s5 =	sadd.s32 s11, s6  }
0xac: {  	[tilespmem:s3], [sflag:$0x1] =	stream.linear.gather [hbm4b:s5+s3], $0xC8, $0x38;
	[tilespmem:$0x1FA40] =	vst v63  }
0xad: {  	s6 =	sadd.s32 s11, s8;
	s8 =	simm.s32 @!p1 $0xA  }
0xae: {  	[tilespmem:s15], [sflag:$0x1] =	stream.linear.gather [hbm4b:s6+s3], $0xC8, $0x38;
	[tilespmem:$0x1FA40] =	vst v63  }
0xaf: {  	_ =	swait.ge @!p1 [sflag:s8], $0x1900  }
0xb0: {  	[sflag:s8] =	ssyncset.done @!p1 $0x0  }
0xb1: {  	s9 =	sadd.s32 $0x19, s5;
	[sflag:s8] =	ssyncadd.s32 @!p1 $0xFFFFE700  }
0xb2: {  	[tilespmem:s16], [sflag:$0x2] =	stream.linear.gather [hbm4b:s9+s3], $0xC8, $0x38;
	[tilespmem:$0x1FA40] =	vst v63  }
0xb3: {  	s11 =	sadd.s32 $0x19, s6;
	s8 =	simm.s32 @!p1 $0xB  }
0xb4: {  	[tilespmem:s17], [sflag:$0x2] =	stream.linear.gather [hbm4b:s11+s3], $0xC8, $0x38;
	[tilespmem:$0x1FA40] =	vst v63  }
0xb5: {  	_ =	swait.ge @!p1 [sflag:s8], $0x1900  }
0xb6: {  	[sflag:s8] =	ssyncset.done @!p1 $0x0  }
0xb7: {  	s13 =	sadd.s32 $0x32, s5;
	[sflag:s8] =	ssyncadd.s32 @!p1 $0xFFFFE700  }
0xb8: {  	[tilespmem:s18], [sflag:$0x3] =	stream.linear.gather [hbm4b:s13+s3], $0xC8, $0x38;
	[tilespmem:$0x1FA40] =	vst v63  }
0xb9: {  	s9 =	sadd.s32 $0x32, s6;
	s8 =	simm.s32 @!p1 $0xC  }
0xba: {  	[tilespmem:s19], [sflag:$0x3] =	stream.linear.gather [hbm4b:s9+s3], $0xC8, $0x38;
	[tilespmem:$0x1FA40] =	vst v63  }
0xbb: {  	_ =	swait.ge @!p1 [sflag:s8], $0x1900  }
0xbc: {  	[sflag:s8] =	ssyncset.done @!p1 $0x0  }
0xbd: {  	s5 =	sadd.s32 $0x4B, s5;
	[sflag:s8] =	ssyncadd.s32 @!p1 $0xFFFFE700  }
0xbe: {  	[tilespmem:s20], [sflag:$0x4] =	stream.linear.gather [hbm4b:s5+s3], $0xC8, $0x38;
	[tilespmem:$0x1FA40] =	vst v63  }
0xbf: {  	s11 =	sadd.s32 $0x4B, s6  }
0xc0: {  	[tilespmem:s21], [sflag:$0x4] =	stream.linear.gather [hbm4b:s11+s3], $0xC8, $0x38;
	[tilespmem:$0x1FA40] =	vst v63  }
0xc1: {  	_ =	swait.ge [sflag:s22], $0xC8  }
0xc2: {  	[sflag:s22] =	ssyncset.done $0x0  }
0xc3: {  	[sflag:s22] =	ssyncadd.s32 $0xFFFFFF38  }
0xc4: {  	_ =	swait.ge [sflag:s22], $0xC8  }
0xc5: {  	[sflag:s22] =	ssyncset.done $0x0  }
0xc6: {  	[sflag:s22] =	ssyncadd.s32 $0xFFFFFF38  }
0xc7: {  	[tilespmem:s23], [sflag:$0x5] =	stream.indirect.gather [hbm4b:s12+s16], $0x20, s3, s16, $0xb8;
	[tilespmem:$0x1FA40] =	vst v63  }
0xc8: {  	_ =	swait.ge [sflag:s24], $0xC8  }
0xc9: {  	[sflag:s24] =	ssyncset.done $0x0  }
0xca: {  	[sflag:s24] =	ssyncadd.s32 $0xFFFFFF38  }
0xcb: {  	_ =	swait.ge [sflag:s24], $0xC8  }
0xcc: {  	[sflag:s24] =	ssyncset.done $0x0  }
0xcd: {  	[sflag:s24] =	ssyncadd.s32 $0xFFFFFF38  }
0xce: {  	[tilespmem:s25], [sflag:$0x6] =	stream.indirect.gather [hbm4b:s12+s16], $0x20, s16, s16, $0xb8;
	[tilespmem:$0x1FA40] =	vst v63  }
0xcf: {  	_ =	swait.ge [sflag:s26], $0xC8  }
0xd0: {  	[sflag:s26] =	ssyncset.done $0x0  }
0xd1: {  	[sflag:s26] =	ssyncadd.s32 $0xFFFFFF38  }
0xd2: {  	_ =	swait.ge [sflag:s26], $0xC8  }
0xd3: {  	[sflag:s26] =	ssyncset.done $0x0  }
0xd4: {  	[sflag:s26] =	ssyncadd.s32 $0xFFFFFF38  }
0xd5: {  	[tilespmem:s28], [sflag:$0x7] =	stream.indirect.gather [hbm4b:s12+s16], $0x20, s18, s16, $0xb8;
	[tilespmem:$0x1FA40] =	vst v63  }
0xd6: {  	_ =	swait.ge [sflag:s29], $0xC8  }
0xd7: {  	[sflag:s29] =	ssyncset.done $0x0  }
0xd8: {  	[sflag:s29] =	ssyncadd.s32 $0xFFFFFF38  }
0xd9: {  	_ =	swait.ge [sflag:s29], $0xC8  }
0xda: {  	[sflag:s29] =	ssyncset.done $0x0  }
0xdb: {  	[sflag:s29] =	ssyncadd.s32 $0xFFFFFF38  }
0xdc: {  	[tilespmem:s30], [sflag:$0x8] =	stream.indirect.gather [hbm4b:s12+s16], $0x20, s20, s16, $0xb8;
	[tilespmem:$0x1FA40] =	vst v63  }
0xdd: {  	_ =	swait.ge [sflag:s31], $0x1900  }
0xde: {  	[sflag:s31] =	ssyncset.done $0x0  }
0xdf: {  	[sflag:s31] =	ssyncadd.s32 $0xFFFFE700  }
0xe0: {  	[spmem:s2] =	stream.indirect.scatter.add.f32 [tilespmem:s23], [sflag:$0x9], $0x20, s15, s16, $0xb8;
	[tilespmem:$0x1FA40] =	vst v63  }
0xe1: {  	_ =	swait.ge [sflag:s0], $0x1900  }
0xe2: {  	[sflag:s0] =	ssyncset.done $0x0  }
0xe3: {  	[sflag:s0] =	ssyncadd.s32 $0xFFFFE700  }
0xe4: {  	[spmem:s2] =	stream.indirect.scatter.add.f32 [tilespmem:s25], [sflag:$0xA], $0x20, s17, s16, $0xb8;
	[tilespmem:$0x1FA40] =	vst v63  }
0xe5: {  	_ =	swait.ge [sflag:s1], $0x1900  }
0xe6: {  	[sflag:s1] =	ssyncset.done $0x0  }
0xe7: {  	[sflag:s1] =	ssyncadd.s32 $0xFFFFE700  }
0xe8: {  	[spmem:s2] =	stream.indirect.scatter.add.f32 [tilespmem:s28], [sflag:$0xB], $0x20, s19, s16, $0xb8;
	[tilespmem:$0x1FA40] =	vst v63  }
0xe9: {  	_ =	swait.ge [sflag:s4], $0x1900  }
0xea: {  	[sflag:s4] =	ssyncset.done $0x0  }
0xeb: {  	s6 =	simm.s32 $0x9;
	[sflag:s4] =	ssyncadd.s32 $0xFFFFE700  }
0xec: {  	[spmem:s2] =	stream.indirect.scatter.add.f32 [tilespmem:s30], [sflag:$0xC], $0x20, s21, s16, $0xb8;
	[tilespmem:$0x1FA40] =	vst v63  }
0xed: {  	_ =	swait.ge [sflag:s6], $0x1900  }
0xee: {  	[sflag:s6] =	ssyncset.done $0x0  }
0xef: {  	[sflag:s6] =	ssyncadd.s32 $0xFFFFE700  }
0xf0: {  	_ =	swait.ge [sflag:s7], $0x1900  }
0xf1: {  	[sflag:s7] =	ssyncset.done $0x0  }
0xf2: {  	s13 =	simm.s32 $0xB;
	[sflag:s7] =	ssyncadd.s32 $0xFFFFE700  }
0xf3: {  	_ =	swait.ge [sflag:s13], $0x1900  }
0xf4: {  	[sflag:s13] =	ssyncset.done $0x0  }
0xf5: {  	s8 =	simm.s32 $0xC;
	[sflag:s13] =	ssyncadd.s32 $0xFFFFE700  }
0xf6: {  	_ =	swait.ge [sflag:s8], $0x1900  }
0xf7: {  	[sflag:s8] =	ssyncset.done $0x0  }
0xf8: {  	s9 =	rddreg [dreg:$0x7];
	[sflag:s8] =	ssyncadd.s32 $0xFFFFE700  }
0xf9: {  	[tilespmem:s3], [sflag:$0xD] =	stream.linear.gather [hbm4b:s9+s3], $0xC8, $0x38;
	[tilespmem:$0x1FA40] =	vst v63  }
0xfa: {  	_ =	swait.ge [sflag:s14], $0xC8  }
0xfb: {  	[sflag:s14] =	ssyncset.done $0x0  }
0xfc: {  	s11 =	rddreg [dreg:$0x8];
	[sflag:s14] =	ssyncadd.s32 $0xFFFFFF38  }
0xfd: {  	[tilespmem:s15], [sflag:$0xD] =	stream.linear.gather [hbm4b:s11+s3], $0xC8, $0x38;
	[tilespmem:$0x1FA40] =	vst v63  }
0xfe: {  	_ =	swait.ge [sflag:s14], $0xC8  }
0xff: {  	[sflag:s14] =	ssyncset.done $0x0  }
0x100: {  	[sflag:s14] =	ssyncadd.s32 $0xFFFFFF38  }
0x101: {  	[tilespmem:s23], [sflag:$0x5] =	stream.indirect.gather [hbm4b:s12+s16], $0x20, s3, s16, $0xb8;
	[tilespmem:$0x1FA40] =	vst v63  }
0x102: {  	_ =	swait.ge [sflag:s31], $0x1900  }
0x103: {  	[sflag:s31] =	ssyncset.done $0x0  }
0x104: {  	[sflag:s31] =	ssyncadd.s32 $0xFFFFE700  }
0x105: {  	[spmem:s2] =	stream.indirect.scatter.add.f32 [tilespmem:s23], [sflag:$0x9], $0x20, s15, s16, $0xb8;
	[tilespmem:$0x1FA40] =	vst v63  }
0x106: {  	s13 =	rddreg [dreg:$0x9]  }
0x107: {  	[tilespmem:s16], [sflag:$0xD] =	stream.linear.gather [hbm4b:s13+s3], $0xC8, $0x38;
	[tilespmem:$0x1FA40] =	vst v63  }
0x108: {  	_ =	swait.ge [sflag:s14], $0xC8  }
0x109: {  	[sflag:s14] =	ssyncset.done $0x0  }
0x10a: {  	s8 =	rddreg [dreg:$0xa];
	[sflag:s14] =	ssyncadd.s32 $0xFFFFFF38  }
0x10b: {  	[tilespmem:s17], [sflag:$0xD] =	stream.linear.gather [hbm4b:s8+s3], $0xC8, $0x38;
	[tilespmem:$0x1FA40] =	vst v63  }
0x10c: {  	_ =	swait.ge [sflag:s14], $0xC8  }
0x10d: {  	[sflag:s14] =	ssyncset.done $0x0  }
0x10e: {  	[sflag:s14] =	ssyncadd.s32 $0xFFFFFF38  }
0x10f: {  	[tilespmem:s25], [sflag:$0x6] =	stream.indirect.gather [hbm4b:s12+s16], $0x20, s16, s16, $0xb8;
	[tilespmem:$0x1FA40] =	vst v63  }
0x110: {  	_ =	swait.ge [sflag:s0], $0x1900  }
0x111: {  	[sflag:s0] =	ssyncset.done $0x0  }
0x112: {  	[sflag:s0] =	ssyncadd.s32 $0xFFFFE700  }
0x113: {  	[spmem:s2] =	stream.indirect.scatter.add.f32 [tilespmem:s25], [sflag:$0xA], $0x20, s17, s16, $0xb8;
	[tilespmem:$0x1FA40] =	vst v63  }
0x114: {  	_ =	swait.ge [sflag:s6], $0x1900  }
0x115: {  	[sflag:s6] =	ssyncset.done $0x0  }
0x116: {  	[sflag:s6] =	ssyncadd.s32 $0xFFFFE700  }
0x117: {  	_ =	swait.ge [sflag:s7], $0x1900  }
0x118: {  	[sflag:s7] =	ssyncset.done $0x0  }
0x119: {  	[sflag:s7] =	ssyncadd.s32 $0xFFFFE700  }
0x11a: {  	[bflag:$0x0] =	sbarrier.arrive $0xFFFF  }
0x11b: {  	s13 =	rddreg [dreg:$0x6]  }
0x11c: {  	s9 =	rddreg [dreg:$0xb]  }
0x11d: {  	s6 =	rddreg [dreg:$0xd]  }
0x11e: {  	[hbm:s9], [sflag:s13] =	dma.local [spmem:s6], $0x3200  }
0x11f: {  	_ =	swait.ge [sflag:s14], $0x3200  }
0x120: {  	s10 =	sadd.s32 $0x1, s10;
	s11 =	rddreg [dreg:$0xc]  }
0x121: {  	p0 =	sne.s32 s10, s11  }
.Ltmp1:
0x122: {  	_ = 	snop;
	(pc) =	sbr.rel @p0 .LBB2_1-.Ltmp1, $3  }
0x123: {  	_ =	sdelay $0x1  }
0x124: {  	[sflag:s14] =	ssyncset.done $0x0  }
0x125: {  	[sflag:s14] =	ssyncadd.s32 $0xFFFFCE00  }
0x126: {  	_ =	sfence.sel $0x180000  }
0x127: {  	[bflag:$0x0] =	sbarrier.arrive $0xFFFF  }
0x128: {  	_ =	strace $0x9000004D  }
0x129: {  	s0 =	stileid.u32;
	[bflag:$0x2] =	sbarrier.arrive $0xFFFF  }
0x12a: {  	p0 =	sne.s32 s0, $0x0;
	s0 =	rddreg [dreg:$0x2]  }
0x12b: {  	s0 =	sadd.s32 @!p0 $0x100000, s0  }
0x12c: {  	[sflag:s0] =	ssyncadd.tile.s32 @!p0 $0x1;
	_ =	shalt  }
.Lfunc_end2:
_tile_overlayer_lowered:
.L_overlay_start_2:
0x12d: {  	(tag) =	ssettag $0x2  }
0x12e: {  	s0 =	rddreg [dreg:$0x0];
	s2 =	stileid.u32  }
0x12f: {  	s1 =	rddreg [dreg:$0x1];
	p0 =	sne.s32 s2, $0x0  }
0x130: {  	s3 =	rddreg [dreg:$0x2];
	[bflag:$0x3] =	sbarrier.arrive $0xFFFF;
	s2 =	simm.s32 @!p0 $0x1C0D  }
0x131: {  	[timem:s3], [sflag:s2] =	dma.local @!p0 [hbm:s0], s1  }
0x132: {  	s0 =	simm.s32 @!p0 $0xD  }
0x133: {  	_ =	swait.ge @!p0 [sflag:s0], s1  }
0x134: {  	s1 =	ssub.s32 @!p0 $0x0, s1;
	[sflag:s0] =	ssyncset.done @!p0 $0x0  }
0x135: {  	[sflag:s0] =	ssyncadd.s32 @!p0 s1  }
0x136: {  	[bflag:$0x3] =	sbarrier.arrive $0xFFFF  }
0x137: {  	_ =	shalt  }

// kernel: kernel.21.cloned.1.call-start
scs
__scs_entry_jumppad:
0x0: {  	(pc) =	sbr.rel $0x88, $3  }
0x1: {  	(tag) =	ssettag $0x0;
	lr =	simm.s32 $0x1  }
0x2: {  	[smem:$0x3F97] =	sst lr;
	_ =	strace $0xD0000000  }
0x3: {  	_ = 	snop  }
0x4: {  	_ = 	snop  }
0x5: {  	_ = 	snop  }
0x6: {  	_ = 	snop  }
0x7: {  	_ = 	snop  }
__scs_overlays_trampoline_lowered:
0x8: {  	[smem:$0x3FA6] =	sst s0  }
0x9: {  	[smem:$0x3FA7] =	sst s1  }
0xa: {  	[smem:$0x3FA8] =	sst s2  }
0xb: {  	[smem:$0x3FA9] =	sst s3  }
0xc: {  	[smem:$0x3FAA] =	sst s4  }
0xd: {  	[smem:$0x3FAB] =	sst s5  }
0xe: {  	[smem:$0x3FAC] =	sst s6  }
0xf: {  	[smem:$0x3FAD] =	sst s7  }
0x10: {  	[smem:$0x3FAE] =	sst s8  }
0x11: {  	[smem:$0x3FAF] =	sst s9;
	s0 =	simm.s32 @!p0 $0x0  }
0x12: {  	s1 =	sld [smem:$0x3F95];
	s0 =	simm.s32 @p0 $0x1  }
0x13: {  	[smem:$0x3FB0] =	sst s0;
	s0 =	simm.s32 @!p1 $0x0  }
0x14: {  	s2 =	sld [smem:$0x3F94];
	s0 =	simm.s32 @p1 $0x1  }
0x15: {  	[smem:$0x3FB1] =	sst s0;
	s0 =	simm.s32 @!p2 $0x0  }
0x16: {  	s3 =	sld [smem:$0x3FDB];
	s0 =	simm.s32 @p2 $0x1  }
0x17: {  	s4 =	simm.s32 $0x1BF5;
	[smem:$0x3FB3] =	sst s0  }
0x18: {  	s0 =	sld [smem:$0x3F96];
	_ =	swait.ge [sflag:s4], $0x0  }
0x19: {  	s7 =	sld [smem:$0x3F97]  }
0x1a: {  	s8 =	sadd.s32 $0xFFFFE003, lr  }
0x1b: {  	s9 =	sadd.s32 $0xFFFFFEF7, lr;
	s5 =	simm.s32 $0xFFFFFFFF;
	p2 =	slt.u32 s8, $0xFFFFF086  }
0x1c: {  	p1 =	slt.u32 s9, $0xF7A;
	s5 =	simm.s32 @!p2 $0x0  }
0x1d: {  	s5 =	simm.s32 @p1 $0x1;
	p0 =	seq.s32 s7, s2  }
0x1e: {  	s7 =	smul.u32 @!p0 $0xF7A, s2;
	p2 =	seq.s32 @!p0 s5, $0x0  }
0x1f: {  	s9 =	smul.u32 $0xF7A, s1;
	s8 =	simm.s32 @!p0 $0x1BF5;
	p2 =	por !p2, p0  }
0x20: {  	[sflag:s8] =	ssyncset.s32 @!p0 $0xFFFFF086;
	s6 =	sadd.s32 @!p0 s3, s7;
	s7 =	simm.s32 @!p0 $0x108  }
0x21: {  	s3 =	sadd.s32 s3, s9;
	s6 =	sadd.s32 @!p0 $0x88, s6;
	s7 =	simm.s32 @p2 $0x1082  }
0x22: {  	[simem:s7], [sflag:s8] =	dma.local @!p0 [hbm:s6], $0xF7A  }
0x23: {  	s9 =	sor.u32 $0xD0000000, s2;
	s6 =	simm.s32 $0x108;
	_ =	swait.ge @!p0 [sflag:s8], $0x0  }
0x24: {  	s3 =	sadd.s32 $0x88, s3;
	s6 =	simm.s32 @!p1 $0x1082;
	[sflag:s4] =	ssyncset.s32 $0xFFFFF086  }
0x25: {  	[simem:s6], [sflag:s4] =	dma.local [hbm:s3], $0xF7A  }
0x26: {  	[smem:$0x3F97] =	sst s1;
	(tag) =	ssettag s2;
	_ =	strace s9  }
0x27: {  	s1 =	sld [smem:$0x3FA7]  }
0x28: {  	s2 =	sld [smem:$0x3FA8]  }
0x29: {  	s4 =	sld [smem:$0x3FAA]  }
0x2a: {  	p0 =	seq.s32 s5, $0x0;
	s5 =	sld [smem:$0x3FAB]  }
0x2b: {  	s6 =	sld [smem:$0x3FAC]  }
0x2c: {  	s7 =	sld [smem:$0x3FAD]  }
0x2d: {  	s3 =	simm.s32 $0x108;
	s8 =	sld [smem:$0x3FAE]  }
0x2e: {  	s3 =	simm.s32 @!p0 $0x1082;
	s9 =	sld [smem:$0x3FAF]  }
0x2f: {  	lr =	sadd.s32 s0, s3;
	s0 =	sld [smem:$0x3FA6]  }
0x30: {  	s3 =	sld [smem:$0x3FA9]  }
0x31: {  	[smem:$0x3FB2] =	sst s10  }
0x32: {  	s10 =	sld [smem:$0x3FB0];
	_ =	sdelay $0x3  }
0x33: {  	p0 =	seq.s32 s10, $0x1;
	s10 =	sld [smem:$0x3FB2];
	_ =	sdelay $0x3  }
0x34: {  	[smem:$0x3FB2] =	sst s10  }
0x35: {  	s10 =	sld [smem:$0x3FB1];
	_ =	sdelay $0x3  }
0x36: {  	p1 =	seq.s32 s10, $0x1;
	s10 =	sld [smem:$0x3FB2];
	_ =	sdelay $0x3  }
0x37: {  	[smem:$0x3FB2] =	sst s10  }
0x38: {  	s10 =	sld [smem:$0x3FB3]  }
0x39: {  	_ = 	snop;
	(pc) =	sbr.ind lr, $3  }
0x3a: {  	_ = 	snop  }
0x3b: {  	_ = 	snop  }
0x3c: {  	p2 =	seq.s32 s10, $0x1;
	s10 =	sld [smem:$0x3FB2]  }
0x3d: {  	_ =	shalt  }
0x3e: {  	_ =	shalt  }
0x3f: {  	_ =	shalt  }
0x40: {  	_ =	shalt  }
0x41: {  	_ =	shalt  }
0x42: {  	_ =	shalt  }
0x43: {  	_ =	shalt  }
0x44: {  	_ =	shalt  }
0x45: {  	_ =	shalt  }
0x46: {  	_ =	shalt  }
0x47: {  	_ =	shalt  }
0x48: {  	_ =	shalt  }
0x49: {  	_ =	shalt  }
0x4a: {  	_ =	shalt  }
0x4b: {  	_ =	shalt  }
0x4c: {  	_ =	shalt  }
0x4d: {  	_ =	shalt  }
0x4e: {  	_ =	shalt  }
0x4f: {  	_ =	shalt  }
0x50: {  	_ =	shalt  }
0x51: {  	_ =	shalt  }
0x52: {  	_ =	shalt  }
0x53: {  	_ =	shalt  }
0x54: {  	_ =	shalt  }
0x55: {  	_ =	shalt  }
0x56: {  	_ =	shalt  }
0x57: {  	_ =	shalt  }
0x58: {  	_ =	shalt  }
0x59: {  	_ =	shalt  }
0x5a: {  	_ =	shalt  }
0x5b: {  	_ =	shalt  }
0x5c: {  	_ =	shalt  }
0x5d: {  	_ =	shalt  }
0x5e: {  	_ =	shalt  }
0x5f: {  	_ =	shalt  }
0x60: {  	_ =	shalt  }
0x61: {  	_ =	shalt  }
0x62: {  	_ =	shalt  }
0x63: {  	_ =	shalt  }
0x64: {  	_ =	shalt  }
0x65: {  	_ =	shalt  }
0x66: {  	_ =	shalt  }
0x67: {  	_ =	shalt  }
0x68: {  	_ =	shalt  }
0x69: {  	_ =	shalt  }
0x6a: {  	_ =	shalt  }
0x6b: {  	_ =	shalt  }
0x6c: {  	_ =	shalt  }
0x6d: {  	_ =	shalt  }
0x6e: {  	_ =	shalt  }
0x6f: {  	_ =	shalt  }
0x70: {  	_ =	shalt  }
0x71: {  	_ =	shalt  }
0x72: {  	_ =	shalt  }
0x73: {  	_ =	shalt  }
0x74: {  	_ =	shalt  }
0x75: {  	_ =	shalt  }
0x76: {  	_ =	shalt  }
0x77: {  	_ =	shalt  }
0x78: {  	_ =	shalt  }
0x79: {  	_ =	shalt  }
0x7a: {  	_ =	shalt  }
0x7b: {  	_ =	shalt  }
0x7c: {  	_ =	shalt  }
0x7d: {  	_ =	shalt  }
0x7e: {  	_ =	shalt  }
0x7f: {  	_ =	shalt  }
0x80: {  	_ =	shalt  }
0x81: {  	_ =	shalt  }
0x82: {  	_ =	shalt  }
0x83: {  	_ =	shalt  }
0x84: {  	_ =	shalt  }
0x85: {  	_ =	shalt  }
0x86: {  	_ =	shalt  }
0x87: {  	_ =	shalt  }
.Lfunc_end0:
.L_simem_size_0:
called_computation.3_lowered:
.L_overlay_start_0:
0x88: {  	s2 =	sld [smem:$0x3FD9]  }
0x89: {  	s3 =	sld [smem:$0x3FFE];
	_ =	sdelay $0x1  }
0x8a: {  	s1 =	srdreg.scid  }
0x8b: {  	s0 =	sand.u32 $0x1, s1  }
0x8c: {  	s16 =	sshll.u32 s0, $0xA;
	s2 =	sadd.s32 s3, s2  }
0x8d: {  	s2 =	sadd.s32 s2, s16  }
0x8e: {  	[smem:$0x3FBE] =	sst s2  }
0x8f: {  	_ = 	snop  }
0x90: {  	(tm) =	ssettm $0x1  }
0x91: {  	s17 =	sld [smem:$0x3FFB];
	_ =	sdelay $0x3  }
0x92: {  	_ =	strace s17  }
0x93: {  	s2 =	sld [smem:$0x3FFC];
	_ =	sdelay $0x3  }
0x94: {  	_ =	strace s2  }
0x95: {  	s2 =	sld [smem:$0x3FFD];
	_ =	sdelay $0x3  }
0x96: {  	_ =	strace s2  }
0x97: {  	_ =	strace $0x8FFFFFFF  }
0x98: {  	s18 =	sld [smem:$0x3FDB];
	_ =	sdelay $0x1  }
0x99: {  	s19 =	simm.s32 $_scs_section_size  }
0x9a: {  	s4 =	simm.s32 $_size__tile_overlayer_lowered;
	s5 =	simm.s32 $_tile_overlayer_lowered  }
0x9b: {  	s22 =	simm.s32 $0x1BFF;
	s21 =	sshll.u32 s5, $0x1;
	s2 =	sadd.s32 s19, s18  }
0x9c: {  	s6 =	simm.s32 $0x0;
	s20 =	sshll.u32 s4, $0x1;
	s4 =	sadd.s32 s21, s2  }
0x9d: {  	[timem:s6], [sflag:s22] =	dma.local [hbm:s4], s20  }
0x9e: {  	_ =	swait.ge [sflag:s22], s20  }
0x9f: {  	s3 =	ssub.s32 $0x0, s20;
	[sflag:s22] =	ssyncset.done $0x0  }
0xa0: {  	[sflag:s22] =	ssyncadd.s32 s3;
	_ =	sdelay $0x1  }
0xa1: {  	s23 =	simm.s32 $0x1B8B  }
0xa2: {  	_ =	swait.ge [sflag:s23], $0x1  }
0xa3: {  	[sflag:s23] =	ssyncset.done $0x0  }
0xa4: {  	s25 =	simm.s32 $0x1B8E;
	s24 =	sld [smem:$0x3FFE];
	[sflag:s23] =	ssyncadd.s32 $0xFFFFFFFF  }
0xa5: {  	s26 =	simm.s32 $execute0_lowered;
	[smem:$0x3FD2] =	sst s25  }
0xa6: {  	s4 =	sshll.u32 s26, $0x1;
	_ =	strace $0x8000004F;
	[dreg:$0x1] =	wrdreg $0xFFFFFFFF  }
0xa7: {  	s28 =	simm.s32 $_size_execute0_lowered;
	s2 =	sadd.s32 s2, s4;
	[dreg:$0x0] =	wrdreg $0x0  }
0xa8: {  	s4 =	sshll.u32 s28, $0x1;
	[dreg:$0x2] =	wrdreg s2  }
0xa9: {  	[dreg:$0x3] =	wrdreg s4  }
0xaa: {  	[dreg:$0x4] =	wrdreg $0xC0  }
0xab: {  	_ =	task [dreg:s6], $0x5FFFF  }
0xac: {  	[dreg:$0x1] =	wrdreg $0xFFFFFFFF  }
0xad: {  	[dreg:$0x0] =	wrdreg $0x60  }
0xae: {  	[dreg:$0x2] =	wrdreg s24  }
0xaf: {  	[dreg:$0x3] =	wrdreg $0x6A400  }
0xb0: {  	[dreg:$0x4] =	wrdreg $0x9  }
0xb1: {  	_ =	task.clear_ibuf [dreg:s6], $0x5FFFF;
	_ =	strace $0x9000004F  }
0xb2: {  	s29 =	simm.s32 $0x9;
	_ =	strace $0x80000051  }
0xb3: {  	_ =	swait.ge [sflag:s29], $0x1  }
0xb4: {  	[sflag:s29] =	ssyncadd.s32 $0xFFFFFFFF  }
0xb5: {  	_ =	strace $0x90000051  }
0xb6: {  	_ =	sfence  }
0xb7: {  	s30 =	sld [smem:$0x0];
	_ =	sdelay $0x2  }
0xb8: {  	s31 =	sshll.u32 s1, $0xD;
	s1 =	sshrl.u32 s1, $0x2  }
0xb9: {  	s3 =	sand.u32 $0x4000, s31;
	s1 =	sadd.s32 s1, s30  }
0xba: {  	s0 =	sor.u32 s3, s0;
	s1 =	sshll.u32 s1, $0x11  }
0xbb: {  	s0 =	sor.u32 s1, s0  }
0xbc: {  	s0 =	sadd.s32 $0x8F2B, s0  }
0xbd: {  	[sflag:s0] =	ssyncadd.remote.s32 $0x1  }
0xbe: {  	_ =	sfence.sel $0xFFFF  }
0xbf: {  	[dreg:$0x0] =	wrdreg $0xFFFFFFFF;
	(pc) =	sbr.abs _section_cstart, $3  }
0xc0: {  	[dreg:$0x1] =	wrdreg $0xFFFFFFFF  }
0xc1: {  	_ =	task.clear_ibuf [dreg:s6], $0x2FFFF;
	_ =	strace $0x9FFFFFFF  }
0xc2: {  	(tm) =	ssettm $0x7FFFFFFF  }
0xc3: {  	_ =	shalt  }
tec
execute0_lowered:
.L_overlay_start_1:
0x0: {  	(tag) =	ssettag $0x1  }
0x1: {  	s0 =	rddreg [dreg:$0x0]  }
0x2: {  	s2 =	rddreg [dreg:$0x1]  }
0x3: {  	s1 =	srdreg.scid;
	s12 =	stileid.u32;
	s3 =	simm.s32 $0x0  }
0x4: {  	s14 =	simm.s32 $0xD;
	s15 =	simm.s32 $0x320;
	s28 =	simm.s32 $0x3840  }
0x5: {  	s29 =	simm.s32 $0x4;
	s30 =	simm.s32 $0x5140;
	s31 =	simm.s32 $0x5  }
0x6: {  	s1 =	sand.u32 $0x1, s1;
	s4 =	smul.u32 $0x19000, s12;
	[smem:$0x7FF] =	sst s3  }
0x7: {  	s6 =	sadd.s32 $0x1AA00, s0;
	s7 =	sadd.s32 $0x2200, s0;
	s10 =	smul.u32 $0xC350, s12  }
0x8: {  	s11 =	sadd.s32 $0x2E2400, s0;
	s17 =	sshll.u32 s12, $0x6;
	s23 =	smul.u32 $0x186A, s12  }
0x9: {  	s5 =	smul.u32 $0x190000, s1;
	_ =	strace $0x80000050;
	s8 =	ssub.s32 $0x2, s1  }
0xa: {  	[dreg:$0x5] =	wrdreg s11;
	s13 =	sor.u32 $0x1C0D, s17;
	p0 =	seq.s32 s1, $0x0  }
0xb: {  	s17 =	simm.s32 $0x3E8;
	s9 =	sshrl.u32 s8, $0x1;
	s18 =	sshrl.u32 s10, $0x3  }
0xc: {  	s10 =	sadd.s32 $0xC288, s10;
	s26 =	sadd.s32 s23, s6;
	[dreg:$0x6] =	wrdreg s13  }
0xd: {  	s5 =	sadd.s32 s4, s5;
	s8 =	ssub.s32 s8, s9;
	s4 =	sadd.s32 s4, s2  }
0xe: {  	s9 =	sadd.s32 $0x1838, s18;
	s20 =	sshrl.u32 s10, $0x3;
	[dreg:$0x4] =	wrdreg s26  }
0xf: {  	s18 =	simm.s32 $0x190;
	s26 =	simm.s32 $0x3;
	s10 =	simm.s32 $0x0  }
0x10: {  	s5 =	sshrl.u32 s5, $0x3;
	s19 =	sadd.s32 s6, s9;
	s21 =	sadd.s32 s7, s9  }
0x11: {  	s22 =	sadd.s32 s6, s20;
	s1 =	sadd.s32 s7, s20;
	[dreg:$0x7] =	wrdreg s19  }
0x12: {  	s25 =	smax.u32 s8, $0x1;
	s7 =	sadd.s32 s23, s7;
	[dreg:$0x8] =	wrdreg s21  }
0x13: {  	s6 =	sshrl.u32 s4, $0x3;
	s20 =	simm.s32 $0x258;
	[dreg:$0x9] =	wrdreg s22  }
0x14: {  	s23 =	simm.s32 $0x640;
	s4 =	simm.s32 $0x8;
	[dreg:$0xa] =	wrdreg s1  }
0x15: {  	s16 =	sadd.s32 s5, s0;
	s1 =	simm.s32 $0x2B1600;
	[dreg:$0xc] =	wrdreg s25  }
0x16: {  	[dreg:$0x3] =	wrdreg s7;
	s19 =	simm.s32 $0x4B0;
	s21 =	simm.s32 $0x578  }
0x17: {  	s22 =	simm.s32 $0x1;
	s25 =	simm.s32 $0x1F40;
	s7 =	simm.s32 $0xA  }
0x18: {  	[dreg:$0xd] =	wrdreg s6;
	s24 =	sadd.s32 $0x33400, s16;
	s1 =	simm.s32 @!p0 $0x280800  }
0x19: {  	s16 =	simm.s32 $0xC8;
	[dreg:$0xb] =	wrdreg s24;
	s12 =	sadd.s32 s1, s0  }
0x1a: {  	s24 =	simm.s32 $0x2;
	s0 =	simm.s32 $0x6;
	s1 =	simm.s32 $0x7  }
.LBB2_1:
0x1b: {  	s5 =	rddreg [dreg:$0x5]  }
0x1c: {  	[spmem:s6], [sflag:s13] =	dma.local [hbm:s5], $0x3200  }
0x1d: {  	_ =	swait.ge [sflag:s14], $0x3200  }
0x1e: {  	[sflag:s14] =	ssyncset.done $0x0  }
0x1f: {  	p0 =	por $0x1, $0x1;
	[sflag:s14] =	ssyncadd.s32 $0xFFFFCE00  }
0x20: {  	s8 =	simm.s32 @!p0 $0x9;
	[bflag:$0x0] =	sbarrier.arrive $0xFFFF  }
0x21: {  	_ =	swait.ge @!p0 [sflag:s8], $0x1900  }
0x22: {  	s11 =	rddreg [dreg:$0x4];
	[sflag:s8] =	ssyncset.done @!p0 $0x0  }
0x23: {  	s9 =	rddreg [dreg:$0x3];
	[sflag:s8] =	ssyncadd.s32 @!p0 $0xFFFFE700;
	s8 =	sadd.s32 $0x0, s11  }
0x24: {  	[tilespmem:s3], [sflag:$0x1] =	stream.linear.gather [hbm4b:s8+s3], $0xC8, $0x38;
	[tilespmem:$0x1FA40] =	vst v63  }
0x25: {  	s9 =	sadd.s32 $0x0, s9;
	s11 =	simm.s32 @!p0 $0xA  }
0x26: {  	[tilespmem:s15], [sflag:$0x1] =	stream.linear.gather [hbm4b:s9+s3], $0xC8, $0x38;
	[tilespmem:$0x1FA40] =	vst v63  }
0x27: {  	_ =	swait.ge @!p0 [sflag:s11], $0x1900  }
0x28: {  	[sflag:s11] =	ssyncset.done @!p0 $0x0  }
0x29: {  	s6 =	sadd.s32 $0x19, s8;
	[sflag:s11] =	ssyncadd.s32 @!p0 $0xFFFFE700  }
0x2a: {  	[tilespmem:s16], [sflag:$0x2] =	stream.linear.gather [hbm4b:s6+s3], $0xC8, $0x38;
	[tilespmem:$0x1FA40] =	vst v63  }
0x2b: {  	s13 =	sadd.s32 $0x19, s9;
	s11 =	simm.s32 @!p0 $0xB  }
0x2c: {  	[tilespmem:s17], [sflag:$0x2] =	stream.linear.gather [hbm4b:s13+s3], $0xC8, $0x38;
	[tilespmem:$0x1FA40] =	vst v63  }
0x2d: {  	_ =	swait.ge @!p0 [sflag:s11], $0x1900  }
0x2e: {  	[sflag:s11] =	ssyncset.done @!p0 $0x0  }
0x2f: {  	s5 =	sadd.s32 $0x32, s8;
	[sflag:s11] =	ssyncadd.s32 @!p0 $0xFFFFE700  }
0x30: {  	[tilespmem:s18], [sflag:$0x3] =	stream.linear.gather [hbm4b:s5+s3], $0xC8, $0x38;
	[tilespmem:$0x1FA40] =	vst v63  }
0x31: {  	s6 =	sadd.s32 $0x32, s9;
	s11 =	simm.s32 @!p0 $0xC  }
0x32: {  	[tilespmem:s19], [sflag:$0x3] =	stream.linear.gather [hbm4b:s6+s3], $0xC8, $0x38;
	[tilespmem:$0x1FA40] =	vst v63  }
0x33: {  	_ =	swait.ge @!p0 [sflag:s11], $0x1900  }
0x34: {  	[sflag:s11] =	ssyncset.done @!p0 $0x0  }
0x35: {  	s8 =	sadd.s32 $0x4B, s8;
	[sflag:s11] =	ssyncadd.s32 @!p0 $0xFFFFE700  }
0x36: {  	[tilespmem:s20], [sflag:$0x4] =	stream.linear.gather [hbm4b:s8+s3], $0xC8, $0x38;
	[tilespmem:$0x1FA40] =	vst v63  }
0x37: {  	s13 =	sadd.s32 $0x4B, s9  }
0x38: {  	[tilespmem:s21], [sflag:$0x4] =	stream.linear.gather [hbm4b:s13+s3], $0xC8, $0x38;
	[tilespmem:$0x1FA40] =	vst v63  }
0x39: {  	_ =	swait.ge [sflag:s22], $0xC8  }
0x3a: {  	[sflag:s22] =	ssyncset.done $0x0  }
0x3b: {  	[sflag:s22] =	ssyncadd.s32 $0xFFFFFF38  }
0x3c: {  	_ =	swait.ge [sflag:s22], $0xC8  }
0x3d: {  	[sflag:s22] =	ssyncset.done $0x0  }
0x3e: {  	[sflag:s22] =	ssyncadd.s32 $0xFFFFFF38  }
0x3f: {  	[tilespmem:s23], [sflag:$0x5] =	stream.indirect.gather [hbm4b:s12+s16], $0x20, s3, s16, $0xb8;
	[tilespmem:$0x1FA40] =	vst v63  }
0x40: {  	_ =	swait.ge [sflag:s24], $0xC8  }
0x41: {  	[sflag:s24] =	ssyncset.done $0x0  }
0x42: {  	[sflag:s24] =	ssyncadd.s32 $0xFFFFFF38  }
0x43: {  	_ =	swait.ge [sflag:s24], $0xC8  }
0x44: {  	[sflag:s24] =	ssyncset.done $0x0  }
0x45: {  	[sflag:s24] =	ssyncadd.s32 $0xFFFFFF38  }
0x46: {  	[tilespmem:s25], [sflag:$0x6] =	stream.indirect.gather [hbm4b:s12+s16], $0x20, s16, s16, $0xb8;
	[tilespmem:$0x1FA40] =	vst v63  }
0x47: {  	_ =	swait.ge [sflag:s26], $0xC8  }
0x48: {  	[sflag:s26] =	ssyncset.done $0x0  }
0x49: {  	[sflag:s26] =	ssyncadd.s32 $0xFFFFFF38  }
0x4a: {  	_ =	swait.ge [sflag:s26], $0xC8  }
0x4b: {  	[sflag:s26] =	ssyncset.done $0x0  }
0x4c: {  	[sflag:s26] =	ssyncadd.s32 $0xFFFFFF38  }
0x4d: {  	[tilespmem:s28], [sflag:$0x7] =	stream.indirect.gather [hbm4b:s12+s16], $0x20, s18, s16, $0xb8;
	[tilespmem:$0x1FA40] =	vst v63  }
0x4e: {  	_ =	swait.ge [sflag:s29], $0xC8  }
0x4f: {  	[sflag:s29] =	ssyncset.done $0x0  }
0x50: {  	[sflag:s29] =	ssyncadd.s32 $0xFFFFFF38  }
0x51: {  	_ =	swait.ge [sflag:s29], $0xC8  }
0x52: {  	[sflag:s29] =	ssyncset.done $0x0  }
0x53: {  	[sflag:s29] =	ssyncadd.s32 $0xFFFFFF38  }
0x54: {  	[tilespmem:s30], [sflag:$0x8] =	stream.indirect.gather [hbm4b:s12+s16], $0x20, s20, s16, $0xb8;
	[tilespmem:$0x1FA40] =	vst v63  }
0x55: {  	_ =	swait.ge [sflag:s31], $0x1900  }
0x56: {  	[sflag:s31] =	ssyncset.done $0x0  }
0x57: {  	[sflag:s31] =	ssyncadd.s32 $0xFFFFE700  }
0x58: {  	[spmem:s2] =	stream.indirect.scatter.add.f32 [tilespmem:s23], [sflag:$0x9], $0x20, s15, s16, $0xb8;
	[tilespmem:$0x1FA40] =	vst v63  }
0x59: {  	_ =	swait.ge [sflag:s0], $0x1900  }
0x5a: {  	[sflag:s0] =	ssyncset.done $0x0  }
0x5b: {  	[sflag:s0] =	ssyncadd.s32 $0xFFFFE700  }
0x5c: {  	[spmem:s2] =	stream.indirect.scatter.add.f32 [tilespmem:s25], [sflag:$0xA], $0x20, s17, s16, $0xb8;
	[tilespmem:$0x1FA40] =	vst v63  }
0x5d: {  	_ =	swait.ge [sflag:s1], $0x1900  }
0x5e: {  	[sflag:s1] =	ssyncset.done $0x0  }
0x5f: {  	[sflag:s1] =	ssyncadd.s32 $0xFFFFE700  }
0x60: {  	[spmem:s2] =	stream.indirect.scatter.add.f32 [tilespmem:s28], [sflag:$0xB], $0x20, s19, s16, $0xb8;
	[tilespmem:$0x1FA40] =	vst v63  }
0x61: {  	p1 =	por $0x0, $0x0;
	_ =	swait.ge [sflag:s4], $0x1900  }
0x62: {  	s11 =	simm.s32 $0x64;
	s8 =	simm.s32 $0xC8;
	[sflag:s4] =	ssyncset.done $0x0  }
.LBB2_2:
0x63: {  	s9 =	simm.s32 @!p1 $0x9;
	[sflag:s4] =	ssyncadd.s32 $0xFFFFE700  }
0x64: {  	[spmem:s2] =	stream.indirect.scatter.add.f32 [tilespmem:s30], [sflag:$0xC], $0x20, s21, s16, $0xb8;
	[tilespmem:$0x1FA40] =	vst v63  }
0x65: {  	_ =	swait.ge @!p1 [sflag:s9], $0x1900  }
0x66: {  	[sflag:s9] =	ssyncset.done @!p1 $0x0;
	s13 =	rddreg [dreg:$0x4]  }
0x67: {  	s6 =	rddreg [dreg:$0x3];
	[sflag:s9] =	ssyncadd.s32 @!p1 $0xFFFFE700;
	s13 =	sadd.s32 s11, s13  }
0x68: {  	[tilespmem:s3], [sflag:$0x1] =	stream.linear.gather [hbm4b:s13+s3], $0xC8, $0x38;
	[tilespmem:$0x1FA40] =	vst v63  }
0x69: {  	s9 =	sadd.s32 s11, s6;
	s6 =	simm.s32 @!p1 $0xA  }
0x6a: {  	[tilespmem:s15], [sflag:$0x1] =	stream.linear.gather [hbm4b:s9+s3], $0xC8, $0x38;
	[tilespmem:$0x1FA40] =	vst v63  }
0x6b: {  	_ =	swait.ge @!p1 [sflag:s6], $0x1900  }
0x6c: {  	[sflag:s6] =	ssyncset.done @!p1 $0x0  }
0x6d: {  	s5 =	smov.u32 s8;
	[sflag:s6] =	ssyncadd.s32 @!p1 $0xFFFFE700;
	s6 =	sadd.s32 $0x19, s13  }
0x6e: {  	[tilespmem:s16], [sflag:$0x2] =	stream.linear.gather [hbm4b:s6+s3], $0xC8, $0x38;
	[tilespmem:$0x1FA40] =	vst v63  }
0x6f: {  	s11 =	smov.u32 s5;
	s5 =	sadd.s32 $0x19, s9;
	s6 =	simm.s32 @!p1 $0xB  }
0x70: {  	[tilespmem:s17], [sflag:$0x2] =	stream.linear.gather [hbm4b:s5+s3], $0xC8, $0x38;
	[tilespmem:$0x1FA40] =	vst v63  }
0x71: {  	_ =	swait.ge @!p1 [sflag:s6], $0x1900  }
0x72: {  	[sflag:s6] =	ssyncset.done @!p1 $0x0  }
0x73: {  	[sflag:s6] =	ssyncadd.s32 @!p1 $0xFFFFE700;
	s6 =	sadd.s32 $0x32, s13  }
0x74: {  	[tilespmem:s18], [sflag:$0x3] =	stream.linear.gather [hbm4b:s6+s3], $0xC8, $0x38;
	[tilespmem:$0x1FA40] =	vst v63  }
0x75: {  	s5 =	sadd.s32 $0x32, s9;
	s6 =	simm.s32 @!p1 $0xC  }
0x76: {  	[tilespmem:s19], [sflag:$0x3] =	stream.linear.gather [hbm4b:s5+s3], $0xC8, $0x38;
	[tilespmem:$0x1FA40] =	vst v63  }
0x77: {  	_ =	swait.ge @!p1 [sflag:s6], $0x1900  }
0x78: {  	[sflag:s6] =	ssyncset.done @!p1 $0x0  }
0x79: {  	[sflag:s6] =	ssyncadd.s32 @!p1 $0xFFFFE700;
	s6 =	sadd.s32 $0x4B, s13  }
0x7a: {  	[tilespmem:s20], [sflag:$0x4] =	stream.linear.gather [hbm4b:s6+s3], $0xC8, $0x38;
	[tilespmem:$0x1FA40] =	vst v63  }
0x7b: {  	s13 =	sadd.s32 $0x4B, s9  }
0x7c: {  	[tilespmem:s21], [sflag:$0x4] =	stream.linear.gather [hbm4b:s13+s3], $0xC8, $0x38;
	[tilespmem:$0x1FA40] =	vst v63  }
0x7d: {  	_ =	swait.ge [sflag:s22], $0xC8  }
0x7e: {  	[sflag:s22] =	ssyncset.done $0x0  }
0x7f: {  	[sflag:s22] =	ssyncadd.s32 $0xFFFFFF38  }
0x80: {  	_ =	swait.ge [sflag:s22], $0xC8  }
0x81: {  	[sflag:s22] =	ssyncset.done $0x0  }
0x82: {  	[sflag:s22] =	ssyncadd.s32 $0xFFFFFF38  }
0x83: {  	[tilespmem:s23], [sflag:$0x5] =	stream.indirect.gather [hbm4b:s12+s16], $0x20, s3, s16, $0xb8;
	[tilespmem:$0x1FA40] =	vst v63  }
0x84: {  	_ =	swait.ge [sflag:s24], $0xC8  }
0x85: {  	[sflag:s24] =	ssyncset.done $0x0  }
0x86: {  	[sflag:s24] =	ssyncadd.s32 $0xFFFFFF38  }
0x87: {  	_ =	swait.ge [sflag:s24], $0xC8  }
0x88: {  	[sflag:s24] =	ssyncset.done $0x0  }
0x89: {  	[sflag:s24] =	ssyncadd.s32 $0xFFFFFF38  }
0x8a: {  	[tilespmem:s25], [sflag:$0x6] =	stream.indirect.gather [hbm4b:s12+s16], $0x20, s16, s16, $0xb8;
	[tilespmem:$0x1FA40] =	vst v63  }
0x8b: {  	_ =	swait.ge [sflag:s26], $0xC8  }
0x8c: {  	[sflag:s26] =	ssyncset.done $0x0  }
0x8d: {  	[sflag:s26] =	ssyncadd.s32 $0xFFFFFF38  }
0x8e: {  	_ =	swait.ge [sflag:s26], $0xC8  }
0x8f: {  	[sflag:s26] =	ssyncset.done $0x0  }
0x90: {  	[sflag:s26] =	ssyncadd.s32 $0xFFFFFF38  }
0x91: {  	[tilespmem:s28], [sflag:$0x7] =	stream.indirect.gather [hbm4b:s12+s16], $0x20, s18, s16, $0xb8;
	[tilespmem:$0x1FA40] =	vst v63  }
0x92: {  	_ =	swait.ge [sflag:s29], $0xC8  }
0x93: {  	[sflag:s29] =	ssyncset.done $0x0  }
0x94: {  	[sflag:s29] =	ssyncadd.s32 $0xFFFFFF38  }
0x95: {  	_ =	swait.ge [sflag:s29], $0xC8  }
0x96: {  	[sflag:s29] =	ssyncset.done $0x0  }
0x97: {  	[sflag:s29] =	ssyncadd.s32 $0xFFFFFF38  }
0x98: {  	[tilespmem:s30], [sflag:$0x8] =	stream.indirect.gather [hbm4b:s12+s16], $0x20, s20, s16, $0xb8;
	[tilespmem:$0x1FA40] =	vst v63  }
0x99: {  	_ =	swait.ge [sflag:s31], $0x1900  }
0x9a: {  	[sflag:s31] =	ssyncset.done $0x0  }
0x9b: {  	[sflag:s31] =	ssyncadd.s32 $0xFFFFE700  }
0x9c: {  	[spmem:s2] =	stream.indirect.scatter.add.f32 [tilespmem:s23], [sflag:$0x9], $0x20, s15, s16, $0xb8;
	[tilespmem:$0x1FA40] =	vst v63  }
0x9d: {  	_ =	swait.ge [sflag:s0], $0x1900  }
0x9e: {  	[sflag:s0] =	ssyncset.done $0x0  }
0x9f: {  	s8 =	sadd.s32 $0x64, s8;
	[sflag:s0] =	ssyncadd.s32 $0xFFFFE700  }
0xa0: {  	[spmem:s2] =	stream.indirect.scatter.add.f32 [tilespmem:s25], [sflag:$0xA], $0x20, s17, s16, $0xb8;
	[tilespmem:$0x1FA40] =	vst v63  }
0xa1: {  	p0 =	sne.s32 s8, $0x1838;
	_ =	swait.ge [sflag:s1], $0x1900  }
.Ltmp0:
0xa2: {  	[sflag:s1] =	ssyncset.done $0x0;
	(pc) =	sbr.rel @p0 .LBB2_2-.Ltmp0, $4  }
0xa3: {  	[sflag:s1] =	ssyncadd.s32 $0xFFFFE700  }
0xa4: {  	[spmem:s2] =	stream.indirect.scatter.add.f32 [tilespmem:s28], [sflag:$0xB], $0x20, s19, s16, $0xb8;
	[tilespmem:$0x1FA40] =	vst v63  }
0xa5: {  	_ =	swait.ge [sflag:s4], $0x1900  }
0xa6: {  	p1 =	seq.s32 s11, $0x0;
	[sflag:s4] =	ssyncset.done $0x0  }
0xa7: {  	s5 =	simm.s32 @!p1 $0x9;
	[sflag:s4] =	ssyncadd.s32 $0xFFFFE700  }
0xa8: {  	[spmem:s2] =	stream.indirect.scatter.add.f32 [tilespmem:s30], [sflag:$0xC], $0x20, s21, s16, $0xb8;
	[tilespmem:$0x1FA40] =	vst v63  }
0xa9: {  	_ =	swait.ge @!p1 [sflag:s5], $0x1900  }
0xaa: {  	s6 =	rddreg [dreg:$0x4];
	[sflag:s5] =	ssyncset.done @!p1 $0x0  }
0xab: {  	s8 =	rddreg [dreg:$0x3];
	[sflag:s5] =	ssyncadd.s32 @!p1 $0xFFFFE700;
	s5 =	sadd.s32 s11, s6  }
0xac: {  	[tilespmem:s3], [sflag:$0x1] =	stream.linear.gather [hbm4b:s5+s3], $0xC8, $0x38;
	[tilespmem:$0x1FA40] =	vst v63  }
0xad: {  	s6 =	sadd.s32 s11, s8;
	s8 =	simm.s32 @!p1 $0xA  }
0xae: {  	[tilespmem:s15], [sflag:$0x1] =	stream.linear.gather [hbm4b:s6+s3], $0xC8, $0x38;
	[tilespmem:$0x1FA40] =	vst v63  }
0xaf: {  	_ =	swait.ge @!p1 [sflag:s8], $0x1900  }
0xb0: {  	[sflag:s8] =	ssyncset.done @!p1 $0x0  }
0xb1: {  	s9 =	sadd.s32 $0x19, s5;
	[sflag:s8] =	ssyncadd.s32 @!p1 $0xFFFFE700  }
0xb2: {  	[tilespmem:s16], [sflag:$0x2] =	stream.linear.gather [hbm4b:s9+s3], $0xC8, $0x38;
	[tilespmem:$0x1FA40] =	vst v63  }
0xb3: {  	s11 =	sadd.s32 $0x19, s6;
	s8 =	simm.s32 @!p1 $0xB  }
0xb4: {  	[tilespmem:s17], [sflag:$0x2] =	stream.linear.gather [hbm4b:s11+s3], $0xC8, $0x38;
	[tilespmem:$0x1FA40] =	vst v63  }
0xb5: {  	_ =	swait.ge @!p1 [sflag:s8], $0x1900  }
0xb6: {  	[sflag:s8] =	ssyncset.done @!p1 $0x0  }
0xb7: {  	s13 =	sadd.s32 $0x32, s5;
	[sflag:s8] =	ssyncadd.s32 @!p1 $0xFFFFE700  }
0xb8: {  	[tilespmem:s18], [sflag:$0x3] =	stream.linear.gather [hbm4b:s13+s3], $0xC8, $0x38;
	[tilespmem:$0x1FA40] =	vst v63  }
0xb9: {  	s9 =	sadd.s32 $0x32, s6;
	s8 =	simm.s32 @!p1 $0xC  }
0xba: {  	[tilespmem:s19], [sflag:$0x3] =	stream.linear.gather [hbm4b:s9+s3], $0xC8, $0x38;
	[tilespmem:$0x1FA40] =	vst v63  }
0xbb: {  	_ =	swait.ge @!p1 [sflag:s8], $0x1900  }
0xbc: {  	[sflag:s8] =	ssyncset.done @!p1 $0x0  }
0xbd: {  	s5 =	sadd.s32 $0x4B, s5;
	[sflag:s8] =	ssyncadd.s32 @!p1 $0xFFFFE700  }
0xbe: {  	[tilespmem:s20], [sflag:$0x4] =	stream.linear.gather [hbm4b:s5+s3], $0xC8, $0x38;
	[tilespmem:$0x1FA40] =	vst v63  }
0xbf: {  	s11 =	sadd.s32 $0x4B, s6  }
0xc0: {  	[tilespmem:s21], [sflag:$0x4] =	stream.linear.gather [hbm4b:s11+s3], $0xC8, $0x38;
	[tilespmem:$0x1FA40] =	vst v63  }
0xc1: {  	_ =	swait.ge [sflag:s22], $0xC8  }
0xc2: {  	[sflag:s22] =	ssyncset.done $0x0  }
0xc3: {  	[sflag:s22] =	ssyncadd.s32 $0xFFFFFF38  }
0xc4: {  	_ =	swait.ge [sflag:s22], $0xC8  }
0xc5: {  	[sflag:s22] =	ssyncset.done $0x0  }
0xc6: {  	[sflag:s22] =	ssyncadd.s32 $0xFFFFFF38  }
0xc7: {  	[tilespmem:s23], [sflag:$0x5] =	stream.indirect.gather [hbm4b:s12+s16], $0x20, s3, s16, $0xb8;
	[tilespmem:$0x1FA40] =	vst v63  }
0xc8: {  	_ =	swait.ge [sflag:s24], $0xC8  }
0xc9: {  	[sflag:s24] =	ssyncset.done $0x0  }
0xca: {  	[sflag:s24] =	ssyncadd.s32 $0xFFFFFF38  }
0xcb: {  	_ =	swait.ge [sflag:s24], $0xC8  }
0xcc: {  	[sflag:s24] =	ssyncset.done $0x0  }
0xcd: {  	[sflag:s24] =	ssyncadd.s32 $0xFFFFFF38  }
0xce: {  	[tilespmem:s25], [sflag:$0x6] =	stream.indirect.gather [hbm4b:s12+s16], $0x20, s16, s16, $0xb8;
	[tilespmem:$0x1FA40] =	vst v63  }
0xcf: {  	_ =	swait.ge [sflag:s26], $0xC8  }
0xd0: {  	[sflag:s26] =	ssyncset.done $0x0  }
0xd1: {  	[sflag:s26] =	ssyncadd.s32 $0xFFFFFF38  }
0xd2: {  	_ =	swait.ge [sflag:s26], $0xC8  }
0xd3: {  	[sflag:s26] =	ssyncset.done $0x0  }
0xd4: {  	[sflag:s26] =	ssyncadd.s32 $0xFFFFFF38  }
0xd5: {  	[tilespmem:s28], [sflag:$0x7] =	stream.indirect.gather [hbm4b:s12+s16], $0x20, s18, s16, $0xb8;
	[tilespmem:$0x1FA40] =	vst v63  }
0xd6: {  	_ =	swait.ge [sflag:s29], $0xC8  }
0xd7: {  	[sflag:s29] =	ssyncset.done $0x0  }
0xd8: {  	[sflag:s29] =	ssyncadd.s32 $0xFFFFFF38  }
0xd9: {  	_ =	swait.ge [sflag:s29], $0xC8  }
0xda: {  	[sflag:s29] =	ssyncset.done $0x0  }
0xdb: {  	[sflag:s29] =	ssyncadd.s32 $0xFFFFFF38  }
0xdc: {  	[tilespmem:s30], [sflag:$0x8] =	stream.indirect.gather [hbm4b:s12+s16], $0x20, s20, s16, $0xb8;
	[tilespmem:$0x1FA40] =	vst v63  }
0xdd: {  	_ =	swait.ge [sflag:s31], $0x1900  }
0xde: {  	[sflag:s31] =	ssyncset.done $0x0  }
0xdf: {  	[sflag:s31] =	ssyncadd.s32 $0xFFFFE700  }
0xe0: {  	[spmem:s2] =	stream.indirect.scatter.add.f32 [tilespmem:s23], [sflag:$0x9], $0x20, s15, s16, $0xb8;
	[tilespmem:$0x1FA40] =	vst v63  }
0xe1: {  	_ =	swait.ge [sflag:s0], $0x1900  }
0xe2: {  	[sflag:s0] =	ssyncset.done $0x0  }
0xe3: {  	[sflag:s0] =	ssyncadd.s32 $0xFFFFE700  }
0xe4: {  	[spmem:s2] =	stream.indirect.scatter.add.f32 [tilespmem:s25], [sflag:$0xA], $0x20, s17, s16, $0xb8;
	[tilespmem:$0x1FA40] =	vst v63  }
0xe5: {  	_ =	swait.ge [sflag:s1], $0x1900  }
0xe6: {  	[sflag:s1] =	ssyncset.done $0x0  }
0xe7: {  	[sflag:s1] =	ssyncadd.s32 $0xFFFFE700  }
0xe8: {  	[spmem:s2] =	stream.indirect.scatter.add.f32 [tilespmem:s28], [sflag:$0xB], $0x20, s19, s16, $0xb8;
	[tilespmem:$0x1FA40] =	vst v63  }
0xe9: {  	_ =	swait.ge [sflag:s4], $0x1900  }
0xea: {  	[sflag:s4] =	ssyncset.done $0x0  }
0xeb: {  	s6 =	simm.s32 $0x9;
	[sflag:s4] =	ssyncadd.s32 $0xFFFFE700  }
0xec: {  	[spmem:s2] =	stream.indirect.scatter.add.f32 [tilespmem:s30], [sflag:$0xC], $0x20, s21, s16, $0xb8;
	[tilespmem:$0x1FA40] =	vst v63  }
0xed: {  	_ =	swait.ge [sflag:s6], $0x1900  }
0xee: {  	[sflag:s6] =	ssyncset.done $0x0  }
0xef: {  	[sflag:s6] =	ssyncadd.s32 $0xFFFFE700  }
0xf0: {  	_ =	swait.ge [sflag:s7], $0x1900  }
0xf1: {  	[sflag:s7] =	ssyncset.done $0x0  }
0xf2: {  	s13 =	simm.s32 $0xB;
	[sflag:s7] =	ssyncadd.s32 $0xFFFFE700  }
0xf3: {  	_ =	swait.ge [sflag:s13], $0x1900  }
0xf4: {  	[sflag:s13] =	ssyncset.done $0x0  }
0xf5: {  	s8 =	simm.s32 $0xC;
	[sflag:s13] =	ssyncadd.s32 $0xFFFFE700  }
0xf6: {  	_ =	swait.ge [sflag:s8], $0x1900  }
0xf7: {  	[sflag:s8] =	ssyncset.done $0x0  }
0xf8: {  	s9 =	rddreg [dreg:$0x7];
	[sflag:s8] =	ssyncadd.s32 $0xFFFFE700  }
0xf9: {  	[tilespmem:s3], [sflag:$0xD] =	stream.linear.gather [hbm4b:s9+s3], $0xC8, $0x38;
	[tilespmem:$0x1FA40] =	vst v63  }
0xfa: {  	_ =	swait.ge [sflag:s14], $0xC8  }
0xfb: {  	[sflag:s14] =	ssyncset.done $0x0  }
0xfc: {  	s11 =	rddreg [dreg:$0x8];
	[sflag:s14] =	ssyncadd.s32 $0xFFFFFF38  }
0xfd: {  	[tilespmem:s15], [sflag:$0xD] =	stream.linear.gather [hbm4b:s11+s3], $0xC8, $0x38;
	[tilespmem:$0x1FA40] =	vst v63  }
0xfe: {  	_ =	swait.ge [sflag:s14], $0xC8  }
0xff: {  	[sflag:s14] =	ssyncset.done $0x0  }
0x100: {  	[sflag:s14] =	ssyncadd.s32 $0xFFFFFF38  }
0x101: {  	[tilespmem:s23], [sflag:$0x5] =	stream.indirect.gather [hbm4b:s12+s16], $0x20, s3, s16, $0xb8;
	[tilespmem:$0x1FA40] =	vst v63  }
0x102: {  	_ =	swait.ge [sflag:s31], $0x1900  }
0x103: {  	[sflag:s31] =	ssyncset.done $0x0  }
0x104: {  	[sflag:s31] =	ssyncadd.s32 $0xFFFFE700  }
0x105: {  	[spmem:s2] =	stream.indirect.scatter.add.f32 [tilespmem:s23], [sflag:$0x9], $0x20, s15, s16, $0xb8;
	[tilespmem:$0x1FA40] =	vst v63  }
0x106: {  	s13 =	rddreg [dreg:$0x9]  }
0x107: {  	[tilespmem:s16], [sflag:$0xD] =	stream.linear.gather [hbm4b:s13+s3], $0xC8, $0x38;
	[tilespmem:$0x1FA40] =	vst v63  }
0x108: {  	_ =	swait.ge [sflag:s14], $0xC8  }
0x109: {  	[sflag:s14] =	ssyncset.done $0x0  }
0x10a: {  	s8 =	rddreg [dreg:$0xa];
	[sflag:s14] =	ssyncadd.s32 $0xFFFFFF38  }
0x10b: {  	[tilespmem:s17], [sflag:$0xD] =	stream.linear.gather [hbm4b:s8+s3], $0xC8, $0x38;
	[tilespmem:$0x1FA40] =	vst v63  }
0x10c: {  	_ =	swait.ge [sflag:s14], $0xC8  }
0x10d: {  	[sflag:s14] =	ssyncset.done $0x0  }
0x10e: {  	[sflag:s14] =	ssyncadd.s32 $0xFFFFFF38  }
0x10f: {  	[tilespmem:s25], [sflag:$0x6] =	stream.indirect.gather [hbm4b:s12+s16], $0x20, s16, s16, $0xb8;
	[tilespmem:$0x1FA40] =	vst v63  }
0x110: {  	_ =	swait.ge [sflag:s0], $0x1900  }
0x111: {  	[sflag:s0] =	ssyncset.done $0x0  }
0x112: {  	[sflag:s0] =	ssyncadd.s32 $0xFFFFE700  }
0x113: {  	[spmem:s2] =	stream.indirect.scatter.add.f32 [tilespmem:s25], [sflag:$0xA], $0x20, s17, s16, $0xb8;
	[tilespmem:$0x1FA40] =	vst v63  }
0x114: {  	_ =	swait.ge [sflag:s6], $0x1900  }
0x115: {  	[sflag:s6] =	ssyncset.done $0x0  }
0x116: {  	[sflag:s6] =	ssyncadd.s32 $0xFFFFE700  }
0x117: {  	_ =	swait.ge [sflag:s7], $0x1900  }
0x118: {  	[sflag:s7] =	ssyncset.done $0x0  }
0x119: {  	[sflag:s7] =	ssyncadd.s32 $0xFFFFE700  }
0x11a: {  	[bflag:$0x0] =	sbarrier.arrive $0xFFFF  }
0x11b: {  	s13 =	rddreg [dreg:$0x6]  }
0x11c: {  	s9 =	rddreg [dreg:$0xb]  }
0x11d: {  	s6 =	rddreg [dreg:$0xd]  }
0x11e: {  	[hbm:s9], [sflag:s13] =	dma.local [spmem:s6], $0x3200  }
0x11f: {  	_ =	swait.ge [sflag:s14], $0x3200  }
0x120: {  	s10 =	sadd.s32 $0x1, s10;
	s11 =	rddreg [dreg:$0xc]  }
0x121: {  	p0 =	sne.s32 s10, s11  }
.Ltmp1:
0x122: {  	_ = 	snop;
	(pc) =	sbr.rel @p0 .LBB2_1-.Ltmp1, $3  }
0x123: {  	_ =	sdelay $0x1  }
0x124: {  	[sflag:s14] =	ssyncset.done $0x0  }
0x125: {  	[sflag:s14] =	ssyncadd.s32 $0xFFFFCE00  }
0x126: {  	_ =	sfence.sel $0x180000  }
0x127: {  	[bflag:$0x0] =	sbarrier.arrive $0xFFFF  }
0x128: {  	_ =	strace $0x90000050  }
0x129: {  	s0 =	stileid.u32;
	[bflag:$0x2] =	sbarrier.arrive $0xFFFF  }
0x12a: {  	p0 =	sne.s32 s0, $0x0;
	s0 =	rddreg [dreg:$0x2]  }
0x12b: {  	s0 =	sadd.s32 @!p0 $0x100000, s0  }
0x12c: {  	[sflag:s0] =	ssyncadd.tile.s32 @!p0 $0x1;
	_ =	shalt  }
.Lfunc_end2:
_tile_overlayer_lowered:
.L_overlay_start_2:
0x12d: {  	(tag) =	ssettag $0x2  }
0x12e: {  	s0 =	rddreg [dreg:$0x0];
	s2 =	stileid.u32  }
0x12f: {  	s1 =	rddreg [dreg:$0x1];
	p0 =	sne.s32 s2, $0x0  }
0x130: {  	s3 =	rddreg [dreg:$0x2];
	[bflag:$0x3] =	sbarrier.arrive $0xFFFF;
	s2 =	simm.s32 @!p0 $0x1C0D  }
0x131: {  	[timem:s3], [sflag:s2] =	dma.local @!p0 [hbm:s0], s1  }
0x132: {  	s0 =	simm.s32 @!p0 $0xD  }
0x133: {  	_ =	swait.ge @!p0 [sflag:s0], s1  }
0x134: {  	s1 =	ssub.s32 @!p0 $0x0, s1;
	[sflag:s0] =	ssyncset.done @!p0 $0x0  }
0x135: {  	[sflag:s0] =	ssyncadd.s32 @!p0 s1  }
0x136: {  	[bflag:$0x3] =	sbarrier.arrive $0xFFFF  }
0x137: {  	_ =	shalt  }

// kernel: kernel.24.cloned.1.call-start
scs
__scs_entry_jumppad:
0x0: {  	(pc) =	sbr.rel $0x88, $3  }
0x1: {  	(tag) =	ssettag $0x0;
	lr =	simm.s32 $0x1  }
0x2: {  	[smem:$0x3F97] =	sst lr;
	_ =	strace $0xD0000000  }
0x3: {  	_ = 	snop  }
0x4: {  	_ = 	snop  }
0x5: {  	_ = 	snop  }
0x6: {  	_ = 	snop  }
0x7: {  	_ = 	snop  }
__scs_overlays_trampoline_lowered:
0x8: {  	[smem:$0x3FA6] =	sst s0  }
0x9: {  	[smem:$0x3FA7] =	sst s1  }
0xa: {  	[smem:$0x3FA8] =	sst s2  }
0xb: {  	[smem:$0x3FA9] =	sst s3  }
0xc: {  	[smem:$0x3FAA] =	sst s4  }
0xd: {  	[smem:$0x3FAB] =	sst s5  }
0xe: {  	[smem:$0x3FAC] =	sst s6  }
0xf: {  	[smem:$0x3FAD] =	sst s7  }
0x10: {  	[smem:$0x3FAE] =	sst s8  }
0x11: {  	[smem:$0x3FAF] =	sst s9;
	s0 =	simm.s32 @!p0 $0x0  }
0x12: {  	s1 =	sld [smem:$0x3F95];
	s0 =	simm.s32 @p0 $0x1  }
0x13: {  	[smem:$0x3FB0] =	sst s0;
	s0 =	simm.s32 @!p1 $0x0  }
0x14: {  	s2 =	sld [smem:$0x3F94];
	s0 =	simm.s32 @p1 $0x1  }
0x15: {  	[smem:$0x3FB1] =	sst s0;
	s0 =	simm.s32 @!p2 $0x0  }
0x16: {  	s3 =	sld [smem:$0x3FDB];
	s0 =	simm.s32 @p2 $0x1  }
0x17: {  	s4 =	simm.s32 $0x1BF5;
	[smem:$0x3FB3] =	sst s0  }
0x18: {  	s0 =	sld [smem:$0x3F96];
	_ =	swait.ge [sflag:s4], $0x0  }
0x19: {  	s7 =	sld [smem:$0x3F97]  }
0x1a: {  	s8 =	sadd.s32 $0xFFFFE003, lr  }
0x1b: {  	s9 =	sadd.s32 $0xFFFFFEF7, lr;
	s5 =	simm.s32 $0xFFFFFFFF;
	p2 =	slt.u32 s8, $0xFFFFF086  }
0x1c: {  	p1 =	slt.u32 s9, $0xF7A;
	s5 =	simm.s32 @!p2 $0x0  }
0x1d: {  	s5 =	simm.s32 @p1 $0x1;
	p0 =	seq.s32 s7, s2  }
0x1e: {  	s7 =	smul.u32 @!p0 $0xF7A, s2;
	p2 =	seq.s32 @!p0 s5, $0x0  }
0x1f: {  	s9 =	smul.u32 $0xF7A, s1;
	s8 =	simm.s32 @!p0 $0x1BF5;
	p2 =	por !p2, p0  }
0x20: {  	[sflag:s8] =	ssyncset.s32 @!p0 $0xFFFFF086;
	s6 =	sadd.s32 @!p0 s3, s7;
	s7 =	simm.s32 @!p0 $0x108  }
0x21: {  	s3 =	sadd.s32 s3, s9;
	s6 =	sadd.s32 @!p0 $0x88, s6;
	s7 =	simm.s32 @p2 $0x1082  }
0x22: {  	[simem:s7], [sflag:s8] =	dma.local @!p0 [hbm:s6], $0xF7A  }
0x23: {  	s9 =	sor.u32 $0xD0000000, s2;
	s6 =	simm.s32 $0x108;
	_ =	swait.ge @!p0 [sflag:s8], $0x0  }
0x24: {  	s3 =	sadd.s32 $0x88, s3;
	s6 =	simm.s32 @!p1 $0x1082;
	[sflag:s4] =	ssyncset.s32 $0xFFFFF086  }
0x25: {  	[simem:s6], [sflag:s4] =	dma.local [hbm:s3], $0xF7A  }
0x26: {  	[smem:$0x3F97] =	sst s1;
	(tag) =	ssettag s2;
	_ =	strace s9  }
0x27: {  	s1 =	sld [smem:$0x3FA7]  }
0x28: {  	s2 =	sld [smem:$0x3FA8]  }
0x29: {  	s4 =	sld [smem:$0x3FAA]  }
0x2a: {  	p0 =	seq.s32 s5, $0x0;
	s5 =	sld [smem:$0x3FAB]  }
0x2b: {  	s6 =	sld [smem:$0x3FAC]  }
0x2c: {  	s7 =	sld [smem:$0x3FAD]  }
0x2d: {  	s3 =	simm.s32 $0x108;
	s8 =	sld [smem:$0x3FAE]  }
0x2e: {  	s3 =	simm.s32 @!p0 $0x1082;
	s9 =	sld [smem:$0x3FAF]  }
0x2f: {  	lr =	sadd.s32 s0, s3;
	s0 =	sld [smem:$0x3FA6]  }
0x30: {  	s3 =	sld [smem:$0x3FA9]  }
0x31: {  	[smem:$0x3FB2] =	sst s10  }
0x32: {  	s10 =	sld [smem:$0x3FB0];
	_ =	sdelay $0x3  }
0x33: {  	p0 =	seq.s32 s10, $0x1;
	s10 =	sld [smem:$0x3FB2];
	_ =	sdelay $0x3  }
0x34: {  	[smem:$0x3FB2] =	sst s10  }
0x35: {  	s10 =	sld [smem:$0x3FB1];
	_ =	sdelay $0x3  }
0x36: {  	p1 =	seq.s32 s10, $0x1;
	s10 =	sld [smem:$0x3FB2];
	_ =	sdelay $0x3  }
0x37: {  	[smem:$0x3FB2] =	sst s10  }
0x38: {  	s10 =	sld [smem:$0x3FB3]  }
0x39: {  	_ = 	snop;
	(pc) =	sbr.ind lr, $3  }
0x3a: {  	_ = 	snop  }
0x3b: {  	_ = 	snop  }
0x3c: {  	p2 =	seq.s32 s10, $0x1;
	s10 =	sld [smem:$0x3FB2]  }
0x3d: {  	_ =	shalt  }
0x3e: {  	_ =	shalt  }
0x3f: {  	_ =	shalt  }
0x40: {  	_ =	shalt  }
0x41: {  	_ =	shalt  }
0x42: {  	_ =	shalt  }
0x43: {  	_ =	shalt  }
0x44: {  	_ =	shalt  }
0x45: {  	_ =	shalt  }
0x46: {  	_ =	shalt  }
0x47: {  	_ =	shalt  }
0x48: {  	_ =	shalt  }
0x49: {  	_ =	shalt  }
0x4a: {  	_ =	shalt  }
0x4b: {  	_ =	shalt  }
0x4c: {  	_ =	shalt  }
0x4d: {  	_ =	shalt  }
0x4e: {  	_ =	shalt  }
0x4f: {  	_ =	shalt  }
0x50: {  	_ =	shalt  }
0x51: {  	_ =	shalt  }
0x52: {  	_ =	shalt  }
0x53: {  	_ =	shalt  }
0x54: {  	_ =	shalt  }
0x55: {  	_ =	shalt  }
0x56: {  	_ =	shalt  }
0x57: {  	_ =	shalt  }
0x58: {  	_ =	shalt  }
0x59: {  	_ =	shalt  }
0x5a: {  	_ =	shalt  }
0x5b: {  	_ =	shalt  }
0x5c: {  	_ =	shalt  }
0x5d: {  	_ =	shalt  }
0x5e: {  	_ =	shalt  }
0x5f: {  	_ =	shalt  }
0x60: {  	_ =	shalt  }
0x61: {  	_ =	shalt  }
0x62: {  	_ =	shalt  }
0x63: {  	_ =	shalt  }
0x64: {  	_ =	shalt  }
0x65: {  	_ =	shalt  }
0x66: {  	_ =	shalt  }
0x67: {  	_ =	shalt  }
0x68: {  	_ =	shalt  }
0x69: {  	_ =	shalt  }
0x6a: {  	_ =	shalt  }
0x6b: {  	_ =	shalt  }
0x6c: {  	_ =	shalt  }
0x6d: {  	_ =	shalt  }
0x6e: {  	_ =	shalt  }
0x6f: {  	_ =	shalt  }
0x70: {  	_ =	shalt  }
0x71: {  	_ =	shalt  }
0x72: {  	_ =	shalt  }
0x73: {  	_ =	shalt  }
0x74: {  	_ =	shalt  }
0x75: {  	_ =	shalt  }
0x76: {  	_ =	shalt  }
0x77: {  	_ =	shalt  }
0x78: {  	_ =	shalt  }
0x79: {  	_ =	shalt  }
0x7a: {  	_ =	shalt  }
0x7b: {  	_ =	shalt  }
0x7c: {  	_ =	shalt  }
0x7d: {  	_ =	shalt  }
0x7e: {  	_ =	shalt  }
0x7f: {  	_ =	shalt  }
0x80: {  	_ =	shalt  }
0x81: {  	_ =	shalt  }
0x82: {  	_ =	shalt  }
0x83: {  	_ =	shalt  }
0x84: {  	_ =	shalt  }
0x85: {  	_ =	shalt  }
0x86: {  	_ =	shalt  }
0x87: {  	_ =	shalt  }
.Lfunc_end0:
.L_simem_size_0:
called_computation.4_lowered:
.L_overlay_start_0:
0x88: {  	s2 =	sld [smem:$0x3FD9]  }
0x89: {  	s3 =	sld [smem:$0x3FFE];
	_ =	sdelay $0x1  }
0x8a: {  	s1 =	srdreg.scid  }
0x8b: {  	s0 =	sand.u32 $0x1, s1  }
0x8c: {  	s16 =	sshll.u32 s0, $0xA;
	s2 =	sadd.s32 s3, s2  }
0x8d: {  	s2 =	sadd.s32 s2, s16  }
0x8e: {  	[smem:$0x3FBE] =	sst s2  }
0x8f: {  	_ = 	snop  }
0x90: {  	(tm) =	ssettm $0x1  }
0x91: {  	s17 =	sld [smem:$0x3FFB];
	_ =	sdelay $0x3  }
0x92: {  	_ =	strace s17  }
0x93: {  	s2 =	sld [smem:$0x3FFC];
	_ =	sdelay $0x3  }
0x94: {  	_ =	strace s2  }
0x95: {  	s2 =	sld [smem:$0x3FFD];
	_ =	sdelay $0x3  }
0x96: {  	_ =	strace s2  }
0x97: {  	_ =	strace $0x8FFFFFFF  }
0x98: {  	s18 =	sld [smem:$0x3FDB];
	_ =	sdelay $0x1  }
0x99: {  	s19 =	simm.s32 $_scs_section_size  }
0x9a: {  	s4 =	simm.s32 $_size__tile_overlayer_lowered;
	s5 =	simm.s32 $_tile_overlayer_lowered  }
0x9b: {  	s22 =	simm.s32 $0x1BFF;
	s21 =	sshll.u32 s5, $0x1;
	s2 =	sadd.s32 s19, s18  }
0x9c: {  	s6 =	simm.s32 $0x0;
	s20 =	sshll.u32 s4, $0x1;
	s4 =	sadd.s32 s21, s2  }
0x9d: {  	[timem:s6], [sflag:s22] =	dma.local [hbm:s4], s20  }
0x9e: {  	_ =	swait.ge [sflag:s22], s20  }
0x9f: {  	s3 =	ssub.s32 $0x0, s20;
	[sflag:s22] =	ssyncset.done $0x0  }
0xa0: {  	[sflag:s22] =	ssyncadd.s32 s3;
	_ =	sdelay $0x1  }
0xa1: {  	s23 =	simm.s32 $0x1B8B  }
0xa2: {  	_ =	swait.ge [sflag:s23], $0x1  }
0xa3: {  	[sflag:s23] =	ssyncset.done $0x0  }
0xa4: {  	s25 =	simm.s32 $0x1B8E;
	s24 =	sld [smem:$0x3FFE];
	[sflag:s23] =	ssyncadd.s32 $0xFFFFFFFF  }
0xa5: {  	s26 =	simm.s32 $execute0_lowered;
	[smem:$0x3FD2] =	sst s25  }
0xa6: {  	s4 =	sshll.u32 s26, $0x1;
	_ =	strace $0x80000052;
	[dreg:$0x1] =	wrdreg $0xFFFFFFFF  }
0xa7: {  	s28 =	simm.s32 $_size_execute0_lowered;
	s2 =	sadd.s32 s2, s4;
	[dreg:$0x0] =	wrdreg $0x0  }
0xa8: {  	s4 =	sshll.u32 s28, $0x1;
	[dreg:$0x2] =	wrdreg s2  }
0xa9: {  	[dreg:$0x3] =	wrdreg s4  }
0xaa: {  	[dreg:$0x4] =	wrdreg $0xC0  }
0xab: {  	_ =	task [dreg:s6], $0x5FFFF  }
0xac: {  	[dreg:$0x1] =	wrdreg $0xFFFFFFFF  }
0xad: {  	[dreg:$0x0] =	wrdreg $0x60  }
0xae: {  	[dreg:$0x2] =	wrdreg s24  }
0xaf: {  	[dreg:$0x3] =	wrdreg $0x3A980  }
0xb0: {  	[dreg:$0x4] =	wrdreg $0x9  }
0xb1: {  	_ =	task.clear_ibuf [dreg:s6], $0x5FFFF;
	_ =	strace $0x90000052  }
0xb2: {  	s29 =	simm.s32 $0x9;
	_ =	strace $0x80000054  }
0xb3: {  	_ =	swait.ge [sflag:s29], $0x1  }
0xb4: {  	[sflag:s29] =	ssyncadd.s32 $0xFFFFFFFF  }
0xb5: {  	_ =	strace $0x90000054  }
0xb6: {  	_ =	sfence  }
0xb7: {  	s30 =	sld [smem:$0x0];
	_ =	sdelay $0x2  }
0xb8: {  	s31 =	sshll.u32 s1, $0xD;
	s1 =	sshrl.u32 s1, $0x2  }
0xb9: {  	s3 =	sand.u32 $0x4000, s31;
	s1 =	sadd.s32 s1, s30  }
0xba: {  	s0 =	sor.u32 s3, s0;
	s1 =	sshll.u32 s1, $0x11  }
0xbb: {  	s0 =	sor.u32 s1, s0  }
0xbc: {  	s0 =	sadd.s32 $0x8F2B, s0  }
0xbd: {  	[sflag:s0] =	ssyncadd.remote.s32 $0x1  }
0xbe: {  	_ =	sfence.sel $0xFFFF  }
0xbf: {  	[dreg:$0x0] =	wrdreg $0xFFFFFFFF;
	(pc) =	sbr.abs _section_cstart, $3  }
0xc0: {  	[dreg:$0x1] =	wrdreg $0xFFFFFFFF  }
0xc1: {  	_ =	task.clear_ibuf [dreg:s6], $0x2FFFF;
	_ =	strace $0x9FFFFFFF  }
0xc2: {  	(tm) =	ssettm $0x7FFFFFFF  }
0xc3: {  	_ =	shalt  }
tec
execute0_lowered:
.L_overlay_start_1:
0x0: {  	(tag) =	ssettag $0x1  }
0x1: {  	s0 =	rddreg [dreg:$0x0];
	s1 =	srdreg.scid  }
0x2: {  	s12 =	stileid.u32;
	s2 =	rddreg [dreg:$0x1]  }
0x3: {  	s3 =	simm.s32 $0x0;
	s28 =	simm.s32 $0x32C8;
	s29 =	simm.s32 $0x5  }
0x4: {  	s30 =	simm.s32 $0x36B0;
	s31 =	simm.s32 $0x6;
	s1 =	sand.u32 $0x1, s1  }
0x5: {  	s5 =	smul.u32 $0xC80, s12;
	[smem:$0x7FF] =	sst s3;
	s8 =	sadd.s32 $0x1AA00, s0  }
0x6: {  	s9 =	smul.u32 $0x61A8, s12;
	s10 =	sadd.s32 $0x2200, s0;
	s4 =	sadd.s32 $0xF6A00, s0  }
0x7: {  	s11 =	sadd.s32 $0x33200, s0;
	s21 =	sshll.u32 s12, $0x6;
	s6 =	smul.u32 $0xC800, s1  }
0x8: {  	s12 =	simm.s32 $0x3E8;
	s7 =	smul.u32 $0x61A80, s1;
	s1 =	ssub.s32 $0x2, s1  }
0x9: {  	_ =	strace $0x80000053;
	[dreg:$0xd] =	wrdreg s11;
	s22 =	sshrl.u32 s1, $0x1  }
0xa: {  	s6 =	sadd.s32 s5, s6;
	s7 =	sadd.s32 s9, s7;
	s1 =	ssub.s32 s1, s22  }
0xb: {  	s5 =	sadd.s32 s5, s2;
	s9 =	sor.u32 $0x1C10, s21;
	s21 =	simm.s32 $0x2328  }
0xc: {  	s6 =	sshrl.u32 s6, $0x3;
	s23 =	sadd.s32 $0xFA0, s7;
	[dreg:$0xe] =	wrdreg s5  }
0xd: {  	s26 =	sadd.s32 $0xBB8, s7;
	s14 =	sadd.s32 $0x7D0, s7;
	s18 =	sadd.s32 $0x3E8, s7  }
0xe: {  	s1 =	smax.u32 s1, $0x1;
	[dreg:$0xf] =	wrdreg s9;
	s24 =	sshrl.u32 s23, $0x3  }
0xf: {  	s0 =	sadd.s32 s6, s0;
	[dreg:$0x11] =	wrdreg s1;
	s25 =	sadd.s32 s24, s10  }
0x10: {  	s11 =	sshrl.u32 s26, $0x3;
	s6 =	sadd.s32 s24, s8;
	[dreg:$0x3] =	wrdreg s25  }
0x11: {  	s5 =	simm.s32 $0x9;
	s13 =	sadd.s32 s11, s10;
	[dreg:$0x4] =	wrdreg s6  }
0x12: {  	s16 =	sshrl.u32 s14, $0x3;
	s15 =	sadd.s32 s11, s8;
	[dreg:$0x5] =	wrdreg s13  }
0x13: {  	s20 =	sshrl.u32 s18, $0x3;
	s17 =	sadd.s32 s16, s10;
	[dreg:$0x6] =	wrdreg s15  }
0x14: {  	s1 =	simm.s32 $0x7;
	s19 =	sadd.s32 s16, s8;
	[dreg:$0x7] =	wrdreg s17  }
0x15: {  	s22 =	sadd.s32 s20, s10;
	s23 =	sadd.s32 s20, s8;
	[dreg:$0x8] =	wrdreg s19  }
0x16: {  	s24 =	sshrl.u32 s7, $0x3;
	s0 =	sadd.s32 $0x280800, s0;
	[dreg:$0x9] =	wrdreg s22  }
0x17: {  	s20 =	simm.s32 $0x1;
	[dreg:$0xa] =	wrdreg s23;
	s25 =	sadd.s32 s24, s10  }
0x18: {  	[dreg:$0x10] =	wrdreg s0;
	s26 =	sadd.s32 s24, s8;
	s8 =	simm.s32 $0x10  }
0x19: {  	s17 =	simm.s32 $0x2328;
	s22 =	simm.s32 $0x2;
	s23 =	simm.s32 $0x2AF8  }
0x1a: {  	s24 =	simm.s32 $0x3;
	s0 =	simm.s32 $0x8;
	s6 =	simm.s32 $0xA  }
0x1b: {  	s10 =	simm.s32 $0x0;
	s19 =	simm.s32 $0x1F40;
	[dreg:$0xb] =	wrdreg s25  }
0x1c: {  	[dreg:$0xc] =	wrdreg s26;
	s25 =	simm.s32 $0x2EE0;
	s26 =	simm.s32 $0x4  }
.LBB2_1:
0x1d: {  	[dreg:$0x12] =	wrdreg s10  }
0x1e: {  	s7 =	rddreg [dreg:$0xe]  }
0x1f: {  	s15 =	rddreg [dreg:$0xd];
	s14 =	sshrl.u32 s7, $0x3  }
0x20: {  	[dreg:$0x13] =	wrdreg s14  }
0x21: {  	[spmem:s14], [sflag:s9] =	dma.local [hbm:s15], $0x190  }
0x22: {  	_ =	swait.ge [sflag:s8], $0x190  }
0x23: {  	[sflag:s8] =	ssyncset.done $0x0  }
0x24: {  	p0 =	por $0x1, $0x1;
	[sflag:s8] =	ssyncadd.s32 $0xFFFFFE70  }
0x25: {  	s7 =	simm.s32 @!p0 $0xB;
	[bflag:$0x0] =	sbarrier.arrive $0xFFFF  }
0x26: {  	_ =	swait.ge @!p0 [sflag:s7], $0x3E8  }
0x27: {  	s16 =	rddreg [dreg:$0xc];
	[sflag:s7] =	ssyncset.done @!p0 $0x0  }
0x28: {  	s18 =	rddreg [dreg:$0xb];
	[sflag:s7] =	ssyncadd.s32 @!p0 $0xFFFFFC18;
	s9 =	sadd.s32 $0x0, s16  }
0x29: {  	[tilespmem:s3], [sflag:$0x1] =	stream.linear.gather [hbm4b:s9+s3], $0x3E8, $0x38;
	[tilespmem:$0x4718] =	vst v63  }
0x2a: {  	s8 =	simm.s32 @!p0 $0xC;
	s11 =	sadd.s32 $0x0, s18;
	s9 =	simm.s32 $0x1388  }
0x2b: {  	[tilespmem:s9], [sflag:$0x1] =	stream.linear.gather [hbm4b:s11+s3], $0x3E8, $0x38;
	[tilespmem:$0x4718] =	vst v63  }
0x2c: {  	_ =	swait.ge @!p0 [sflag:s8], $0x3E8  }
0x2d: {  	s13 =	rddreg [dreg:$0xa];
	[sflag:s8] =	ssyncset.done @!p0 $0x0  }
0x2e: {  	s14 =	rddreg [dreg:$0x9];
	[sflag:s8] =	ssyncadd.s32 @!p0 $0xFFFFFC18;
	s7 =	sadd.s32 $0x0, s13  }
0x2f: {  	[tilespmem:s12], [sflag:$0x2] =	stream.linear.gather [hbm4b:s7+s3], $0x3E8, $0x38;
	[tilespmem:$0x4718] =	vst v63  }
0x30: {  	s11 =	simm.s32 $0x1770;
	s15 =	sadd.s32 $0x0, s14;
	s8 =	simm.s32 @!p0 $0xD  }
0x31: {  	[tilespmem:s11], [sflag:$0x2] =	stream.linear.gather [hbm4b:s15+s3], $0x3E8, $0x38;
	[tilespmem:$0x4718] =	vst v63  }
0x32: {  	_ =	swait.ge @!p0 [sflag:s8], $0x3E8  }
0x33: {  	s13 =	simm.s32 $0x7D0;
	s16 =	rddreg [dreg:$0x8];
	[sflag:s8] =	ssyncset.done @!p0 $0x0  }
0x34: {  	s18 =	rddreg [dreg:$0x7];
	[sflag:s8] =	ssyncadd.s32 @!p0 $0xFFFFFC18;
	s7 =	sadd.s32 $0x0, s16  }
0x35: {  	[tilespmem:s13], [sflag:$0x3] =	stream.linear.gather [hbm4b:s7+s3], $0x3E8, $0x38;
	[tilespmem:$0x4718] =	vst v63  }
0x36: {  	s14 =	simm.s32 $0x1B58;
	s10 =	sadd.s32 $0x0, s18;
	s8 =	simm.s32 @!p0 $0xE  }
0x37: {  	[tilespmem:s14], [sflag:$0x3] =	stream.linear.gather [hbm4b:s10+s3], $0x3E8, $0x38;
	[tilespmem:$0x4718] =	vst v63  }
0x38: {  	_ =	swait.ge @!p0 [sflag:s8], $0x3E8  }
0x39: {  	s15 =	rddreg [dreg:$0x6]  }
0x3a: {  	[sflag:s8] =	ssyncset.done @!p0 $0x0;
	s16 =	rddreg [dreg:$0x5]  }
0x3b: {  	[sflag:s8] =	ssyncadd.s32 @!p0 $0xFFFFFC18;
	s7 =	sadd.s32 $0x0, s15;
	s15 =	simm.s32 $0xBB8  }
0x3c: {  	[tilespmem:s15], [sflag:$0x4] =	stream.linear.gather [hbm4b:s7+s3], $0x3E8, $0x38;
	[tilespmem:$0x4718] =	vst v63  }
0x3d: {  	s18 =	sadd.s32 $0x0, s16;
	s8 =	simm.s32 @!p0 $0xF;
	s16 =	simm.s32 $0x1F40  }
0x3e: {  	[tilespmem:s16], [sflag:$0x4] =	stream.linear.gather [hbm4b:s18+s3], $0x3E8, $0x38;
	[tilespmem:$0x4718] =	vst v63  }
0x3f: {  	_ =	swait.ge @!p0 [sflag:s8], $0x3E8  }
0x40: {  	s10 =	rddreg [dreg:$0x4]  }
0x41: {  	[sflag:s8] =	ssyncset.done @!p0 $0x0;
	s18 =	rddreg [dreg:$0x3]  }
0x42: {  	[sflag:s8] =	ssyncadd.s32 @!p0 $0xFFFFFC18;
	s7 =	sadd.s32 $0x0, s10;
	s8 =	simm.s32 $0xFA0  }
0x43: {  	[tilespmem:s8], [sflag:$0x5] =	stream.linear.gather [hbm4b:s7+s3], $0x3E8, $0x38;
	[tilespmem:$0x4718] =	vst v63  }
0x44: {  	s10 =	sadd.s32 $0x0, s18  }
0x45: {  	[tilespmem:s17], [sflag:$0x5] =	stream.linear.gather [hbm4b:s10+s3], $0x3E8, $0x38;
	[tilespmem:$0x4718] =	vst v63  }
0x46: {  	_ =	swait.ge [sflag:s20], $0x3E8  }
0x47: {  	[sflag:s20] =	ssyncset.done $0x0  }
0x48: {  	[sflag:s20] =	ssyncadd.s32 $0xFFFFFC18  }
0x49: {  	_ =	swait.ge [sflag:s20], $0x3E8  }
0x4a: {  	[sflag:s20] =	ssyncset.done $0x0  }
0x4b: {  	s18 =	simm.s32 $0x2710;
	[sflag:s20] =	ssyncadd.s32 $0xFFFFFC18  }
0x4c: {  	[tilespmem:s18], [sflag:$0x6] =	stream.indirect.gather [hbm4b:s4+s12], $0x1, s3, s12, $0xb8;
	[tilespmem:$0x4718] =	vst v63  }
0x4d: {  	_ =	swait.ge [sflag:s22], $0x3E8  }
0x4e: {  	[sflag:s22] =	ssyncset.done $0x0  }
0x4f: {  	[sflag:s22] =	ssyncadd.s32 $0xFFFFFC18  }
0x50: {  	_ =	swait.ge [sflag:s22], $0x3E8  }
0x51: {  	[sflag:s22] =	ssyncset.done $0x0  }
0x52: {  	[sflag:s22] =	ssyncadd.s32 $0xFFFFFC18  }
0x53: {  	[tilespmem:s23], [sflag:$0x7] =	stream.indirect.gather [hbm4b:s4+s12], $0x1, s12, s12, $0xb8;
	[tilespmem:$0x4718] =	vst v63  }
0x54: {  	_ =	swait.ge [sflag:s24], $0x3E8  }
0x55: {  	[sflag:s24] =	ssyncset.done $0x0  }
0x56: {  	[sflag:s24] =	ssyncadd.s32 $0xFFFFFC18  }
0x57: {  	_ =	swait.ge [sflag:s24], $0x3E8  }
0x58: {  	[sflag:s24] =	ssyncset.done $0x0  }
0x59: {  	[sflag:s24] =	ssyncadd.s32 $0xFFFFFC18  }
0x5a: {  	[tilespmem:s25], [sflag:$0x8] =	stream.indirect.gather [hbm4b:s4+s12], $0x1, s13, s12, $0xb8;
	[tilespmem:$0x4718] =	vst v63  }
0x5b: {  	_ =	swait.ge [sflag:s26], $0x3E8  }
0x5c: {  	[sflag:s26] =	ssyncset.done $0x0  }
0x5d: {  	[sflag:s26] =	ssyncadd.s32 $0xFFFFFC18  }
0x5e: {  	_ =	swait.ge [sflag:s26], $0x3E8  }
0x5f: {  	[sflag:s26] =	ssyncset.done $0x0  }
0x60: {  	[sflag:s26] =	ssyncadd.s32 $0xFFFFFC18  }
0x61: {  	[tilespmem:s28], [sflag:$0x9] =	stream.indirect.gather [hbm4b:s4+s12], $0x1, s15, s12, $0xb8;
	[tilespmem:$0x4718] =	vst v63  }
0x62: {  	_ =	swait.ge [sflag:s29], $0x3E8  }
0x63: {  	[sflag:s29] =	ssyncset.done $0x0  }
0x64: {  	[sflag:s29] =	ssyncadd.s32 $0xFFFFFC18  }
0x65: {  	_ =	swait.ge [sflag:s29], $0x3E8  }
0x66: {  	[sflag:s29] =	ssyncset.done $0x0  }
0x67: {  	[sflag:s29] =	ssyncadd.s32 $0xFFFFFC18  }
0x68: {  	[tilespmem:s30], [sflag:$0xA] =	stream.indirect.gather [hbm4b:s4+s12], $0x1, s8, s12, $0xb8;
	[tilespmem:$0x4718] =	vst v63  }
0x69: {  	_ =	swait.ge [sflag:s31], $0x3E8  }
0x6a: {  	[sflag:s31] =	ssyncset.done $0x0  }
0x6b: {  	[sflag:s31] =	ssyncadd.s32 $0xFFFFFC18  }
0x6c: {  	[spmem:s2] =	stream.indirect.scatter.add.f32 [tilespmem:s18], [sflag:$0xB], $0x1, s9, s12, $0xb8;
	[tilespmem:$0x4718] =	vst v63  }
0x6d: {  	_ =	swait.ge [sflag:s1], $0x3E8  }
0x6e: {  	[sflag:s1] =	ssyncset.done $0x0  }
0x6f: {  	[sflag:s1] =	ssyncadd.s32 $0xFFFFFC18  }
0x70: {  	[spmem:s2] =	stream.indirect.scatter.add.f32 [tilespmem:s23], [sflag:$0xC], $0x1, s11, s12, $0xb8;
	[tilespmem:$0x4718] =	vst v63  }
0x71: {  	_ =	swait.ge [sflag:s0], $0x3E8  }
0x72: {  	[sflag:s0] =	ssyncset.done $0x0  }
0x73: {  	[sflag:s0] =	ssyncadd.s32 $0xFFFFFC18  }
0x74: {  	[spmem:s2] =	stream.indirect.scatter.add.f32 [tilespmem:s25], [sflag:$0xD], $0x1, s14, s12, $0xb8;
	[tilespmem:$0x4718] =	vst v63  }
0x75: {  	_ =	swait.ge [sflag:s5], $0x3E8  }
0x76: {  	[sflag:s5] =	ssyncset.done $0x0  }
0x77: {  	[sflag:s5] =	ssyncadd.s32 $0xFFFFFC18  }
0x78: {  	[spmem:s2] =	stream.indirect.scatter.add.f32 [tilespmem:s28], [sflag:$0xE], $0x1, s16, s12, $0xb8;
	[tilespmem:$0x4718] =	vst v63  }
0x79: {  	p1 =	por $0x0, $0x0;
	_ =	swait.ge [sflag:s6], $0x3E8  }
0x7a: {  	s7 =	simm.s32 $0x271;
	s10 =	simm.s32 $0x4E2;
	[sflag:s6] =	ssyncset.done $0x0  }
.LBB2_2:
0x7b: {  	s9 =	simm.s32 @!p1 $0xB;
	[sflag:s6] =	ssyncadd.s32 $0xFFFFFC18  }
0x7c: {  	[spmem:s2] =	stream.indirect.scatter.add.f32 [tilespmem:s30], [sflag:$0xF], $0x1, s21, s12, $0xb8;
	[tilespmem:$0x4718] =	vst v63  }
0x7d: {  	_ =	swait.ge @!p1 [sflag:s9], $0x3E8  }
0x7e: {  	[sflag:s9] =	ssyncset.done @!p1 $0x0;
	s11 =	rddreg [dreg:$0xc]  }
0x7f: {  	s14 =	rddreg [dreg:$0xb];
	[sflag:s9] =	ssyncadd.s32 @!p1 $0xFFFFFC18;
	s11 =	sadd.s32 s7, s11  }
0x80: {  	[tilespmem:s3], [sflag:$0x1] =	stream.linear.gather [hbm4b:s11+s3], $0x3E8, $0x38;
	[tilespmem:$0x4718] =	vst v63  }
0x81: {  	s9 =	sadd.s32 s7, s14;
	s14 =	simm.s32 $0x1388;
	s11 =	simm.s32 @!p1 $0xC  }
0x82: {  	[tilespmem:s14], [sflag:$0x1] =	stream.linear.gather [hbm4b:s9+s3], $0x3E8, $0x38;
	[tilespmem:$0x4718] =	vst v63  }
0x83: {  	_ =	swait.ge @!p1 [sflag:s11], $0x3E8  }
0x84: {  	s15 =	rddreg [dreg:$0xa];
	[sflag:s11] =	ssyncset.done @!p1 $0x0  }
0x85: {  	s13 =	rddreg [dreg:$0x9];
	[sflag:s11] =	ssyncadd.s32 @!p1 $0xFFFFFC18;
	s9 =	sadd.s32 s7, s15  }
0x86: {  	[tilespmem:s12], [sflag:$0x2] =	stream.linear.gather [hbm4b:s9+s3], $0x3E8, $0x38;
	[tilespmem:$0x4718] =	vst v63  }
0x87: {  	s16 =	sadd.s32 s7, s13;
	s11 =	simm.s32 @!p1 $0xD;
	s15 =	simm.s32 $0x1770  }
0x88: {  	[tilespmem:s15], [sflag:$0x2] =	stream.linear.gather [hbm4b:s16+s3], $0x3E8, $0x38;
	[tilespmem:$0x4718] =	vst v63  }
0x89: {  	_ =	swait.ge @!p1 [sflag:s11], $0x3E8  }
0x8a: {  	s16 =	simm.s32 $0x7D0;
	s17 =	rddreg [dreg:$0x8];
	[sflag:s11] =	ssyncset.done @!p1 $0x0  }
0x8b: {  	s18 =	rddreg [dreg:$0x7];
	[sflag:s11] =	ssyncadd.s32 @!p1 $0xFFFFFC18;
	s9 =	sadd.s32 s7, s17  }
0x8c: {  	[tilespmem:s16], [sflag:$0x3] =	stream.linear.gather [hbm4b:s9+s3], $0x3E8, $0x38;
	[tilespmem:$0x4718] =	vst v63  }
0x8d: {  	s13 =	sadd.s32 s7, s18;
	s11 =	simm.s32 @!p1 $0xE;
	s17 =	simm.s32 $0x1B58  }
0x8e: {  	[tilespmem:s17], [sflag:$0x3] =	stream.linear.gather [hbm4b:s13+s3], $0x3E8, $0x38;
	[tilespmem:$0x4718] =	vst v63  }
0x8f: {  	_ =	swait.ge @!p1 [sflag:s11], $0x3E8  }
0x90: {  	s18 =	rddreg [dreg:$0x6]  }
0x91: {  	[sflag:s11] =	ssyncset.done @!p1 $0x0;
	s13 =	rddreg [dreg:$0x5]  }
0x92: {  	[sflag:s11] =	ssyncadd.s32 @!p1 $0xFFFFFC18;
	s9 =	sadd.s32 s7, s18;
	s18 =	simm.s32 $0xBB8  }
0x93: {  	[tilespmem:s18], [sflag:$0x4] =	stream.linear.gather [hbm4b:s9+s3], $0x3E8, $0x38;
	[tilespmem:$0x4718] =	vst v63  }
0x94: {  	s13 =	sadd.s32 s7, s13;
	s11 =	simm.s32 @!p1 $0xF  }
0x95: {  	[tilespmem:s19], [sflag:$0x4] =	stream.linear.gather [hbm4b:s13+s3], $0x3E8, $0x38;
	[tilespmem:$0x4718] =	vst v63  }
0x96: {  	_ =	swait.ge @!p1 [sflag:s11], $0x3E8  }
0x97: {  	s9 =	rddreg [dreg:$0x4]  }
0x98: {  	[sflag:s11] =	ssyncset.done @!p1 $0x0;
	s13 =	rddreg [dreg:$0x3]  }
0x99: {  	[sflag:s11] =	ssyncadd.s32 @!p1 $0xFFFFFC18;
	s9 =	sadd.s32 s7, s9;
	s11 =	simm.s32 $0xFA0  }
0x9a: {  	[tilespmem:s11], [sflag:$0x5] =	stream.linear.gather [hbm4b:s9+s3], $0x3E8, $0x38;
	[tilespmem:$0x4718] =	vst v63  }
0x9b: {  	s13 =	sadd.s32 s7, s13  }
0x9c: {  	[tilespmem:s21], [sflag:$0x5] =	stream.linear.gather [hbm4b:s13+s3], $0x3E8, $0x38;
	[tilespmem:$0x4718] =	vst v63  }
0x9d: {  	_ =	swait.ge [sflag:s20], $0x3E8  }
0x9e: {  	[sflag:s20] =	ssyncset.done $0x0  }
0x9f: {  	[sflag:s20] =	ssyncadd.s32 $0xFFFFFC18  }
0xa0: {  	_ =	swait.ge [sflag:s20], $0x3E8  }
0xa1: {  	[sflag:s20] =	ssyncset.done $0x0  }
0xa2: {  	s13 =	simm.s32 $0x2710;
	[sflag:s20] =	ssyncadd.s32 $0xFFFFFC18  }
0xa3: {  	[tilespmem:s13], [sflag:$0x6] =	stream.indirect.gather [hbm4b:s4+s12], $0x1, s3, s12, $0xb8;
	[tilespmem:$0x4718] =	vst v63  }
0xa4: {  	_ =	swait.ge [sflag:s22], $0x3E8  }
0xa5: {  	[sflag:s22] =	ssyncset.done $0x0  }
0xa6: {  	[sflag:s22] =	ssyncadd.s32 $0xFFFFFC18  }
0xa7: {  	_ =	swait.ge [sflag:s22], $0x3E8  }
0xa8: {  	[sflag:s22] =	ssyncset.done $0x0  }
0xa9: {  	[sflag:s22] =	ssyncadd.s32 $0xFFFFFC18  }
0xaa: {  	[tilespmem:s23], [sflag:$0x7] =	stream.indirect.gather [hbm4b:s4+s12], $0x1, s12, s12, $0xb8;
	[tilespmem:$0x4718] =	vst v63  }
0xab: {  	_ =	swait.ge [sflag:s24], $0x3E8  }
0xac: {  	[sflag:s24] =	ssyncset.done $0x0  }
0xad: {  	[sflag:s24] =	ssyncadd.s32 $0xFFFFFC18  }
0xae: {  	_ =	swait.ge [sflag:s24], $0x3E8  }
0xaf: {  	[sflag:s24] =	ssyncset.done $0x0  }
0xb0: {  	[sflag:s24] =	ssyncadd.s32 $0xFFFFFC18  }
0xb1: {  	[tilespmem:s25], [sflag:$0x8] =	stream.indirect.gather [hbm4b:s4+s12], $0x1, s16, s12, $0xb8;
	[tilespmem:$0x4718] =	vst v63  }
0xb2: {  	_ =	swait.ge [sflag:s26], $0x3E8  }
0xb3: {  	[sflag:s26] =	ssyncset.done $0x0  }
0xb4: {  	[sflag:s26] =	ssyncadd.s32 $0xFFFFFC18  }
0xb5: {  	_ =	swait.ge [sflag:s26], $0x3E8  }
0xb6: {  	[sflag:s26] =	ssyncset.done $0x0  }
0xb7: {  	[sflag:s26] =	ssyncadd.s32 $0xFFFFFC18  }
0xb8: {  	[tilespmem:s28], [sflag:$0x9] =	stream.indirect.gather [hbm4b:s4+s12], $0x1, s18, s12, $0xb8;
	[tilespmem:$0x4718] =	vst v63  }
0xb9: {  	_ =	swait.ge [sflag:s29], $0x3E8  }
0xba: {  	[sflag:s29] =	ssyncset.done $0x0  }
0xbb: {  	[sflag:s29] =	ssyncadd.s32 $0xFFFFFC18  }
0xbc: {  	_ =	swait.ge [sflag:s29], $0x3E8  }
0xbd: {  	[sflag:s29] =	ssyncset.done $0x0  }
0xbe: {  	[sflag:s29] =	ssyncadd.s32 $0xFFFFFC18  }
0xbf: {  	[tilespmem:s30], [sflag:$0xA] =	stream.indirect.gather [hbm4b:s4+s12], $0x1, s11, s12, $0xb8;
	[tilespmem:$0x4718] =	vst v63  }
0xc0: {  	_ =	swait.ge [sflag:s31], $0x3E8  }
0xc1: {  	[sflag:s31] =	ssyncset.done $0x0  }
0xc2: {  	[sflag:s31] =	ssyncadd.s32 $0xFFFFFC18  }
0xc3: {  	[spmem:s2] =	stream.indirect.scatter.add.f32 [tilespmem:s13], [sflag:$0xB], $0x1, s14, s12, $0xb8;
	[tilespmem:$0x4718] =	vst v63  }
0xc4: {  	_ =	swait.ge [sflag:s1], $0x3E8  }
0xc5: {  	[sflag:s1] =	ssyncset.done $0x0  }
0xc6: {  	[sflag:s1] =	ssyncadd.s32 $0xFFFFFC18  }
0xc7: {  	[spmem:s2] =	stream.indirect.scatter.add.f32 [tilespmem:s23], [sflag:$0xC], $0x1, s15, s12, $0xb8;
	[tilespmem:$0x4718] =	vst v63  }
0xc8: {  	_ =	swait.ge [sflag:s0], $0x3E8  }
0xc9: {  	[sflag:s0] =	ssyncset.done $0x0  }
0xca: {  	s8 =	smov.u32 s10;
	s10 =	sadd.s32 $0x271, s10;
	[sflag:s0] =	ssyncadd.s32 $0xFFFFFC18  }
0xcb: {  	[spmem:s2] =	stream.indirect.scatter.add.f32 [tilespmem:s25], [sflag:$0xD], $0x1, s17, s12, $0xb8;
	[tilespmem:$0x4718] =	vst v63  }
0xcc: {  	p0 =	sne.s32 s10, $0xC35;
	_ =	swait.ge [sflag:s5], $0x3E8  }
.Ltmp0:
0xcd: {  	[sflag:s5] =	ssyncset.done $0x0;
	(pc) =	sbr.rel @p0 .LBB2_2-.Ltmp0, $4  }
0xce: {  	[sflag:s5] =	ssyncadd.s32 $0xFFFFFC18  }
0xcf: {  	[spmem:s2] =	stream.indirect.scatter.add.f32 [tilespmem:s28], [sflag:$0xE], $0x1, s19, s12, $0xb8;
	[tilespmem:$0x4718] =	vst v63  }
0xd0: {  	s7 =	smov.u32 s8;
	_ =	swait.ge [sflag:s6], $0x3E8  }
0xd1: {  	p1 =	seq.s32 s7, $0x0;
	[sflag:s6] =	ssyncset.done $0x0  }
0xd2: {  	s8 =	simm.s32 @!p1 $0xB;
	[sflag:s6] =	ssyncadd.s32 $0xFFFFFC18;
	s18 =	simm.s32 $0x2328  }
0xd3: {  	[spmem:s2] =	stream.indirect.scatter.add.f32 [tilespmem:s30], [sflag:$0xF], $0x1, s18, s12, $0xb8;
	[tilespmem:$0x4718] =	vst v63  }
0xd4: {  	_ =	swait.ge @!p1 [sflag:s8], $0x3E8  }
0xd5: {  	s9 =	rddreg [dreg:$0xc];
	[sflag:s8] =	ssyncset.done @!p1 $0x0  }
0xd6: {  	s10 =	rddreg [dreg:$0xb];
	[sflag:s8] =	ssyncadd.s32 @!p1 $0xFFFFFC18;
	s9 =	sadd.s32 s7, s9  }
0xd7: {  	[tilespmem:s3], [sflag:$0x1] =	stream.linear.gather [hbm4b:s9+s3], $0x3E8, $0x38;
	[tilespmem:$0x4718] =	vst v63  }
0xd8: {  	s11 =	simm.s32 $0x1388;
	s10 =	sadd.s32 s7, s10;
	s9 =	simm.s32 @!p1 $0xC  }
0xd9: {  	[tilespmem:s11], [sflag:$0x1] =	stream.linear.gather [hbm4b:s10+s3], $0x3E8, $0x38;
	[tilespmem:$0x4718] =	vst v63  }
0xda: {  	_ =	swait.ge @!p1 [sflag:s9], $0x3E8  }
0xdb: {  	s13 =	rddreg [dreg:$0xa];
	[sflag:s9] =	ssyncset.done @!p1 $0x0  }
0xdc: {  	s14 =	rddreg [dreg:$0x9];
	[sflag:s9] =	ssyncadd.s32 @!p1 $0xFFFFFC18;
	s8 =	sadd.s32 s7, s13  }
0xdd: {  	[tilespmem:s12], [sflag:$0x2] =	stream.linear.gather [hbm4b:s8+s3], $0x3E8, $0x38;
	[tilespmem:$0x4718] =	vst v63  }
0xde: {  	s15 =	sadd.s32 s7, s14;
	s9 =	simm.s32 @!p1 $0xD;
	s13 =	simm.s32 $0x1770  }
0xdf: {  	[tilespmem:s13], [sflag:$0x2] =	stream.linear.gather [hbm4b:s15+s3], $0x3E8, $0x38;
	[tilespmem:$0x4718] =	vst v63  }
0xe0: {  	_ =	swait.ge @!p1 [sflag:s9], $0x3E8  }
0xe1: {  	s14 =	simm.s32 $0x7D0;
	s16 =	rddreg [dreg:$0x8];
	[sflag:s9] =	ssyncset.done @!p1 $0x0  }
0xe2: {  	s17 =	rddreg [dreg:$0x7];
	[sflag:s9] =	ssyncadd.s32 @!p1 $0xFFFFFC18;
	s8 =	sadd.s32 s7, s16  }
0xe3: {  	[tilespmem:s14], [sflag:$0x3] =	stream.linear.gather [hbm4b:s8+s3], $0x3E8, $0x38;
	[tilespmem:$0x4718] =	vst v63  }
0xe4: {  	s15 =	simm.s32 $0x1B58;
	s10 =	sadd.s32 s7, s17;
	s9 =	simm.s32 @!p1 $0xE  }
0xe5: {  	[tilespmem:s15], [sflag:$0x3] =	stream.linear.gather [hbm4b:s10+s3], $0x3E8, $0x38;
	[tilespmem:$0x4718] =	vst v63  }
0xe6: {  	_ =	swait.ge @!p1 [sflag:s9], $0x3E8  }
0xe7: {  	s16 =	rddreg [dreg:$0x6]  }
0xe8: {  	[sflag:s9] =	ssyncset.done @!p1 $0x0;
	s17 =	rddreg [dreg:$0x5]  }
0xe9: {  	[sflag:s9] =	ssyncadd.s32 @!p1 $0xFFFFFC18;
	s8 =	sadd.s32 s7, s16;
	s16 =	simm.s32 $0xBB8  }
0xea: {  	[tilespmem:s16], [sflag:$0x4] =	stream.linear.gather [hbm4b:s8+s3], $0x3E8, $0x38;
	[tilespmem:$0x4718] =	vst v63  }
0xeb: {  	s10 =	sadd.s32 s7, s17;
	s9 =	simm.s32 @!p1 $0xF;
	s17 =	simm.s32 $0x1F40  }
0xec: {  	[tilespmem:s17], [sflag:$0x4] =	stream.linear.gather [hbm4b:s10+s3], $0x3E8, $0x38;
	[tilespmem:$0x4718] =	vst v63  }
0xed: {  	_ =	swait.ge @!p1 [sflag:s9], $0x3E8  }
0xee: {  	s8 =	rddreg [dreg:$0x4]  }
0xef: {  	[sflag:s9] =	ssyncset.done @!p1 $0x0;
	s10 =	rddreg [dreg:$0x3]  }
0xf0: {  	[sflag:s9] =	ssyncadd.s32 @!p1 $0xFFFFFC18;
	s8 =	sadd.s32 s7, s8;
	s9 =	simm.s32 $0xFA0  }
0xf1: {  	[tilespmem:s9], [sflag:$0x5] =	stream.linear.gather [hbm4b:s8+s3], $0x3E8, $0x38;
	[tilespmem:$0x4718] =	vst v63  }
0xf2: {  	s8 =	sadd.s32 s7, s10  }
0xf3: {  	[tilespmem:s18], [sflag:$0x5] =	stream.linear.gather [hbm4b:s8+s3], $0x3E8, $0x38;
	[tilespmem:$0x4718] =	vst v63  }
0xf4: {  	_ =	swait.ge [sflag:s20], $0x3E8  }
0xf5: {  	[sflag:s20] =	ssyncset.done $0x0  }
0xf6: {  	[sflag:s20] =	ssyncadd.s32 $0xFFFFFC18  }
0xf7: {  	_ =	swait.ge [sflag:s20], $0x3E8  }
0xf8: {  	[sflag:s20] =	ssyncset.done $0x0  }
0xf9: {  	s10 =	simm.s32 $0x2710;
	[sflag:s20] =	ssyncadd.s32 $0xFFFFFC18  }
0xfa: {  	[tilespmem:s10], [sflag:$0x6] =	stream.indirect.gather [hbm4b:s4+s12], $0x1, s3, s12, $0xb8;
	[tilespmem:$0x4718] =	vst v63  }
0xfb: {  	_ =	swait.ge [sflag:s22], $0x3E8  }
0xfc: {  	[sflag:s22] =	ssyncset.done $0x0  }
0xfd: {  	[sflag:s22] =	ssyncadd.s32 $0xFFFFFC18  }
0xfe: {  	_ =	swait.ge [sflag:s22], $0x3E8  }
0xff: {  	[sflag:s22] =	ssyncset.done $0x0  }
0x100: {  	[sflag:s22] =	ssyncadd.s32 $0xFFFFFC18  }
0x101: {  	[tilespmem:s23], [sflag:$0x7] =	stream.indirect.gather [hbm4b:s4+s12], $0x1, s12, s12, $0xb8;
	[tilespmem:$0x4718] =	vst v63  }
0x102: {  	_ =	swait.ge [sflag:s24], $0x3E8  }
0x103: {  	[sflag:s24] =	ssyncset.done $0x0  }
0x104: {  	[sflag:s24] =	ssyncadd.s32 $0xFFFFFC18  }
0x105: {  	_ =	swait.ge [sflag:s24], $0x3E8  }
0x106: {  	[sflag:s24] =	ssyncset.done $0x0  }
0x107: {  	[sflag:s24] =	ssyncadd.s32 $0xFFFFFC18  }
0x108: {  	[tilespmem:s25], [sflag:$0x8] =	stream.indirect.gather [hbm4b:s4+s12], $0x1, s14, s12, $0xb8;
	[tilespmem:$0x4718] =	vst v63  }
0x109: {  	_ =	swait.ge [sflag:s26], $0x3E8  }
0x10a: {  	[sflag:s26] =	ssyncset.done $0x0  }
0x10b: {  	[sflag:s26] =	ssyncadd.s32 $0xFFFFFC18  }
0x10c: {  	_ =	swait.ge [sflag:s26], $0x3E8  }
0x10d: {  	[sflag:s26] =	ssyncset.done $0x0  }
0x10e: {  	[sflag:s26] =	ssyncadd.s32 $0xFFFFFC18  }
0x10f: {  	[tilespmem:s28], [sflag:$0x9] =	stream.indirect.gather [hbm4b:s4+s12], $0x1, s16, s12, $0xb8;
	[tilespmem:$0x4718] =	vst v63  }
0x110: {  	_ =	swait.ge [sflag:s29], $0x3E8  }
0x111: {  	[sflag:s29] =	ssyncset.done $0x0  }
0x112: {  	[sflag:s29] =	ssyncadd.s32 $0xFFFFFC18  }
0x113: {  	_ =	swait.ge [sflag:s29], $0x3E8  }
0x114: {  	[sflag:s29] =	ssyncset.done $0x0  }
0x115: {  	[sflag:s29] =	ssyncadd.s32 $0xFFFFFC18  }
0x116: {  	[tilespmem:s30], [sflag:$0xA] =	stream.indirect.gather [hbm4b:s4+s12], $0x1, s9, s12, $0xb8;
	[tilespmem:$0x4718] =	vst v63  }
0x117: {  	_ =	swait.ge [sflag:s31], $0x3E8  }
0x118: {  	[sflag:s31] =	ssyncset.done $0x0  }
0x119: {  	[sflag:s31] =	ssyncadd.s32 $0xFFFFFC18  }
0x11a: {  	[spmem:s2] =	stream.indirect.scatter.add.f32 [tilespmem:s10], [sflag:$0xB], $0x1, s11, s12, $0xb8;
	[tilespmem:$0x4718] =	vst v63  }
0x11b: {  	_ =	swait.ge [sflag:s1], $0x3E8  }
0x11c: {  	[sflag:s1] =	ssyncset.done $0x0  }
0x11d: {  	[sflag:s1] =	ssyncadd.s32 $0xFFFFFC18  }
0x11e: {  	[spmem:s2] =	stream.indirect.scatter.add.f32 [tilespmem:s23], [sflag:$0xC], $0x1, s13, s12, $0xb8;
	[tilespmem:$0x4718] =	vst v63  }
0x11f: {  	_ =	swait.ge [sflag:s0], $0x3E8  }
0x120: {  	[sflag:s0] =	ssyncset.done $0x0  }
0x121: {  	[sflag:s0] =	ssyncadd.s32 $0xFFFFFC18  }
0x122: {  	[spmem:s2] =	stream.indirect.scatter.add.f32 [tilespmem:s25], [sflag:$0xD], $0x1, s15, s12, $0xb8;
	[tilespmem:$0x4718] =	vst v63  }
0x123: {  	_ =	swait.ge [sflag:s5], $0x3E8  }
0x124: {  	[sflag:s5] =	ssyncset.done $0x0  }
0x125: {  	[sflag:s5] =	ssyncadd.s32 $0xFFFFFC18  }
0x126: {  	[spmem:s2] =	stream.indirect.scatter.add.f32 [tilespmem:s28], [sflag:$0xE], $0x1, s17, s12, $0xb8;
	[tilespmem:$0x4718] =	vst v63  }
0x127: {  	_ =	swait.ge [sflag:s6], $0x3E8  }
0x128: {  	[sflag:s6] =	ssyncset.done $0x0  }
0x129: {  	s8 =	simm.s32 $0xB;
	[sflag:s6] =	ssyncadd.s32 $0xFFFFFC18  }
0x12a: {  	[spmem:s2] =	stream.indirect.scatter.add.f32 [tilespmem:s30], [sflag:$0xF], $0x1, s18, s12, $0xb8;
	[tilespmem:$0x4718] =	vst v63  }
0x12b: {  	_ =	swait.ge [sflag:s8], $0x3E8  }
0x12c: {  	[sflag:s8] =	ssyncset.done $0x0  }
0x12d: {  	s9 =	simm.s32 $0xC;
	[sflag:s8] =	ssyncadd.s32 $0xFFFFFC18  }
0x12e: {  	_ =	swait.ge [sflag:s9], $0x3E8  }
0x12f: {  	[sflag:s9] =	ssyncset.done $0x0  }
0x130: {  	s10 =	simm.s32 $0xD;
	[sflag:s9] =	ssyncadd.s32 $0xFFFFFC18  }
0x131: {  	_ =	swait.ge [sflag:s10], $0x3E8  }
0x132: {  	[sflag:s10] =	ssyncset.done $0x0  }
0x133: {  	s11 =	simm.s32 $0xE;
	[sflag:s10] =	ssyncadd.s32 $0xFFFFFC18  }
0x134: {  	_ =	swait.ge [sflag:s11], $0x3E8  }
0x135: {  	[sflag:s11] =	ssyncset.done $0x0  }
0x136: {  	s13 =	simm.s32 $0xF;
	[sflag:s11] =	ssyncadd.s32 $0xFFFFFC18  }
0x137: {  	_ =	swait.ge [sflag:s13], $0x3E8  }
0x138: {  	[sflag:s13] =	ssyncset.done $0x0  }
0x139: {  	[sflag:s13] =	ssyncadd.s32 $0xFFFFFC18  }
0x13a: {  	[bflag:$0x0] =	sbarrier.arrive $0xFFFF  }
0x13b: {  	s9 =	rddreg [dreg:$0xf]  }
0x13c: {  	s14 =	rddreg [dreg:$0x10]  }
0x13d: {  	s8 =	simm.s32 $0x10;
	s15 =	rddreg [dreg:$0x13]  }
0x13e: {  	[hbm:s14], [sflag:s9] =	dma.local [spmem:s15], $0x190  }
0x13f: {  	_ =	swait.ge [sflag:s8], $0x190  }
0x140: {  	s16 =	rddreg [dreg:$0x12]  }
0x141: {  	s18 =	rddreg [dreg:$0x11];
	s10 =	sadd.s32 $0x1, s16  }
0x142: {  	p0 =	sne.s32 s10, s18  }
.Ltmp1:
0x143: {  	_ = 	snop;
	(pc) =	sbr.rel @p0 .LBB2_1-.Ltmp1, $3  }
0x144: {  	_ =	sdelay $0x1  }
0x145: {  	[sflag:s8] =	ssyncset.done $0x0  }
0x146: {  	s17 =	simm.s32 $0x2328;
	[sflag:s8] =	ssyncadd.s32 $0xFFFFFE70  }
0x147: {  	_ =	sfence.sel $0x180000  }
0x148: {  	[bflag:$0x0] =	sbarrier.arrive $0xFFFF  }
0x149: {  	_ =	strace $0x90000053  }
0x14a: {  	s0 =	stileid.u32;
	[bflag:$0x2] =	sbarrier.arrive $0xFFFF  }
0x14b: {  	p0 =	sne.s32 s0, $0x0;
	s0 =	rddreg [dreg:$0x2]  }
0x14c: {  	s0 =	sadd.s32 @!p0 $0x100000, s0  }
0x14d: {  	[sflag:s0] =	ssyncadd.tile.s32 @!p0 $0x1;
	_ =	shalt  }
.Lfunc_end2:
_tile_overlayer_lowered:
.L_overlay_start_2:
0x14e: {  	(tag) =	ssettag $0x2  }
0x14f: {  	s0 =	rddreg [dreg:$0x0];
	s2 =	stileid.u32  }
0x150: {  	s1 =	rddreg [dreg:$0x1];
	p0 =	sne.s32 s2, $0x0  }
0x151: {  	s3 =	rddreg [dreg:$0x2];
	[bflag:$0x3] =	sbarrier.arrive $0xFFFF;
	s2 =	simm.s32 @!p0 $0x1C10  }
0x152: {  	[timem:s3], [sflag:s2] =	dma.local @!p0 [hbm:s0], s1  }
0x153: {  	s0 =	simm.s32 @!p0 $0x10  }
0x154: {  	_ =	swait.ge @!p0 [sflag:s0], s1  }
0x155: {  	s1 =	ssub.s32 @!p0 $0x0, s1;
	[sflag:s0] =	ssyncset.done @!p0 $0x0  }
0x156: {  	[sflag:s0] =	ssyncadd.s32 @!p0 s1  }
0x157: {  	[bflag:$0x3] =	sbarrier.arrive $0xFFFF  }
0x158: {  	_ =	shalt  }

</sc_bundles>
